<compile_context>
chip_gen: v7x
topology: tpu7x:2x2x1
jax: 0.10.2.dev20260603
libtpu: 0.0.44.dev20260713+nightly
codegen_flags: <defaults>
</compile_context>

<pallas_src>
import math

import jax
import jax.numpy as jnp
from jax import lax
from jax.experimental import pallas as pl
from jax.experimental.pallas import tpu as pltpu
from jax.experimental.pallas import tpu_sc as plsc

NC = 2
NS = 16
NW = NC * NS
LANES = 16
NBUF = 5
SEQ_BLOCKS = 8
POS_BLOCKS = 4


def _make_body(batch, seq, emb):
    seq_per_w = batch // SEQ_BLOCKS
    pos_per_w = seq // POS_BLOCKS
    n_outer = pos_per_w // NBUF
    scale = math.sqrt(emb)
    nvec = emb // LANES

    def body(idx_t_hbm, table_hbm, pos_hbm, out_hbm, ibuf, rows, pos_v, oidx,
             sg0, sg1, sg2, sg3, sg4, sw0, sw1, sw2, sw3, sw4, sem_i, sem_p):
        sem_g = [sg0, sg1, sg2, sg3, sg4]
        sem_w = [sw0, sw1, sw2, sw3, sw4]
        wid = lax.axis_index("s") * NC + lax.axis_index("c")
        sb = lax.rem(wid, SEQ_BLOCKS)
        pb = wid // SEQ_BLOCKS
        seq0 = sb * seq_per_w
        p0 = pb * pos_per_w

        pos_cp = pltpu.async_copy(pos_hbm.at[pb], pos_v, sem_p)

        def fire_idx(p, slot):
            pltpu.async_copy(idx_t_hbm.at[p0 + p, sb], ibuf.at[slot], sem_i)

        def wait_idx():
            pltpu.make_async_copy(idx_t_hbm.at[0, 0], ibuf.at[0],
                                  sem_i).wait()

        def fire_gather(b):
            pltpu.async_copy(table_hbm.at[ibuf.at[b]], rows.at[b], sem_g[b])

        def wait_gather(b):
            pltpu.make_async_copy(out_hbm.at[pl.ds(0, seq_per_w)],
                                  rows.at[0], sem_g[b]).wait()

        hrows = seq_per_w // 2

        def fire_scatter_half(b, h):
            pltpu.async_copy(rows.at[b, pl.ds(h * hrows, hrows)],
                             out_hbm.at[oidx.at[b, h]], sem_w[b])

        def wait_scatter(b):
            pltpu.make_async_copy(rows.at[0], out_hbm.at[pl.ds(0, seq_per_w)],
                                  sem_w[b]).wait()

        lane = lax.iota(jnp.int32, LANES) * seq

        def compute(b, p):
            base = (seq0 * seq) + p0 + p
            pv = [pos_v[p, pl.ds(j * LANES, LANES)] for j in range(nvec)]

            def row_body(r, rc):
                for j in range(nvec):
                    sl = pl.ds(j * LANES, LANES)
                    rows[b, r, sl] = rows[b, r, sl] * scale + pv[j]
                return rc

            for h in range(2):
                for j in range(hrows // LANES):
                    oidx[b, h, pl.ds(j * LANES, LANES)] = lane + (
                        base + (h * hrows + j * LANES) * seq)
                lax.fori_loop(h * hrows, (h + 1) * hrows, row_body, 0)
                fire_scatter_half(b, h)

        fire_idx(0, 0)
        fire_idx(1, 1)
        fire_idx(2, 2)
        wait_idx()
        wait_idx()
        wait_idx()
        fire_gather(0)
        fire_gather(1)
        fire_gather(2)
        fire_idx(3, 3)
        pos_cp.wait()

        def outer(it, c):
            for b in range(NBUF):
                p = it * NBUF + b

                @pl.when(p + 3 < pos_per_w)
                def _():
                    wait_idx()

                    @pl.when(p + 3 >= NBUF)
                    def _():
                        wait_scatter((b + 3) % NBUF)

                    fire_gather((b + 3) % NBUF)

                wait_gather(b)

                @pl.when(p + 4 < pos_per_w)
                def _():
                    fire_idx(p + 4, (b + 4) % NBUF)

                compute(b, p)
            return c

        lax.fori_loop(0, n_outer, outer, 0)
        for b in range(NBUF):
            wait_scatter(b)

    return body


def kernel(to_emb, token_table, pos_table):
    batch, seq = to_emb.shape
    emb = token_table.shape[1]
    seq_per_w = batch // SEQ_BLOCKS
    pos_per_w = seq // POS_BLOCKS
    idx_t = to_emb.T.reshape(seq, SEQ_BLOCKS, seq_per_w)
    pos = pos_table[:seq].reshape(POS_BLOCKS, pos_per_w, emb)

    mesh = plsc.VectorSubcoreMesh(core_axis_name="c", subcore_axis_name="s")
    f = pl.kernel(
        _make_body(batch, seq, emb),
        mesh=mesh,
        out_type=jax.ShapeDtypeStruct((batch * seq, emb), jnp.float32),
        scratch_types=[
            pltpu.VMEM((NBUF, seq_per_w), jnp.int32),
            pltpu.VMEM((NBUF, seq_per_w, emb), jnp.float32),
            pltpu.VMEM((pos_per_w, emb), jnp.float32),
            pltpu.VMEM((NBUF, 2, seq_per_w // 2), jnp.int32),
        ] + [pltpu.SemaphoreType.DMA] * 12,
    )
    return f(idx_t, token_table, pos).reshape(batch, seq, emb)

# --- scband reference (transcript-rebuilt; emitter-appended) ---
"""Pipeline reference for scband-bertembedding-58334245814662 (READ-ONLY COPY).

The authoritative reference and input builder live on the scoring server;
editing this copy changes nothing except your own understanding.
"""

import jax, jax.numpy as jnp
import numpy as np
import math

VOCAB = 100000
EMB = 128
MAX_LEN = 200
BATCH = 1024
SEQ = 200

def setup_inputs(seed: int = 0) -> dict:
    key = jax.random.key(seed)
    k1, k2, k3 = jax.random.split(key, 3)
    to_emb = jax.random.randint(k1, (BATCH, SEQ), 0, VOCAB, dtype=jnp.int64 if jax.config.read('jax_enable_x64') else jnp.int32).astype(jnp.int32)
    token_table = jax.random.normal(k2, (VOCAB, EMB), dtype=jnp.float32) * 0.02
    pos_table = jax.random.normal(k3, (MAX_LEN, EMB), dtype=jnp.float32) * 0.02
    return {"to_emb": to_emb, "token_table": token_table, "pos_table": pos_table}

def reference(to_emb, token_table, pos_table):
    # TokenEmbedding: gather rows, scale by sqrt(emb_size)
    tkn = jnp.take(token_table, to_emb, axis=0) * math.sqrt(EMB)
    # LearnablePositionEmbedding: learned table indexed by position, broadcast over batch
    seq_len = to_emb.shape[1]
    pos = pos_table[:seq_len][None, :, :]
    # comb_func == 'add'
    out = tkn + pos
    # dropout is identity in eval mode
    return out

if __name__ == "__main__":
    import jax
    _d = setup_inputs()
    print(jax.jit(kernel)(*tuple(_d.values())))

</pallas_src>

<mosaic_0001>
#map = affine_map<(d0, d1) -> (0, 0, 0)>
#map1 = affine_map<(d0, d1) -> (0, 0)>
module attributes {stable_mosaic.version = 14 : i64} {
  func.func @body(%arg0: i32, %arg1: i32, %arg2: memref<200x8x128xi32, #tpu.memory_space<hbm>>, %arg3: memref<100000x128xf32, #tpu.memory_space<hbm>>, %arg4: memref<4x50x128xf32, #tpu.memory_space<hbm>>, %arg5: memref<204800x128xf32, #tpu.memory_space<hbm>>, %arg6: memref<5x128xi32, #tpu.memory_space<vmem>>, %arg7: memref<5x128x128xf32, #tpu.memory_space<vmem>>, %arg8: memref<50x128xf32, #tpu.memory_space<vmem>>, %arg9: memref<5x2x64xi32, #tpu.memory_space<vmem>>, %arg10: memref<!tpu.dma_semaphore, #tpu.memory_space<semaphore_mem>>, %arg11: memref<!tpu.dma_semaphore, #tpu.memory_space<semaphore_mem>>, %arg12: memref<!tpu.dma_semaphore, #tpu.memory_space<semaphore_mem>>, %arg13: memref<!tpu.dma_semaphore, #tpu.memory_space<semaphore_mem>>, %arg14: memref<!tpu.dma_semaphore, #tpu.memory_space<semaphore_mem>>, %arg15: memref<!tpu.dma_semaphore, #tpu.memory_space<semaphore_mem>>, %arg16: memref<!tpu.dma_semaphore, #tpu.memory_space<semaphore_mem>>, %arg17: memref<!tpu.dma_semaphore, #tpu.memory_space<semaphore_mem>>, %arg18: memref<!tpu.dma_semaphore, #tpu.memory_space<semaphore_mem>>, %arg19: memref<!tpu.dma_semaphore, #tpu.memory_space<semaphore_mem>>, %arg20: memref<!tpu.dma_semaphore, #tpu.memory_space<semaphore_mem>>, %arg21: memref<!tpu.dma_semaphore, #tpu.memory_space<semaphore_mem>>) attributes {dimension_semantics = [#tpu.dimension_semantics<core_parallel>, #tpu.dimension_semantics<subcore_parallel>], iteration_bounds = array<i64: 2, 16>, scalar_prefetch = 0 : i64, scratch_operands = 16 : i64, tpu.core_type = #tpu.core_type<sc_vector_subcore>, window_params = [{transform_indices = #map}, {transform_indices = #map1}, {transform_indices = #map}, {transform_indices = #map1}]} {
    %mul3A = arith.constant 2 : i32
    %mul3A_0 = arith.muli %arg1, %mul3A : i32
    %add3A = arith.addi %mul3A_0, %arg0 : i32
    %rem3A = arith.constant 8 : i32
    %rem3A_1 = arith.remsi %add3A, %rem3A : i32
    %jit3A = arith.constant 8 : i32
    %div3A = arith.divsi %add3A, %jit3A : i32
    %sign3A = arith.constant 0 : i32
    %sign3A_2 = arith.cmpi sgt, %add3A, %sign3A : i32
    %sign3A_3 = arith.extui %sign3A_2 : i1 to i32
    %sign3A_4 = arith.constant 0 : i32
    %sign3A_5 = arith.cmpi slt, %add3A, %sign3A_4 : i32
    %sign3A_6 = arith.extui %sign3A_5 : i1 to i32
    %sign3A_7 = arith.subi %sign3A_3, %sign3A_6 : i32
    %sign3A_8 = arith.constant 0 : i32
    %sign3A_9 = arith.cmpi sgt, %jit3A, %sign3A_8 : i32
    %sign3A_10 = arith.extui %sign3A_9 : i1 to i32
    %sign3A_11 = arith.constant 0 : i32
    %sign3A_12 = arith.cmpi slt, %jit3A, %sign3A_11 : i32
    %sign3A_13 = arith.extui %sign3A_12 : i1 to i32
    %sign3A_14 = arith.subi %sign3A_10, %sign3A_13 : i32
    %ne3A = arith.cmpi ne, %sign3A_7, %sign3A_14 : i32
    %rem3A_15 = arith.remsi %add3A, %jit3A : i32
    %ne3A_16 = arith.constant 0 : i32
    %ne3A_17 = arith.cmpi ne, %rem3A_15, %ne3A_16 : i32
    %and3A = arith.andi %ne3A, %ne3A_17 : i1
    %sub3A = arith.constant 1 : i32
    %sub3A_18 = arith.subi %div3A, %sub3A : i32
    %select_n3A = arith.select %and3A, %sub3A_18, %div3A : i32
    %mul3A_19 = arith.constant 128 : i32
    %mul3A_20 = arith.muli %rem3A_1, %mul3A_19 : i32
    %mul3A_21 = arith.constant 50 : i32
    %mul3A_22 = arith.muli %select_n3A, %mul3A_21 : i32
    %dma_start3A = arith.constant 0 : i32
    %dma_start3A_23 = arith.constant 0 : i32
    %dma_start3A_24 = tpu.memref_slice %arg4[%select_n3A, %dma_start3A, %dma_start3A_23] : memref<4x50x128xf32, #tpu.memory_space<hbm>> -> memref<1x50x128xf32, #tpu.memory_space<hbm>>
    %dma_start3A_25 = tpu.memref_squeeze %dma_start3A_24 : memref<1x50x128xf32, #tpu.memory_space<hbm>> -> memref<50x128xf32, #tpu.memory_space<hbm>>
    %dma_start3A_26 = arith.constant 0 : i32
    %dma_start3A_27 = arith.constant 0 : i32
    %dma_start3A_28 = tpu.memref_slice %arg4[%select_n3A, %dma_start3A_26, %dma_start3A_27] : memref<4x50x128xf32, #tpu.memory_space<hbm>> -> memref<1x50x128xf32, #tpu.memory_space<hbm>>
    %dma_start3A_29 = tpu.memref_squeeze %dma_start3A_28 : memref<1x50x128xf32, #tpu.memory_space<hbm>> -> memref<50x128xf32, #tpu.memory_space<hbm>>
    tpu.enqueue_dma source(%dma_start3A_29 : memref<50x128xf32, #tpu.memory_space<hbm>>) target(%arg8 : memref<50x128xf32, #tpu.memory_space<vmem>>) target_semaphore(%arg21 : memref<!tpu.dma_semaphore, #tpu.memory_space<semaphore_mem>>)
    %iota3A = tpu.iota {dimensions = array<i32: 0>} : vector<16xi32>
    %mul3A_30 = arith.constant 200 : i32
    %mul3A_31 = vector.broadcast %mul3A_30 : i32 to vector<16xi32>
    %mul3A_32 = arith.muli %iota3A, %mul3A_31 : vector<16xi32>
    %add3A_33 = arith.constant 0 : i32
    %add3A_34 = arith.addi %mul3A_22, %add3A_33 : i32
    %dma_start3A_35 = arith.constant 0 : i32
    %dma_start3A_36 = arith.constant 0 : i32
    %dma_start3A_37 = tpu.memref_slice %arg6[%dma_start3A_35, %dma_start3A_36] : memref<5x128xi32, #tpu.memory_space<vmem>> -> memref<1x128xi32, #tpu.memory_space<vmem>>
    %dma_start3A_38 = tpu.memref_squeeze %dma_start3A_37 : memref<1x128xi32, #tpu.memory_space<vmem>> -> memref<128xi32, #tpu.memory_space<vmem>>
    %dma_start3A_39 = arith.constant 0 : i32
    %dma_start3A_40 = tpu.memref_slice %arg2[%add3A_34, %rem3A_1, %dma_start3A_39] : memref<200x8x128xi32, #tpu.memory_space<hbm>> -> memref<1x1x128xi32, #tpu.memory_space<hbm>>
    %dma_start3A_41 = tpu.memref_squeeze %dma_start3A_40 : memref<1x1x128xi32, #tpu.memory_space<hbm>> -> memref<128xi32, #tpu.memory_space<hbm>>
    %dma_start3A_42 = arith.constant 0 : i32
    %dma_start3A_43 = tpu.memref_slice %arg6[%dma_start3A_35, %dma_start3A_42] : memref<5x128xi32, #tpu.memory_space<vmem>> -> memref<1x128xi32, #tpu.memory_space<vmem>>
    %dma_start3A_44 = tpu.memref_squeeze %dma_start3A_43 : memref<1x128xi32, #tpu.memory_space<vmem>> -> memref<128xi32, #tpu.memory_space<vmem>>
    %dma_start3A_45 = arith.constant 0 : i32
    %dma_start3A_46 = tpu.memref_slice %arg2[%add3A_34, %rem3A_1, %dma_start3A_45] : memref<200x8x128xi32, #tpu.memory_space<hbm>> -> memref<1x1x128xi32, #tpu.memory_space<hbm>>
    %dma_start3A_47 = tpu.memref_squeeze %dma_start3A_46 : memref<1x1x128xi32, #tpu.memory_space<hbm>> -> memref<128xi32, #tpu.memory_space<hbm>>
    tpu.enqueue_dma source(%dma_start3A_47 : memref<128xi32, #tpu.memory_space<hbm>>) target(%dma_start3A_44 : memref<128xi32, #tpu.memory_space<vmem>>) target_semaphore(%arg20 : memref<!tpu.dma_semaphore, #tpu.memory_space<semaphore_mem>>)
    %add3A_48 = arith.constant 1 : i32
    %add3A_49 = arith.addi %mul3A_22, %add3A_48 : i32
    %dma_start3A_50 = arith.constant 1 : i32
    %dma_start3A_51 = arith.constant 0 : i32
    %dma_start3A_52 = tpu.memref_slice %arg6[%dma_start3A_50, %dma_start3A_51] : memref<5x128xi32, #tpu.memory_space<vmem>> -> memref<1x128xi32, #tpu.memory_space<vmem>>
    %dma_start3A_53 = tpu.memref_squeeze %dma_start3A_52 : memref<1x128xi32, #tpu.memory_space<vmem>> -> memref<128xi32, #tpu.memory_space<vmem>>
    %dma_start3A_54 = arith.constant 0 : i32
    %dma_start3A_55 = tpu.memref_slice %arg2[%add3A_49, %rem3A_1, %dma_start3A_54] : memref<200x8x128xi32, #tpu.memory_space<hbm>> -> memref<1x1x128xi32, #tpu.memory_space<hbm>>
    %dma_start3A_56 = tpu.memref_squeeze %dma_start3A_55 : memref<1x1x128xi32, #tpu.memory_space<hbm>> -> memref<128xi32, #tpu.memory_space<hbm>>
    %dma_start3A_57 = arith.constant 0 : i32
    %dma_start3A_58 = tpu.memref_slice %arg6[%dma_start3A_50, %dma_start3A_57] : memref<5x128xi32, #tpu.memory_space<vmem>> -> memref<1x128xi32, #tpu.memory_space<vmem>>
    %dma_start3A_59 = tpu.memref_squeeze %dma_start3A_58 : memref<1x128xi32, #tpu.memory_space<vmem>> -> memref<128xi32, #tpu.memory_space<vmem>>
    %dma_start3A_60 = arith.constant 0 : i32
    %dma_start3A_61 = tpu.memref_slice %arg2[%add3A_49, %rem3A_1, %dma_start3A_60] : memref<200x8x128xi32, #tpu.memory_space<hbm>> -> memref<1x1x128xi32, #tpu.memory_space<hbm>>
    %dma_start3A_62 = tpu.memref_squeeze %dma_start3A_61 : memref<1x1x128xi32, #tpu.memory_space<hbm>> -> memref<128xi32, #tpu.memory_space<hbm>>
    tpu.enqueue_dma source(%dma_start3A_62 : memref<128xi32, #tpu.memory_space<hbm>>) target(%dma_start3A_59 : memref<128xi32, #tpu.memory_space<vmem>>) target_semaphore(%arg20 : memref<!tpu.dma_semaphore, #tpu.memory_space<semaphore_mem>>)
    %add3A_63 = arith.constant 2 : i32
    %add3A_64 = arith.addi %mul3A_22, %add3A_63 : i32
    %dma_start3A_65 = arith.constant 2 : i32
    %dma_start3A_66 = arith.constant 0 : i32
    %dma_start3A_67 = tpu.memref_slice %arg6[%dma_start3A_65, %dma_start3A_66] : memref<5x128xi32, #tpu.memory_space<vmem>> -> memref<1x128xi32, #tpu.memory_space<vmem>>
    %dma_start3A_68 = tpu.memref_squeeze %dma_start3A_67 : memref<1x128xi32, #tpu.memory_space<vmem>> -> memref<128xi32, #tpu.memory_space<vmem>>
    %dma_start3A_69 = arith.constant 0 : i32
    %dma_start3A_70 = tpu.memref_slice %arg2[%add3A_64, %rem3A_1, %dma_start3A_69] : memref<200x8x128xi32, #tpu.memory_space<hbm>> -> memref<1x1x128xi32, #tpu.memory_space<hbm>>
    %dma_start3A_71 = tpu.memref_squeeze %dma_start3A_70 : memref<1x1x128xi32, #tpu.memory_space<hbm>> -> memref<128xi32, #tpu.memory_space<hbm>>
    %dma_start3A_72 = arith.constant 0 : i32
    %dma_start3A_73 = tpu.memref_slice %arg6[%dma_start3A_65, %dma_start3A_72] : memref<5x128xi32, #tpu.memory_space<vmem>> -> memref<1x128xi32, #tpu.memory_space<vmem>>
    %dma_start3A_74 = tpu.memref_squeeze %dma_start3A_73 : memref<1x128xi32, #tpu.memory_space<vmem>> -> memref<128xi32, #tpu.memory_space<vmem>>
    %dma_start3A_75 = arith.constant 0 : i32
    %dma_start3A_76 = tpu.memref_slice %arg2[%add3A_64, %rem3A_1, %dma_start3A_75] : memref<200x8x128xi32, #tpu.memory_space<hbm>> -> memref<1x1x128xi32, #tpu.memory_space<hbm>>
    %dma_start3A_77 = tpu.memref_squeeze %dma_start3A_76 : memref<1x1x128xi32, #tpu.memory_space<hbm>> -> memref<128xi32, #tpu.memory_space<hbm>>
    tpu.enqueue_dma source(%dma_start3A_77 : memref<128xi32, #tpu.memory_space<hbm>>) target(%dma_start3A_74 : memref<128xi32, #tpu.memory_space<vmem>>) target_semaphore(%arg20 : memref<!tpu.dma_semaphore, #tpu.memory_space<semaphore_mem>>)
    %dma_wait3A = arith.constant 0 : i32
    %dma_wait3A_78 = arith.constant 0 : i32
    %dma_wait3A_79 = arith.constant 0 : i32
    %dma_wait3A_80 = arith.constant 0 : i32
    %dma_wait3A_81 = tpu.memref_slice %arg6[%dma_wait3A_79, %dma_wait3A_80] : memref<5x128xi32, #tpu.memory_space<vmem>> -> memref<1x128xi32, #tpu.memory_space<vmem>>
    %dma_wait3A_82 = tpu.memref_squeeze %dma_wait3A_81 : memref<1x128xi32, #tpu.memory_space<vmem>> -> memref<128xi32, #tpu.memory_space<vmem>>
    %dma_wait3A_83 = arith.constant 0 : i32
    %dma_wait3A_84 = tpu.memref_slice %arg2[%dma_wait3A, %dma_wait3A_78, %dma_wait3A_83] : memref<200x8x128xi32, #tpu.memory_space<hbm>> -> memref<1x1x128xi32, #tpu.memory_space<hbm>>
    %dma_wait3A_85 = tpu.memref_squeeze %dma_wait3A_84 : memref<1x1x128xi32, #tpu.memory_space<hbm>> -> memref<128xi32, #tpu.memory_space<hbm>>
    %dma_wait3A_86 = arith.constant 0 : i32
    %dma_wait3A_87 = tpu.memref_slice %arg6[%dma_wait3A_79, %dma_wait3A_86] : memref<5x128xi32, #tpu.memory_space<vmem>> -> memref<1x128xi32, #tpu.memory_space<vmem>>
    %dma_wait3A_88 = tpu.memref_squeeze %dma_wait3A_87 : memref<1x128xi32, #tpu.memory_space<vmem>> -> memref<128xi32, #tpu.memory_space<vmem>>
    %dma_wait3A_89 = arith.constant 0 : i32
    %dma_wait3A_90 = tpu.memref_slice %arg2[%dma_wait3A, %dma_wait3A_78, %dma_wait3A_89] : memref<200x8x128xi32, #tpu.memory_space<hbm>> -> memref<1x1x128xi32, #tpu.memory_space<hbm>>
    %dma_wait3A_91 = tpu.memref_squeeze %dma_wait3A_90 : memref<1x1x128xi32, #tpu.memory_space<hbm>> -> memref<128xi32, #tpu.memory_space<hbm>>
    tpu.wait_dma2 semaphore(%arg20 : memref<!tpu.dma_semaphore, #tpu.memory_space<semaphore_mem>>) src(%dma_wait3A_91 : memref<128xi32, #tpu.memory_space<hbm>>) dst(%dma_wait3A_88 : memref<128xi32, #tpu.memory_space<vmem>>)
    %dma_wait3A_92 = arith.constant 0 : i32
    %dma_wait3A_93 = arith.constant 0 : i32
    %dma_wait3A_94 = arith.constant 0 : i32
    %dma_wait3A_95 = arith.constant 0 : i32
    %dma_wait3A_96 = tpu.memref_slice %arg6[%dma_wait3A_94, %dma_wait3A_95] : memref<5x128xi32, #tpu.memory_space<vmem>> -> memref<1x128xi32, #tpu.memory_space<vmem>>
    %dma_wait3A_97 = tpu.memref_squeeze %dma_wait3A_96 : memref<1x128xi32, #tpu.memory_space<vmem>> -> memref<128xi32, #tpu.memory_space<vmem>>
    %dma_wait3A_98 = arith.constant 0 : i32
    %dma_wait3A_99 = tpu.memref_slice %arg2[%dma_wait3A_92, %dma_wait3A_93, %dma_wait3A_98] : memref<200x8x128xi32, #tpu.memory_space<hbm>> -> memref<1x1x128xi32, #tpu.memory_space<hbm>>
    %dma_wait3A_100 = tpu.memref_squeeze %dma_wait3A_99 : memref<1x1x128xi32, #tpu.memory_space<hbm>> -> memref<128xi32, #tpu.memory_space<hbm>>
    %dma_wait3A_101 = arith.constant 0 : i32
    %dma_wait3A_102 = tpu.memref_slice %arg6[%dma_wait3A_94, %dma_wait3A_101] : memref<5x128xi32, #tpu.memory_space<vmem>> -> memref<1x128xi32, #tpu.memory_space<vmem>>
    %dma_wait3A_103 = tpu.memref_squeeze %dma_wait3A_102 : memref<1x128xi32, #tpu.memory_space<vmem>> -> memref<128xi32, #tpu.memory_space<vmem>>
    %dma_wait3A_104 = arith.constant 0 : i32
    %dma_wait3A_105 = tpu.memref_slice %arg2[%dma_wait3A_92, %dma_wait3A_93, %dma_wait3A_104] : memref<200x8x128xi32, #tpu.memory_space<hbm>> -> memref<1x1x128xi32, #tpu.memory_space<hbm>>
    %dma_wait3A_106 = tpu.memref_squeeze %dma_wait3A_105 : memref<1x1x128xi32, #tpu.memory_space<hbm>> -> memref<128xi32, #tpu.memory_space<hbm>>
    tpu.wait_dma2 semaphore(%arg20 : memref<!tpu.dma_semaphore, #tpu.memory_space<semaphore_mem>>) src(%dma_wait3A_106 : memref<128xi32, #tpu.memory_space<hbm>>) dst(%dma_wait3A_103 : memref<128xi32, #tpu.memory_space<vmem>>)
    %dma_wait3A_107 = arith.constant 0 : i32
    %dma_wait3A_108 = arith.constant 0 : i32
    %dma_wait3A_109 = arith.constant 0 : i32
    %dma_wait3A_110 = arith.constant 0 : i32
    %dma_wait3A_111 = tpu.memref_slice %arg6[%dma_wait3A_109, %dma_wait3A_110] : memref<5x128xi32, #tpu.memory_space<vmem>> -> memref<1x128xi32, #tpu.memory_space<vmem>>
    %dma_wait3A_112 = tpu.memref_squeeze %dma_wait3A_111 : memref<1x128xi32, #tpu.memory_space<vmem>> -> memref<128xi32, #tpu.memory_space<vmem>>
    %dma_wait3A_113 = arith.constant 0 : i32
    %dma_wait3A_114 = tpu.memref_slice %arg2[%dma_wait3A_107, %dma_wait3A_108, %dma_wait3A_113] : memref<200x8x128xi32, #tpu.memory_space<hbm>> -> memref<1x1x128xi32, #tpu.memory_space<hbm>>
    %dma_wait3A_115 = tpu.memref_squeeze %dma_wait3A_114 : memref<1x1x128xi32, #tpu.memory_space<hbm>> -> memref<128xi32, #tpu.memory_space<hbm>>
    %dma_wait3A_116 = arith.constant 0 : i32
    %dma_wait3A_117 = tpu.memref_slice %arg6[%dma_wait3A_109, %dma_wait3A_116] : memref<5x128xi32, #tpu.memory_space<vmem>> -> memref<1x128xi32, #tpu.memory_space<vmem>>
    %dma_wait3A_118 = tpu.memref_squeeze %dma_wait3A_117 : memref<1x128xi32, #tpu.memory_space<vmem>> -> memref<128xi32, #tpu.memory_space<vmem>>
    %dma_wait3A_119 = arith.constant 0 : i32
    %dma_wait3A_120 = tpu.memref_slice %arg2[%dma_wait3A_107, %dma_wait3A_108, %dma_wait3A_119] : memref<200x8x128xi32, #tpu.memory_space<hbm>> -> memref<1x1x128xi32, #tpu.memory_space<hbm>>
    %dma_wait3A_121 = tpu.memref_squeeze %dma_wait3A_120 : memref<1x1x128xi32, #tpu.memory_space<hbm>> -> memref<128xi32, #tpu.memory_space<hbm>>
    tpu.wait_dma2 semaphore(%arg20 : memref<!tpu.dma_semaphore, #tpu.memory_space<semaphore_mem>>) src(%dma_wait3A_121 : memref<128xi32, #tpu.memory_space<hbm>>) dst(%dma_wait3A_118 : memref<128xi32, #tpu.memory_space<vmem>>)
    %dma_start3A_122 = arith.constant 0 : i32
    %dma_start3A_123 = arith.constant 0 : i32
    %dma_start3A_124 = arith.constant 0 : i32
    %dma_start3A_125 = arith.constant 0 : i32
    %dma_start3A_126 = tpu.memref_slice %arg7[%dma_start3A_123, %dma_start3A_124, %dma_start3A_125] : memref<5x128x128xf32, #tpu.memory_space<vmem>> -> memref<1x128x128xf32, #tpu.memory_space<vmem>>
    %dma_start3A_127 = tpu.memref_squeeze %dma_start3A_126 : memref<1x128x128xf32, #tpu.memory_space<vmem>> -> memref<128x128xf32, #tpu.memory_space<vmem>>
    %dma_start3A_128 = arith.constant 0 : i32
    %dma_start3A_129 = tpu.memref_slice %arg6[%dma_start3A_122, %dma_start3A_128] : memref<5x128xi32, #tpu.memory_space<vmem>> -> memref<1x128xi32, #tpu.memory_space<vmem>>
    %dma_start3A_130 = tpu.memref_squeeze %dma_start3A_129 : memref<1x128xi32, #tpu.memory_space<vmem>> -> memref<128xi32, #tpu.memory_space<vmem>>
    %dma_start3A_131 = arith.constant 0 : i32
    %dma_start3A_132 = arith.constant 0 : i32
    %dma_start3A_133 = tpu.memref_slice %arg3[%dma_start3A_131, %dma_start3A_132] : memref<100000x128xf32, #tpu.memory_space<hbm>> -> memref<100000x128xf32, #tpu.memory_space<hbm>>
    tpu.enqueue_indirect_dma source(%dma_start3A_133 : memref<100000x128xf32, #tpu.memory_space<hbm>>) target(%dma_start3A_127 : memref<128x128xf32, #tpu.memory_space<vmem>>) offsets(%dma_start3A_130 : memref<128xi32, #tpu.memory_space<vmem>>) semaphore(%arg10 : memref<!tpu.dma_semaphore, #tpu.memory_space<semaphore_mem>>)
    %dma_start3A_134 = arith.constant 1 : i32
    %dma_start3A_135 = arith.constant 1 : i32
    %dma_start3A_136 = arith.constant 0 : i32
    %dma_start3A_137 = arith.constant 0 : i32
    %dma_start3A_138 = tpu.memref_slice %arg7[%dma_start3A_135, %dma_start3A_136, %dma_start3A_137] : memref<5x128x128xf32, #tpu.memory_space<vmem>> -> memref<1x128x128xf32, #tpu.memory_space<vmem>>
    %dma_start3A_139 = tpu.memref_squeeze %dma_start3A_138 : memref<1x128x128xf32, #tpu.memory_space<vmem>> -> memref<128x128xf32, #tpu.memory_space<vmem>>
    %dma_start3A_140 = arith.constant 0 : i32
    %dma_start3A_141 = tpu.memref_slice %arg6[%dma_start3A_134, %dma_start3A_140] : memref<5x128xi32, #tpu.memory_space<vmem>> -> memref<1x128xi32, #tpu.memory_space<vmem>>
    %dma_start3A_142 = tpu.memref_squeeze %dma_start3A_141 : memref<1x128xi32, #tpu.memory_space<vmem>> -> memref<128xi32, #tpu.memory_space<vmem>>
    %dma_start3A_143 = arith.constant 0 : i32
    %dma_start3A_144 = arith.constant 0 : i32
    %dma_start3A_145 = tpu.memref_slice %arg3[%dma_start3A_143, %dma_start3A_144] : memref<100000x128xf32, #tpu.memory_space<hbm>> -> memref<100000x128xf32, #tpu.memory_space<hbm>>
    tpu.enqueue_indirect_dma source(%dma_start3A_145 : memref<100000x128xf32, #tpu.memory_space<hbm>>) target(%dma_start3A_139 : memref<128x128xf32, #tpu.memory_space<vmem>>) offsets(%dma_start3A_142 : memref<128xi32, #tpu.memory_space<vmem>>) semaphore(%arg11 : memref<!tpu.dma_semaphore, #tpu.memory_space<semaphore_mem>>)
    %dma_start3A_146 = arith.constant 2 : i32
    %dma_start3A_147 = arith.constant 2 : i32
    %dma_start3A_148 = arith.constant 0 : i32
    %dma_start3A_149 = arith.constant 0 : i32
    %dma_start3A_150 = tpu.memref_slice %arg7[%dma_start3A_147, %dma_start3A_148, %dma_start3A_149] : memref<5x128x128xf32, #tpu.memory_space<vmem>> -> memref<1x128x128xf32, #tpu.memory_space<vmem>>
    %dma_start3A_151 = tpu.memref_squeeze %dma_start3A_150 : memref<1x128x128xf32, #tpu.memory_space<vmem>> -> memref<128x128xf32, #tpu.memory_space<vmem>>
    %dma_start3A_152 = arith.constant 0 : i32
    %dma_start3A_153 = tpu.memref_slice %arg6[%dma_start3A_146, %dma_start3A_152] : memref<5x128xi32, #tpu.memory_space<vmem>> -> memref<1x128xi32, #tpu.memory_space<vmem>>
    %dma_start3A_154 = tpu.memref_squeeze %dma_start3A_153 : memref<1x128xi32, #tpu.memory_space<vmem>> -> memref<128xi32, #tpu.memory_space<vmem>>
    %dma_start3A_155 = arith.constant 0 : i32
    %dma_start3A_156 = arith.constant 0 : i32
    %dma_start3A_157 = tpu.memref_slice %arg3[%dma_start3A_155, %dma_start3A_156] : memref<100000x128xf32, #tpu.memory_space<hbm>> -> memref<100000x128xf32, #tpu.memory_space<hbm>>
    tpu.enqueue_indirect_dma source(%dma_start3A_157 : memref<100000x128xf32, #tpu.memory_space<hbm>>) target(%dma_start3A_151 : memref<128x128xf32, #tpu.memory_space<vmem>>) offsets(%dma_start3A_154 : memref<128xi32, #tpu.memory_space<vmem>>) semaphore(%arg12 : memref<!tpu.dma_semaphore, #tpu.memory_space<semaphore_mem>>)
    %add3A_158 = arith.constant 3 : i32
    %add3A_159 = arith.addi %mul3A_22, %add3A_158 : i32
    %dma_start3A_160 = arith.constant 3 : i32
    %dma_start3A_161 = arith.constant 0 : i32
    %dma_start3A_162 = tpu.memref_slice %arg6[%dma_start3A_160, %dma_start3A_161] : memref<5x128xi32, #tpu.memory_space<vmem>> -> memref<1x128xi32, #tpu.memory_space<vmem>>
    %dma_start3A_163 = tpu.memref_squeeze %dma_start3A_162 : memref<1x128xi32, #tpu.memory_space<vmem>> -> memref<128xi32, #tpu.memory_space<vmem>>
    %dma_start3A_164 = arith.constant 0 : i32
    %dma_start3A_165 = tpu.memref_slice %arg2[%add3A_159, %rem3A_1, %dma_start3A_164] : memref<200x8x128xi32, #tpu.memory_space<hbm>> -> memref<1x1x128xi32, #tpu.memory_space<hbm>>
    %dma_start3A_166 = tpu.memref_squeeze %dma_start3A_165 : memref<1x1x128xi32, #tpu.memory_space<hbm>> -> memref<128xi32, #tpu.memory_space<hbm>>
    %dma_start3A_167 = arith.constant 0 : i32
    %dma_start3A_168 = tpu.memref_slice %arg6[%dma_start3A_160, %dma_start3A_167] : memref<5x128xi32, #tpu.memory_space<vmem>> -> memref<1x128xi32, #tpu.memory_space<vmem>>
    %dma_start3A_169 = tpu.memref_squeeze %dma_start3A_168 : memref<1x128xi32, #tpu.memory_space<vmem>> -> memref<128xi32, #tpu.memory_space<vmem>>
    %dma_start3A_170 = arith.constant 0 : i32
    %dma_start3A_171 = tpu.memref_slice %arg2[%add3A_159, %rem3A_1, %dma_start3A_170] : memref<200x8x128xi32, #tpu.memory_space<hbm>> -> memref<1x1x128xi32, #tpu.memory_space<hbm>>
    %dma_start3A_172 = tpu.memref_squeeze %dma_start3A_171 : memref<1x1x128xi32, #tpu.memory_space<hbm>> -> memref<128xi32, #tpu.memory_space<hbm>>
    tpu.enqueue_dma source(%dma_start3A_172 : memref<128xi32, #tpu.memory_space<hbm>>) target(%dma_start3A_169 : memref<128xi32, #tpu.memory_space<vmem>>) target_semaphore(%arg20 : memref<!tpu.dma_semaphore, #tpu.memory_space<semaphore_mem>>)
    %dma_wait3A_173 = arith.constant 0 : i32
    %dma_wait3A_174 = arith.constant 0 : i32
    %dma_wait3A_175 = tpu.memref_slice %arg4[%select_n3A, %dma_wait3A_173, %dma_wait3A_174] : memref<4x50x128xf32, #tpu.memory_space<hbm>> -> memref<1x50x128xf32, #tpu.memory_space<hbm>>
    %dma_wait3A_176 = tpu.memref_squeeze %dma_wait3A_175 : memref<1x50x128xf32, #tpu.memory_space<hbm>> -> memref<50x128xf32, #tpu.memory_space<hbm>>
    %dma_wait3A_177 = arith.constant 0 : i32
    %dma_wait3A_178 = arith.constant 0 : i32
    %dma_wait3A_179 = tpu.memref_slice %arg4[%select_n3A, %dma_wait3A_177, %dma_wait3A_178] : memref<4x50x128xf32, #tpu.memory_space<hbm>> -> memref<1x50x128xf32, #tpu.memory_space<hbm>>
    %dma_wait3A_180 = tpu.memref_squeeze %dma_wait3A_179 : memref<1x50x128xf32, #tpu.memory_space<hbm>> -> memref<50x128xf32, #tpu.memory_space<hbm>>
    tpu.wait_dma2 semaphore(%arg21 : memref<!tpu.dma_semaphore, #tpu.memory_space<semaphore_mem>>) src(%dma_wait3A_180 : memref<50x128xf32, #tpu.memory_space<hbm>>) dst(%arg8 : memref<50x128xf32, #tpu.memory_space<vmem>>)
    %scan3A = arith.constant 0 : i32
    %scan3A_181 = arith.constant 0 : i32
    %scan3A_182 = arith.constant 10 : i32
    %scan3A_183 = arith.addi %scan3A_181, %scan3A_182 : i32
    %scan3A_184 = arith.constant 1 : i32
    scf.for %scan3A_261 = %scan3A_181 to %scan3A_183 step %scan3A_184  : i32 {
      %mul3A_262 = arith.constant 5 : i32
      %mul3A_263 = arith.muli %scan3A_261, %mul3A_262 : i32
      %add3A_264 = arith.constant 0 : i32
      %add3A_265 = arith.addi %mul3A_263, %add3A_264 : i32
      %add3A_266 = arith.constant 3 : i32
      %add3A_267 = arith.addi %add3A_265, %add3A_266 : i32
      %lt3A = arith.constant 50 : i32
      %lt3A_268 = arith.cmpi slt, %add3A_267, %lt3A : i32
      %convert_element_type3A = arith.extui %lt3A_268 : i1 to i32
      %cond3A = arith.constant 0 : i32
      %cond3A_269 = arith.cmpi ne, %convert_element_type3A, %cond3A : i32
      scf.if %cond3A_269 {
        %dma_wait3A_1272 = arith.constant 0 : i32
        %dma_wait3A_1273 = arith.constant 0 : i32
        %dma_wait3A_1274 = arith.constant 0 : i32
        %dma_wait3A_1275 = arith.constant 0 : i32
        %dma_wait3A_1276 = tpu.memref_slice %arg6[%dma_wait3A_1274, %dma_wait3A_1275] : memref<5x128xi32, #tpu.memory_space<vmem>> -> memref<1x128xi32, #tpu.memory_space<vmem>>
        %dma_wait3A_1277 = tpu.memref_squeeze %dma_wait3A_1276 : memref<1x128xi32, #tpu.memory_space<vmem>> -> memref<128xi32, #tpu.memory_space<vmem>>
        %dma_wait3A_1278 = arith.constant 0 : i32
        %dma_wait3A_1279 = tpu.memref_slice %arg2[%dma_wait3A_1272, %dma_wait3A_1273, %dma_wait3A_1278] : memref<200x8x128xi32, #tpu.memory_space<hbm>> -> memref<1x1x128xi32, #tpu.memory_space<hbm>>
        %dma_wait3A_1280 = tpu.memref_squeeze %dma_wait3A_1279 : memref<1x1x128xi32, #tpu.memory_space<hbm>> -> memref<128xi32, #tpu.memory_space<hbm>>
        %dma_wait3A_1281 = arith.constant 0 : i32
        %dma_wait3A_1282 = tpu.memref_slice %arg6[%dma_wait3A_1274, %dma_wait3A_1281] : memref<5x128xi32, #tpu.memory_space<vmem>> -> memref<1x128xi32, #tpu.memory_space<vmem>>
        %dma_wait3A_1283 = tpu.memref_squeeze %dma_wait3A_1282 : memref<1x128xi32, #tpu.memory_space<vmem>> -> memref<128xi32, #tpu.memory_space<vmem>>
        %dma_wait3A_1284 = arith.constant 0 : i32
        %dma_wait3A_1285 = tpu.memref_slice %arg2[%dma_wait3A_1272, %dma_wait3A_1273, %dma_wait3A_1284] : memref<200x8x128xi32, #tpu.memory_space<hbm>> -> memref<1x1x128xi32, #tpu.memory_space<hbm>>
        %dma_wait3A_1286 = tpu.memref_squeeze %dma_wait3A_1285 : memref<1x1x128xi32, #tpu.memory_space<hbm>> -> memref<128xi32, #tpu.memory_space<hbm>>
        tpu.wait_dma2 semaphore(%arg20 : memref<!tpu.dma_semaphore, #tpu.memory_space<semaphore_mem>>) src(%dma_wait3A_1286 : memref<128xi32, #tpu.memory_space<hbm>>) dst(%dma_wait3A_1283 : memref<128xi32, #tpu.memory_space<vmem>>)
        %add3A_1287 = arith.constant 3 : i32
        %add3A_1288 = arith.addi %add3A_265, %add3A_1287 : i32
        %ge3A = arith.constant 5 : i32
        %ge3A_1289 = arith.cmpi sge, %add3A_1288, %ge3A : i32
        %convert_element_type3A_1290 = arith.extui %ge3A_1289 : i1 to i32
        %cond3A_1291 = arith.constant 0 : i32
        %cond3A_1292 = arith.cmpi ne, %convert_element_type3A_1290, %cond3A_1291 : i32
        scf.if %cond3A_1292 {
          %dma_wait3A_1305 = arith.constant 0 : i32
          %dma_wait3A_1306 = arith.constant 0 : i32
          %dma_wait3A_1307 = arith.constant 0 : i32
          %dma_wait3A_1308 = tpu.memref_slice %arg7[%dma_wait3A_1305, %dma_wait3A_1306, %dma_wait3A_1307] : memref<5x128x128xf32, #tpu.memory_space<vmem>> -> memref<1x128x128xf32, #tpu.memory_space<vmem>>
          %dma_wait3A_1309 = tpu.memref_squeeze %dma_wait3A_1308 : memref<1x128x128xf32, #tpu.memory_space<vmem>> -> memref<128x128xf32, #tpu.memory_space<vmem>>
          %dma_wait3A_1310 = arith.constant 0 : i32
          %dma_wait3A_1311 = arith.constant 0 : i32
          %dma_wait3A_1312 = tpu.memref_slice %arg5[%dma_wait3A_1310, %dma_wait3A_1311] : memref<204800x128xf32, #tpu.memory_space<hbm>> -> memref<128x128xf32, #tpu.memory_space<hbm>>
          %dma_wait3A_1313 = arith.constant 0 : i32
          %dma_wait3A_1314 = arith.constant 0 : i32
          %dma_wait3A_1315 = tpu.memref_slice %arg5[%dma_wait3A_1313, %dma_wait3A_1314] : memref<204800x128xf32, #tpu.memory_space<hbm>> -> memref<128x128xf32, #tpu.memory_space<hbm>>
          %dma_wait3A_1316 = arith.constant 0 : i32
          %dma_wait3A_1317 = arith.constant 0 : i32
          %dma_wait3A_1318 = tpu.memref_slice %arg7[%dma_wait3A_1305, %dma_wait3A_1316, %dma_wait3A_1317] : memref<5x128x128xf32, #tpu.memory_space<vmem>> -> memref<1x128x128xf32, #tpu.memory_space<vmem>>
          %dma_wait3A_1319 = tpu.memref_squeeze %dma_wait3A_1318 : memref<1x128x128xf32, #tpu.memory_space<vmem>> -> memref<128x128xf32, #tpu.memory_space<vmem>>
          tpu.wait_dma2 semaphore(%arg18 : memref<!tpu.dma_semaphore, #tpu.memory_space<semaphore_mem>>) src(%dma_wait3A_1319 : memref<128x128xf32, #tpu.memory_space<vmem>>) dst(%dma_wait3A_1315 : memref<128x128xf32, #tpu.memory_space<hbm>>)
        } else {
        }
        %dma_start3A_1293 = arith.constant 3 : i32
        %dma_start3A_1294 = arith.constant 3 : i32
        %dma_start3A_1295 = arith.constant 0 : i32
        %dma_start3A_1296 = arith.constant 0 : i32
        %dma_start3A_1297 = tpu.memref_slice %arg7[%dma_start3A_1294, %dma_start3A_1295, %dma_start3A_1296] : memref<5x128x128xf32, #tpu.memory_space<vmem>> -> memref<1x128x128xf32, #tpu.memory_space<vmem>>
        %dma_start3A_1298 = tpu.memref_squeeze %dma_start3A_1297 : memref<1x128x128xf32, #tpu.memory_space<vmem>> -> memref<128x128xf32, #tpu.memory_space<vmem>>
        %dma_start3A_1299 = arith.constant 0 : i32
        %dma_start3A_1300 = tpu.memref_slice %arg6[%dma_start3A_1293, %dma_start3A_1299] : memref<5x128xi32, #tpu.memory_space<vmem>> -> memref<1x128xi32, #tpu.memory_space<vmem>>
        %dma_start3A_1301 = tpu.memref_squeeze %dma_start3A_1300 : memref<1x128xi32, #tpu.memory_space<vmem>> -> memref<128xi32, #tpu.memory_space<vmem>>
        %dma_start3A_1302 = arith.constant 0 : i32
        %dma_start3A_1303 = arith.constant 0 : i32
        %dma_start3A_1304 = tpu.memref_slice %arg3[%dma_start3A_1302, %dma_start3A_1303] : memref<100000x128xf32, #tpu.memory_space<hbm>> -> memref<100000x128xf32, #tpu.memory_space<hbm>>
        tpu.enqueue_indirect_dma source(%dma_start3A_1304 : memref<100000x128xf32, #tpu.memory_space<hbm>>) target(%dma_start3A_1298 : memref<128x128xf32, #tpu.memory_space<vmem>>) offsets(%dma_start3A_1301 : memref<128xi32, #tpu.memory_space<vmem>>) semaphore(%arg13 : memref<!tpu.dma_semaphore, #tpu.memory_space<semaphore_mem>>)
      } else {
      }
      %dma_wait3A_270 = arith.constant 0 : i32
      %dma_wait3A_271 = arith.constant 0 : i32
      %dma_wait3A_272 = arith.constant 0 : i32
      %dma_wait3A_273 = tpu.memref_slice %arg7[%dma_wait3A_270, %dma_wait3A_271, %dma_wait3A_272] : memref<5x128x128xf32, #tpu.memory_space<vmem>> -> memref<1x128x128xf32, #tpu.memory_space<vmem>>
      %dma_wait3A_274 = tpu.memref_squeeze %dma_wait3A_273 : memref<1x128x128xf32, #tpu.memory_space<vmem>> -> memref<128x128xf32, #tpu.memory_space<vmem>>
      %dma_wait3A_275 = arith.constant 0 : i32
      %dma_wait3A_276 = arith.constant 0 : i32
      %dma_wait3A_277 = tpu.memref_slice %arg5[%dma_wait3A_275, %dma_wait3A_276] : memref<204800x128xf32, #tpu.memory_space<hbm>> -> memref<128x128xf32, #tpu.memory_space<hbm>>
      %dma_wait3A_278 = arith.constant 0 : i32
      %dma_wait3A_279 = arith.constant 0 : i32
      %dma_wait3A_280 = tpu.memref_slice %arg7[%dma_wait3A_270, %dma_wait3A_278, %dma_wait3A_279] : memref<5x128x128xf32, #tpu.memory_space<vmem>> -> memref<1x128x128xf32, #tpu.memory_space<vmem>>
      %dma_wait3A_281 = tpu.memref_squeeze %dma_wait3A_280 : memref<1x128x128xf32, #tpu.memory_space<vmem>> -> memref<128x128xf32, #tpu.memory_space<vmem>>
      %dma_wait3A_282 = arith.constant 0 : i32
      %dma_wait3A_283 = arith.constant 0 : i32
      %dma_wait3A_284 = tpu.memref_slice %arg5[%dma_wait3A_282, %dma_wait3A_283] : memref<204800x128xf32, #tpu.memory_space<hbm>> -> memref<128x128xf32, #tpu.memory_space<hbm>>
      tpu.wait_dma2 semaphore(%arg10 : memref<!tpu.dma_semaphore, #tpu.memory_space<semaphore_mem>>) src(%dma_wait3A_284 : memref<128x128xf32, #tpu.memory_space<hbm>>) dst(%dma_wait3A_281 : memref<128x128xf32, #tpu.memory_space<vmem>>)
      %add3A_285 = arith.constant 4 : i32
      %add3A_286 = arith.addi %add3A_265, %add3A_285 : i32
      %lt3A_287 = arith.constant 50 : i32
      %lt3A_288 = arith.cmpi slt, %add3A_286, %lt3A_287 : i32
      %convert_element_type3A_289 = arith.extui %lt3A_288 : i1 to i32
      %cond3A_290 = arith.constant 0 : i32
      %cond3A_291 = arith.cmpi ne, %convert_element_type3A_289, %cond3A_290 : i32
      scf.if %cond3A_291 {
        %add3A_1272 = arith.constant 4 : i32
        %add3A_1273 = arith.addi %add3A_265, %add3A_1272 : i32
        %add3A_1274 = arith.addi %mul3A_22, %add3A_1273 : i32
        %dma_start3A_1275 = arith.constant 4 : i32
        %dma_start3A_1276 = arith.constant 0 : i32
        %dma_start3A_1277 = tpu.memref_slice %arg6[%dma_start3A_1275, %dma_start3A_1276] : memref<5x128xi32, #tpu.memory_space<vmem>> -> memref<1x128xi32, #tpu.memory_space<vmem>>
        %dma_start3A_1278 = tpu.memref_squeeze %dma_start3A_1277 : memref<1x128xi32, #tpu.memory_space<vmem>> -> memref<128xi32, #tpu.memory_space<vmem>>
        %dma_start3A_1279 = arith.constant 0 : i32
        %dma_start3A_1280 = tpu.memref_slice %arg2[%add3A_1274, %rem3A_1, %dma_start3A_1279] : memref<200x8x128xi32, #tpu.memory_space<hbm>> -> memref<1x1x128xi32, #tpu.memory_space<hbm>>
        %dma_start3A_1281 = tpu.memref_squeeze %dma_start3A_1280 : memref<1x1x128xi32, #tpu.memory_space<hbm>> -> memref<128xi32, #tpu.memory_space<hbm>>
        %dma_start3A_1282 = arith.constant 0 : i32
        %dma_start3A_1283 = tpu.memref_slice %arg6[%dma_start3A_1275, %dma_start3A_1282] : memref<5x128xi32, #tpu.memory_space<vmem>> -> memref<1x128xi32, #tpu.memory_space<vmem>>
        %dma_start3A_1284 = tpu.memref_squeeze %dma_start3A_1283 : memref<1x128xi32, #tpu.memory_space<vmem>> -> memref<128xi32, #tpu.memory_space<vmem>>
        %dma_start3A_1285 = arith.constant 0 : i32
        %dma_start3A_1286 = tpu.memref_slice %arg2[%add3A_1274, %rem3A_1, %dma_start3A_1285] : memref<200x8x128xi32, #tpu.memory_space<hbm>> -> memref<1x1x128xi32, #tpu.memory_space<hbm>>
        %dma_start3A_1287 = tpu.memref_squeeze %dma_start3A_1286 : memref<1x1x128xi32, #tpu.memory_space<hbm>> -> memref<128xi32, #tpu.memory_space<hbm>>
        tpu.enqueue_dma source(%dma_start3A_1287 : memref<128xi32, #tpu.memory_space<hbm>>) target(%dma_start3A_1284 : memref<128xi32, #tpu.memory_space<vmem>>) target_semaphore(%arg20 : memref<!tpu.dma_semaphore, #tpu.memory_space<semaphore_mem>>)
      } else {
      }
      %mul3A_292 = arith.constant 200 : i32
      %mul3A_293 = arith.muli %mul3A_20, %mul3A_292 : i32
      %add3A_294 = arith.addi %mul3A_293, %mul3A_22 : i32
      %add3A_295 = arith.addi %add3A_294, %add3A_265 : i32
      %get3A = arith.index_cast %add3A_265 : i32 to index
      %get3A_296 = arith.constant 0 : index
      %get3A_297 = tpu.vector_load %arg8[%get3A, %get3A_296] {strides = array<i32>} : memref<50x128xf32, #tpu.memory_space<vmem>>, vector<1x16xf32>,
      %get3A_298 = vector.shape_cast %get3A_297 : vector<1x16xf32> to vector<16xf32>
      %get3A_299 = arith.index_cast %add3A_265 : i32 to index
      %get3A_300 = arith.constant 16 : index
      %get3A_301 = tpu.vector_load %arg8[%get3A_299, %get3A_300] {strides = array<i32>} : memref<50x128xf32, #tpu.memory_space<vmem>>, vector<1x16xf32>,
      %get3A_302 = vector.shape_cast %get3A_301 : vector<1x16xf32> to vector<16xf32>
      %get3A_303 = arith.index_cast %add3A_265 : i32 to index
      %get3A_304 = arith.constant 32 : index
      %get3A_305 = tpu.vector_load %arg8[%get3A_303, %get3A_304] {strides = array<i32>} : memref<50x128xf32, #tpu.memory_space<vmem>>, vector<1x16xf32>,
      %get3A_306 = vector.shape_cast %get3A_305 : vector<1x16xf32> to vector<16xf32>
      %get3A_307 = arith.index_cast %add3A_265 : i32 to index
      %get3A_308 = arith.constant 48 : index
      %get3A_309 = tpu.vector_load %arg8[%get3A_307, %get3A_308] {strides = array<i32>} : memref<50x128xf32, #tpu.memory_space<vmem>>, vector<1x16xf32>,
      %get3A_310 = vector.shape_cast %get3A_309 : vector<1x16xf32> to vector<16xf32>
      %get3A_311 = arith.index_cast %add3A_265 : i32 to index
      %get3A_312 = arith.constant 64 : index
      %get3A_313 = tpu.vector_load %arg8[%get3A_311, %get3A_312] {strides = array<i32>} : memref<50x128xf32, #tpu.memory_space<vmem>>, vector<1x16xf32>,
      %get3A_314 = vector.shape_cast %get3A_313 : vector<1x16xf32> to vector<16xf32>
      %get3A_315 = arith.index_cast %add3A_265 : i32 to index
      %get3A_316 = arith.constant 80 : index
      %get3A_317 = tpu.vector_load %arg8[%get3A_315, %get3A_316] {strides = array<i32>} : memref<50x128xf32, #tpu.memory_space<vmem>>, vector<1x16xf32>,
      %get3A_318 = vector.shape_cast %get3A_317 : vector<1x16xf32> to vector<16xf32>
      %get3A_319 = arith.index_cast %add3A_265 : i32 to index
      %get3A_320 = arith.constant 96 : index
      %get3A_321 = tpu.vector_load %arg8[%get3A_319, %get3A_320] {strides = array<i32>} : memref<50x128xf32, #tpu.memory_space<vmem>>, vector<1x16xf32>,
      %get3A_322 = vector.shape_cast %get3A_321 : vector<1x16xf32> to vector<16xf32>
      %get3A_323 = arith.index_cast %add3A_265 : i32 to index
      %get3A_324 = arith.constant 112 : index
      %get3A_325 = tpu.vector_load %arg8[%get3A_323, %get3A_324] {strides = array<i32>} : memref<50x128xf32, #tpu.memory_space<vmem>>, vector<1x16xf32>,
      %get3A_326 = vector.shape_cast %get3A_325 : vector<1x16xf32> to vector<16xf32>
      %add3A_327 = arith.constant 0 : i32
      %add3A_328 = arith.addi %add3A_295, %add3A_327 : i32
      %add3A_329 = vector.broadcast %add3A_328 : i32 to vector<16xi32>
      %add3A_330 = arith.addi %mul3A_32, %add3A_329 : vector<16xi32>
      %swap3A = arith.constant 0 : i32
      %swap3A_331 = arith.constant 0 : i32
      %swap3A_332 = arith.index_cast %swap3A : i32 to index
      %swap3A_333 = arith.index_cast %swap3A_331 : i32 to index
      %swap3A_334 = arith.constant 0 : index
      %swap3A_335 = tpu.vector_load %arg9[%swap3A_332, %swap3A_333, %swap3A_334] {strides = array<i32>} : memref<5x2x64xi32, #tpu.memory_space<vmem>>, vector<1x1x16xi32>,
      %swap3A_336 = vector.shape_cast %swap3A_335 : vector<1x1x16xi32> to vector<16xi32>
      %swap3A_337 = vector.shape_cast %add3A_330 : vector<16xi32> to vector<1x1x16xi32>
      tpu.vector_store %arg9[%swap3A_332, %swap3A_333, %swap3A_334], %swap3A_337 {strides = array<i32>} : memref<5x2x64xi32, #tpu.memory_space<vmem>>, vector<1x1x16xi32>,
      %add3A_338 = arith.constant 3200 : i32
      %add3A_339 = arith.addi %add3A_295, %add3A_338 : i32
      %add3A_340 = vector.broadcast %add3A_339 : i32 to vector<16xi32>
      %add3A_341 = arith.addi %mul3A_32, %add3A_340 : vector<16xi32>
      %swap3A_342 = arith.constant 0 : i32
      %swap3A_343 = arith.constant 0 : i32
      %swap3A_344 = arith.index_cast %swap3A_342 : i32 to index
      %swap3A_345 = arith.index_cast %swap3A_343 : i32 to index
      %swap3A_346 = arith.constant 16 : index
      %swap3A_347 = tpu.vector_load %arg9[%swap3A_344, %swap3A_345, %swap3A_346] {strides = array<i32>} : memref<5x2x64xi32, #tpu.memory_space<vmem>>, vector<1x1x16xi32>,
      %swap3A_348 = vector.shape_cast %swap3A_347 : vector<1x1x16xi32> to vector<16xi32>
      %swap3A_349 = vector.shape_cast %add3A_341 : vector<16xi32> to vector<1x1x16xi32>
      tpu.vector_store %arg9[%swap3A_344, %swap3A_345, %swap3A_346], %swap3A_349 {strides = array<i32>} : memref<5x2x64xi32, #tpu.memory_space<vmem>>, vector<1x1x16xi32>,
      %add3A_350 = arith.constant 6400 : i32
      %add3A_351 = arith.addi %add3A_295, %add3A_350 : i32
      %add3A_352 = vector.broadcast %add3A_351 : i32 to vector<16xi32>
      %add3A_353 = arith.addi %mul3A_32, %add3A_352 : vector<16xi32>
      %swap3A_354 = arith.constant 0 : i32
      %swap3A_355 = arith.constant 0 : i32
      %swap3A_356 = arith.index_cast %swap3A_354 : i32 to index
      %swap3A_357 = arith.index_cast %swap3A_355 : i32 to index
      %swap3A_358 = arith.constant 32 : index
      %swap3A_359 = tpu.vector_load %arg9[%swap3A_356, %swap3A_357, %swap3A_358] {strides = array<i32>} : memref<5x2x64xi32, #tpu.memory_space<vmem>>, vector<1x1x16xi32>,
      %swap3A_360 = vector.shape_cast %swap3A_359 : vector<1x1x16xi32> to vector<16xi32>
      %swap3A_361 = vector.shape_cast %add3A_353 : vector<16xi32> to vector<1x1x16xi32>
      tpu.vector_store %arg9[%swap3A_356, %swap3A_357, %swap3A_358], %swap3A_361 {strides = array<i32>} : memref<5x2x64xi32, #tpu.memory_space<vmem>>, vector<1x1x16xi32>,
      %add3A_362 = arith.constant 9600 : i32
      %add3A_363 = arith.addi %add3A_295, %add3A_362 : i32
      %add3A_364 = vector.broadcast %add3A_363 : i32 to vector<16xi32>
      %add3A_365 = arith.addi %mul3A_32, %add3A_364 : vector<16xi32>
      %swap3A_366 = arith.constant 0 : i32
      %swap3A_367 = arith.constant 0 : i32
      %swap3A_368 = arith.index_cast %swap3A_366 : i32 to index
      %swap3A_369 = arith.index_cast %swap3A_367 : i32 to index
      %swap3A_370 = arith.constant 48 : index
      %swap3A_371 = tpu.vector_load %arg9[%swap3A_368, %swap3A_369, %swap3A_370] {strides = array<i32>} : memref<5x2x64xi32, #tpu.memory_space<vmem>>, vector<1x1x16xi32>,
      %swap3A_372 = vector.shape_cast %swap3A_371 : vector<1x1x16xi32> to vector<16xi32>
      %swap3A_373 = vector.shape_cast %add3A_365 : vector<16xi32> to vector<1x1x16xi32>
      tpu.vector_store %arg9[%swap3A_368, %swap3A_369, %swap3A_370], %swap3A_373 {strides = array<i32>} : memref<5x2x64xi32, #tpu.memory_space<vmem>>, vector<1x1x16xi32>,
      %scan3A_374 = arith.constant 0 : i32
      %scan3A_375 = arith.constant 0 : i32
      %scan3A_376 = arith.constant 64 : i32
      %scan3A_377 = arith.addi %scan3A_375, %scan3A_376 : i32
      %scan3A_378 = arith.constant 1 : i32
      scf.for %scan3A_1272 = %scan3A_375 to %scan3A_377 step %scan3A_378  : i32 {
        %get3A_1273 = arith.constant 0 : i32
        %get3A_1274 = arith.index_cast %get3A_1273 : i32 to index
        %get3A_1275 = arith.index_cast %scan3A_1272 : i32 to index
        %get3A_1276 = arith.constant 0 : index
        %get3A_1277 = tpu.vector_load %arg7[%get3A_1274, %get3A_1275, %get3A_1276] {strides = array<i32>} : memref<5x128x128xf32, #tpu.memory_space<vmem>>, vector<1x1x16xf32>,
        %get3A_1278 = vector.shape_cast %get3A_1277 : vector<1x1x16xf32> to vector<16xf32>
        %mul3A_1279 = arith.constant 11.3137083 : f32
        %mul3A_1280 = vector.broadcast %mul3A_1279 : f32 to vector<16xf32>
        %mul3A_1281 = arith.mulf %get3A_1278, %mul3A_1280 : vector<16xf32>
        %add3A_1282 = arith.addf %mul3A_1281, %get3A_298 : vector<16xf32>
        %swap3A_1283 = arith.constant 0 : i32
        %swap3A_1284 = arith.index_cast %swap3A_1283 : i32 to index
        %swap3A_1285 = arith.index_cast %scan3A_1272 : i32 to index
        %swap3A_1286 = arith.constant 0 : index
        %swap3A_1287 = tpu.vector_load %arg7[%swap3A_1284, %swap3A_1285, %swap3A_1286] {strides = array<i32>} : memref<5x128x128xf32, #tpu.memory_space<vmem>>, vector<1x1x16xf32>,
        %swap3A_1288 = vector.shape_cast %swap3A_1287 : vector<1x1x16xf32> to vector<16xf32>
        %swap3A_1289 = vector.shape_cast %add3A_1282 : vector<16xf32> to vector<1x1x16xf32>
        tpu.vector_store %arg7[%swap3A_1284, %swap3A_1285, %swap3A_1286], %swap3A_1289 {strides = array<i32>} : memref<5x128x128xf32, #tpu.memory_space<vmem>>, vector<1x1x16xf32>,
        %get3A_1290 = arith.constant 0 : i32
        %get3A_1291 = arith.index_cast %get3A_1290 : i32 to index
        %get3A_1292 = arith.index_cast %scan3A_1272 : i32 to index
        %get3A_1293 = arith.constant 16 : index
        %get3A_1294 = tpu.vector_load %arg7[%get3A_1291, %get3A_1292, %get3A_1293] {strides = array<i32>} : memref<5x128x128xf32, #tpu.memory_space<vmem>>, vector<1x1x16xf32>,
        %get3A_1295 = vector.shape_cast %get3A_1294 : vector<1x1x16xf32> to vector<16xf32>
        %mul3A_1296 = arith.constant 11.3137083 : f32
        %mul3A_1297 = vector.broadcast %mul3A_1296 : f32 to vector<16xf32>
        %mul3A_1298 = arith.mulf %get3A_1295, %mul3A_1297 : vector<16xf32>
        %add3A_1299 = arith.addf %mul3A_1298, %get3A_302 : vector<16xf32>
        %swap3A_1300 = arith.constant 0 : i32
        %swap3A_1301 = arith.index_cast %swap3A_1300 : i32 to index
        %swap3A_1302 = arith.index_cast %scan3A_1272 : i32 to index
        %swap3A_1303 = arith.constant 16 : index
        %swap3A_1304 = tpu.vector_load %arg7[%swap3A_1301, %swap3A_1302, %swap3A_1303] {strides = array<i32>} : memref<5x128x128xf32, #tpu.memory_space<vmem>>, vector<1x1x16xf32>,
        %swap3A_1305 = vector.shape_cast %swap3A_1304 : vector<1x1x16xf32> to vector<16xf32>
        %swap3A_1306 = vector.shape_cast %add3A_1299 : vector<16xf32> to vector<1x1x16xf32>
        tpu.vector_store %arg7[%swap3A_1301, %swap3A_1302, %swap3A_1303], %swap3A_1306 {strides = array<i32>} : memref<5x128x128xf32, #tpu.memory_space<vmem>>, vector<1x1x16xf32>,
        %get3A_1307 = arith.constant 0 : i32
        %get3A_1308 = arith.index_cast %get3A_1307 : i32 to index
        %get3A_1309 = arith.index_cast %scan3A_1272 : i32 to index
        %get3A_1310 = arith.constant 32 : index
        %get3A_1311 = tpu.vector_load %arg7[%get3A_1308, %get3A_1309, %get3A_1310] {strides = array<i32>} : memref<5x128x128xf32, #tpu.memory_space<vmem>>, vector<1x1x16xf32>,
        %get3A_1312 = vector.shape_cast %get3A_1311 : vector<1x1x16xf32> to vector<16xf32>
        %mul3A_1313 = arith.constant 11.3137083 : f32
        %mul3A_1314 = vector.broadcast %mul3A_1313 : f32 to vector<16xf32>
        %mul3A_1315 = arith.mulf %get3A_1312, %mul3A_1314 : vector<16xf32>
        %add3A_1316 = arith.addf %mul3A_1315, %get3A_306 : vector<16xf32>
        %swap3A_1317 = arith.constant 0 : i32
        %swap3A_1318 = arith.index_cast %swap3A_1317 : i32 to index
        %swap3A_1319 = arith.index_cast %scan3A_1272 : i32 to index
        %swap3A_1320 = arith.constant 32 : index
        %swap3A_1321 = tpu.vector_load %arg7[%swap3A_1318, %swap3A_1319, %swap3A_1320] {strides = array<i32>} : memref<5x128x128xf32, #tpu.memory_space<vmem>>, vector<1x1x16xf32>,
        %swap3A_1322 = vector.shape_cast %swap3A_1321 : vector<1x1x16xf32> to vector<16xf32>
        %swap3A_1323 = vector.shape_cast %add3A_1316 : vector<16xf32> to vector<1x1x16xf32>
        tpu.vector_store %arg7[%swap3A_1318, %swap3A_1319, %swap3A_1320], %swap3A_1323 {strides = array<i32>} : memref<5x128x128xf32, #tpu.memory_space<vmem>>, vector<1x1x16xf32>,
        %get3A_1324 = arith.constant 0 : i32
        %get3A_1325 = arith.index_cast %get3A_1324 : i32 to index
        %get3A_1326 = arith.index_cast %scan3A_1272 : i32 to index
        %get3A_1327 = arith.constant 48 : index
        %get3A_1328 = tpu.vector_load %arg7[%get3A_1325, %get3A_1326, %get3A_1327] {strides = array<i32>} : memref<5x128x128xf32, #tpu.memory_space<vmem>>, vector<1x1x16xf32>,
        %get3A_1329 = vector.shape_cast %get3A_1328 : vector<1x1x16xf32> to vector<16xf32>
        %mul3A_1330 = arith.constant 11.3137083 : f32
        %mul3A_1331 = vector.broadcast %mul3A_1330 : f32 to vector<16xf32>
        %mul3A_1332 = arith.mulf %get3A_1329, %mul3A_1331 : vector<16xf32>
        %add3A_1333 = arith.addf %mul3A_1332, %get3A_310 : vector<16xf32>
        %swap3A_1334 = arith.constant 0 : i32
        %swap3A_1335 = arith.index_cast %swap3A_1334 : i32 to index
        %swap3A_1336 = arith.index_cast %scan3A_1272 : i32 to index
        %swap3A_1337 = arith.constant 48 : index
        %swap3A_1338 = tpu.vector_load %arg7[%swap3A_1335, %swap3A_1336, %swap3A_1337] {strides = array<i32>} : memref<5x128x128xf32, #tpu.memory_space<vmem>>, vector<1x1x16xf32>,
        %swap3A_1339 = vector.shape_cast %swap3A_1338 : vector<1x1x16xf32> to vector<16xf32>
        %swap3A_1340 = vector.shape_cast %add3A_1333 : vector<16xf32> to vector<1x1x16xf32>
        tpu.vector_store %arg7[%swap3A_1335, %swap3A_1336, %swap3A_1337], %swap3A_1340 {strides = array<i32>} : memref<5x128x128xf32, #tpu.memory_space<vmem>>, vector<1x1x16xf32>,
        %get3A_1341 = arith.constant 0 : i32
        %get3A_1342 = arith.index_cast %get3A_1341 : i32 to index
        %get3A_1343 = arith.index_cast %scan3A_1272 : i32 to index
        %get3A_1344 = arith.constant 64 : index
        %get3A_1345 = tpu.vector_load %arg7[%get3A_1342, %get3A_1343, %get3A_1344] {strides = array<i32>} : memref<5x128x128xf32, #tpu.memory_space<vmem>>, vector<1x1x16xf32>,
        %get3A_1346 = vector.shape_cast %get3A_1345 : vector<1x1x16xf32> to vector<16xf32>
        %mul3A_1347 = arith.constant 11.3137083 : f32
        %mul3A_1348 = vector.broadcast %mul3A_1347 : f32 to vector<16xf32>
        %mul3A_1349 = arith.mulf %get3A_1346, %mul3A_1348 : vector<16xf32>
        %add3A_1350 = arith.addf %mul3A_1349, %get3A_314 : vector<16xf32>
        %swap3A_1351 = arith.constant 0 : i32
        %swap3A_1352 = arith.index_cast %swap3A_1351 : i32 to index
        %swap3A_1353 = arith.index_cast %scan3A_1272 : i32 to index
        %swap3A_1354 = arith.constant 64 : index
        %swap3A_1355 = tpu.vector_load %arg7[%swap3A_1352, %swap3A_1353, %swap3A_1354] {strides = array<i32>} : memref<5x128x128xf32, #tpu.memory_space<vmem>>, vector<1x1x16xf32>,
        %swap3A_1356 = vector.shape_cast %swap3A_1355 : vector<1x1x16xf32> to vector<16xf32>
        %swap3A_1357 = vector.shape_cast %add3A_1350 : vector<16xf32> to vector<1x1x16xf32>
        tpu.vector_store %arg7[%swap3A_1352, %swap3A_1353, %swap3A_1354], %swap3A_1357 {strides = array<i32>} : memref<5x128x128xf32, #tpu.memory_space<vmem>>, vector<1x1x16xf32>,
        %get3A_1358 = arith.constant 0 : i32
        %get3A_1359 = arith.index_cast %get3A_1358 : i32 to index
        %get3A_1360 = arith.index_cast %scan3A_1272 : i32 to index
        %get3A_1361 = arith.constant 80 : index
        %get3A_1362 = tpu.vector_load %arg7[%get3A_1359, %get3A_1360, %get3A_1361] {strides = array<i32>} : memref<5x128x128xf32, #tpu.memory_space<vmem>>, vector<1x1x16xf32>,
        %get3A_1363 = vector.shape_cast %get3A_1362 : vector<1x1x16xf32> to vector<16xf32>
        %mul3A_1364 = arith.constant 11.3137083 : f32
        %mul3A_1365 = vector.broadcast %mul3A_1364 : f32 to vector<16xf32>
        %mul3A_1366 = arith.mulf %get3A_1363, %mul3A_1365 : vector<16xf32>
        %add3A_1367 = arith.addf %mul3A_1366, %get3A_318 : vector<16xf32>
        %swap3A_1368 = arith.constant 0 : i32
        %swap3A_1369 = arith.index_cast %swap3A_1368 : i32 to index
        %swap3A_1370 = arith.index_cast %scan3A_1272 : i32 to index
        %swap3A_1371 = arith.constant 80 : index
        %swap3A_1372 = tpu.vector_load %arg7[%swap3A_1369, %swap3A_1370, %swap3A_1371] {strides = array<i32>} : memref<5x128x128xf32, #tpu.memory_space<vmem>>, vector<1x1x16xf32>,
        %swap3A_1373 = vector.shape_cast %swap3A_1372 : vector<1x1x16xf32> to vector<16xf32>
        %swap3A_1374 = vector.shape_cast %add3A_1367 : vector<16xf32> to vector<1x1x16xf32>
        tpu.vector_store %arg7[%swap3A_1369, %swap3A_1370, %swap3A_1371], %swap3A_1374 {strides = array<i32>} : memref<5x128x128xf32, #tpu.memory_space<vmem>>, vector<1x1x16xf32>,
        %get3A_1375 = arith.constant 0 : i32
        %get3A_1376 = arith.index_cast %get3A_1375 : i32 to index
        %get3A_1377 = arith.index_cast %scan3A_1272 : i32 to index
        %get3A_1378 = arith.constant 96 : index
        %get3A_1379 = tpu.vector_load %arg7[%get3A_1376, %get3A_1377, %get3A_1378] {strides = array<i32>} : memref<5x128x128xf32, #tpu.memory_space<vmem>>, vector<1x1x16xf32>,
        %get3A_1380 = vector.shape_cast %get3A_1379 : vector<1x1x16xf32> to vector<16xf32>
        %mul3A_1381 = arith.constant 11.3137083 : f32
        %mul3A_1382 = vector.broadcast %mul3A_1381 : f32 to vector<16xf32>
        %mul3A_1383 = arith.mulf %get3A_1380, %mul3A_1382 : vector<16xf32>
        %add3A_1384 = arith.addf %mul3A_1383, %get3A_322 : vector<16xf32>
        %swap3A_1385 = arith.constant 0 : i32
        %swap3A_1386 = arith.index_cast %swap3A_1385 : i32 to index
        %swap3A_1387 = arith.index_cast %scan3A_1272 : i32 to index
        %swap3A_1388 = arith.constant 96 : index
        %swap3A_1389 = tpu.vector_load %arg7[%swap3A_1386, %swap3A_1387, %swap3A_1388] {strides = array<i32>} : memref<5x128x128xf32, #tpu.memory_space<vmem>>, vector<1x1x16xf32>,
        %swap3A_1390 = vector.shape_cast %swap3A_1389 : vector<1x1x16xf32> to vector<16xf32>
        %swap3A_1391 = vector.shape_cast %add3A_1384 : vector<16xf32> to vector<1x1x16xf32>
        tpu.vector_store %arg7[%swap3A_1386, %swap3A_1387, %swap3A_1388], %swap3A_1391 {strides = array<i32>} : memref<5x128x128xf32, #tpu.memory_space<vmem>>, vector<1x1x16xf32>,
        %get3A_1392 = arith.constant 0 : i32
        %get3A_1393 = arith.index_cast %get3A_1392 : i32 to index
        %get3A_1394 = arith.index_cast %scan3A_1272 : i32 to index
        %get3A_1395 = arith.constant 112 : index
        %get3A_1396 = tpu.vector_load %arg7[%get3A_1393, %get3A_1394, %get3A_1395] {strides = array<i32>} : memref<5x128x128xf32, #tpu.memory_space<vmem>>, vector<1x1x16xf32>,
        %get3A_1397 = vector.shape_cast %get3A_1396 : vector<1x1x16xf32> to vector<16xf32>
        %mul3A_1398 = arith.constant 11.3137083 : f32
        %mul3A_1399 = vector.broadcast %mul3A_1398 : f32 to vector<16xf32>
        %mul3A_1400 = arith.mulf %get3A_1397, %mul3A_1399 : vector<16xf32>
        %add3A_1401 = arith.addf %mul3A_1400, %get3A_326 : vector<16xf32>
        %swap3A_1402 = arith.constant 0 : i32
        %swap3A_1403 = arith.index_cast %swap3A_1402 : i32 to index
        %swap3A_1404 = arith.index_cast %scan3A_1272 : i32 to index
        %swap3A_1405 = arith.constant 112 : index
        %swap3A_1406 = tpu.vector_load %arg7[%swap3A_1403, %swap3A_1404, %swap3A_1405] {strides = array<i32>} : memref<5x128x128xf32, #tpu.memory_space<vmem>>, vector<1x1x16xf32>,
        %swap3A_1407 = vector.shape_cast %swap3A_1406 : vector<1x1x16xf32> to vector<16xf32>
        %swap3A_1408 = vector.shape_cast %add3A_1401 : vector<16xf32> to vector<1x1x16xf32>
        tpu.vector_store %arg7[%swap3A_1403, %swap3A_1404, %swap3A_1405], %swap3A_1408 {strides = array<i32>} : memref<5x128x128xf32, #tpu.memory_space<vmem>>, vector<1x1x16xf32>,
      }
      %scan3A_379 = arith.constant 64 : i32
      %dma_start3A_380 = arith.constant 0 : i32
      %dma_start3A_381 = arith.constant 0 : i32
      %dma_start3A_382 = arith.constant 0 : i32
      %dma_start3A_383 = arith.constant 0 : i32
      %dma_start3A_384 = arith.constant 0 : i32
      %dma_start3A_385 = tpu.memref_slice %arg7[%dma_start3A_380, %dma_start3A_383, %dma_start3A_384] : memref<5x128x128xf32, #tpu.memory_space<vmem>> -> memref<1x64x128xf32, #tpu.memory_space<vmem>>
      %dma_start3A_386 = tpu.memref_squeeze %dma_start3A_385 : memref<1x64x128xf32, #tpu.memory_space<vmem>> -> memref<64x128xf32, #tpu.memory_space<vmem>>
      %dma_start3A_387 = arith.constant 0 : i32
      %dma_start3A_388 = tpu.memref_slice %arg9[%dma_start3A_381, %dma_start3A_382, %dma_start3A_387] : memref<5x2x64xi32, #tpu.memory_space<vmem>> -> memref<1x1x64xi32, #tpu.memory_space<vmem>>
      %dma_start3A_389 = tpu.memref_squeeze %dma_start3A_388 : memref<1x1x64xi32, #tpu.memory_space<vmem>> -> memref<64xi32, #tpu.memory_space<vmem>>
      %dma_start3A_390 = arith.constant 0 : i32
      %dma_start3A_391 = arith.constant 0 : i32
      %dma_start3A_392 = tpu.memref_slice %arg5[%dma_start3A_390, %dma_start3A_391] : memref<204800x128xf32, #tpu.memory_space<hbm>> -> memref<204800x128xf32, #tpu.memory_space<hbm>>
      tpu.enqueue_indirect_dma source(%dma_start3A_386 : memref<64x128xf32, #tpu.memory_space<vmem>>) target(%dma_start3A_392 : memref<204800x128xf32, #tpu.memory_space<hbm>>) offsets(%dma_start3A_389 : memref<64xi32, #tpu.memory_space<vmem>>) semaphore(%arg15 : memref<!tpu.dma_semaphore, #tpu.memory_space<semaphore_mem>>)
      %add3A_393 = arith.constant 12800 : i32
      %add3A_394 = arith.addi %add3A_295, %add3A_393 : i32
      %add3A_395 = vector.broadcast %add3A_394 : i32 to vector<16xi32>
      %add3A_396 = arith.addi %mul3A_32, %add3A_395 : vector<16xi32>
      %swap3A_397 = arith.constant 0 : i32
      %swap3A_398 = arith.constant 1 : i32
      %swap3A_399 = arith.index_cast %swap3A_397 : i32 to index
      %swap3A_400 = arith.index_cast %swap3A_398 : i32 to index
      %swap3A_401 = arith.constant 0 : index
      %swap3A_402 = tpu.vector_load %arg9[%swap3A_399, %swap3A_400, %swap3A_401] {strides = array<i32>} : memref<5x2x64xi32, #tpu.memory_space<vmem>>, vector<1x1x16xi32>,
      %swap3A_403 = vector.shape_cast %swap3A_402 : vector<1x1x16xi32> to vector<16xi32>
      %swap3A_404 = vector.shape_cast %add3A_396 : vector<16xi32> to vector<1x1x16xi32>
      tpu.vector_store %arg9[%swap3A_399, %swap3A_400, %swap3A_401], %swap3A_404 {strides = array<i32>} : memref<5x2x64xi32, #tpu.memory_space<vmem>>, vector<1x1x16xi32>,
      %add3A_405 = arith.constant 16000 : i32
      %add3A_406 = arith.addi %add3A_295, %add3A_405 : i32
      %add3A_407 = vector.broadcast %add3A_406 : i32 to vector<16xi32>
      %add3A_408 = arith.addi %mul3A_32, %add3A_407 : vector<16xi32>
      %swap3A_409 = arith.constant 0 : i32
      %swap3A_410 = arith.constant 1 : i32
      %swap3A_411 = arith.index_cast %swap3A_409 : i32 to index
      %swap3A_412 = arith.index_cast %swap3A_410 : i32 to index
      %swap3A_413 = arith.constant 16 : index
      %swap3A_414 = tpu.vector_load %arg9[%swap3A_411, %swap3A_412, %swap3A_413] {strides = array<i32>} : memref<5x2x64xi32, #tpu.memory_space<vmem>>, vector<1x1x16xi32>,
      %swap3A_415 = vector.shape_cast %swap3A_414 : vector<1x1x16xi32> to vector<16xi32>
      %swap3A_416 = vector.shape_cast %add3A_408 : vector<16xi32> to vector<1x1x16xi32>
      tpu.vector_store %arg9[%swap3A_411, %swap3A_412, %swap3A_413], %swap3A_416 {strides = array<i32>} : memref<5x2x64xi32, #tpu.memory_space<vmem>>, vector<1x1x16xi32>,
      %add3A_417 = arith.constant 19200 : i32
      %add3A_418 = arith.addi %add3A_295, %add3A_417 : i32
      %add3A_419 = vector.broadcast %add3A_418 : i32 to vector<16xi32>
      %add3A_420 = arith.addi %mul3A_32, %add3A_419 : vector<16xi32>
      %swap3A_421 = arith.constant 0 : i32
      %swap3A_422 = arith.constant 1 : i32
      %swap3A_423 = arith.index_cast %swap3A_421 : i32 to index
      %swap3A_424 = arith.index_cast %swap3A_422 : i32 to index
      %swap3A_425 = arith.constant 32 : index
      %swap3A_426 = tpu.vector_load %arg9[%swap3A_423, %swap3A_424, %swap3A_425] {strides = array<i32>} : memref<5x2x64xi32, #tpu.memory_space<vmem>>, vector<1x1x16xi32>,
      %swap3A_427 = vector.shape_cast %swap3A_426 : vector<1x1x16xi32> to vector<16xi32>
      %swap3A_428 = vector.shape_cast %add3A_420 : vector<16xi32> to vector<1x1x16xi32>
      tpu.vector_store %arg9[%swap3A_423, %swap3A_424, %swap3A_425], %swap3A_428 {strides = array<i32>} : memref<5x2x64xi32, #tpu.memory_space<vmem>>, vector<1x1x16xi32>,
      %add3A_429 = arith.constant 22400 : i32
      %add3A_430 = arith.addi %add3A_295, %add3A_429 : i32
      %add3A_431 = vector.broadcast %add3A_430 : i32 to vector<16xi32>
      %add3A_432 = arith.addi %mul3A_32, %add3A_431 : vector<16xi32>
      %swap3A_433 = arith.constant 0 : i32
      %swap3A_434 = arith.constant 1 : i32
      %swap3A_435 = arith.index_cast %swap3A_433 : i32 to index
      %swap3A_436 = arith.index_cast %swap3A_434 : i32 to index
      %swap3A_437 = arith.constant 48 : index
      %swap3A_438 = tpu.vector_load %arg9[%swap3A_435, %swap3A_436, %swap3A_437] {strides = array<i32>} : memref<5x2x64xi32, #tpu.memory_space<vmem>>, vector<1x1x16xi32>,
      %swap3A_439 = vector.shape_cast %swap3A_438 : vector<1x1x16xi32> to vector<16xi32>
      %swap3A_440 = vector.shape_cast %add3A_432 : vector<16xi32> to vector<1x1x16xi32>
      tpu.vector_store %arg9[%swap3A_435, %swap3A_436, %swap3A_437], %swap3A_440 {strides = array<i32>} : memref<5x2x64xi32, #tpu.memory_space<vmem>>, vector<1x1x16xi32>,
      %scan3A_441 = arith.constant 0 : i32
      %scan3A_442 = arith.constant 64 : i32
      %scan3A_443 = arith.constant 64 : i32
      %scan3A_444 = arith.addi %scan3A_442, %scan3A_443 : i32
      %scan3A_445 = arith.constant 1 : i32
      scf.for %scan3A_1272 = %scan3A_442 to %scan3A_444 step %scan3A_445  : i32 {
        %get3A_1273 = arith.constant 0 : i32
        %get3A_1274 = arith.index_cast %get3A_1273 : i32 to index
        %get3A_1275 = arith.index_cast %scan3A_1272 : i32 to index
        %get3A_1276 = arith.constant 0 : index
        %get3A_1277 = tpu.vector_load %arg7[%get3A_1274, %get3A_1275, %get3A_1276] {strides = array<i32>} : memref<5x128x128xf32, #tpu.memory_space<vmem>>, vector<1x1x16xf32>,
        %get3A_1278 = vector.shape_cast %get3A_1277 : vector<1x1x16xf32> to vector<16xf32>
        %mul3A_1279 = arith.constant 11.3137083 : f32
        %mul3A_1280 = vector.broadcast %mul3A_1279 : f32 to vector<16xf32>
        %mul3A_1281 = arith.mulf %get3A_1278, %mul3A_1280 : vector<16xf32>
        %add3A_1282 = arith.addf %mul3A_1281, %get3A_298 : vector<16xf32>
        %swap3A_1283 = arith.constant 0 : i32
        %swap3A_1284 = arith.index_cast %swap3A_1283 : i32 to index
        %swap3A_1285 = arith.index_cast %scan3A_1272 : i32 to index
        %swap3A_1286 = arith.constant 0 : index
        %swap3A_1287 = tpu.vector_load %arg7[%swap3A_1284, %swap3A_1285, %swap3A_1286] {strides = array<i32>} : memref<5x128x128xf32, #tpu.memory_space<vmem>>, vector<1x1x16xf32>,
        %swap3A_1288 = vector.shape_cast %swap3A_1287 : vector<1x1x16xf32> to vector<16xf32>
        %swap3A_1289 = vector.shape_cast %add3A_1282 : vector<16xf32> to vector<1x1x16xf32>
        tpu.vector_store %arg7[%swap3A_1284, %swap3A_1285, %swap3A_1286], %swap3A_1289 {strides = array<i32>} : memref<5x128x128xf32, #tpu.memory_space<vmem>>, vector<1x1x16xf32>,
        %get3A_1290 = arith.constant 0 : i32
        %get3A_1291 = arith.index_cast %get3A_1290 : i32 to index
        %get3A_1292 = arith.index_cast %scan3A_1272 : i32 to index
        %get3A_1293 = arith.constant 16 : index
        %get3A_1294 = tpu.vector_load %arg7[%get3A_1291, %get3A_1292, %get3A_1293] {strides = array<i32>} : memref<5x128x128xf32, #tpu.memory_space<vmem>>, vector<1x1x16xf32>,
        %get3A_1295 = vector.shape_cast %get3A_1294 : vector<1x1x16xf32> to vector<16xf32>
        %mul3A_1296 = arith.constant 11.3137083 : f32
        %mul3A_1297 = vector.broadcast %mul3A_1296 : f32 to vector<16xf32>
        %mul3A_1298 = arith.mulf %get3A_1295, %mul3A_1297 : vector<16xf32>
        %add3A_1299 = arith.addf %mul3A_1298, %get3A_302 : vector<16xf32>
        %swap3A_1300 = arith.constant 0 : i32
        %swap3A_1301 = arith.index_cast %swap3A_1300 : i32 to index
        %swap3A_1302 = arith.index_cast %scan3A_1272 : i32 to index
        %swap3A_1303 = arith.constant 16 : index
        %swap3A_1304 = tpu.vector_load %arg7[%swap3A_1301, %swap3A_1302, %swap3A_1303] {strides = array<i32>} : memref<5x128x128xf32, #tpu.memory_space<vmem>>, vector<1x1x16xf32>,
        %swap3A_1305 = vector.shape_cast %swap3A_1304 : vector<1x1x16xf32> to vector<16xf32>
        %swap3A_1306 = vector.shape_cast %add3A_1299 : vector<16xf32> to vector<1x1x16xf32>
        tpu.vector_store %arg7[%swap3A_1301, %swap3A_1302, %swap3A_1303], %swap3A_1306 {strides = array<i32>} : memref<5x128x128xf32, #tpu.memory_space<vmem>>, vector<1x1x16xf32>,
        %get3A_1307 = arith.constant 0 : i32
        %get3A_1308 = arith.index_cast %get3A_1307 : i32 to index
        %get3A_1309 = arith.index_cast %scan3A_1272 : i32 to index
        %get3A_1310 = arith.constant 32 : index
        %get3A_1311 = tpu.vector_load %arg7[%get3A_1308, %get3A_1309, %get3A_1310] {strides = array<i32>} : memref<5x128x128xf32, #tpu.memory_space<vmem>>, vector<1x1x16xf32>,
        %get3A_1312 = vector.shape_cast %get3A_1311 : vector<1x1x16xf32> to vector<16xf32>
        %mul3A_1313 = arith.constant 11.3137083 : f32
        %mul3A_1314 = vector.broadcast %mul3A_1313 : f32 to vector<16xf32>
        %mul3A_1315 = arith.mulf %get3A_1312, %mul3A_1314 : vector<16xf32>
        %add3A_1316 = arith.addf %mul3A_1315, %get3A_306 : vector<16xf32>
        %swap3A_1317 = arith.constant 0 : i32
        %swap3A_1318 = arith.index_cast %swap3A_1317 : i32 to index
        %swap3A_1319 = arith.index_cast %scan3A_1272 : i32 to index
        %swap3A_1320 = arith.constant 32 : index
        %swap3A_1321 = tpu.vector_load %arg7[%swap3A_1318, %swap3A_1319, %swap3A_1320] {strides = array<i32>} : memref<5x128x128xf32, #tpu.memory_space<vmem>>, vector<1x1x16xf32>,
        %swap3A_1322 = vector.shape_cast %swap3A_1321 : vector<1x1x16xf32> to vector<16xf32>
        %swap3A_1323 = vector.shape_cast %add3A_1316 : vector<16xf32> to vector<1x1x16xf32>
        tpu.vector_store %arg7[%swap3A_1318, %swap3A_1319, %swap3A_1320], %swap3A_1323 {strides = array<i32>} : memref<5x128x128xf32, #tpu.memory_space<vmem>>, vector<1x1x16xf32>,
        %get3A_1324 = arith.constant 0 : i32
        %get3A_1325 = arith.index_cast %get3A_1324 : i32 to index
        %get3A_1326 = arith.index_cast %scan3A_1272 : i32 to index
        %get3A_1327 = arith.constant 48 : index
        %get3A_1328 = tpu.vector_load %arg7[%get3A_1325, %get3A_1326, %get3A_1327] {strides = array<i32>} : memref<5x128x128xf32, #tpu.memory_space<vmem>>, vector<1x1x16xf32>,
        %get3A_1329 = vector.shape_cast %get3A_1328 : vector<1x1x16xf32> to vector<16xf32>
        %mul3A_1330 = arith.constant 11.3137083 : f32
        %mul3A_1331 = vector.broadcast %mul3A_1330 : f32 to vector<16xf32>
        %mul3A_1332 = arith.mulf %get3A_1329, %mul3A_1331 : vector<16xf32>
        %add3A_1333 = arith.addf %mul3A_1332, %get3A_310 : vector<16xf32>
        %swap3A_1334 = arith.constant 0 : i32
        %swap3A_1335 = arith.index_cast %swap3A_1334 : i32 to index
        %swap3A_1336 = arith.index_cast %scan3A_1272 : i32 to index
        %swap3A_1337 = arith.constant 48 : index
        %swap3A_1338 = tpu.vector_load %arg7[%swap3A_1335, %swap3A_1336, %swap3A_1337] {strides = array<i32>} : memref<5x128x128xf32, #tpu.memory_space<vmem>>, vector<1x1x16xf32>,
        %swap3A_1339 = vector.shape_cast %swap3A_1338 : vector<1x1x16xf32> to vector<16xf32>
        %swap3A_1340 = vector.shape_cast %add3A_1333 : vector<16xf32> to vector<1x1x16xf32>
        tpu.vector_store %arg7[%swap3A_1335, %swap3A_1336, %swap3A_1337], %swap3A_1340 {strides = array<i32>} : memref<5x128x128xf32, #tpu.memory_space<vmem>>, vector<1x1x16xf32>,
        %get3A_1341 = arith.constant 0 : i32
        %get3A_1342 = arith.index_cast %get3A_1341 : i32 to index
        %get3A_1343 = arith.index_cast %scan3A_1272 : i32 to index
        %get3A_1344 = arith.constant 64 : index
        %get3A_1345 = tpu.vector_load %arg7[%get3A_1342, %get3A_1343, %get3A_1344] {strides = array<i32>} : memref<5x128x128xf32, #tpu.memory_space<vmem>>, vector<1x1x16xf32>,
        %get3A_1346 = vector.shape_cast %get3A_1345 : vector<1x1x16xf32> to vector<16xf32>
        %mul3A_1347 = arith.constant 11.3137083 : f32
        %mul3A_1348 = vector.broadcast %mul3A_1347 : f32 to vector<16xf32>
        %mul3A_1349 = arith.mulf %get3A_1346, %mul3A_1348 : vector<16xf32>
        %add3A_1350 = arith.addf %mul3A_1349, %get3A_314 : vector<16xf32>
        %swap3A_1351 = arith.constant 0 : i32
        %swap3A_1352 = arith.index_cast %swap3A_1351 : i32 to index
        %swap3A_1353 = arith.index_cast %scan3A_1272 : i32 to index
        %swap3A_1354 = arith.constant 64 : index
        %swap3A_1355 = tpu.vector_load %arg7[%swap3A_1352, %swap3A_1353, %swap3A_1354] {strides = array<i32>} : memref<5x128x128xf32, #tpu.memory_space<vmem>>, vector<1x1x16xf32>,
        %swap3A_1356 = vector.shape_cast %swap3A_1355 : vector<1x1x16xf32> to vector<16xf32>
        %swap3A_1357 = vector.shape_cast %add3A_1350 : vector<16xf32> to vector<1x1x16xf32>
        tpu.vector_store %arg7[%swap3A_1352, %swap3A_1353, %swap3A_1354], %swap3A_1357 {strides = array<i32>} : memref<5x128x128xf32, #tpu.memory_space<vmem>>, vector<1x1x16xf32>,
        %get3A_1358 = arith.constant 0 : i32
        %get3A_1359 = arith.index_cast %get3A_1358 : i32 to index
        %get3A_1360 = arith.index_cast %scan3A_1272 : i32 to index
        %get3A_1361 = arith.constant 80 : index
        %get3A_1362 = tpu.vector_load %arg7[%get3A_1359, %get3A_1360, %get3A_1361] {strides = array<i32>} : memref<5x128x128xf32, #tpu.memory_space<vmem>>, vector<1x1x16xf32>,
        %get3A_1363 = vector.shape_cast %get3A_1362 : vector<1x1x16xf32> to vector<16xf32>
        %mul3A_1364 = arith.constant 11.3137083 : f32
        %mul3A_1365 = vector.broadcast %mul3A_1364 : f32 to vector<16xf32>
        %mul3A_1366 = arith.mulf %get3A_1363, %mul3A_1365 : vector<16xf32>
        %add3A_1367 = arith.addf %mul3A_1366, %get3A_318 : vector<16xf32>
        %swap3A_1368 = arith.constant 0 : i32
        %swap3A_1369 = arith.index_cast %swap3A_1368 : i32 to index
        %swap3A_1370 = arith.index_cast %scan3A_1272 : i32 to index
        %swap3A_1371 = arith.constant 80 : index
        %swap3A_1372 = tpu.vector_load %arg7[%swap3A_1369, %swap3A_1370, %swap3A_1371] {strides = array<i32>} : memref<5x128x128xf32, #tpu.memory_space<vmem>>, vector<1x1x16xf32>,
        %swap3A_1373 = vector.shape_cast %swap3A_1372 : vector<1x1x16xf32> to vector<16xf32>
        %swap3A_1374 = vector.shape_cast %add3A_1367 : vector<16xf32> to vector<1x1x16xf32>
        tpu.vector_store %arg7[%swap3A_1369, %swap3A_1370, %swap3A_1371], %swap3A_1374 {strides = array<i32>} : memref<5x128x128xf32, #tpu.memory_space<vmem>>, vector<1x1x16xf32>,
        %get3A_1375 = arith.constant 0 : i32
        %get3A_1376 = arith.index_cast %get3A_1375 : i32 to index
        %get3A_1377 = arith.index_cast %scan3A_1272 : i32 to index
        %get3A_1378 = arith.constant 96 : index
        %get3A_1379 = tpu.vector_load %arg7[%get3A_1376, %get3A_1377, %get3A_1378] {strides = array<i32>} : memref<5x128x128xf32, #tpu.memory_space<vmem>>, vector<1x1x16xf32>,
        %get3A_1380 = vector.shape_cast %get3A_1379 : vector<1x1x16xf32> to vector<16xf32>
        %mul3A_1381 = arith.constant 11.3137083 : f32
        %mul3A_1382 = vector.broadcast %mul3A_1381 : f32 to vector<16xf32>
        %mul3A_1383 = arith.mulf %get3A_1380, %mul3A_1382 : vector<16xf32>
        %add3A_1384 = arith.addf %mul3A_1383, %get3A_322 : vector<16xf32>
        %swap3A_1385 = arith.constant 0 : i32
        %swap3A_1386 = arith.index_cast %swap3A_1385 : i32 to index
        %swap3A_1387 = arith.index_cast %scan3A_1272 : i32 to index
        %swap3A_1388 = arith.constant 96 : index
        %swap3A_1389 = tpu.vector_load %arg7[%swap3A_1386, %swap3A_1387, %swap3A_1388] {strides = array<i32>} : memref<5x128x128xf32, #tpu.memory_space<vmem>>, vector<1x1x16xf32>,
        %swap3A_1390 = vector.shape_cast %swap3A_1389 : vector<1x1x16xf32> to vector<16xf32>
        %swap3A_1391 = vector.shape_cast %add3A_1384 : vector<16xf32> to vector<1x1x16xf32>
        tpu.vector_store %arg7[%swap3A_1386, %swap3A_1387, %swap3A_1388], %swap3A_1391 {strides = array<i32>} : memref<5x128x128xf32, #tpu.memory_space<vmem>>, vector<1x1x16xf32>,
        %get3A_1392 = arith.constant 0 : i32
        %get3A_1393 = arith.index_cast %get3A_1392 : i32 to index
        %get3A_1394 = arith.index_cast %scan3A_1272 : i32 to index
        %get3A_1395 = arith.constant 112 : index
        %get3A_1396 = tpu.vector_load %arg7[%get3A_1393, %get3A_1394, %get3A_1395] {strides = array<i32>} : memref<5x128x128xf32, #tpu.memory_space<vmem>>, vector<1x1x16xf32>,
        %get3A_1397 = vector.shape_cast %get3A_1396 : vector<1x1x16xf32> to vector<16xf32>
        %mul3A_1398 = arith.constant 11.3137083 : f32
        %mul3A_1399 = vector.broadcast %mul3A_1398 : f32 to vector<16xf32>
        %mul3A_1400 = arith.mulf %get3A_1397, %mul3A_1399 : vector<16xf32>
        %add3A_1401 = arith.addf %mul3A_1400, %get3A_326 : vector<16xf32>
        %swap3A_1402 = arith.constant 0 : i32
        %swap3A_1403 = arith.index_cast %swap3A_1402 : i32 to index
        %swap3A_1404 = arith.index_cast %scan3A_1272 : i32 to index
        %swap3A_1405 = arith.constant 112 : index
        %swap3A_1406 = tpu.vector_load %arg7[%swap3A_1403, %swap3A_1404, %swap3A_1405] {strides = array<i32>} : memref<5x128x128xf32, #tpu.memory_space<vmem>>, vector<1x1x16xf32>,
        %swap3A_1407 = vector.shape_cast %swap3A_1406 : vector<1x1x16xf32> to vector<16xf32>
        %swap3A_1408 = vector.shape_cast %add3A_1401 : vector<16xf32> to vector<1x1x16xf32>
        tpu.vector_store %arg7[%swap3A_1403, %swap3A_1404, %swap3A_1405], %swap3A_1408 {strides = array<i32>} : memref<5x128x128xf32, #tpu.memory_space<vmem>>, vector<1x1x16xf32>,
      }
      %scan3A_446 = arith.constant 64 : i32
      %dma_start3A_447 = arith.constant 0 : i32
      %dma_start3A_448 = arith.constant 0 : i32
      %dma_start3A_449 = arith.constant 1 : i32
      %dma_start3A_450 = arith.constant 64 : i32
      %dma_start3A_451 = arith.constant 0 : i32
      %dma_start3A_452 = tpu.memref_slice %arg7[%dma_start3A_447, %dma_start3A_450, %dma_start3A_451] : memref<5x128x128xf32, #tpu.memory_space<vmem>> -> memref<1x64x128xf32, #tpu.memory_space<vmem>>
      %dma_start3A_453 = tpu.memref_squeeze %dma_start3A_452 : memref<1x64x128xf32, #tpu.memory_space<vmem>> -> memref<64x128xf32, #tpu.memory_space<vmem>>
      %dma_start3A_454 = arith.constant 0 : i32
      %dma_start3A_455 = tpu.memref_slice %arg9[%dma_start3A_448, %dma_start3A_449, %dma_start3A_454] : memref<5x2x64xi32, #tpu.memory_space<vmem>> -> memref<1x1x64xi32, #tpu.memory_space<vmem>>
      %dma_start3A_456 = tpu.memref_squeeze %dma_start3A_455 : memref<1x1x64xi32, #tpu.memory_space<vmem>> -> memref<64xi32, #tpu.memory_space<vmem>>
      %dma_start3A_457 = arith.constant 0 : i32
      %dma_start3A_458 = arith.constant 0 : i32
      %dma_start3A_459 = tpu.memref_slice %arg5[%dma_start3A_457, %dma_start3A_458] : memref<204800x128xf32, #tpu.memory_space<hbm>> -> memref<204800x128xf32, #tpu.memory_space<hbm>>
      tpu.enqueue_indirect_dma source(%dma_start3A_453 : memref<64x128xf32, #tpu.memory_space<vmem>>) target(%dma_start3A_459 : memref<204800x128xf32, #tpu.memory_space<hbm>>) offsets(%dma_start3A_456 : memref<64xi32, #tpu.memory_space<vmem>>) semaphore(%arg15 : memref<!tpu.dma_semaphore, #tpu.memory_space<semaphore_mem>>)
      %mul3A_460 = arith.constant 5 : i32
      %mul3A_461 = arith.muli %scan3A_261, %mul3A_460 : i32
      %add3A_462 = arith.constant 1 : i32
      %add3A_463 = arith.addi %mul3A_461, %add3A_462 : i32
      %add3A_464 = arith.constant 3 : i32
      %add3A_465 = arith.addi %add3A_463, %add3A_464 : i32
      %lt3A_466 = arith.constant 50 : i32
      %lt3A_467 = arith.cmpi slt, %add3A_465, %lt3A_466 : i32
      %convert_element_type3A_468 = arith.extui %lt3A_467 : i1 to i32
      %cond3A_469 = arith.constant 0 : i32
      %cond3A_470 = arith.cmpi ne, %convert_element_type3A_468, %cond3A_469 : i32
      scf.if %cond3A_470 {
        %dma_wait3A_1272 = arith.constant 0 : i32
        %dma_wait3A_1273 = arith.constant 0 : i32
        %dma_wait3A_1274 = arith.constant 0 : i32
        %dma_wait3A_1275 = arith.constant 0 : i32
        %dma_wait3A_1276 = tpu.memref_slice %arg6[%dma_wait3A_1274, %dma_wait3A_1275] : memref<5x128xi32, #tpu.memory_space<vmem>> -> memref<1x128xi32, #tpu.memory_space<vmem>>
        %dma_wait3A_1277 = tpu.memref_squeeze %dma_wait3A_1276 : memref<1x128xi32, #tpu.memory_space<vmem>> -> memref<128xi32, #tpu.memory_space<vmem>>
        %dma_wait3A_1278 = arith.constant 0 : i32
        %dma_wait3A_1279 = tpu.memref_slice %arg2[%dma_wait3A_1272, %dma_wait3A_1273, %dma_wait3A_1278] : memref<200x8x128xi32, #tpu.memory_space<hbm>> -> memref<1x1x128xi32, #tpu.memory_space<hbm>>
        %dma_wait3A_1280 = tpu.memref_squeeze %dma_wait3A_1279 : memref<1x1x128xi32, #tpu.memory_space<hbm>> -> memref<128xi32, #tpu.memory_space<hbm>>
        %dma_wait3A_1281 = arith.constant 0 : i32
        %dma_wait3A_1282 = tpu.memref_slice %arg6[%dma_wait3A_1274, %dma_wait3A_1281] : memref<5x128xi32, #tpu.memory_space<vmem>> -> memref<1x128xi32, #tpu.memory_space<vmem>>
        %dma_wait3A_1283 = tpu.memref_squeeze %dma_wait3A_1282 : memref<1x128xi32, #tpu.memory_space<vmem>> -> memref<128xi32, #tpu.memory_space<vmem>>
        %dma_wait3A_1284 = arith.constant 0 : i32
        %dma_wait3A_1285 = tpu.memref_slice %arg2[%dma_wait3A_1272, %dma_wait3A_1273, %dma_wait3A_1284] : memref<200x8x128xi32, #tpu.memory_space<hbm>> -> memref<1x1x128xi32, #tpu.memory_space<hbm>>
        %dma_wait3A_1286 = tpu.memref_squeeze %dma_wait3A_1285 : memref<1x1x128xi32, #tpu.memory_space<hbm>> -> memref<128xi32, #tpu.memory_space<hbm>>
        tpu.wait_dma2 semaphore(%arg20 : memref<!tpu.dma_semaphore, #tpu.memory_space<semaphore_mem>>) src(%dma_wait3A_1286 : memref<128xi32, #tpu.memory_space<hbm>>) dst(%dma_wait3A_1283 : memref<128xi32, #tpu.memory_space<vmem>>)
        %add3A_1287 = arith.constant 3 : i32
        %add3A_1288 = arith.addi %add3A_463, %add3A_1287 : i32
        %ge3A = arith.constant 5 : i32
        %ge3A_1289 = arith.cmpi sge, %add3A_1288, %ge3A : i32
        %convert_element_type3A_1290 = arith.extui %ge3A_1289 : i1 to i32
        %cond3A_1291 = arith.constant 0 : i32
        %cond3A_1292 = arith.cmpi ne, %convert_element_type3A_1290, %cond3A_1291 : i32
        scf.if %cond3A_1292 {
          %dma_wait3A_1305 = arith.constant 0 : i32
          %dma_wait3A_1306 = arith.constant 0 : i32
          %dma_wait3A_1307 = arith.constant 0 : i32
          %dma_wait3A_1308 = tpu.memref_slice %arg7[%dma_wait3A_1305, %dma_wait3A_1306, %dma_wait3A_1307] : memref<5x128x128xf32, #tpu.memory_space<vmem>> -> memref<1x128x128xf32, #tpu.memory_space<vmem>>
          %dma_wait3A_1309 = tpu.memref_squeeze %dma_wait3A_1308 : memref<1x128x128xf32, #tpu.memory_space<vmem>> -> memref<128x128xf32, #tpu.memory_space<vmem>>
          %dma_wait3A_1310 = arith.constant 0 : i32
          %dma_wait3A_1311 = arith.constant 0 : i32
          %dma_wait3A_1312 = tpu.memref_slice %arg5[%dma_wait3A_1310, %dma_wait3A_1311] : memref<204800x128xf32, #tpu.memory_space<hbm>> -> memref<128x128xf32, #tpu.memory_space<hbm>>
          %dma_wait3A_1313 = arith.constant 0 : i32
          %dma_wait3A_1314 = arith.constant 0 : i32
          %dma_wait3A_1315 = tpu.memref_slice %arg5[%dma_wait3A_1313, %dma_wait3A_1314] : memref<204800x128xf32, #tpu.memory_space<hbm>> -> memref<128x128xf32, #tpu.memory_space<hbm>>
          %dma_wait3A_1316 = arith.constant 0 : i32
          %dma_wait3A_1317 = arith.constant 0 : i32
          %dma_wait3A_1318 = tpu.memref_slice %arg7[%dma_wait3A_1305, %dma_wait3A_1316, %dma_wait3A_1317] : memref<5x128x128xf32, #tpu.memory_space<vmem>> -> memref<1x128x128xf32, #tpu.memory_space<vmem>>
          %dma_wait3A_1319 = tpu.memref_squeeze %dma_wait3A_1318 : memref<1x128x128xf32, #tpu.memory_space<vmem>> -> memref<128x128xf32, #tpu.memory_space<vmem>>
          tpu.wait_dma2 semaphore(%arg19 : memref<!tpu.dma_semaphore, #tpu.memory_space<semaphore_mem>>) src(%dma_wait3A_1319 : memref<128x128xf32, #tpu.memory_space<vmem>>) dst(%dma_wait3A_1315 : memref<128x128xf32, #tpu.memory_space<hbm>>)
        } else {
        }
        %dma_start3A_1293 = arith.constant 4 : i32
        %dma_start3A_1294 = arith.constant 4 : i32
        %dma_start3A_1295 = arith.constant 0 : i32
        %dma_start3A_1296 = arith.constant 0 : i32
        %dma_start3A_1297 = tpu.memref_slice %arg7[%dma_start3A_1294, %dma_start3A_1295, %dma_start3A_1296] : memref<5x128x128xf32, #tpu.memory_space<vmem>> -> memref<1x128x128xf32, #tpu.memory_space<vmem>>
        %dma_start3A_1298 = tpu.memref_squeeze %dma_start3A_1297 : memref<1x128x128xf32, #tpu.memory_space<vmem>> -> memref<128x128xf32, #tpu.memory_space<vmem>>
        %dma_start3A_1299 = arith.constant 0 : i32
        %dma_start3A_1300 = tpu.memref_slice %arg6[%dma_start3A_1293, %dma_start3A_1299] : memref<5x128xi32, #tpu.memory_space<vmem>> -> memref<1x128xi32, #tpu.memory_space<vmem>>
        %dma_start3A_1301 = tpu.memref_squeeze %dma_start3A_1300 : memref<1x128xi32, #tpu.memory_space<vmem>> -> memref<128xi32, #tpu.memory_space<vmem>>
        %dma_start3A_1302 = arith.constant 0 : i32
        %dma_start3A_1303 = arith.constant 0 : i32
        %dma_start3A_1304 = tpu.memref_slice %arg3[%dma_start3A_1302, %dma_start3A_1303] : memref<100000x128xf32, #tpu.memory_space<hbm>> -> memref<100000x128xf32, #tpu.memory_space<hbm>>
        tpu.enqueue_indirect_dma source(%dma_start3A_1304 : memref<100000x128xf32, #tpu.memory_space<hbm>>) target(%dma_start3A_1298 : memref<128x128xf32, #tpu.memory_space<vmem>>) offsets(%dma_start3A_1301 : memref<128xi32, #tpu.memory_space<vmem>>) semaphore(%arg14 : memref<!tpu.dma_semaphore, #tpu.memory_space<semaphore_mem>>)
      } else {
      }
      %dma_wait3A_471 = arith.constant 0 : i32
      %dma_wait3A_472 = arith.constant 0 : i32
      %dma_wait3A_473 = arith.constant 0 : i32
      %dma_wait3A_474 = tpu.memref_slice %arg7[%dma_wait3A_471, %dma_wait3A_472, %dma_wait3A_473] : memref<5x128x128xf32, #tpu.memory_space<vmem>> -> memref<1x128x128xf32, #tpu.memory_space<vmem>>
      %dma_wait3A_475 = tpu.memref_squeeze %dma_wait3A_474 : memref<1x128x128xf32, #tpu.memory_space<vmem>> -> memref<128x128xf32, #tpu.memory_space<vmem>>
      %dma_wait3A_476 = arith.constant 0 : i32
      %dma_wait3A_477 = arith.constant 0 : i32
      %dma_wait3A_478 = tpu.memref_slice %arg5[%dma_wait3A_476, %dma_wait3A_477] : memref<204800x128xf32, #tpu.memory_space<hbm>> -> memref<128x128xf32, #tpu.memory_space<hbm>>
      %dma_wait3A_479 = arith.constant 0 : i32
      %dma_wait3A_480 = arith.constant 0 : i32
      %dma_wait3A_481 = tpu.memref_slice %arg7[%dma_wait3A_471, %dma_wait3A_479, %dma_wait3A_480] : memref<5x128x128xf32, #tpu.memory_space<vmem>> -> memref<1x128x128xf32, #tpu.memory_space<vmem>>
      %dma_wait3A_482 = tpu.memref_squeeze %dma_wait3A_481 : memref<1x128x128xf32, #tpu.memory_space<vmem>> -> memref<128x128xf32, #tpu.memory_space<vmem>>
      %dma_wait3A_483 = arith.constant 0 : i32
      %dma_wait3A_484 = arith.constant 0 : i32
      %dma_wait3A_485 = tpu.memref_slice %arg5[%dma_wait3A_483, %dma_wait3A_484] : memref<204800x128xf32, #tpu.memory_space<hbm>> -> memref<128x128xf32, #tpu.memory_space<hbm>>
      tpu.wait_dma2 semaphore(%arg11 : memref<!tpu.dma_semaphore, #tpu.memory_space<semaphore_mem>>) src(%dma_wait3A_485 : memref<128x128xf32, #tpu.memory_space<hbm>>) dst(%dma_wait3A_482 : memref<128x128xf32, #tpu.memory_space<vmem>>)
      %add3A_486 = arith.constant 4 : i32
      %add3A_487 = arith.addi %add3A_463, %add3A_486 : i32
      %lt3A_488 = arith.constant 50 : i32
      %lt3A_489 = arith.cmpi slt, %add3A_487, %lt3A_488 : i32
      %convert_element_type3A_490 = arith.extui %lt3A_489 : i1 to i32
      %cond3A_491 = arith.constant 0 : i32
      %cond3A_492 = arith.cmpi ne, %convert_element_type3A_490, %cond3A_491 : i32
      scf.if %cond3A_492 {
        %add3A_1272 = arith.constant 4 : i32
        %add3A_1273 = arith.addi %add3A_463, %add3A_1272 : i32
        %add3A_1274 = arith.addi %mul3A_22, %add3A_1273 : i32
        %dma_start3A_1275 = arith.constant 0 : i32
        %dma_start3A_1276 = arith.constant 0 : i32
        %dma_start3A_1277 = tpu.memref_slice %arg6[%dma_start3A_1275, %dma_start3A_1276] : memref<5x128xi32, #tpu.memory_space<vmem>> -> memref<1x128xi32, #tpu.memory_space<vmem>>
        %dma_start3A_1278 = tpu.memref_squeeze %dma_start3A_1277 : memref<1x128xi32, #tpu.memory_space<vmem>> -> memref<128xi32, #tpu.memory_space<vmem>>
        %dma_start3A_1279 = arith.constant 0 : i32
        %dma_start3A_1280 = tpu.memref_slice %arg2[%add3A_1274, %rem3A_1, %dma_start3A_1279] : memref<200x8x128xi32, #tpu.memory_space<hbm>> -> memref<1x1x128xi32, #tpu.memory_space<hbm>>
        %dma_start3A_1281 = tpu.memref_squeeze %dma_start3A_1280 : memref<1x1x128xi32, #tpu.memory_space<hbm>> -> memref<128xi32, #tpu.memory_space<hbm>>
        %dma_start3A_1282 = arith.constant 0 : i32
        %dma_start3A_1283 = tpu.memref_slice %arg6[%dma_start3A_1275, %dma_start3A_1282] : memref<5x128xi32, #tpu.memory_space<vmem>> -> memref<1x128xi32, #tpu.memory_space<vmem>>
        %dma_start3A_1284 = tpu.memref_squeeze %dma_start3A_1283 : memref<1x128xi32, #tpu.memory_space<vmem>> -> memref<128xi32, #tpu.memory_space<vmem>>
        %dma_start3A_1285 = arith.constant 0 : i32
        %dma_start3A_1286 = tpu.memref_slice %arg2[%add3A_1274, %rem3A_1, %dma_start3A_1285] : memref<200x8x128xi32, #tpu.memory_space<hbm>> -> memref<1x1x128xi32, #tpu.memory_space<hbm>>
        %dma_start3A_1287 = tpu.memref_squeeze %dma_start3A_1286 : memref<1x1x128xi32, #tpu.memory_space<hbm>> -> memref<128xi32, #tpu.memory_space<hbm>>
        tpu.enqueue_dma source(%dma_start3A_1287 : memref<128xi32, #tpu.memory_space<hbm>>) target(%dma_start3A_1284 : memref<128xi32, #tpu.memory_space<vmem>>) target_semaphore(%arg20 : memref<!tpu.dma_semaphore, #tpu.memory_space<semaphore_mem>>)
      } else {
      }
      %mul3A_493 = arith.constant 200 : i32
      %mul3A_494 = arith.muli %mul3A_20, %mul3A_493 : i32
      %add3A_495 = arith.addi %mul3A_494, %mul3A_22 : i32
      %add3A_496 = arith.addi %add3A_495, %add3A_463 : i32
      %get3A_497 = arith.index_cast %add3A_463 : i32 to index
      %get3A_498 = arith.constant 0 : index
      %get3A_499 = tpu.vector_load %arg8[%get3A_497, %get3A_498] {strides = array<i32>} : memref<50x128xf32, #tpu.memory_space<vmem>>, vector<1x16xf32>,
      %get3A_500 = vector.shape_cast %get3A_499 : vector<1x16xf32> to vector<16xf32>
      %get3A_501 = arith.index_cast %add3A_463 : i32 to index
      %get3A_502 = arith.constant 16 : index
      %get3A_503 = tpu.vector_load %arg8[%get3A_501, %get3A_502] {strides = array<i32>} : memref<50x128xf32, #tpu.memory_space<vmem>>, vector<1x16xf32>,
      %get3A_504 = vector.shape_cast %get3A_503 : vector<1x16xf32> to vector<16xf32>
      %get3A_505 = arith.index_cast %add3A_463 : i32 to index
      %get3A_506 = arith.constant 32 : index
      %get3A_507 = tpu.vector_load %arg8[%get3A_505, %get3A_506] {strides = array<i32>} : memref<50x128xf32, #tpu.memory_space<vmem>>, vector<1x16xf32>,
      %get3A_508 = vector.shape_cast %get3A_507 : vector<1x16xf32> to vector<16xf32>
      %get3A_509 = arith.index_cast %add3A_463 : i32 to index
      %get3A_510 = arith.constant 48 : index
      %get3A_511 = tpu.vector_load %arg8[%get3A_509, %get3A_510] {strides = array<i32>} : memref<50x128xf32, #tpu.memory_space<vmem>>, vector<1x16xf32>,
      %get3A_512 = vector.shape_cast %get3A_511 : vector<1x16xf32> to vector<16xf32>
      %get3A_513 = arith.index_cast %add3A_463 : i32 to index
      %get3A_514 = arith.constant 64 : index
      %get3A_515 = tpu.vector_load %arg8[%get3A_513, %get3A_514] {strides = array<i32>} : memref<50x128xf32, #tpu.memory_space<vmem>>, vector<1x16xf32>,
      %get3A_516 = vector.shape_cast %get3A_515 : vector<1x16xf32> to vector<16xf32>
      %get3A_517 = arith.index_cast %add3A_463 : i32 to index
      %get3A_518 = arith.constant 80 : index
      %get3A_519 = tpu.vector_load %arg8[%get3A_517, %get3A_518] {strides = array<i32>} : memref<50x128xf32, #tpu.memory_space<vmem>>, vector<1x16xf32>,
      %get3A_520 = vector.shape_cast %get3A_519 : vector<1x16xf32> to vector<16xf32>
      %get3A_521 = arith.index_cast %add3A_463 : i32 to index
      %get3A_522 = arith.constant 96 : index
      %get3A_523 = tpu.vector_load %arg8[%get3A_521, %get3A_522] {strides = array<i32>} : memref<50x128xf32, #tpu.memory_space<vmem>>, vector<1x16xf32>,
      %get3A_524 = vector.shape_cast %get3A_523 : vector<1x16xf32> to vector<16xf32>
      %get3A_525 = arith.index_cast %add3A_463 : i32 to index
      %get3A_526 = arith.constant 112 : index
      %get3A_527 = tpu.vector_load %arg8[%get3A_525, %get3A_526] {strides = array<i32>} : memref<50x128xf32, #tpu.memory_space<vmem>>, vector<1x16xf32>,
      %get3A_528 = vector.shape_cast %get3A_527 : vector<1x16xf32> to vector<16xf32>
      %add3A_529 = arith.constant 0 : i32
      %add3A_530 = arith.addi %add3A_496, %add3A_529 : i32
      %add3A_531 = vector.broadcast %add3A_530 : i32 to vector<16xi32>
      %add3A_532 = arith.addi %mul3A_32, %add3A_531 : vector<16xi32>
      %swap3A_533 = arith.constant 1 : i32
      %swap3A_534 = arith.constant 0 : i32
      %swap3A_535 = arith.index_cast %swap3A_533 : i32 to index
      %swap3A_536 = arith.index_cast %swap3A_534 : i32 to index
      %swap3A_537 = arith.constant 0 : index
      %swap3A_538 = tpu.vector_load %arg9[%swap3A_535, %swap3A_536, %swap3A_537] {strides = array<i32>} : memref<5x2x64xi32, #tpu.memory_space<vmem>>, vector<1x1x16xi32>,
      %swap3A_539 = vector.shape_cast %swap3A_538 : vector<1x1x16xi32> to vector<16xi32>
      %swap3A_540 = vector.shape_cast %add3A_532 : vector<16xi32> to vector<1x1x16xi32>
      tpu.vector_store %arg9[%swap3A_535, %swap3A_536, %swap3A_537], %swap3A_540 {strides = array<i32>} : memref<5x2x64xi32, #tpu.memory_space<vmem>>, vector<1x1x16xi32>,
      %add3A_541 = arith.constant 3200 : i32
      %add3A_542 = arith.addi %add3A_496, %add3A_541 : i32
      %add3A_543 = vector.broadcast %add3A_542 : i32 to vector<16xi32>
      %add3A_544 = arith.addi %mul3A_32, %add3A_543 : vector<16xi32>
      %swap3A_545 = arith.constant 1 : i32
      %swap3A_546 = arith.constant 0 : i32
      %swap3A_547 = arith.index_cast %swap3A_545 : i32 to index
      %swap3A_548 = arith.index_cast %swap3A_546 : i32 to index
      %swap3A_549 = arith.constant 16 : index
      %swap3A_550 = tpu.vector_load %arg9[%swap3A_547, %swap3A_548, %swap3A_549] {strides = array<i32>} : memref<5x2x64xi32, #tpu.memory_space<vmem>>, vector<1x1x16xi32>,
      %swap3A_551 = vector.shape_cast %swap3A_550 : vector<1x1x16xi32> to vector<16xi32>
      %swap3A_552 = vector.shape_cast %add3A_544 : vector<16xi32> to vector<1x1x16xi32>
      tpu.vector_store %arg9[%swap3A_547, %swap3A_548, %swap3A_549], %swap3A_552 {strides = array<i32>} : memref<5x2x64xi32, #tpu.memory_space<vmem>>, vector<1x1x16xi32>,
      %add3A_553 = arith.constant 6400 : i32
      %add3A_554 = arith.addi %add3A_496, %add3A_553 : i32
      %add3A_555 = vector.broadcast %add3A_554 : i32 to vector<16xi32>
      %add3A_556 = arith.addi %mul3A_32, %add3A_555 : vector<16xi32>
      %swap3A_557 = arith.constant 1 : i32
      %swap3A_558 = arith.constant 0 : i32
      %swap3A_559 = arith.index_cast %swap3A_557 : i32 to index
      %swap3A_560 = arith.index_cast %swap3A_558 : i32 to index
      %swap3A_561 = arith.constant 32 : index
      %swap3A_562 = tpu.vector_load %arg9[%swap3A_559, %swap3A_560, %swap3A_561] {strides = array<i32>} : memref<5x2x64xi32, #tpu.memory_space<vmem>>, vector<1x1x16xi32>,
      %swap3A_563 = vector.shape_cast %swap3A_562 : vector<1x1x16xi32> to vector<16xi32>
      %swap3A_564 = vector.shape_cast %add3A_556 : vector<16xi32> to vector<1x1x16xi32>
      tpu.vector_store %arg9[%swap3A_559, %swap3A_560, %swap3A_561], %swap3A_564 {strides = array<i32>} : memref<5x2x64xi32, #tpu.memory_space<vmem>>, vector<1x1x16xi32>,
      %add3A_565 = arith.constant 9600 : i32
      %add3A_566 = arith.addi %add3A_496, %add3A_565 : i32
      %add3A_567 = vector.broadcast %add3A_566 : i32 to vector<16xi32>
      %add3A_568 = arith.addi %mul3A_32, %add3A_567 : vector<16xi32>
      %swap3A_569 = arith.constant 1 : i32
      %swap3A_570 = arith.constant 0 : i32
      %swap3A_571 = arith.index_cast %swap3A_569 : i32 to index
      %swap3A_572 = arith.index_cast %swap3A_570 : i32 to index
      %swap3A_573 = arith.constant 48 : index
      %swap3A_574 = tpu.vector_load %arg9[%swap3A_571, %swap3A_572, %swap3A_573] {strides = array<i32>} : memref<5x2x64xi32, #tpu.memory_space<vmem>>, vector<1x1x16xi32>,
      %swap3A_575 = vector.shape_cast %swap3A_574 : vector<1x1x16xi32> to vector<16xi32>
      %swap3A_576 = vector.shape_cast %add3A_568 : vector<16xi32> to vector<1x1x16xi32>
      tpu.vector_store %arg9[%swap3A_571, %swap3A_572, %swap3A_573], %swap3A_576 {strides = array<i32>} : memref<5x2x64xi32, #tpu.memory_space<vmem>>, vector<1x1x16xi32>,
      %scan3A_577 = arith.constant 0 : i32
      %scan3A_578 = arith.constant 0 : i32
      %scan3A_579 = arith.constant 64 : i32
      %scan3A_580 = arith.addi %scan3A_578, %scan3A_579 : i32
      %scan3A_581 = arith.constant 1 : i32
      scf.for %scan3A_1272 = %scan3A_578 to %scan3A_580 step %scan3A_581  : i32 {
        %get3A_1273 = arith.constant 1 : i32
        %get3A_1274 = arith.index_cast %get3A_1273 : i32 to index
        %get3A_1275 = arith.index_cast %scan3A_1272 : i32 to index
        %get3A_1276 = arith.constant 0 : index
        %get3A_1277 = tpu.vector_load %arg7[%get3A_1274, %get3A_1275, %get3A_1276] {strides = array<i32>} : memref<5x128x128xf32, #tpu.memory_space<vmem>>, vector<1x1x16xf32>,
        %get3A_1278 = vector.shape_cast %get3A_1277 : vector<1x1x16xf32> to vector<16xf32>
        %mul3A_1279 = arith.constant 11.3137083 : f32
        %mul3A_1280 = vector.broadcast %mul3A_1279 : f32 to vector<16xf32>
        %mul3A_1281 = arith.mulf %get3A_1278, %mul3A_1280 : vector<16xf32>
        %add3A_1282 = arith.addf %mul3A_1281, %get3A_500 : vector<16xf32>
        %swap3A_1283 = arith.constant 1 : i32
        %swap3A_1284 = arith.index_cast %swap3A_1283 : i32 to index
        %swap3A_1285 = arith.index_cast %scan3A_1272 : i32 to index
        %swap3A_1286 = arith.constant 0 : index
        %swap3A_1287 = tpu.vector_load %arg7[%swap3A_1284, %swap3A_1285, %swap3A_1286] {strides = array<i32>} : memref<5x128x128xf32, #tpu.memory_space<vmem>>, vector<1x1x16xf32>,
        %swap3A_1288 = vector.shape_cast %swap3A_1287 : vector<1x1x16xf32> to vector<16xf32>
        %swap3A_1289 = vector.shape_cast %add3A_1282 : vector<16xf32> to vector<1x1x16xf32>
        tpu.vector_store %arg7[%swap3A_1284, %swap3A_1285, %swap3A_1286], %swap3A_1289 {strides = array<i32>} : memref<5x128x128xf32, #tpu.memory_space<vmem>>, vector<1x1x16xf32>,
        %get3A_1290 = arith.constant 1 : i32
        %get3A_1291 = arith.index_cast %get3A_1290 : i32 to index
        %get3A_1292 = arith.index_cast %scan3A_1272 : i32 to index
        %get3A_1293 = arith.constant 16 : index
        %get3A_1294 = tpu.vector_load %arg7[%get3A_1291, %get3A_1292, %get3A_1293] {strides = array<i32>} : memref<5x128x128xf32, #tpu.memory_space<vmem>>, vector<1x1x16xf32>,
        %get3A_1295 = vector.shape_cast %get3A_1294 : vector<1x1x16xf32> to vector<16xf32>
        %mul3A_1296 = arith.constant 11.3137083 : f32
        %mul3A_1297 = vector.broadcast %mul3A_1296 : f32 to vector<16xf32>
        %mul3A_1298 = arith.mulf %get3A_1295, %mul3A_1297 : vector<16xf32>
        %add3A_1299 = arith.addf %mul3A_1298, %get3A_504 : vector<16xf32>
        %swap3A_1300 = arith.constant 1 : i32
        %swap3A_1301 = arith.index_cast %swap3A_1300 : i32 to index
        %swap3A_1302 = arith.index_cast %scan3A_1272 : i32 to index
        %swap3A_1303 = arith.constant 16 : index
        %swap3A_1304 = tpu.vector_load %arg7[%swap3A_1301, %swap3A_1302, %swap3A_1303] {strides = array<i32>} : memref<5x128x128xf32, #tpu.memory_space<vmem>>, vector<1x1x16xf32>,
        %swap3A_1305 = vector.shape_cast %swap3A_1304 : vector<1x1x16xf32> to vector<16xf32>
        %swap3A_1306 = vector.shape_cast %add3A_1299 : vector<16xf32> to vector<1x1x16xf32>
        tpu.vector_store %arg7[%swap3A_1301, %swap3A_1302, %swap3A_1303], %swap3A_1306 {strides = array<i32>} : memref<5x128x128xf32, #tpu.memory_space<vmem>>, vector<1x1x16xf32>,
        %get3A_1307 = arith.constant 1 : i32
        %get3A_1308 = arith.index_cast %get3A_1307 : i32 to index
        %get3A_1309 = arith.index_cast %scan3A_1272 : i32 to index
        %get3A_1310 = arith.constant 32 : index
        %get3A_1311 = tpu.vector_load %arg7[%get3A_1308, %get3A_1309, %get3A_1310] {strides = array<i32>} : memref<5x128x128xf32, #tpu.memory_space<vmem>>, vector<1x1x16xf32>,
        %get3A_1312 = vector.shape_cast %get3A_1311 : vector<1x1x16xf32> to vector<16xf32>
        %mul3A_1313 = arith.constant 11.3137083 : f32
        %mul3A_1314 = vector.broadcast %mul3A_1313 : f32 to vector<16xf32>
        %mul3A_1315 = arith.mulf %get3A_1312, %mul3A_1314 : vector<16xf32>
        %add3A_1316 = arith.addf %mul3A_1315, %get3A_508 : vector<16xf32>
        %swap3A_1317 = arith.constant 1 : i32
        %swap3A_1318 = arith.index_cast %swap3A_1317 : i32 to index
        %swap3A_1319 = arith.index_cast %scan3A_1272 : i32 to index
        %swap3A_1320 = arith.constant 32 : index
        %swap3A_1321 = tpu.vector_load %arg7[%swap3A_1318, %swap3A_1319, %swap3A_1320] {strides = array<i32>} : memref<5x128x128xf32, #tpu.memory_space<vmem>>, vector<1x1x16xf32>,
        %swap3A_1322 = vector.shape_cast %swap3A_1321 : vector<1x1x16xf32> to vector<16xf32>
        %swap3A_1323 = vector.shape_cast %add3A_1316 : vector<16xf32> to vector<1x1x16xf32>
        tpu.vector_store %arg7[%swap3A_1318, %swap3A_1319, %swap3A_1320], %swap3A_1323 {strides = array<i32>} : memref<5x128x128xf32, #tpu.memory_space<vmem>>, vector<1x1x16xf32>,
        %get3A_1324 = arith.constant 1 : i32
        %get3A_1325 = arith.index_cast %get3A_1324 : i32 to index
        %get3A_1326 = arith.index_cast %scan3A_1272 : i32 to index
        %get3A_1327 = arith.constant 48 : index
        %get3A_1328 = tpu.vector_load %arg7[%get3A_1325, %get3A_1326, %get3A_1327] {strides = array<i32>} : memref<5x128x128xf32, #tpu.memory_space<vmem>>, vector<1x1x16xf32>,
        %get3A_1329 = vector.shape_cast %get3A_1328 : vector<1x1x16xf32> to vector<16xf32>
        %mul3A_1330 = arith.constant 11.3137083 : f32
        %mul3A_1331 = vector.broadcast %mul3A_1330 : f32 to vector<16xf32>
        %mul3A_1332 = arith.mulf %get3A_1329, %mul3A_1331 : vector<16xf32>
        %add3A_1333 = arith.addf %mul3A_1332, %get3A_512 : vector<16xf32>
        %swap3A_1334 = arith.constant 1 : i32
        %swap3A_1335 = arith.index_cast %swap3A_1334 : i32 to index
        %swap3A_1336 = arith.index_cast %scan3A_1272 : i32 to index
        %swap3A_1337 = arith.constant 48 : index
        %swap3A_1338 = tpu.vector_load %arg7[%swap3A_1335, %swap3A_1336, %swap3A_1337] {strides = array<i32>} : memref<5x128x128xf32, #tpu.memory_space<vmem>>, vector<1x1x16xf32>,
        %swap3A_1339 = vector.shape_cast %swap3A_1338 : vector<1x1x16xf32> to vector<16xf32>
        %swap3A_1340 = vector.shape_cast %add3A_1333 : vector<16xf32> to vector<1x1x16xf32>
        tpu.vector_store %arg7[%swap3A_1335, %swap3A_1336, %swap3A_1337], %swap3A_1340 {strides = array<i32>} : memref<5x128x128xf32, #tpu.memory_space<vmem>>, vector<1x1x16xf32>,
        %get3A_1341 = arith.constant 1 : i32
        %get3A_1342 = arith.index_cast %get3A_1341 : i32 to index
        %get3A_1343 = arith.index_cast %scan3A_1272 : i32 to index
        %get3A_1344 = arith.constant 64 : index
        %get3A_1345 = tpu.vector_load %arg7[%get3A_1342, %get3A_1343, %get3A_1344] {strides = array<i32>} : memref<5x128x128xf32, #tpu.memory_space<vmem>>, vector<1x1x16xf32>,
        %get3A_1346 = vector.shape_cast %get3A_1345 : vector<1x1x16xf32> to vector<16xf32>
        %mul3A_1347 = arith.constant 11.3137083 : f32
        %mul3A_1348 = vector.broadcast %mul3A_1347 : f32 to vector<16xf32>
        %mul3A_1349 = arith.mulf %get3A_1346, %mul3A_1348 : vector<16xf32>
        %add3A_1350 = arith.addf %mul3A_1349, %get3A_516 : vector<16xf32>
        %swap3A_1351 = arith.constant 1 : i32
        %swap3A_1352 = arith.index_cast %swap3A_1351 : i32 to index
        %swap3A_1353 = arith.index_cast %scan3A_1272 : i32 to index
        %swap3A_1354 = arith.constant 64 : index
        %swap3A_1355 = tpu.vector_load %arg7[%swap3A_1352, %swap3A_1353, %swap3A_1354] {strides = array<i32>} : memref<5x128x128xf32, #tpu.memory_space<vmem>>, vector<1x1x16xf32>,
        %swap3A_1356 = vector.shape_cast %swap3A_1355 : vector<1x1x16xf32> to vector<16xf32>
        %swap3A_1357 = vector.shape_cast %add3A_1350 : vector<16xf32> to vector<1x1x16xf32>
        tpu.vector_store %arg7[%swap3A_1352, %swap3A_1353, %swap3A_1354], %swap3A_1357 {strides = array<i32>} : memref<5x128x128xf32, #tpu.memory_space<vmem>>, vector<1x1x16xf32>,
        %get3A_1358 = arith.constant 1 : i32
        %get3A_1359 = arith.index_cast %get3A_1358 : i32 to index
        %get3A_1360 = arith.index_cast %scan3A_1272 : i32 to index
        %get3A_1361 = arith.constant 80 : index
        %get3A_1362 = tpu.vector_load %arg7[%get3A_1359, %get3A_1360, %get3A_1361] {strides = array<i32>} : memref<5x128x128xf32, #tpu.memory_space<vmem>>, vector<1x1x16xf32>,
        %get3A_1363 = vector.shape_cast %get3A_1362 : vector<1x1x16xf32> to vector<16xf32>
        %mul3A_1364 = arith.constant 11.3137083 : f32
        %mul3A_1365 = vector.broadcast %mul3A_1364 : f32 to vector<16xf32>
        %mul3A_1366 = arith.mulf %get3A_1363, %mul3A_1365 : vector<16xf32>
        %add3A_1367 = arith.addf %mul3A_1366, %get3A_520 : vector<16xf32>
        %swap3A_1368 = arith.constant 1 : i32
        %swap3A_1369 = arith.index_cast %swap3A_1368 : i32 to index
        %swap3A_1370 = arith.index_cast %scan3A_1272 : i32 to index
        %swap3A_1371 = arith.constant 80 : index
        %swap3A_1372 = tpu.vector_load %arg7[%swap3A_1369, %swap3A_1370, %swap3A_1371] {strides = array<i32>} : memref<5x128x128xf32, #tpu.memory_space<vmem>>, vector<1x1x16xf32>,
        %swap3A_1373 = vector.shape_cast %swap3A_1372 : vector<1x1x16xf32> to vector<16xf32>
        %swap3A_1374 = vector.shape_cast %add3A_1367 : vector<16xf32> to vector<1x1x16xf32>
        tpu.vector_store %arg7[%swap3A_1369, %swap3A_1370, %swap3A_1371], %swap3A_1374 {strides = array<i32>} : memref<5x128x128xf32, #tpu.memory_space<vmem>>, vector<1x1x16xf32>,
        %get3A_1375 = arith.constant 1 : i32
        %get3A_1376 = arith.index_cast %get3A_1375 : i32 to index
        %get3A_1377 = arith.index_cast %scan3A_1272 : i32 to index
        %get3A_1378 = arith.constant 96 : index
        %get3A_1379 = tpu.vector_load %arg7[%get3A_1376, %get3A_1377, %get3A_1378] {strides = array<i32>} : memref<5x128x128xf32, #tpu.memory_space<vmem>>, vector<1x1x16xf32>,
        %get3A_1380 = vector.shape_cast %get3A_1379 : vector<1x1x16xf32> to vector<16xf32>
        %mul3A_1381 = arith.constant 11.3137083 : f32
        %mul3A_1382 = vector.broadcast %mul3A_1381 : f32 to vector<16xf32>
        %mul3A_1383 = arith.mulf %get3A_1380, %mul3A_1382 : vector<16xf32>
        %add3A_1384 = arith.addf %mul3A_1383, %get3A_524 : vector<16xf32>
        %swap3A_1385 = arith.constant 1 : i32
        %swap3A_1386 = arith.index_cast %swap3A_1385 : i32 to index
        %swap3A_1387 = arith.index_cast %scan3A_1272 : i32 to index
        %swap3A_1388 = arith.constant 96 : index
        %swap3A_1389 = tpu.vector_load %arg7[%swap3A_1386, %swap3A_1387, %swap3A_1388] {strides = array<i32>} : memref<5x128x128xf32, #tpu.memory_space<vmem>>, vector<1x1x16xf32>,
        %swap3A_1390 = vector.shape_cast %swap3A_1389 : vector<1x1x16xf32> to vector<16xf32>
        %swap3A_1391 = vector.shape_cast %add3A_1384 : vector<16xf32> to vector<1x1x16xf32>
        tpu.vector_store %arg7[%swap3A_1386, %swap3A_1387, %swap3A_1388], %swap3A_1391 {strides = array<i32>} : memref<5x128x128xf32, #tpu.memory_space<vmem>>, vector<1x1x16xf32>,
        %get3A_1392 = arith.constant 1 : i32
        %get3A_1393 = arith.index_cast %get3A_1392 : i32 to index
        %get3A_1394 = arith.index_cast %scan3A_1272 : i32 to index
        %get3A_1395 = arith.constant 112 : index
        %get3A_1396 = tpu.vector_load %arg7[%get3A_1393, %get3A_1394, %get3A_1395] {strides = array<i32>} : memref<5x128x128xf32, #tpu.memory_space<vmem>>, vector<1x1x16xf32>,
        %get3A_1397 = vector.shape_cast %get3A_1396 : vector<1x1x16xf32> to vector<16xf32>
        %mul3A_1398 = arith.constant 11.3137083 : f32
        %mul3A_1399 = vector.broadcast %mul3A_1398 : f32 to vector<16xf32>
        %mul3A_1400 = arith.mulf %get3A_1397, %mul3A_1399 : vector<16xf32>
        %add3A_1401 = arith.addf %mul3A_1400, %get3A_528 : vector<16xf32>
        %swap3A_1402 = arith.constant 1 : i32
        %swap3A_1403 = arith.index_cast %swap3A_1402 : i32 to index
        %swap3A_1404 = arith.index_cast %scan3A_1272 : i32 to index
        %swap3A_1405 = arith.constant 112 : index
        %swap3A_1406 = tpu.vector_load %arg7[%swap3A_1403, %swap3A_1404, %swap3A_1405] {strides = array<i32>} : memref<5x128x128xf32, #tpu.memory_space<vmem>>, vector<1x1x16xf32>,
        %swap3A_1407 = vector.shape_cast %swap3A_1406 : vector<1x1x16xf32> to vector<16xf32>
        %swap3A_1408 = vector.shape_cast %add3A_1401 : vector<16xf32> to vector<1x1x16xf32>
        tpu.vector_store %arg7[%swap3A_1403, %swap3A_1404, %swap3A_1405], %swap3A_1408 {strides = array<i32>} : memref<5x128x128xf32, #tpu.memory_space<vmem>>, vector<1x1x16xf32>,
      }
      %scan3A_582 = arith.constant 64 : i32
      %dma_start3A_583 = arith.constant 1 : i32
      %dma_start3A_584 = arith.constant 1 : i32
      %dma_start3A_585 = arith.constant 0 : i32
      %dma_start3A_586 = arith.constant 0 : i32
      %dma_start3A_587 = arith.constant 0 : i32
      %dma_start3A_588 = tpu.memref_slice %arg7[%dma_start3A_583, %dma_start3A_586, %dma_start3A_587] : memref<5x128x128xf32, #tpu.memory_space<vmem>> -> memref<1x64x128xf32, #tpu.memory_space<vmem>>
      %dma_start3A_589 = tpu.memref_squeeze %dma_start3A_588 : memref<1x64x128xf32, #tpu.memory_space<vmem>> -> memref<64x128xf32, #tpu.memory_space<vmem>>
      %dma_start3A_590 = arith.constant 0 : i32
      %dma_start3A_591 = tpu.memref_slice %arg9[%dma_start3A_584, %dma_start3A_585, %dma_start3A_590] : memref<5x2x64xi32, #tpu.memory_space<vmem>> -> memref<1x1x64xi32, #tpu.memory_space<vmem>>
      %dma_start3A_592 = tpu.memref_squeeze %dma_start3A_591 : memref<1x1x64xi32, #tpu.memory_space<vmem>> -> memref<64xi32, #tpu.memory_space<vmem>>
      %dma_start3A_593 = arith.constant 0 : i32
      %dma_start3A_594 = arith.constant 0 : i32
      %dma_start3A_595 = tpu.memref_slice %arg5[%dma_start3A_593, %dma_start3A_594] : memref<204800x128xf32, #tpu.memory_space<hbm>> -> memref<204800x128xf32, #tpu.memory_space<hbm>>
      tpu.enqueue_indirect_dma source(%dma_start3A_589 : memref<64x128xf32, #tpu.memory_space<vmem>>) target(%dma_start3A_595 : memref<204800x128xf32, #tpu.memory_space<hbm>>) offsets(%dma_start3A_592 : memref<64xi32, #tpu.memory_space<vmem>>) semaphore(%arg16 : memref<!tpu.dma_semaphore, #tpu.memory_space<semaphore_mem>>)
      %add3A_596 = arith.constant 12800 : i32
      %add3A_597 = arith.addi %add3A_496, %add3A_596 : i32
      %add3A_598 = vector.broadcast %add3A_597 : i32 to vector<16xi32>
      %add3A_599 = arith.addi %mul3A_32, %add3A_598 : vector<16xi32>
      %swap3A_600 = arith.constant 1 : i32
      %swap3A_601 = arith.constant 1 : i32
      %swap3A_602 = arith.index_cast %swap3A_600 : i32 to index
      %swap3A_603 = arith.index_cast %swap3A_601 : i32 to index
      %swap3A_604 = arith.constant 0 : index
      %swap3A_605 = tpu.vector_load %arg9[%swap3A_602, %swap3A_603, %swap3A_604] {strides = array<i32>} : memref<5x2x64xi32, #tpu.memory_space<vmem>>, vector<1x1x16xi32>,
      %swap3A_606 = vector.shape_cast %swap3A_605 : vector<1x1x16xi32> to vector<16xi32>
      %swap3A_607 = vector.shape_cast %add3A_599 : vector<16xi32> to vector<1x1x16xi32>
      tpu.vector_store %arg9[%swap3A_602, %swap3A_603, %swap3A_604], %swap3A_607 {strides = array<i32>} : memref<5x2x64xi32, #tpu.memory_space<vmem>>, vector<1x1x16xi32>,
      %add3A_608 = arith.constant 16000 : i32
      %add3A_609 = arith.addi %add3A_496, %add3A_608 : i32
      %add3A_610 = vector.broadcast %add3A_609 : i32 to vector<16xi32>
      %add3A_611 = arith.addi %mul3A_32, %add3A_610 : vector<16xi32>
      %swap3A_612 = arith.constant 1 : i32
      %swap3A_613 = arith.constant 1 : i32
      %swap3A_614 = arith.index_cast %swap3A_612 : i32 to index
      %swap3A_615 = arith.index_cast %swap3A_613 : i32 to index
      %swap3A_616 = arith.constant 16 : index
      %swap3A_617 = tpu.vector_load %arg9[%swap3A_614, %swap3A_615, %swap3A_616] {strides = array<i32>} : memref<5x2x64xi32, #tpu.memory_space<vmem>>, vector<1x1x16xi32>,
      %swap3A_618 = vector.shape_cast %swap3A_617 : vector<1x1x16xi32> to vector<16xi32>
      %swap3A_619 = vector.shape_cast %add3A_611 : vector<16xi32> to vector<1x1x16xi32>
      tpu.vector_store %arg9[%swap3A_614, %swap3A_615, %swap3A_616], %swap3A_619 {strides = array<i32>} : memref<5x2x64xi32, #tpu.memory_space<vmem>>, vector<1x1x16xi32>,
      %add3A_620 = arith.constant 19200 : i32
      %add3A_621 = arith.addi %add3A_496, %add3A_620 : i32
      %add3A_622 = vector.broadcast %add3A_621 : i32 to vector<16xi32>
      %add3A_623 = arith.addi %mul3A_32, %add3A_622 : vector<16xi32>
      %swap3A_624 = arith.constant 1 : i32
      %swap3A_625 = arith.constant 1 : i32
      %swap3A_626 = arith.index_cast %swap3A_624 : i32 to index
      %swap3A_627 = arith.index_cast %swap3A_625 : i32 to index
      %swap3A_628 = arith.constant 32 : index
      %swap3A_629 = tpu.vector_load %arg9[%swap3A_626, %swap3A_627, %swap3A_628] {strides = array<i32>} : memref<5x2x64xi32, #tpu.memory_space<vmem>>, vector<1x1x16xi32>,
      %swap3A_630 = vector.shape_cast %swap3A_629 : vector<1x1x16xi32> to vector<16xi32>
      %swap3A_631 = vector.shape_cast %add3A_623 : vector<16xi32> to vector<1x1x16xi32>
      tpu.vector_store %arg9[%swap3A_626, %swap3A_627, %swap3A_628], %swap3A_631 {strides = array<i32>} : memref<5x2x64xi32, #tpu.memory_space<vmem>>, vector<1x1x16xi32>,
      %add3A_632 = arith.constant 22400 : i32
      %add3A_633 = arith.addi %add3A_496, %add3A_632 : i32
      %add3A_634 = vector.broadcast %add3A_633 : i32 to vector<16xi32>
      %add3A_635 = arith.addi %mul3A_32, %add3A_634 : vector<16xi32>
      %swap3A_636 = arith.constant 1 : i32
      %swap3A_637 = arith.constant 1 : i32
      %swap3A_638 = arith.index_cast %swap3A_636 : i32 to index
      %swap3A_639 = arith.index_cast %swap3A_637 : i32 to index
      %swap3A_640 = arith.constant 48 : index
      %swap3A_641 = tpu.vector_load %arg9[%swap3A_638, %swap3A_639, %swap3A_640] {strides = array<i32>} : memref<5x2x64xi32, #tpu.memory_space<vmem>>, vector<1x1x16xi32>,
      %swap3A_642 = vector.shape_cast %swap3A_641 : vector<1x1x16xi32> to vector<16xi32>
      %swap3A_643 = vector.shape_cast %add3A_635 : vector<16xi32> to vector<1x1x16xi32>
      tpu.vector_store %arg9[%swap3A_638, %swap3A_639, %swap3A_640], %swap3A_643 {strides = array<i32>} : memref<5x2x64xi32, #tpu.memory_space<vmem>>, vector<1x1x16xi32>,
      %scan3A_644 = arith.constant 0 : i32
      %scan3A_645 = arith.constant 64 : i32
      %scan3A_646 = arith.constant 64 : i32
      %scan3A_647 = arith.addi %scan3A_645, %scan3A_646 : i32
      %scan3A_648 = arith.constant 1 : i32
      scf.for %scan3A_1272 = %scan3A_645 to %scan3A_647 step %scan3A_648  : i32 {
        %get3A_1273 = arith.constant 1 : i32
        %get3A_1274 = arith.index_cast %get3A_1273 : i32 to index
        %get3A_1275 = arith.index_cast %scan3A_1272 : i32 to index
        %get3A_1276 = arith.constant 0 : index
        %get3A_1277 = tpu.vector_load %arg7[%get3A_1274, %get3A_1275, %get3A_1276] {strides = array<i32>} : memref<5x128x128xf32, #tpu.memory_space<vmem>>, vector<1x1x16xf32>,
        %get3A_1278 = vector.shape_cast %get3A_1277 : vector<1x1x16xf32> to vector<16xf32>
        %mul3A_1279 = arith.constant 11.3137083 : f32
        %mul3A_1280 = vector.broadcast %mul3A_1279 : f32 to vector<16xf32>
        %mul3A_1281 = arith.mulf %get3A_1278, %mul3A_1280 : vector<16xf32>
        %add3A_1282 = arith.addf %mul3A_1281, %get3A_500 : vector<16xf32>
        %swap3A_1283 = arith.constant 1 : i32
        %swap3A_1284 = arith.index_cast %swap3A_1283 : i32 to index
        %swap3A_1285 = arith.index_cast %scan3A_1272 : i32 to index
        %swap3A_1286 = arith.constant 0 : index
        %swap3A_1287 = tpu.vector_load %arg7[%swap3A_1284, %swap3A_1285, %swap3A_1286] {strides = array<i32>} : memref<5x128x128xf32, #tpu.memory_space<vmem>>, vector<1x1x16xf32>,
        %swap3A_1288 = vector.shape_cast %swap3A_1287 : vector<1x1x16xf32> to vector<16xf32>
        %swap3A_1289 = vector.shape_cast %add3A_1282 : vector<16xf32> to vector<1x1x16xf32>
        tpu.vector_store %arg7[%swap3A_1284, %swap3A_1285, %swap3A_1286], %swap3A_1289 {strides = array<i32>} : memref<5x128x128xf32, #tpu.memory_space<vmem>>, vector<1x1x16xf32>,
        %get3A_1290 = arith.constant 1 : i32
        %get3A_1291 = arith.index_cast %get3A_1290 : i32 to index
        %get3A_1292 = arith.index_cast %scan3A_1272 : i32 to index
        %get3A_1293 = arith.constant 16 : index
        %get3A_1294 = tpu.vector_load %arg7[%get3A_1291, %get3A_1292, %get3A_1293] {strides = array<i32>} : memref<5x128x128xf32, #tpu.memory_space<vmem>>, vector<1x1x16xf32>,
        %get3A_1295 = vector.shape_cast %get3A_1294 : vector<1x1x16xf32> to vector<16xf32>
        %mul3A_1296 = arith.constant 11.3137083 : f32
        %mul3A_1297 = vector.broadcast %mul3A_1296 : f32 to vector<16xf32>
        %mul3A_1298 = arith.mulf %get3A_1295, %mul3A_1297 : vector<16xf32>
        %add3A_1299 = arith.addf %mul3A_1298, %get3A_504 : vector<16xf32>
        %swap3A_1300 = arith.constant 1 : i32
        %swap3A_1301 = arith.index_cast %swap3A_1300 : i32 to index
        %swap3A_1302 = arith.index_cast %scan3A_1272 : i32 to index
        %swap3A_1303 = arith.constant 16 : index
        %swap3A_1304 = tpu.vector_load %arg7[%swap3A_1301, %swap3A_1302, %swap3A_1303] {strides = array<i32>} : memref<5x128x128xf32, #tpu.memory_space<vmem>>, vector<1x1x16xf32>,
        %swap3A_1305 = vector.shape_cast %swap3A_1304 : vector<1x1x16xf32> to vector<16xf32>
        %swap3A_1306 = vector.shape_cast %add3A_1299 : vector<16xf32> to vector<1x1x16xf32>
        tpu.vector_store %arg7[%swap3A_1301, %swap3A_1302, %swap3A_1303], %swap3A_1306 {strides = array<i32>} : memref<5x128x128xf32, #tpu.memory_space<vmem>>, vector<1x1x16xf32>,
        %get3A_1307 = arith.constant 1 : i32
        %get3A_1308 = arith.index_cast %get3A_1307 : i32 to index
        %get3A_1309 = arith.index_cast %scan3A_1272 : i32 to index
        %get3A_1310 = arith.constant 32 : index
        %get3A_1311 = tpu.vector_load %arg7[%get3A_1308, %get3A_1309, %get3A_1310] {strides = array<i32>} : memref<5x128x128xf32, #tpu.memory_space<vmem>>, vector<1x1x16xf32>,
        %get3A_1312 = vector.shape_cast %get3A_1311 : vector<1x1x16xf32> to vector<16xf32>
        %mul3A_1313 = arith.constant 11.3137083 : f32
        %mul3A_1314 = vector.broadcast %mul3A_1313 : f32 to vector<16xf32>
        %mul3A_1315 = arith.mulf %get3A_1312, %mul3A_1314 : vector<16xf32>
        %add3A_1316 = arith.addf %mul3A_1315, %get3A_508 : vector<16xf32>
        %swap3A_1317 = arith.constant 1 : i32
        %swap3A_1318 = arith.index_cast %swap3A_1317 : i32 to index
        %swap3A_1319 = arith.index_cast %scan3A_1272 : i32 to index
        %swap3A_1320 = arith.constant 32 : index
        %swap3A_1321 = tpu.vector_load %arg7[%swap3A_1318, %swap3A_1319, %swap3A_1320] {strides = array<i32>} : memref<5x128x128xf32, #tpu.memory_space<vmem>>, vector<1x1x16xf32>,
        %swap3A_1322 = vector.shape_cast %swap3A_1321 : vector<1x1x16xf32> to vector<16xf32>
        %swap3A_1323 = vector.shape_cast %add3A_1316 : vector<16xf32> to vector<1x1x16xf32>
        tpu.vector_store %arg7[%swap3A_1318, %swap3A_1319, %swap3A_1320], %swap3A_1323 {strides = array<i32>} : memref<5x128x128xf32, #tpu.memory_space<vmem>>, vector<1x1x16xf32>,
        %get3A_1324 = arith.constant 1 : i32
        %get3A_1325 = arith.index_cast %get3A_1324 : i32 to index
        %get3A_1326 = arith.index_cast %scan3A_1272 : i32 to index
        %get3A_1327 = arith.constant 48 : index
        %get3A_1328 = tpu.vector_load %arg7[%get3A_1325, %get3A_1326, %get3A_1327] {strides = array<i32>} : memref<5x128x128xf32, #tpu.memory_space<vmem>>, vector<1x1x16xf32>,
        %get3A_1329 = vector.shape_cast %get3A_1328 : vector<1x1x16xf32> to vector<16xf32>
        %mul3A_1330 = arith.constant 11.3137083 : f32
        %mul3A_1331 = vector.broadcast %mul3A_1330 : f32 to vector<16xf32>
        %mul3A_1332 = arith.mulf %get3A_1329, %mul3A_1331 : vector<16xf32>
        %add3A_1333 = arith.addf %mul3A_1332, %get3A_512 : vector<16xf32>
        %swap3A_1334 = arith.constant 1 : i32
        %swap3A_1335 = arith.index_cast %swap3A_1334 : i32 to index
        %swap3A_1336 = arith.index_cast %scan3A_1272 : i32 to index
        %swap3A_1337 = arith.constant 48 : index
        %swap3A_1338 = tpu.vector_load %arg7[%swap3A_1335, %swap3A_1336, %swap3A_1337] {strides = array<i32>} : memref<5x128x128xf32, #tpu.memory_space<vmem>>, vector<1x1x16xf32>,
        %swap3A_1339 = vector.shape_cast %swap3A_1338 : vector<1x1x16xf32> to vector<16xf32>
        %swap3A_1340 = vector.shape_cast %add3A_1333 : vector<16xf32> to vector<1x1x16xf32>
        tpu.vector_store %arg7[%swap3A_1335, %swap3A_1336, %swap3A_1337], %swap3A_1340 {strides = array<i32>} : memref<5x128x128xf32, #tpu.memory_space<vmem>>, vector<1x1x16xf32>,
        %get3A_1341 = arith.constant 1 : i32
        %get3A_1342 = arith.index_cast %get3A_1341 : i32 to index
        %get3A_1343 = arith.index_cast %scan3A_1272 : i32 to index
        %get3A_1344 = arith.constant 64 : index
        %get3A_1345 = tpu.vector_load %arg7[%get3A_1342, %get3A_1343, %get3A_1344] {strides = array<i32>} : memref<5x128x128xf32, #tpu.memory_space<vmem>>, vector<1x1x16xf32>,
        %get3A_1346 = vector.shape_cast %get3A_1345 : vector<1x1x16xf32> to vector<16xf32>
        %mul3A_1347 = arith.constant 11.3137083 : f32
        %mul3A_1348 = vector.broadcast %mul3A_1347 : f32 to vector<16xf32>
        %mul3A_1349 = arith.mulf %get3A_1346, %mul3A_1348 : vector<16xf32>
        %add3A_1350 = arith.addf %mul3A_1349, %get3A_516 : vector<16xf32>
        %swap3A_1351 = arith.constant 1 : i32
        %swap3A_1352 = arith.index_cast %swap3A_1351 : i32 to index
        %swap3A_1353 = arith.index_cast %scan3A_1272 : i32 to index
        %swap3A_1354 = arith.constant 64 : index
        %swap3A_1355 = tpu.vector_load %arg7[%swap3A_1352, %swap3A_1353, %swap3A_1354] {strides = array<i32>} : memref<5x128x128xf32, #tpu.memory_space<vmem>>, vector<1x1x16xf32>,
        %swap3A_1356 = vector.shape_cast %swap3A_1355 : vector<1x1x16xf32> to vector<16xf32>
        %swap3A_1357 = vector.shape_cast %add3A_1350 : vector<16xf32> to vector<1x1x16xf32>
        tpu.vector_store %arg7[%swap3A_1352, %swap3A_1353, %swap3A_1354], %swap3A_1357 {strides = array<i32>} : memref<5x128x128xf32, #tpu.memory_space<vmem>>, vector<1x1x16xf32>,
        %get3A_1358 = arith.constant 1 : i32
        %get3A_1359 = arith.index_cast %get3A_1358 : i32 to index
        %get3A_1360 = arith.index_cast %scan3A_1272 : i32 to index
        %get3A_1361 = arith.constant 80 : index
        %get3A_1362 = tpu.vector_load %arg7[%get3A_1359, %get3A_1360, %get3A_1361] {strides = array<i32>} : memref<5x128x128xf32, #tpu.memory_space<vmem>>, vector<1x1x16xf32>,
        %get3A_1363 = vector.shape_cast %get3A_1362 : vector<1x1x16xf32> to vector<16xf32>
        %mul3A_1364 = arith.constant 11.3137083 : f32
        %mul3A_1365 = vector.broadcast %mul3A_1364 : f32 to vector<16xf32>
        %mul3A_1366 = arith.mulf %get3A_1363, %mul3A_1365 : vector<16xf32>
        %add3A_1367 = arith.addf %mul3A_1366, %get3A_520 : vector<16xf32>
        %swap3A_1368 = arith.constant 1 : i32
        %swap3A_1369 = arith.index_cast %swap3A_1368 : i32 to index
        %swap3A_1370 = arith.index_cast %scan3A_1272 : i32 to index
        %swap3A_1371 = arith.constant 80 : index
        %swap3A_1372 = tpu.vector_load %arg7[%swap3A_1369, %swap3A_1370, %swap3A_1371] {strides = array<i32>} : memref<5x128x128xf32, #tpu.memory_space<vmem>>, vector<1x1x16xf32>,
        %swap3A_1373 = vector.shape_cast %swap3A_1372 : vector<1x1x16xf32> to vector<16xf32>
        %swap3A_1374 = vector.shape_cast %add3A_1367 : vector<16xf32> to vector<1x1x16xf32>
        tpu.vector_store %arg7[%swap3A_1369, %swap3A_1370, %swap3A_1371], %swap3A_1374 {strides = array<i32>} : memref<5x128x128xf32, #tpu.memory_space<vmem>>, vector<1x1x16xf32>,
        %get3A_1375 = arith.constant 1 : i32
        %get3A_1376 = arith.index_cast %get3A_1375 : i32 to index
        %get3A_1377 = arith.index_cast %scan3A_1272 : i32 to index
        %get3A_1378 = arith.constant 96 : index
        %get3A_1379 = tpu.vector_load %arg7[%get3A_1376, %get3A_1377, %get3A_1378] {strides = array<i32>} : memref<5x128x128xf32, #tpu.memory_space<vmem>>, vector<1x1x16xf32>,
        %get3A_1380 = vector.shape_cast %get3A_1379 : vector<1x1x16xf32> to vector<16xf32>
        %mul3A_1381 = arith.constant 11.3137083 : f32
        %mul3A_1382 = vector.broadcast %mul3A_1381 : f32 to vector<16xf32>
        %mul3A_1383 = arith.mulf %get3A_1380, %mul3A_1382 : vector<16xf32>
        %add3A_1384 = arith.addf %mul3A_1383, %get3A_524 : vector<16xf32>
        %swap3A_1385 = arith.constant 1 : i32
        %swap3A_1386 = arith.index_cast %swap3A_1385 : i32 to index
        %swap3A_1387 = arith.index_cast %scan3A_1272 : i32 to index
        %swap3A_1388 = arith.constant 96 : index
        %swap3A_1389 = tpu.vector_load %arg7[%swap3A_1386, %swap3A_1387, %swap3A_1388] {strides = array<i32>} : memref<5x128x128xf32, #tpu.memory_space<vmem>>, vector<1x1x16xf32>,
        %swap3A_1390 = vector.shape_cast %swap3A_1389 : vector<1x1x16xf32> to vector<16xf32>
        %swap3A_1391 = vector.shape_cast %add3A_1384 : vector<16xf32> to vector<1x1x16xf32>
        tpu.vector_store %arg7[%swap3A_1386, %swap3A_1387, %swap3A_1388], %swap3A_1391 {strides = array<i32>} : memref<5x128x128xf32, #tpu.memory_space<vmem>>, vector<1x1x16xf32>,
        %get3A_1392 = arith.constant 1 : i32
        %get3A_1393 = arith.index_cast %get3A_1392 : i32 to index
        %get3A_1394 = arith.index_cast %scan3A_1272 : i32 to index
        %get3A_1395 = arith.constant 112 : index
        %get3A_1396 = tpu.vector_load %arg7[%get3A_1393, %get3A_1394, %get3A_1395] {strides = array<i32>} : memref<5x128x128xf32, #tpu.memory_space<vmem>>, vector<1x1x16xf32>,
        %get3A_1397 = vector.shape_cast %get3A_1396 : vector<1x1x16xf32> to vector<16xf32>
        %mul3A_1398 = arith.constant 11.3137083 : f32
        %mul3A_1399 = vector.broadcast %mul3A_1398 : f32 to vector<16xf32>
        %mul3A_1400 = arith.mulf %get3A_1397, %mul3A_1399 : vector<16xf32>
        %add3A_1401 = arith.addf %mul3A_1400, %get3A_528 : vector<16xf32>
        %swap3A_1402 = arith.constant 1 : i32
        %swap3A_1403 = arith.index_cast %swap3A_1402 : i32 to index
        %swap3A_1404 = arith.index_cast %scan3A_1272 : i32 to index
        %swap3A_1405 = arith.constant 112 : index
        %swap3A_1406 = tpu.vector_load %arg7[%swap3A_1403, %swap3A_1404, %swap3A_1405] {strides = array<i32>} : memref<5x128x128xf32, #tpu.memory_space<vmem>>, vector<1x1x16xf32>,
        %swap3A_1407 = vector.shape_cast %swap3A_1406 : vector<1x1x16xf32> to vector<16xf32>
        %swap3A_1408 = vector.shape_cast %add3A_1401 : vector<16xf32> to vector<1x1x16xf32>
        tpu.vector_store %arg7[%swap3A_1403, %swap3A_1404, %swap3A_1405], %swap3A_1408 {strides = array<i32>} : memref<5x128x128xf32, #tpu.memory_space<vmem>>, vector<1x1x16xf32>,
      }
      %scan3A_649 = arith.constant 64 : i32
      %dma_start3A_650 = arith.constant 1 : i32
      %dma_start3A_651 = arith.constant 1 : i32
      %dma_start3A_652 = arith.constant 1 : i32
      %dma_start3A_653 = arith.constant 64 : i32
      %dma_start3A_654 = arith.constant 0 : i32
      %dma_start3A_655 = tpu.memref_slice %arg7[%dma_start3A_650, %dma_start3A_653, %dma_start3A_654] : memref<5x128x128xf32, #tpu.memory_space<vmem>> -> memref<1x64x128xf32, #tpu.memory_space<vmem>>
      %dma_start3A_656 = tpu.memref_squeeze %dma_start3A_655 : memref<1x64x128xf32, #tpu.memory_space<vmem>> -> memref<64x128xf32, #tpu.memory_space<vmem>>
      %dma_start3A_657 = arith.constant 0 : i32
      %dma_start3A_658 = tpu.memref_slice %arg9[%dma_start3A_651, %dma_start3A_652, %dma_start3A_657] : memref<5x2x64xi32, #tpu.memory_space<vmem>> -> memref<1x1x64xi32, #tpu.memory_space<vmem>>
      %dma_start3A_659 = tpu.memref_squeeze %dma_start3A_658 : memref<1x1x64xi32, #tpu.memory_space<vmem>> -> memref<64xi32, #tpu.memory_space<vmem>>
      %dma_start3A_660 = arith.constant 0 : i32
      %dma_start3A_661 = arith.constant 0 : i32
      %dma_start3A_662 = tpu.memref_slice %arg5[%dma_start3A_660, %dma_start3A_661] : memref<204800x128xf32, #tpu.memory_space<hbm>> -> memref<204800x128xf32, #tpu.memory_space<hbm>>
      tpu.enqueue_indirect_dma source(%dma_start3A_656 : memref<64x128xf32, #tpu.memory_space<vmem>>) target(%dma_start3A_662 : memref<204800x128xf32, #tpu.memory_space<hbm>>) offsets(%dma_start3A_659 : memref<64xi32, #tpu.memory_space<vmem>>) semaphore(%arg16 : memref<!tpu.dma_semaphore, #tpu.memory_space<semaphore_mem>>)
      %mul3A_663 = arith.constant 5 : i32
      %mul3A_664 = arith.muli %scan3A_261, %mul3A_663 : i32
      %add3A_665 = arith.constant 2 : i32
      %add3A_666 = arith.addi %mul3A_664, %add3A_665 : i32
      %add3A_667 = arith.constant 3 : i32
      %add3A_668 = arith.addi %add3A_666, %add3A_667 : i32
      %lt3A_669 = arith.constant 50 : i32
      %lt3A_670 = arith.cmpi slt, %add3A_668, %lt3A_669 : i32
      %convert_element_type3A_671 = arith.extui %lt3A_670 : i1 to i32
      %cond3A_672 = arith.constant 0 : i32
      %cond3A_673 = arith.cmpi ne, %convert_element_type3A_671, %cond3A_672 : i32
      scf.if %cond3A_673 {
        %dma_wait3A_1272 = arith.constant 0 : i32
        %dma_wait3A_1273 = arith.constant 0 : i32
        %dma_wait3A_1274 = arith.constant 0 : i32
        %dma_wait3A_1275 = arith.constant 0 : i32
        %dma_wait3A_1276 = tpu.memref_slice %arg6[%dma_wait3A_1274, %dma_wait3A_1275] : memref<5x128xi32, #tpu.memory_space<vmem>> -> memref<1x128xi32, #tpu.memory_space<vmem>>
        %dma_wait3A_1277 = tpu.memref_squeeze %dma_wait3A_1276 : memref<1x128xi32, #tpu.memory_space<vmem>> -> memref<128xi32, #tpu.memory_space<vmem>>
        %dma_wait3A_1278 = arith.constant 0 : i32
        %dma_wait3A_1279 = tpu.memref_slice %arg2[%dma_wait3A_1272, %dma_wait3A_1273, %dma_wait3A_1278] : memref<200x8x128xi32, #tpu.memory_space<hbm>> -> memref<1x1x128xi32, #tpu.memory_space<hbm>>
        %dma_wait3A_1280 = tpu.memref_squeeze %dma_wait3A_1279 : memref<1x1x128xi32, #tpu.memory_space<hbm>> -> memref<128xi32, #tpu.memory_space<hbm>>
        %dma_wait3A_1281 = arith.constant 0 : i32
        %dma_wait3A_1282 = tpu.memref_slice %arg6[%dma_wait3A_1274, %dma_wait3A_1281] : memref<5x128xi32, #tpu.memory_space<vmem>> -> memref<1x128xi32, #tpu.memory_space<vmem>>
        %dma_wait3A_1283 = tpu.memref_squeeze %dma_wait3A_1282 : memref<1x128xi32, #tpu.memory_space<vmem>> -> memref<128xi32, #tpu.memory_space<vmem>>
        %dma_wait3A_1284 = arith.constant 0 : i32
        %dma_wait3A_1285 = tpu.memref_slice %arg2[%dma_wait3A_1272, %dma_wait3A_1273, %dma_wait3A_1284] : memref<200x8x128xi32, #tpu.memory_space<hbm>> -> memref<1x1x128xi32, #tpu.memory_space<hbm>>
        %dma_wait3A_1286 = tpu.memref_squeeze %dma_wait3A_1285 : memref<1x1x128xi32, #tpu.memory_space<hbm>> -> memref<128xi32, #tpu.memory_space<hbm>>
        tpu.wait_dma2 semaphore(%arg20 : memref<!tpu.dma_semaphore, #tpu.memory_space<semaphore_mem>>) src(%dma_wait3A_1286 : memref<128xi32, #tpu.memory_space<hbm>>) dst(%dma_wait3A_1283 : memref<128xi32, #tpu.memory_space<vmem>>)
        %add3A_1287 = arith.constant 3 : i32
        %add3A_1288 = arith.addi %add3A_666, %add3A_1287 : i32
        %ge3A = arith.constant 5 : i32
        %ge3A_1289 = arith.cmpi sge, %add3A_1288, %ge3A : i32
        %convert_element_type3A_1290 = arith.extui %ge3A_1289 : i1 to i32
        %cond3A_1291 = arith.constant 0 : i32
        %cond3A_1292 = arith.cmpi ne, %convert_element_type3A_1290, %cond3A_1291 : i32
        scf.if %cond3A_1292 {
          %dma_wait3A_1305 = arith.constant 0 : i32
          %dma_wait3A_1306 = arith.constant 0 : i32
          %dma_wait3A_1307 = arith.constant 0 : i32
          %dma_wait3A_1308 = tpu.memref_slice %arg7[%dma_wait3A_1305, %dma_wait3A_1306, %dma_wait3A_1307] : memref<5x128x128xf32, #tpu.memory_space<vmem>> -> memref<1x128x128xf32, #tpu.memory_space<vmem>>
          %dma_wait3A_1309 = tpu.memref_squeeze %dma_wait3A_1308 : memref<1x128x128xf32, #tpu.memory_space<vmem>> -> memref<128x128xf32, #tpu.memory_space<vmem>>
          %dma_wait3A_1310 = arith.constant 0 : i32
          %dma_wait3A_1311 = arith.constant 0 : i32
          %dma_wait3A_1312 = tpu.memref_slice %arg5[%dma_wait3A_1310, %dma_wait3A_1311] : memref<204800x128xf32, #tpu.memory_space<hbm>> -> memref<128x128xf32, #tpu.memory_space<hbm>>
          %dma_wait3A_1313 = arith.constant 0 : i32
          %dma_wait3A_1314 = arith.constant 0 : i32
          %dma_wait3A_1315 = tpu.memref_slice %arg5[%dma_wait3A_1313, %dma_wait3A_1314] : memref<204800x128xf32, #tpu.memory_space<hbm>> -> memref<128x128xf32, #tpu.memory_space<hbm>>
          %dma_wait3A_1316 = arith.constant 0 : i32
          %dma_wait3A_1317 = arith.constant 0 : i32
          %dma_wait3A_1318 = tpu.memref_slice %arg7[%dma_wait3A_1305, %dma_wait3A_1316, %dma_wait3A_1317] : memref<5x128x128xf32, #tpu.memory_space<vmem>> -> memref<1x128x128xf32, #tpu.memory_space<vmem>>
          %dma_wait3A_1319 = tpu.memref_squeeze %dma_wait3A_1318 : memref<1x128x128xf32, #tpu.memory_space<vmem>> -> memref<128x128xf32, #tpu.memory_space<vmem>>
          tpu.wait_dma2 semaphore(%arg15 : memref<!tpu.dma_semaphore, #tpu.memory_space<semaphore_mem>>) src(%dma_wait3A_1319 : memref<128x128xf32, #tpu.memory_space<vmem>>) dst(%dma_wait3A_1315 : memref<128x128xf32, #tpu.memory_space<hbm>>)
        } else {
        }
        %dma_start3A_1293 = arith.constant 0 : i32
        %dma_start3A_1294 = arith.constant 0 : i32
        %dma_start3A_1295 = arith.constant 0 : i32
        %dma_start3A_1296 = arith.constant 0 : i32
        %dma_start3A_1297 = tpu.memref_slice %arg7[%dma_start3A_1294, %dma_start3A_1295, %dma_start3A_1296] : memref<5x128x128xf32, #tpu.memory_space<vmem>> -> memref<1x128x128xf32, #tpu.memory_space<vmem>>
        %dma_start3A_1298 = tpu.memref_squeeze %dma_start3A_1297 : memref<1x128x128xf32, #tpu.memory_space<vmem>> -> memref<128x128xf32, #tpu.memory_space<vmem>>
        %dma_start3A_1299 = arith.constant 0 : i32
        %dma_start3A_1300 = tpu.memref_slice %arg6[%dma_start3A_1293, %dma_start3A_1299] : memref<5x128xi32, #tpu.memory_space<vmem>> -> memref<1x128xi32, #tpu.memory_space<vmem>>
        %dma_start3A_1301 = tpu.memref_squeeze %dma_start3A_1300 : memref<1x128xi32, #tpu.memory_space<vmem>> -> memref<128xi32, #tpu.memory_space<vmem>>
        %dma_start3A_1302 = arith.constant 0 : i32
        %dma_start3A_1303 = arith.constant 0 : i32
        %dma_start3A_1304 = tpu.memref_slice %arg3[%dma_start3A_1302, %dma_start3A_1303] : memref<100000x128xf32, #tpu.memory_space<hbm>> -> memref<100000x128xf32, #tpu.memory_space<hbm>>
        tpu.enqueue_indirect_dma source(%dma_start3A_1304 : memref<100000x128xf32, #tpu.memory_space<hbm>>) target(%dma_start3A_1298 : memref<128x128xf32, #tpu.memory_space<vmem>>) offsets(%dma_start3A_1301 : memref<128xi32, #tpu.memory_space<vmem>>) semaphore(%arg10 : memref<!tpu.dma_semaphore, #tpu.memory_space<semaphore_mem>>)
      } else {
      }
      %dma_wait3A_674 = arith.constant 0 : i32
      %dma_wait3A_675 = arith.constant 0 : i32
      %dma_wait3A_676 = arith.constant 0 : i32
      %dma_wait3A_677 = tpu.memref_slice %arg7[%dma_wait3A_674, %dma_wait3A_675, %dma_wait3A_676] : memref<5x128x128xf32, #tpu.memory_space<vmem>> -> memref<1x128x128xf32, #tpu.memory_space<vmem>>
      %dma_wait3A_678 = tpu.memref_squeeze %dma_wait3A_677 : memref<1x128x128xf32, #tpu.memory_space<vmem>> -> memref<128x128xf32, #tpu.memory_space<vmem>>
      %dma_wait3A_679 = arith.constant 0 : i32
      %dma_wait3A_680 = arith.constant 0 : i32
      %dma_wait3A_681 = tpu.memref_slice %arg5[%dma_wait3A_679, %dma_wait3A_680] : memref<204800x128xf32, #tpu.memory_space<hbm>> -> memref<128x128xf32, #tpu.memory_space<hbm>>
      %dma_wait3A_682 = arith.constant 0 : i32
      %dma_wait3A_683 = arith.constant 0 : i32
      %dma_wait3A_684 = tpu.memref_slice %arg7[%dma_wait3A_674, %dma_wait3A_682, %dma_wait3A_683] : memref<5x128x128xf32, #tpu.memory_space<vmem>> -> memref<1x128x128xf32, #tpu.memory_space<vmem>>
      %dma_wait3A_685 = tpu.memref_squeeze %dma_wait3A_684 : memref<1x128x128xf32, #tpu.memory_space<vmem>> -> memref<128x128xf32, #tpu.memory_space<vmem>>
      %dma_wait3A_686 = arith.constant 0 : i32
      %dma_wait3A_687 = arith.constant 0 : i32
      %dma_wait3A_688 = tpu.memref_slice %arg5[%dma_wait3A_686, %dma_wait3A_687] : memref<204800x128xf32, #tpu.memory_space<hbm>> -> memref<128x128xf32, #tpu.memory_space<hbm>>
      tpu.wait_dma2 semaphore(%arg12 : memref<!tpu.dma_semaphore, #tpu.memory_space<semaphore_mem>>) src(%dma_wait3A_688 : memref<128x128xf32, #tpu.memory_space<hbm>>) dst(%dma_wait3A_685 : memref<128x128xf32, #tpu.memory_space<vmem>>)
      %add3A_689 = arith.constant 4 : i32
      %add3A_690 = arith.addi %add3A_666, %add3A_689 : i32
      %lt3A_691 = arith.constant 50 : i32
      %lt3A_692 = arith.cmpi slt, %add3A_690, %lt3A_691 : i32
      %convert_element_type3A_693 = arith.extui %lt3A_692 : i1 to i32
      %cond3A_694 = arith.constant 0 : i32
      %cond3A_695 = arith.cmpi ne, %convert_element_type3A_693, %cond3A_694 : i32
      scf.if %cond3A_695 {
        %add3A_1272 = arith.constant 4 : i32
        %add3A_1273 = arith.addi %add3A_666, %add3A_1272 : i32
        %add3A_1274 = arith.addi %mul3A_22, %add3A_1273 : i32
        %dma_start3A_1275 = arith.constant 1 : i32
        %dma_start3A_1276 = arith.constant 0 : i32
        %dma_start3A_1277 = tpu.memref_slice %arg6[%dma_start3A_1275, %dma_start3A_1276] : memref<5x128xi32, #tpu.memory_space<vmem>> -> memref<1x128xi32, #tpu.memory_space<vmem>>
        %dma_start3A_1278 = tpu.memref_squeeze %dma_start3A_1277 : memref<1x128xi32, #tpu.memory_space<vmem>> -> memref<128xi32, #tpu.memory_space<vmem>>
        %dma_start3A_1279 = arith.constant 0 : i32
        %dma_start3A_1280 = tpu.memref_slice %arg2[%add3A_1274, %rem3A_1, %dma_start3A_1279] : memref<200x8x128xi32, #tpu.memory_space<hbm>> -> memref<1x1x128xi32, #tpu.memory_space<hbm>>
        %dma_start3A_1281 = tpu.memref_squeeze %dma_start3A_1280 : memref<1x1x128xi32, #tpu.memory_space<hbm>> -> memref<128xi32, #tpu.memory_space<hbm>>
        %dma_start3A_1282 = arith.constant 0 : i32
        %dma_start3A_1283 = tpu.memref_slice %arg6[%dma_start3A_1275, %dma_start3A_1282] : memref<5x128xi32, #tpu.memory_space<vmem>> -> memref<1x128xi32, #tpu.memory_space<vmem>>
        %dma_start3A_1284 = tpu.memref_squeeze %dma_start3A_1283 : memref<1x128xi32, #tpu.memory_space<vmem>> -> memref<128xi32, #tpu.memory_space<vmem>>
        %dma_start3A_1285 = arith.constant 0 : i32
        %dma_start3A_1286 = tpu.memref_slice %arg2[%add3A_1274, %rem3A_1, %dma_start3A_1285] : memref<200x8x128xi32, #tpu.memory_space<hbm>> -> memref<1x1x128xi32, #tpu.memory_space<hbm>>
        %dma_start3A_1287 = tpu.memref_squeeze %dma_start3A_1286 : memref<1x1x128xi32, #tpu.memory_space<hbm>> -> memref<128xi32, #tpu.memory_space<hbm>>
        tpu.enqueue_dma source(%dma_start3A_1287 : memref<128xi32, #tpu.memory_space<hbm>>) target(%dma_start3A_1284 : memref<128xi32, #tpu.memory_space<vmem>>) target_semaphore(%arg20 : memref<!tpu.dma_semaphore, #tpu.memory_space<semaphore_mem>>)
      } else {
      }
      %mul3A_696 = arith.constant 200 : i32
      %mul3A_697 = arith.muli %mul3A_20, %mul3A_696 : i32
      %add3A_698 = arith.addi %mul3A_697, %mul3A_22 : i32
      %add3A_699 = arith.addi %add3A_698, %add3A_666 : i32
      %get3A_700 = arith.index_cast %add3A_666 : i32 to index
      %get3A_701 = arith.constant 0 : index
      %get3A_702 = tpu.vector_load %arg8[%get3A_700, %get3A_701] {strides = array<i32>} : memref<50x128xf32, #tpu.memory_space<vmem>>, vector<1x16xf32>,
      %get3A_703 = vector.shape_cast %get3A_702 : vector<1x16xf32> to vector<16xf32>
      %get3A_704 = arith.index_cast %add3A_666 : i32 to index
      %get3A_705 = arith.constant 16 : index
      %get3A_706 = tpu.vector_load %arg8[%get3A_704, %get3A_705] {strides = array<i32>} : memref<50x128xf32, #tpu.memory_space<vmem>>, vector<1x16xf32>,
      %get3A_707 = vector.shape_cast %get3A_706 : vector<1x16xf32> to vector<16xf32>
      %get3A_708 = arith.index_cast %add3A_666 : i32 to index
      %get3A_709 = arith.constant 32 : index
      %get3A_710 = tpu.vector_load %arg8[%get3A_708, %get3A_709] {strides = array<i32>} : memref<50x128xf32, #tpu.memory_space<vmem>>, vector<1x16xf32>,
      %get3A_711 = vector.shape_cast %get3A_710 : vector<1x16xf32> to vector<16xf32>
      %get3A_712 = arith.index_cast %add3A_666 : i32 to index
      %get3A_713 = arith.constant 48 : index
      %get3A_714 = tpu.vector_load %arg8[%get3A_712, %get3A_713] {strides = array<i32>} : memref<50x128xf32, #tpu.memory_space<vmem>>, vector<1x16xf32>,
      %get3A_715 = vector.shape_cast %get3A_714 : vector<1x16xf32> to vector<16xf32>
      %get3A_716 = arith.index_cast %add3A_666 : i32 to index
      %get3A_717 = arith.constant 64 : index
      %get3A_718 = tpu.vector_load %arg8[%get3A_716, %get3A_717] {strides = array<i32>} : memref<50x128xf32, #tpu.memory_space<vmem>>, vector<1x16xf32>,
      %get3A_719 = vector.shape_cast %get3A_718 : vector<1x16xf32> to vector<16xf32>
      %get3A_720 = arith.index_cast %add3A_666 : i32 to index
      %get3A_721 = arith.constant 80 : index
      %get3A_722 = tpu.vector_load %arg8[%get3A_720, %get3A_721] {strides = array<i32>} : memref<50x128xf32, #tpu.memory_space<vmem>>, vector<1x16xf32>,
      %get3A_723 = vector.shape_cast %get3A_722 : vector<1x16xf32> to vector<16xf32>
      %get3A_724 = arith.index_cast %add3A_666 : i32 to index
      %get3A_725 = arith.constant 96 : index
      %get3A_726 = tpu.vector_load %arg8[%get3A_724, %get3A_725] {strides = array<i32>} : memref<50x128xf32, #tpu.memory_space<vmem>>, vector<1x16xf32>,
      %get3A_727 = vector.shape_cast %get3A_726 : vector<1x16xf32> to vector<16xf32>
      %get3A_728 = arith.index_cast %add3A_666 : i32 to index
      %get3A_729 = arith.constant 112 : index
      %get3A_730 = tpu.vector_load %arg8[%get3A_728, %get3A_729] {strides = array<i32>} : memref<50x128xf32, #tpu.memory_space<vmem>>, vector<1x16xf32>,
      %get3A_731 = vector.shape_cast %get3A_730 : vector<1x16xf32> to vector<16xf32>
      %add3A_732 = arith.constant 0 : i32
      %add3A_733 = arith.addi %add3A_699, %add3A_732 : i32
      %add3A_734 = vector.broadcast %add3A_733 : i32 to vector<16xi32>
      %add3A_735 = arith.addi %mul3A_32, %add3A_734 : vector<16xi32>
      %swap3A_736 = arith.constant 2 : i32
      %swap3A_737 = arith.constant 0 : i32
      %swap3A_738 = arith.index_cast %swap3A_736 : i32 to index
      %swap3A_739 = arith.index_cast %swap3A_737 : i32 to index
      %swap3A_740 = arith.constant 0 : index
      %swap3A_741 = tpu.vector_load %arg9[%swap3A_738, %swap3A_739, %swap3A_740] {strides = array<i32>} : memref<5x2x64xi32, #tpu.memory_space<vmem>>, vector<1x1x16xi32>,
      %swap3A_742 = vector.shape_cast %swap3A_741 : vector<1x1x16xi32> to vector<16xi32>
      %swap3A_743 = vector.shape_cast %add3A_735 : vector<16xi32> to vector<1x1x16xi32>
      tpu.vector_store %arg9[%swap3A_738, %swap3A_739, %swap3A_740], %swap3A_743 {strides = array<i32>} : memref<5x2x64xi32, #tpu.memory_space<vmem>>, vector<1x1x16xi32>,
      %add3A_744 = arith.constant 3200 : i32
      %add3A_745 = arith.addi %add3A_699, %add3A_744 : i32
      %add3A_746 = vector.broadcast %add3A_745 : i32 to vector<16xi32>
      %add3A_747 = arith.addi %mul3A_32, %add3A_746 : vector<16xi32>
      %swap3A_748 = arith.constant 2 : i32
      %swap3A_749 = arith.constant 0 : i32
      %swap3A_750 = arith.index_cast %swap3A_748 : i32 to index
      %swap3A_751 = arith.index_cast %swap3A_749 : i32 to index
      %swap3A_752 = arith.constant 16 : index
      %swap3A_753 = tpu.vector_load %arg9[%swap3A_750, %swap3A_751, %swap3A_752] {strides = array<i32>} : memref<5x2x64xi32, #tpu.memory_space<vmem>>, vector<1x1x16xi32>,
      %swap3A_754 = vector.shape_cast %swap3A_753 : vector<1x1x16xi32> to vector<16xi32>
      %swap3A_755 = vector.shape_cast %add3A_747 : vector<16xi32> to vector<1x1x16xi32>
      tpu.vector_store %arg9[%swap3A_750, %swap3A_751, %swap3A_752], %swap3A_755 {strides = array<i32>} : memref<5x2x64xi32, #tpu.memory_space<vmem>>, vector<1x1x16xi32>,
      %add3A_756 = arith.constant 6400 : i32
      %add3A_757 = arith.addi %add3A_699, %add3A_756 : i32
      %add3A_758 = vector.broadcast %add3A_757 : i32 to vector<16xi32>
      %add3A_759 = arith.addi %mul3A_32, %add3A_758 : vector<16xi32>
      %swap3A_760 = arith.constant 2 : i32
      %swap3A_761 = arith.constant 0 : i32
      %swap3A_762 = arith.index_cast %swap3A_760 : i32 to index
      %swap3A_763 = arith.index_cast %swap3A_761 : i32 to index
      %swap3A_764 = arith.constant 32 : index
      %swap3A_765 = tpu.vector_load %arg9[%swap3A_762, %swap3A_763, %swap3A_764] {strides = array<i32>} : memref<5x2x64xi32, #tpu.memory_space<vmem>>, vector<1x1x16xi32>,
      %swap3A_766 = vector.shape_cast %swap3A_765 : vector<1x1x16xi32> to vector<16xi32>
      %swap3A_767 = vector.shape_cast %add3A_759 : vector<16xi32> to vector<1x1x16xi32>
      tpu.vector_store %arg9[%swap3A_762, %swap3A_763, %swap3A_764], %swap3A_767 {strides = array<i32>} : memref<5x2x64xi32, #tpu.memory_space<vmem>>, vector<1x1x16xi32>,
      %add3A_768 = arith.constant 9600 : i32
      %add3A_769 = arith.addi %add3A_699, %add3A_768 : i32
      %add3A_770 = vector.broadcast %add3A_769 : i32 to vector<16xi32>
      %add3A_771 = arith.addi %mul3A_32, %add3A_770 : vector<16xi32>
      %swap3A_772 = arith.constant 2 : i32
      %swap3A_773 = arith.constant 0 : i32
      %swap3A_774 = arith.index_cast %swap3A_772 : i32 to index
      %swap3A_775 = arith.index_cast %swap3A_773 : i32 to index
      %swap3A_776 = arith.constant 48 : index
      %swap3A_777 = tpu.vector_load %arg9[%swap3A_774, %swap3A_775, %swap3A_776] {strides = array<i32>} : memref<5x2x64xi32, #tpu.memory_space<vmem>>, vector<1x1x16xi32>,
      %swap3A_778 = vector.shape_cast %swap3A_777 : vector<1x1x16xi32> to vector<16xi32>
      %swap3A_779 = vector.shape_cast %add3A_771 : vector<16xi32> to vector<1x1x16xi32>
      tpu.vector_store %arg9[%swap3A_774, %swap3A_775, %swap3A_776], %swap3A_779 {strides = array<i32>} : memref<5x2x64xi32, #tpu.memory_space<vmem>>, vector<1x1x16xi32>,
      %scan3A_780 = arith.constant 0 : i32
      %scan3A_781 = arith.constant 0 : i32
      %scan3A_782 = arith.constant 64 : i32
      %scan3A_783 = arith.addi %scan3A_781, %scan3A_782 : i32
      %scan3A_784 = arith.constant 1 : i32
      scf.for %scan3A_1272 = %scan3A_781 to %scan3A_783 step %scan3A_784  : i32 {
        %get3A_1273 = arith.constant 2 : i32
        %get3A_1274 = arith.index_cast %get3A_1273 : i32 to index
        %get3A_1275 = arith.index_cast %scan3A_1272 : i32 to index
        %get3A_1276 = arith.constant 0 : index
        %get3A_1277 = tpu.vector_load %arg7[%get3A_1274, %get3A_1275, %get3A_1276] {strides = array<i32>} : memref<5x128x128xf32, #tpu.memory_space<vmem>>, vector<1x1x16xf32>,
        %get3A_1278 = vector.shape_cast %get3A_1277 : vector<1x1x16xf32> to vector<16xf32>
        %mul3A_1279 = arith.constant 11.3137083 : f32
        %mul3A_1280 = vector.broadcast %mul3A_1279 : f32 to vector<16xf32>
        %mul3A_1281 = arith.mulf %get3A_1278, %mul3A_1280 : vector<16xf32>
        %add3A_1282 = arith.addf %mul3A_1281, %get3A_703 : vector<16xf32>
        %swap3A_1283 = arith.constant 2 : i32
        %swap3A_1284 = arith.index_cast %swap3A_1283 : i32 to index
        %swap3A_1285 = arith.index_cast %scan3A_1272 : i32 to index
        %swap3A_1286 = arith.constant 0 : index
        %swap3A_1287 = tpu.vector_load %arg7[%swap3A_1284, %swap3A_1285, %swap3A_1286] {strides = array<i32>} : memref<5x128x128xf32, #tpu.memory_space<vmem>>, vector<1x1x16xf32>,
        %swap3A_1288 = vector.shape_cast %swap3A_1287 : vector<1x1x16xf32> to vector<16xf32>
        %swap3A_1289 = vector.shape_cast %add3A_1282 : vector<16xf32> to vector<1x1x16xf32>
        tpu.vector_store %arg7[%swap3A_1284, %swap3A_1285, %swap3A_1286], %swap3A_1289 {strides = array<i32>} : memref<5x128x128xf32, #tpu.memory_space<vmem>>, vector<1x1x16xf32>,
        %get3A_1290 = arith.constant 2 : i32
        %get3A_1291 = arith.index_cast %get3A_1290 : i32 to index
        %get3A_1292 = arith.index_cast %scan3A_1272 : i32 to index
        %get3A_1293 = arith.constant 16 : index
        %get3A_1294 = tpu.vector_load %arg7[%get3A_1291, %get3A_1292, %get3A_1293] {strides = array<i32>} : memref<5x128x128xf32, #tpu.memory_space<vmem>>, vector<1x1x16xf32>,
        %get3A_1295 = vector.shape_cast %get3A_1294 : vector<1x1x16xf32> to vector<16xf32>
        %mul3A_1296 = arith.constant 11.3137083 : f32
        %mul3A_1297 = vector.broadcast %mul3A_1296 : f32 to vector<16xf32>
        %mul3A_1298 = arith.mulf %get3A_1295, %mul3A_1297 : vector<16xf32>
        %add3A_1299 = arith.addf %mul3A_1298, %get3A_707 : vector<16xf32>
        %swap3A_1300 = arith.constant 2 : i32
        %swap3A_1301 = arith.index_cast %swap3A_1300 : i32 to index
        %swap3A_1302 = arith.index_cast %scan3A_1272 : i32 to index
        %swap3A_1303 = arith.constant 16 : index
        %swap3A_1304 = tpu.vector_load %arg7[%swap3A_1301, %swap3A_1302, %swap3A_1303] {strides = array<i32>} : memref<5x128x128xf32, #tpu.memory_space<vmem>>, vector<1x1x16xf32>,
        %swap3A_1305 = vector.shape_cast %swap3A_1304 : vector<1x1x16xf32> to vector<16xf32>
        %swap3A_1306 = vector.shape_cast %add3A_1299 : vector<16xf32> to vector<1x1x16xf32>
        tpu.vector_store %arg7[%swap3A_1301, %swap3A_1302, %swap3A_1303], %swap3A_1306 {strides = array<i32>} : memref<5x128x128xf32, #tpu.memory_space<vmem>>, vector<1x1x16xf32>,
        %get3A_1307 = arith.constant 2 : i32
        %get3A_1308 = arith.index_cast %get3A_1307 : i32 to index
        %get3A_1309 = arith.index_cast %scan3A_1272 : i32 to index
        %get3A_1310 = arith.constant 32 : index
        %get3A_1311 = tpu.vector_load %arg7[%get3A_1308, %get3A_1309, %get3A_1310] {strides = array<i32>} : memref<5x128x128xf32, #tpu.memory_space<vmem>>, vector<1x1x16xf32>,
        %get3A_1312 = vector.shape_cast %get3A_1311 : vector<1x1x16xf32> to vector<16xf32>
        %mul3A_1313 = arith.constant 11.3137083 : f32
        %mul3A_1314 = vector.broadcast %mul3A_1313 : f32 to vector<16xf32>
        %mul3A_1315 = arith.mulf %get3A_1312, %mul3A_1314 : vector<16xf32>
        %add3A_1316 = arith.addf %mul3A_1315, %get3A_711 : vector<16xf32>
        %swap3A_1317 = arith.constant 2 : i32
        %swap3A_1318 = arith.index_cast %swap3A_1317 : i32 to index
        %swap3A_1319 = arith.index_cast %scan3A_1272 : i32 to index
        %swap3A_1320 = arith.constant 32 : index
        %swap3A_1321 = tpu.vector_load %arg7[%swap3A_1318, %swap3A_1319, %swap3A_1320] {strides = array<i32>} : memref<5x128x128xf32, #tpu.memory_space<vmem>>, vector<1x1x16xf32>,
        %swap3A_1322 = vector.shape_cast %swap3A_1321 : vector<1x1x16xf32> to vector<16xf32>
        %swap3A_1323 = vector.shape_cast %add3A_1316 : vector<16xf32> to vector<1x1x16xf32>
        tpu.vector_store %arg7[%swap3A_1318, %swap3A_1319, %swap3A_1320], %swap3A_1323 {strides = array<i32>} : memref<5x128x128xf32, #tpu.memory_space<vmem>>, vector<1x1x16xf32>,
        %get3A_1324 = arith.constant 2 : i32
        %get3A_1325 = arith.index_cast %get3A_1324 : i32 to index
        %get3A_1326 = arith.index_cast %scan3A_1272 : i32 to index
        %get3A_1327 = arith.constant 48 : index
        %get3A_1328 = tpu.vector_load %arg7[%get3A_1325, %get3A_1326, %get3A_1327] {strides = array<i32>} : memref<5x128x128xf32, #tpu.memory_space<vmem>>, vector<1x1x16xf32>,
        %get3A_1329 = vector.shape_cast %get3A_1328 : vector<1x1x16xf32> to vector<16xf32>
        %mul3A_1330 = arith.constant 11.3137083 : f32
        %mul3A_1331 = vector.broadcast %mul3A_1330 : f32 to vector<16xf32>
        %mul3A_1332 = arith.mulf %get3A_1329, %mul3A_1331 : vector<16xf32>
        %add3A_1333 = arith.addf %mul3A_1332, %get3A_715 : vector<16xf32>
        %swap3A_1334 = arith.constant 2 : i32
        %swap3A_1335 = arith.index_cast %swap3A_1334 : i32 to index
        %swap3A_1336 = arith.index_cast %scan3A_1272 : i32 to index
        %swap3A_1337 = arith.constant 48 : index
        %swap3A_1338 = tpu.vector_load %arg7[%swap3A_1335, %swap3A_1336, %swap3A_1337] {strides = array<i32>} : memref<5x128x128xf32, #tpu.memory_space<vmem>>, vector<1x1x16xf32>,
        %swap3A_1339 = vector.shape_cast %swap3A_1338 : vector<1x1x16xf32> to vector<16xf32>
        %swap3A_1340 = vector.shape_cast %add3A_1333 : vector<16xf32> to vector<1x1x16xf32>
        tpu.vector_store %arg7[%swap3A_1335, %swap3A_1336, %swap3A_1337], %swap3A_1340 {strides = array<i32>} : memref<5x128x128xf32, #tpu.memory_space<vmem>>, vector<1x1x16xf32>,
        %get3A_1341 = arith.constant 2 : i32
        %get3A_1342 = arith.index_cast %get3A_1341 : i32 to index
        %get3A_1343 = arith.index_cast %scan3A_1272 : i32 to index
        %get3A_1344 = arith.constant 64 : index
        %get3A_1345 = tpu.vector_load %arg7[%get3A_1342, %get3A_1343, %get3A_1344] {strides = array<i32>} : memref<5x128x128xf32, #tpu.memory_space<vmem>>, vector<1x1x16xf32>,
        %get3A_1346 = vector.shape_cast %get3A_1345 : vector<1x1x16xf32> to vector<16xf32>
        %mul3A_1347 = arith.constant 11.3137083 : f32
        %mul3A_1348 = vector.broadcast %mul3A_1347 : f32 to vector<16xf32>
        %mul3A_1349 = arith.mulf %get3A_1346, %mul3A_1348 : vector<16xf32>
        %add3A_1350 = arith.addf %mul3A_1349, %get3A_719 : vector<16xf32>
        %swap3A_1351 = arith.constant 2 : i32
        %swap3A_1352 = arith.index_cast %swap3A_1351 : i32 to index
        %swap3A_1353 = arith.index_cast %scan3A_1272 : i32 to index
        %swap3A_1354 = arith.constant 64 : index
        %swap3A_1355 = tpu.vector_load %arg7[%swap3A_1352, %swap3A_1353, %swap3A_1354] {strides = array<i32>} : memref<5x128x128xf32, #tpu.memory_space<vmem>>, vector<1x1x16xf32>,
        %swap3A_1356 = vector.shape_cast %swap3A_1355 : vector<1x1x16xf32> to vector<16xf32>
        %swap3A_1357 = vector.shape_cast %add3A_1350 : vector<16xf32> to vector<1x1x16xf32>
        tpu.vector_store %arg7[%swap3A_1352, %swap3A_1353, %swap3A_1354], %swap3A_1357 {strides = array<i32>} : memref<5x128x128xf32, #tpu.memory_space<vmem>>, vector<1x1x16xf32>,
        %get3A_1358 = arith.constant 2 : i32
        %get3A_1359 = arith.index_cast %get3A_1358 : i32 to index
        %get3A_1360 = arith.index_cast %scan3A_1272 : i32 to index
        %get3A_1361 = arith.constant 80 : index
        %get3A_1362 = tpu.vector_load %arg7[%get3A_1359, %get3A_1360, %get3A_1361] {strides = array<i32>} : memref<5x128x128xf32, #tpu.memory_space<vmem>>, vector<1x1x16xf32>,
        %get3A_1363 = vector.shape_cast %get3A_1362 : vector<1x1x16xf32> to vector<16xf32>
        %mul3A_1364 = arith.constant 11.3137083 : f32
        %mul3A_1365 = vector.broadcast %mul3A_1364 : f32 to vector<16xf32>
        %mul3A_1366 = arith.mulf %get3A_1363, %mul3A_1365 : vector<16xf32>
        %add3A_1367 = arith.addf %mul3A_1366, %get3A_723 : vector<16xf32>
        %swap3A_1368 = arith.constant 2 : i32
        %swap3A_1369 = arith.index_cast %swap3A_1368 : i32 to index
        %swap3A_1370 = arith.index_cast %scan3A_1272 : i32 to index
        %swap3A_1371 = arith.constant 80 : index
        %swap3A_1372 = tpu.vector_load %arg7[%swap3A_1369, %swap3A_1370, %swap3A_1371] {strides = array<i32>} : memref<5x128x128xf32, #tpu.memory_space<vmem>>, vector<1x1x16xf32>,
        %swap3A_1373 = vector.shape_cast %swap3A_1372 : vector<1x1x16xf32> to vector<16xf32>
        %swap3A_1374 = vector.shape_cast %add3A_1367 : vector<16xf32> to vector<1x1x16xf32>
        tpu.vector_store %arg7[%swap3A_1369, %swap3A_1370, %swap3A_1371], %swap3A_1374 {strides = array<i32>} : memref<5x128x128xf32, #tpu.memory_space<vmem>>, vector<1x1x16xf32>,
        %get3A_1375 = arith.constant 2 : i32
        %get3A_1376 = arith.index_cast %get3A_1375 : i32 to index
        %get3A_1377 = arith.index_cast %scan3A_1272 : i32 to index
        %get3A_1378 = arith.constant 96 : index
        %get3A_1379 = tpu.vector_load %arg7[%get3A_1376, %get3A_1377, %get3A_1378] {strides = array<i32>} : memref<5x128x128xf32, #tpu.memory_space<vmem>>, vector<1x1x16xf32>,
        %get3A_1380 = vector.shape_cast %get3A_1379 : vector<1x1x16xf32> to vector<16xf32>
        %mul3A_1381 = arith.constant 11.3137083 : f32
        %mul3A_1382 = vector.broadcast %mul3A_1381 : f32 to vector<16xf32>
        %mul3A_1383 = arith.mulf %get3A_1380, %mul3A_1382 : vector<16xf32>
        %add3A_1384 = arith.addf %mul3A_1383, %get3A_727 : vector<16xf32>
        %swap3A_1385 = arith.constant 2 : i32
        %swap3A_1386 = arith.index_cast %swap3A_1385 : i32 to index
        %swap3A_1387 = arith.index_cast %scan3A_1272 : i32 to index
        %swap3A_1388 = arith.constant 96 : index
        %swap3A_1389 = tpu.vector_load %arg7[%swap3A_1386, %swap3A_1387, %swap3A_1388] {strides = array<i32>} : memref<5x128x128xf32, #tpu.memory_space<vmem>>, vector<1x1x16xf32>,
        %swap3A_1390 = vector.shape_cast %swap3A_1389 : vector<1x1x16xf32> to vector<16xf32>
        %swap3A_1391 = vector.shape_cast %add3A_1384 : vector<16xf32> to vector<1x1x16xf32>
        tpu.vector_store %arg7[%swap3A_1386, %swap3A_1387, %swap3A_1388], %swap3A_1391 {strides = array<i32>} : memref<5x128x128xf32, #tpu.memory_space<vmem>>, vector<1x1x16xf32>,
        %get3A_1392 = arith.constant 2 : i32
        %get3A_1393 = arith.index_cast %get3A_1392 : i32 to index
        %get3A_1394 = arith.index_cast %scan3A_1272 : i32 to index
        %get3A_1395 = arith.constant 112 : index
        %get3A_1396 = tpu.vector_load %arg7[%get3A_1393, %get3A_1394, %get3A_1395] {strides = array<i32>} : memref<5x128x128xf32, #tpu.memory_space<vmem>>, vector<1x1x16xf32>,
        %get3A_1397 = vector.shape_cast %get3A_1396 : vector<1x1x16xf32> to vector<16xf32>
        %mul3A_1398 = arith.constant 11.3137083 : f32
        %mul3A_1399 = vector.broadcast %mul3A_1398 : f32 to vector<16xf32>
        %mul3A_1400 = arith.mulf %get3A_1397, %mul3A_1399 : vector<16xf32>
        %add3A_1401 = arith.addf %mul3A_1400, %get3A_731 : vector<16xf32>
        %swap3A_1402 = arith.constant 2 : i32
        %swap3A_1403 = arith.index_cast %swap3A_1402 : i32 to index
        %swap3A_1404 = arith.index_cast %scan3A_1272 : i32 to index
        %swap3A_1405 = arith.constant 112 : index
        %swap3A_1406 = tpu.vector_load %arg7[%swap3A_1403, %swap3A_1404, %swap3A_1405] {strides = array<i32>} : memref<5x128x128xf32, #tpu.memory_space<vmem>>, vector<1x1x16xf32>,
        %swap3A_1407 = vector.shape_cast %swap3A_1406 : vector<1x1x16xf32> to vector<16xf32>
        %swap3A_1408 = vector.shape_cast %add3A_1401 : vector<16xf32> to vector<1x1x16xf32>
        tpu.vector_store %arg7[%swap3A_1403, %swap3A_1404, %swap3A_1405], %swap3A_1408 {strides = array<i32>} : memref<5x128x128xf32, #tpu.memory_space<vmem>>, vector<1x1x16xf32>,
      }
      %scan3A_785 = arith.constant 64 : i32
      %dma_start3A_786 = arith.constant 2 : i32
      %dma_start3A_787 = arith.constant 2 : i32
      %dma_start3A_788 = arith.constant 0 : i32
      %dma_start3A_789 = arith.constant 0 : i32
      %dma_start3A_790 = arith.constant 0 : i32
      %dma_start3A_791 = tpu.memref_slice %arg7[%dma_start3A_786, %dma_start3A_789, %dma_start3A_790] : memref<5x128x128xf32, #tpu.memory_space<vmem>> -> memref<1x64x128xf32, #tpu.memory_space<vmem>>
      %dma_start3A_792 = tpu.memref_squeeze %dma_start3A_791 : memref<1x64x128xf32, #tpu.memory_space<vmem>> -> memref<64x128xf32, #tpu.memory_space<vmem>>
      %dma_start3A_793 = arith.constant 0 : i32
      %dma_start3A_794 = tpu.memref_slice %arg9[%dma_start3A_787, %dma_start3A_788, %dma_start3A_793] : memref<5x2x64xi32, #tpu.memory_space<vmem>> -> memref<1x1x64xi32, #tpu.memory_space<vmem>>
      %dma_start3A_795 = tpu.memref_squeeze %dma_start3A_794 : memref<1x1x64xi32, #tpu.memory_space<vmem>> -> memref<64xi32, #tpu.memory_space<vmem>>
      %dma_start3A_796 = arith.constant 0 : i32
      %dma_start3A_797 = arith.constant 0 : i32
      %dma_start3A_798 = tpu.memref_slice %arg5[%dma_start3A_796, %dma_start3A_797] : memref<204800x128xf32, #tpu.memory_space<hbm>> -> memref<204800x128xf32, #tpu.memory_space<hbm>>
      tpu.enqueue_indirect_dma source(%dma_start3A_792 : memref<64x128xf32, #tpu.memory_space<vmem>>) target(%dma_start3A_798 : memref<204800x128xf32, #tpu.memory_space<hbm>>) offsets(%dma_start3A_795 : memref<64xi32, #tpu.memory_space<vmem>>) semaphore(%arg17 : memref<!tpu.dma_semaphore, #tpu.memory_space<semaphore_mem>>)
      %add3A_799 = arith.constant 12800 : i32
      %add3A_800 = arith.addi %add3A_699, %add3A_799 : i32
      %add3A_801 = vector.broadcast %add3A_800 : i32 to vector<16xi32>
      %add3A_802 = arith.addi %mul3A_32, %add3A_801 : vector<16xi32>
      %swap3A_803 = arith.constant 2 : i32
      %swap3A_804 = arith.constant 1 : i32
      %swap3A_805 = arith.index_cast %swap3A_803 : i32 to index
      %swap3A_806 = arith.index_cast %swap3A_804 : i32 to index
      %swap3A_807 = arith.constant 0 : index
      %swap3A_808 = tpu.vector_load %arg9[%swap3A_805, %swap3A_806, %swap3A_807] {strides = array<i32>} : memref<5x2x64xi32, #tpu.memory_space<vmem>>, vector<1x1x16xi32>,
      %swap3A_809 = vector.shape_cast %swap3A_808 : vector<1x1x16xi32> to vector<16xi32>
      %swap3A_810 = vector.shape_cast %add3A_802 : vector<16xi32> to vector<1x1x16xi32>
      tpu.vector_store %arg9[%swap3A_805, %swap3A_806, %swap3A_807], %swap3A_810 {strides = array<i32>} : memref<5x2x64xi32, #tpu.memory_space<vmem>>, vector<1x1x16xi32>,
      %add3A_811 = arith.constant 16000 : i32
      %add3A_812 = arith.addi %add3A_699, %add3A_811 : i32
      %add3A_813 = vector.broadcast %add3A_812 : i32 to vector<16xi32>
      %add3A_814 = arith.addi %mul3A_32, %add3A_813 : vector<16xi32>
      %swap3A_815 = arith.constant 2 : i32
      %swap3A_816 = arith.constant 1 : i32
      %swap3A_817 = arith.index_cast %swap3A_815 : i32 to index
      %swap3A_818 = arith.index_cast %swap3A_816 : i32 to index
      %swap3A_819 = arith.constant 16 : index
      %swap3A_820 = tpu.vector_load %arg9[%swap3A_817, %swap3A_818, %swap3A_819] {strides = array<i32>} : memref<5x2x64xi32, #tpu.memory_space<vmem>>, vector<1x1x16xi32>,
      %swap3A_821 = vector.shape_cast %swap3A_820 : vector<1x1x16xi32> to vector<16xi32>
      %swap3A_822 = vector.shape_cast %add3A_814 : vector<16xi32> to vector<1x1x16xi32>
      tpu.vector_store %arg9[%swap3A_817, %swap3A_818, %swap3A_819], %swap3A_822 {strides = array<i32>} : memref<5x2x64xi32, #tpu.memory_space<vmem>>, vector<1x1x16xi32>,
      %add3A_823 = arith.constant 19200 : i32
      %add3A_824 = arith.addi %add3A_699, %add3A_823 : i32
      %add3A_825 = vector.broadcast %add3A_824 : i32 to vector<16xi32>
      %add3A_826 = arith.addi %mul3A_32, %add3A_825 : vector<16xi32>
      %swap3A_827 = arith.constant 2 : i32
      %swap3A_828 = arith.constant 1 : i32
      %swap3A_829 = arith.index_cast %swap3A_827 : i32 to index
      %swap3A_830 = arith.index_cast %swap3A_828 : i32 to index
      %swap3A_831 = arith.constant 32 : index
      %swap3A_832 = tpu.vector_load %arg9[%swap3A_829, %swap3A_830, %swap3A_831] {strides = array<i32>} : memref<5x2x64xi32, #tpu.memory_space<vmem>>, vector<1x1x16xi32>,
      %swap3A_833 = vector.shape_cast %swap3A_832 : vector<1x1x16xi32> to vector<16xi32>
      %swap3A_834 = vector.shape_cast %add3A_826 : vector<16xi32> to vector<1x1x16xi32>
      tpu.vector_store %arg9[%swap3A_829, %swap3A_830, %swap3A_831], %swap3A_834 {strides = array<i32>} : memref<5x2x64xi32, #tpu.memory_space<vmem>>, vector<1x1x16xi32>,
      %add3A_835 = arith.constant 22400 : i32
      %add3A_836 = arith.addi %add3A_699, %add3A_835 : i32
      %add3A_837 = vector.broadcast %add3A_836 : i32 to vector<16xi32>
      %add3A_838 = arith.addi %mul3A_32, %add3A_837 : vector<16xi32>
      %swap3A_839 = arith.constant 2 : i32
      %swap3A_840 = arith.constant 1 : i32
      %swap3A_841 = arith.index_cast %swap3A_839 : i32 to index
      %swap3A_842 = arith.index_cast %swap3A_840 : i32 to index
      %swap3A_843 = arith.constant 48 : index
      %swap3A_844 = tpu.vector_load %arg9[%swap3A_841, %swap3A_842, %swap3A_843] {strides = array<i32>} : memref<5x2x64xi32, #tpu.memory_space<vmem>>, vector<1x1x16xi32>,
      %swap3A_845 = vector.shape_cast %swap3A_844 : vector<1x1x16xi32> to vector<16xi32>
      %swap3A_846 = vector.shape_cast %add3A_838 : vector<16xi32> to vector<1x1x16xi32>
      tpu.vector_store %arg9[%swap3A_841, %swap3A_842, %swap3A_843], %swap3A_846 {strides = array<i32>} : memref<5x2x64xi32, #tpu.memory_space<vmem>>, vector<1x1x16xi32>,
      %scan3A_847 = arith.constant 0 : i32
      %scan3A_848 = arith.constant 64 : i32
      %scan3A_849 = arith.constant 64 : i32
      %scan3A_850 = arith.addi %scan3A_848, %scan3A_849 : i32
      %scan3A_851 = arith.constant 1 : i32
      scf.for %scan3A_1272 = %scan3A_848 to %scan3A_850 step %scan3A_851  : i32 {
        %get3A_1273 = arith.constant 2 : i32
        %get3A_1274 = arith.index_cast %get3A_1273 : i32 to index
        %get3A_1275 = arith.index_cast %scan3A_1272 : i32 to index
        %get3A_1276 = arith.constant 0 : index
        %get3A_1277 = tpu.vector_load %arg7[%get3A_1274, %get3A_1275, %get3A_1276] {strides = array<i32>} : memref<5x128x128xf32, #tpu.memory_space<vmem>>, vector<1x1x16xf32>,
        %get3A_1278 = vector.shape_cast %get3A_1277 : vector<1x1x16xf32> to vector<16xf32>
        %mul3A_1279 = arith.constant 11.3137083 : f32
        %mul3A_1280 = vector.broadcast %mul3A_1279 : f32 to vector<16xf32>
        %mul3A_1281 = arith.mulf %get3A_1278, %mul3A_1280 : vector<16xf32>
        %add3A_1282 = arith.addf %mul3A_1281, %get3A_703 : vector<16xf32>
        %swap3A_1283 = arith.constant 2 : i32
        %swap3A_1284 = arith.index_cast %swap3A_1283 : i32 to index
        %swap3A_1285 = arith.index_cast %scan3A_1272 : i32 to index
        %swap3A_1286 = arith.constant 0 : index
        %swap3A_1287 = tpu.vector_load %arg7[%swap3A_1284, %swap3A_1285, %swap3A_1286] {strides = array<i32>} : memref<5x128x128xf32, #tpu.memory_space<vmem>>, vector<1x1x16xf32>,
        %swap3A_1288 = vector.shape_cast %swap3A_1287 : vector<1x1x16xf32> to vector<16xf32>
        %swap3A_1289 = vector.shape_cast %add3A_1282 : vector<16xf32> to vector<1x1x16xf32>
        tpu.vector_store %arg7[%swap3A_1284, %swap3A_1285, %swap3A_1286], %swap3A_1289 {strides = array<i32>} : memref<5x128x128xf32, #tpu.memory_space<vmem>>, vector<1x1x16xf32>,
        %get3A_1290 = arith.constant 2 : i32
        %get3A_1291 = arith.index_cast %get3A_1290 : i32 to index
        %get3A_1292 = arith.index_cast %scan3A_1272 : i32 to index
        %get3A_1293 = arith.constant 16 : index
        %get3A_1294 = tpu.vector_load %arg7[%get3A_1291, %get3A_1292, %get3A_1293] {strides = array<i32>} : memref<5x128x128xf32, #tpu.memory_space<vmem>>, vector<1x1x16xf32>,
        %get3A_1295 = vector.shape_cast %get3A_1294 : vector<1x1x16xf32> to vector<16xf32>
        %mul3A_1296 = arith.constant 11.3137083 : f32
        %mul3A_1297 = vector.broadcast %mul3A_1296 : f32 to vector<16xf32>
        %mul3A_1298 = arith.mulf %get3A_1295, %mul3A_1297 : vector<16xf32>
        %add3A_1299 = arith.addf %mul3A_1298, %get3A_707 : vector<16xf32>
        %swap3A_1300 = arith.constant 2 : i32
        %swap3A_1301 = arith.index_cast %swap3A_1300 : i32 to index
        %swap3A_1302 = arith.index_cast %scan3A_1272 : i32 to index
        %swap3A_1303 = arith.constant 16 : index
        %swap3A_1304 = tpu.vector_load %arg7[%swap3A_1301, %swap3A_1302, %swap3A_1303] {strides = array<i32>} : memref<5x128x128xf32, #tpu.memory_space<vmem>>, vector<1x1x16xf32>,
        %swap3A_1305 = vector.shape_cast %swap3A_1304 : vector<1x1x16xf32> to vector<16xf32>
        %swap3A_1306 = vector.shape_cast %add3A_1299 : vector<16xf32> to vector<1x1x16xf32>
        tpu.vector_store %arg7[%swap3A_1301, %swap3A_1302, %swap3A_1303], %swap3A_1306 {strides = array<i32>} : memref<5x128x128xf32, #tpu.memory_space<vmem>>, vector<1x1x16xf32>,
        %get3A_1307 = arith.constant 2 : i32
        %get3A_1308 = arith.index_cast %get3A_1307 : i32 to index
        %get3A_1309 = arith.index_cast %scan3A_1272 : i32 to index
        %get3A_1310 = arith.constant 32 : index
        %get3A_1311 = tpu.vector_load %arg7[%get3A_1308, %get3A_1309, %get3A_1310] {strides = array<i32>} : memref<5x128x128xf32, #tpu.memory_space<vmem>>, vector<1x1x16xf32>,
        %get3A_1312 = vector.shape_cast %get3A_1311 : vector<1x1x16xf32> to vector<16xf32>
        %mul3A_1313 = arith.constant 11.3137083 : f32
        %mul3A_1314 = vector.broadcast %mul3A_1313 : f32 to vector<16xf32>
        %mul3A_1315 = arith.mulf %get3A_1312, %mul3A_1314 : vector<16xf32>
        %add3A_1316 = arith.addf %mul3A_1315, %get3A_711 : vector<16xf32>
        %swap3A_1317 = arith.constant 2 : i32
        %swap3A_1318 = arith.index_cast %swap3A_1317 : i32 to index
        %swap3A_1319 = arith.index_cast %scan3A_1272 : i32 to index
        %swap3A_1320 = arith.constant 32 : index
        %swap3A_1321 = tpu.vector_load %arg7[%swap3A_1318, %swap3A_1319, %swap3A_1320] {strides = array<i32>} : memref<5x128x128xf32, #tpu.memory_space<vmem>>, vector<1x1x16xf32>,
        %swap3A_1322 = vector.shape_cast %swap3A_1321 : vector<1x1x16xf32> to vector<16xf32>
        %swap3A_1323 = vector.shape_cast %add3A_1316 : vector<16xf32> to vector<1x1x16xf32>
        tpu.vector_store %arg7[%swap3A_1318, %swap3A_1319, %swap3A_1320], %swap3A_1323 {strides = array<i32>} : memref<5x128x128xf32, #tpu.memory_space<vmem>>, vector<1x1x16xf32>,
        %get3A_1324 = arith.constant 2 : i32
        %get3A_1325 = arith.index_cast %get3A_1324 : i32 to index
        %get3A_1326 = arith.index_cast %scan3A_1272 : i32 to index
        %get3A_1327 = arith.constant 48 : index
        %get3A_1328 = tpu.vector_load %arg7[%get3A_1325, %get3A_1326, %get3A_1327] {strides = array<i32>} : memref<5x128x128xf32, #tpu.memory_space<vmem>>, vector<1x1x16xf32>,
        %get3A_1329 = vector.shape_cast %get3A_1328 : vector<1x1x16xf32> to vector<16xf32>
        %mul3A_1330 = arith.constant 11.3137083 : f32
        %mul3A_1331 = vector.broadcast %mul3A_1330 : f32 to vector<16xf32>
        %mul3A_1332 = arith.mulf %get3A_1329, %mul3A_1331 : vector<16xf32>
        %add3A_1333 = arith.addf %mul3A_1332, %get3A_715 : vector<16xf32>
        %swap3A_1334 = arith.constant 2 : i32
        %swap3A_1335 = arith.index_cast %swap3A_1334 : i32 to index
        %swap3A_1336 = arith.index_cast %scan3A_1272 : i32 to index
        %swap3A_1337 = arith.constant 48 : index
        %swap3A_1338 = tpu.vector_load %arg7[%swap3A_1335, %swap3A_1336, %swap3A_1337] {strides = array<i32>} : memref<5x128x128xf32, #tpu.memory_space<vmem>>, vector<1x1x16xf32>,
        %swap3A_1339 = vector.shape_cast %swap3A_1338 : vector<1x1x16xf32> to vector<16xf32>
        %swap3A_1340 = vector.shape_cast %add3A_1333 : vector<16xf32> to vector<1x1x16xf32>
        tpu.vector_store %arg7[%swap3A_1335, %swap3A_1336, %swap3A_1337], %swap3A_1340 {strides = array<i32>} : memref<5x128x128xf32, #tpu.memory_space<vmem>>, vector<1x1x16xf32>,
        %get3A_1341 = arith.constant 2 : i32
        %get3A_1342 = arith.index_cast %get3A_1341 : i32 to index
        %get3A_1343 = arith.index_cast %scan3A_1272 : i32 to index
        %get3A_1344 = arith.constant 64 : index
        %get3A_1345 = tpu.vector_load %arg7[%get3A_1342, %get3A_1343, %get3A_1344] {strides = array<i32>} : memref<5x128x128xf32, #tpu.memory_space<vmem>>, vector<1x1x16xf32>,
        %get3A_1346 = vector.shape_cast %get3A_1345 : vector<1x1x16xf32> to vector<16xf32>
        %mul3A_1347 = arith.constant 11.3137083 : f32
        %mul3A_1348 = vector.broadcast %mul3A_1347 : f32 to vector<16xf32>
        %mul3A_1349 = arith.mulf %get3A_1346, %mul3A_1348 : vector<16xf32>
        %add3A_1350 = arith.addf %mul3A_1349, %get3A_719 : vector<16xf32>
        %swap3A_1351 = arith.constant 2 : i32
        %swap3A_1352 = arith.index_cast %swap3A_1351 : i32 to index
        %swap3A_1353 = arith.index_cast %scan3A_1272 : i32 to index
        %swap3A_1354 = arith.constant 64 : index
        %swap3A_1355 = tpu.vector_load %arg7[%swap3A_1352, %swap3A_1353, %swap3A_1354] {strides = array<i32>} : memref<5x128x128xf32, #tpu.memory_space<vmem>>, vector<1x1x16xf32>,
        %swap3A_1356 = vector.shape_cast %swap3A_1355 : vector<1x1x16xf32> to vector<16xf32>
        %swap3A_1357 = vector.shape_cast %add3A_1350 : vector<16xf32> to vector<1x1x16xf32>
        tpu.vector_store %arg7[%swap3A_1352, %swap3A_1353, %swap3A_1354], %swap3A_1357 {strides = array<i32>} : memref<5x128x128xf32, #tpu.memory_space<vmem>>, vector<1x1x16xf32>,
        %get3A_1358 = arith.constant 2 : i32
        %get3A_1359 = arith.index_cast %get3A_1358 : i32 to index
        %get3A_1360 = arith.index_cast %scan3A_1272 : i32 to index
        %get3A_1361 = arith.constant 80 : index
        %get3A_1362 = tpu.vector_load %arg7[%get3A_1359, %get3A_1360, %get3A_1361] {strides = array<i32>} : memref<5x128x128xf32, #tpu.memory_space<vmem>>, vector<1x1x16xf32>,
        %get3A_1363 = vector.shape_cast %get3A_1362 : vector<1x1x16xf32> to vector<16xf32>
        %mul3A_1364 = arith.constant 11.3137083 : f32
        %mul3A_1365 = vector.broadcast %mul3A_1364 : f32 to vector<16xf32>
        %mul3A_1366 = arith.mulf %get3A_1363, %mul3A_1365 : vector<16xf32>
        %add3A_1367 = arith.addf %mul3A_1366, %get3A_723 : vector<16xf32>
        %swap3A_1368 = arith.constant 2 : i32
        %swap3A_1369 = arith.index_cast %swap3A_1368 : i32 to index
        %swap3A_1370 = arith.index_cast %scan3A_1272 : i32 to index
        %swap3A_1371 = arith.constant 80 : index
        %swap3A_1372 = tpu.vector_load %arg7[%swap3A_1369, %swap3A_1370, %swap3A_1371] {strides = array<i32>} : memref<5x128x128xf32, #tpu.memory_space<vmem>>, vector<1x1x16xf32>,
        %swap3A_1373 = vector.shape_cast %swap3A_1372 : vector<1x1x16xf32> to vector<16xf32>
        %swap3A_1374 = vector.shape_cast %add3A_1367 : vector<16xf32> to vector<1x1x16xf32>
        tpu.vector_store %arg7[%swap3A_1369, %swap3A_1370, %swap3A_1371], %swap3A_1374 {strides = array<i32>} : memref<5x128x128xf32, #tpu.memory_space<vmem>>, vector<1x1x16xf32>,
        %get3A_1375 = arith.constant 2 : i32
        %get3A_1376 = arith.index_cast %get3A_1375 : i32 to index
        %get3A_1377 = arith.index_cast %scan3A_1272 : i32 to index
        %get3A_1378 = arith.constant 96 : index
        %get3A_1379 = tpu.vector_load %arg7[%get3A_1376, %get3A_1377, %get3A_1378] {strides = array<i32>} : memref<5x128x128xf32, #tpu.memory_space<vmem>>, vector<1x1x16xf32>,
        %get3A_1380 = vector.shape_cast %get3A_1379 : vector<1x1x16xf32> to vector<16xf32>
        %mul3A_1381 = arith.constant 11.3137083 : f32
        %mul3A_1382 = vector.broadcast %mul3A_1381 : f32 to vector<16xf32>
        %mul3A_1383 = arith.mulf %get3A_1380, %mul3A_1382 : vector<16xf32>
        %add3A_1384 = arith.addf %mul3A_1383, %get3A_727 : vector<16xf32>
        %swap3A_1385 = arith.constant 2 : i32
        %swap3A_1386 = arith.index_cast %swap3A_1385 : i32 to index
        %swap3A_1387 = arith.index_cast %scan3A_1272 : i32 to index
        %swap3A_1388 = arith.constant 96 : index
        %swap3A_1389 = tpu.vector_load %arg7[%swap3A_1386, %swap3A_1387, %swap3A_1388] {strides = array<i32>} : memref<5x128x128xf32, #tpu.memory_space<vmem>>, vector<1x1x16xf32>,
        %swap3A_1390 = vector.shape_cast %swap3A_1389 : vector<1x1x16xf32> to vector<16xf32>
        %swap3A_1391 = vector.shape_cast %add3A_1384 : vector<16xf32> to vector<1x1x16xf32>
        tpu.vector_store %arg7[%swap3A_1386, %swap3A_1387, %swap3A_1388], %swap3A_1391 {strides = array<i32>} : memref<5x128x128xf32, #tpu.memory_space<vmem>>, vector<1x1x16xf32>,
        %get3A_1392 = arith.constant 2 : i32
        %get3A_1393 = arith.index_cast %get3A_1392 : i32 to index
        %get3A_1394 = arith.index_cast %scan3A_1272 : i32 to index
        %get3A_1395 = arith.constant 112 : index
        %get3A_1396 = tpu.vector_load %arg7[%get3A_1393, %get3A_1394, %get3A_1395] {strides = array<i32>} : memref<5x128x128xf32, #tpu.memory_space<vmem>>, vector<1x1x16xf32>,
        %get3A_1397 = vector.shape_cast %get3A_1396 : vector<1x1x16xf32> to vector<16xf32>
        %mul3A_1398 = arith.constant 11.3137083 : f32
        %mul3A_1399 = vector.broadcast %mul3A_1398 : f32 to vector<16xf32>
        %mul3A_1400 = arith.mulf %get3A_1397, %mul3A_1399 : vector<16xf32>
        %add3A_1401 = arith.addf %mul3A_1400, %get3A_731 : vector<16xf32>
        %swap3A_1402 = arith.constant 2 : i32
        %swap3A_1403 = arith.index_cast %swap3A_1402 : i32 to index
        %swap3A_1404 = arith.index_cast %scan3A_1272 : i32 to index
        %swap3A_1405 = arith.constant 112 : index
        %swap3A_1406 = tpu.vector_load %arg7[%swap3A_1403, %swap3A_1404, %swap3A_1405] {strides = array<i32>} : memref<5x128x128xf32, #tpu.memory_space<vmem>>, vector<1x1x16xf32>,
        %swap3A_1407 = vector.shape_cast %swap3A_1406 : vector<1x1x16xf32> to vector<16xf32>
        %swap3A_1408 = vector.shape_cast %add3A_1401 : vector<16xf32> to vector<1x1x16xf32>
        tpu.vector_store %arg7[%swap3A_1403, %swap3A_1404, %swap3A_1405], %swap3A_1408 {strides = array<i32>} : memref<5x128x128xf32, #tpu.memory_space<vmem>>, vector<1x1x16xf32>,
      }
      %scan3A_852 = arith.constant 64 : i32
      %dma_start3A_853 = arith.constant 2 : i32
      %dma_start3A_854 = arith.constant 2 : i32
      %dma_start3A_855 = arith.constant 1 : i32
      %dma_start3A_856 = arith.constant 64 : i32
      %dma_start3A_857 = arith.constant 0 : i32
      %dma_start3A_858 = tpu.memref_slice %arg7[%dma_start3A_853, %dma_start3A_856, %dma_start3A_857] : memref<5x128x128xf32, #tpu.memory_space<vmem>> -> memref<1x64x128xf32, #tpu.memory_space<vmem>>
      %dma_start3A_859 = tpu.memref_squeeze %dma_start3A_858 : memref<1x64x128xf32, #tpu.memory_space<vmem>> -> memref<64x128xf32, #tpu.memory_space<vmem>>
      %dma_start3A_860 = arith.constant 0 : i32
      %dma_start3A_861 = tpu.memref_slice %arg9[%dma_start3A_854, %dma_start3A_855, %dma_start3A_860] : memref<5x2x64xi32, #tpu.memory_space<vmem>> -> memref<1x1x64xi32, #tpu.memory_space<vmem>>
      %dma_start3A_862 = tpu.memref_squeeze %dma_start3A_861 : memref<1x1x64xi32, #tpu.memory_space<vmem>> -> memref<64xi32, #tpu.memory_space<vmem>>
      %dma_start3A_863 = arith.constant 0 : i32
      %dma_start3A_864 = arith.constant 0 : i32
      %dma_start3A_865 = tpu.memref_slice %arg5[%dma_start3A_863, %dma_start3A_864] : memref<204800x128xf32, #tpu.memory_space<hbm>> -> memref<204800x128xf32, #tpu.memory_space<hbm>>
      tpu.enqueue_indirect_dma source(%dma_start3A_859 : memref<64x128xf32, #tpu.memory_space<vmem>>) target(%dma_start3A_865 : memref<204800x128xf32, #tpu.memory_space<hbm>>) offsets(%dma_start3A_862 : memref<64xi32, #tpu.memory_space<vmem>>) semaphore(%arg17 : memref<!tpu.dma_semaphore, #tpu.memory_space<semaphore_mem>>)
      %mul3A_866 = arith.constant 5 : i32
      %mul3A_867 = arith.muli %scan3A_261, %mul3A_866 : i32
      %add3A_868 = arith.constant 3 : i32
      %add3A_869 = arith.addi %mul3A_867, %add3A_868 : i32
      %add3A_870 = arith.constant 3 : i32
      %add3A_871 = arith.addi %add3A_869, %add3A_870 : i32
      %lt3A_872 = arith.constant 50 : i32
      %lt3A_873 = arith.cmpi slt, %add3A_871, %lt3A_872 : i32
      %convert_element_type3A_874 = arith.extui %lt3A_873 : i1 to i32
      %cond3A_875 = arith.constant 0 : i32
      %cond3A_876 = arith.cmpi ne, %convert_element_type3A_874, %cond3A_875 : i32
      scf.if %cond3A_876 {
        %dma_wait3A_1272 = arith.constant 0 : i32
        %dma_wait3A_1273 = arith.constant 0 : i32
        %dma_wait3A_1274 = arith.constant 0 : i32
        %dma_wait3A_1275 = arith.constant 0 : i32
        %dma_wait3A_1276 = tpu.memref_slice %arg6[%dma_wait3A_1274, %dma_wait3A_1275] : memref<5x128xi32, #tpu.memory_space<vmem>> -> memref<1x128xi32, #tpu.memory_space<vmem>>
        %dma_wait3A_1277 = tpu.memref_squeeze %dma_wait3A_1276 : memref<1x128xi32, #tpu.memory_space<vmem>> -> memref<128xi32, #tpu.memory_space<vmem>>
        %dma_wait3A_1278 = arith.constant 0 : i32
        %dma_wait3A_1279 = tpu.memref_slice %arg2[%dma_wait3A_1272, %dma_wait3A_1273, %dma_wait3A_1278] : memref<200x8x128xi32, #tpu.memory_space<hbm>> -> memref<1x1x128xi32, #tpu.memory_space<hbm>>
        %dma_wait3A_1280 = tpu.memref_squeeze %dma_wait3A_1279 : memref<1x1x128xi32, #tpu.memory_space<hbm>> -> memref<128xi32, #tpu.memory_space<hbm>>
        %dma_wait3A_1281 = arith.constant 0 : i32
        %dma_wait3A_1282 = tpu.memref_slice %arg6[%dma_wait3A_1274, %dma_wait3A_1281] : memref<5x128xi32, #tpu.memory_space<vmem>> -> memref<1x128xi32, #tpu.memory_space<vmem>>
        %dma_wait3A_1283 = tpu.memref_squeeze %dma_wait3A_1282 : memref<1x128xi32, #tpu.memory_space<vmem>> -> memref<128xi32, #tpu.memory_space<vmem>>
        %dma_wait3A_1284 = arith.constant 0 : i32
        %dma_wait3A_1285 = tpu.memref_slice %arg2[%dma_wait3A_1272, %dma_wait3A_1273, %dma_wait3A_1284] : memref<200x8x128xi32, #tpu.memory_space<hbm>> -> memref<1x1x128xi32, #tpu.memory_space<hbm>>
        %dma_wait3A_1286 = tpu.memref_squeeze %dma_wait3A_1285 : memref<1x1x128xi32, #tpu.memory_space<hbm>> -> memref<128xi32, #tpu.memory_space<hbm>>
        tpu.wait_dma2 semaphore(%arg20 : memref<!tpu.dma_semaphore, #tpu.memory_space<semaphore_mem>>) src(%dma_wait3A_1286 : memref<128xi32, #tpu.memory_space<hbm>>) dst(%dma_wait3A_1283 : memref<128xi32, #tpu.memory_space<vmem>>)
        %add3A_1287 = arith.constant 3 : i32
        %add3A_1288 = arith.addi %add3A_869, %add3A_1287 : i32
        %ge3A = arith.constant 5 : i32
        %ge3A_1289 = arith.cmpi sge, %add3A_1288, %ge3A : i32
        %convert_element_type3A_1290 = arith.extui %ge3A_1289 : i1 to i32
        %cond3A_1291 = arith.constant 0 : i32
        %cond3A_1292 = arith.cmpi ne, %convert_element_type3A_1290, %cond3A_1291 : i32
        scf.if %cond3A_1292 {
          %dma_wait3A_1305 = arith.constant 0 : i32
          %dma_wait3A_1306 = arith.constant 0 : i32
          %dma_wait3A_1307 = arith.constant 0 : i32
          %dma_wait3A_1308 = tpu.memref_slice %arg7[%dma_wait3A_1305, %dma_wait3A_1306, %dma_wait3A_1307] : memref<5x128x128xf32, #tpu.memory_space<vmem>> -> memref<1x128x128xf32, #tpu.memory_space<vmem>>
          %dma_wait3A_1309 = tpu.memref_squeeze %dma_wait3A_1308 : memref<1x128x128xf32, #tpu.memory_space<vmem>> -> memref<128x128xf32, #tpu.memory_space<vmem>>
          %dma_wait3A_1310 = arith.constant 0 : i32
          %dma_wait3A_1311 = arith.constant 0 : i32
          %dma_wait3A_1312 = tpu.memref_slice %arg5[%dma_wait3A_1310, %dma_wait3A_1311] : memref<204800x128xf32, #tpu.memory_space<hbm>> -> memref<128x128xf32, #tpu.memory_space<hbm>>
          %dma_wait3A_1313 = arith.constant 0 : i32
          %dma_wait3A_1314 = arith.constant 0 : i32
          %dma_wait3A_1315 = tpu.memref_slice %arg5[%dma_wait3A_1313, %dma_wait3A_1314] : memref<204800x128xf32, #tpu.memory_space<hbm>> -> memref<128x128xf32, #tpu.memory_space<hbm>>
          %dma_wait3A_1316 = arith.constant 0 : i32
          %dma_wait3A_1317 = arith.constant 0 : i32
          %dma_wait3A_1318 = tpu.memref_slice %arg7[%dma_wait3A_1305, %dma_wait3A_1316, %dma_wait3A_1317] : memref<5x128x128xf32, #tpu.memory_space<vmem>> -> memref<1x128x128xf32, #tpu.memory_space<vmem>>
          %dma_wait3A_1319 = tpu.memref_squeeze %dma_wait3A_1318 : memref<1x128x128xf32, #tpu.memory_space<vmem>> -> memref<128x128xf32, #tpu.memory_space<vmem>>
          tpu.wait_dma2 semaphore(%arg16 : memref<!tpu.dma_semaphore, #tpu.memory_space<semaphore_mem>>) src(%dma_wait3A_1319 : memref<128x128xf32, #tpu.memory_space<vmem>>) dst(%dma_wait3A_1315 : memref<128x128xf32, #tpu.memory_space<hbm>>)
        } else {
        }
        %dma_start3A_1293 = arith.constant 1 : i32
        %dma_start3A_1294 = arith.constant 1 : i32
        %dma_start3A_1295 = arith.constant 0 : i32
        %dma_start3A_1296 = arith.constant 0 : i32
        %dma_start3A_1297 = tpu.memref_slice %arg7[%dma_start3A_1294, %dma_start3A_1295, %dma_start3A_1296] : memref<5x128x128xf32, #tpu.memory_space<vmem>> -> memref<1x128x128xf32, #tpu.memory_space<vmem>>
        %dma_start3A_1298 = tpu.memref_squeeze %dma_start3A_1297 : memref<1x128x128xf32, #tpu.memory_space<vmem>> -> memref<128x128xf32, #tpu.memory_space<vmem>>
        %dma_start3A_1299 = arith.constant 0 : i32
        %dma_start3A_1300 = tpu.memref_slice %arg6[%dma_start3A_1293, %dma_start3A_1299] : memref<5x128xi32, #tpu.memory_space<vmem>> -> memref<1x128xi32, #tpu.memory_space<vmem>>
        %dma_start3A_1301 = tpu.memref_squeeze %dma_start3A_1300 : memref<1x128xi32, #tpu.memory_space<vmem>> -> memref<128xi32, #tpu.memory_space<vmem>>
        %dma_start3A_1302 = arith.constant 0 : i32
        %dma_start3A_1303 = arith.constant 0 : i32
        %dma_start3A_1304 = tpu.memref_slice %arg3[%dma_start3A_1302, %dma_start3A_1303] : memref<100000x128xf32, #tpu.memory_space<hbm>> -> memref<100000x128xf32, #tpu.memory_space<hbm>>
        tpu.enqueue_indirect_dma source(%dma_start3A_1304 : memref<100000x128xf32, #tpu.memory_space<hbm>>) target(%dma_start3A_1298 : memref<128x128xf32, #tpu.memory_space<vmem>>) offsets(%dma_start3A_1301 : memref<128xi32, #tpu.memory_space<vmem>>) semaphore(%arg11 : memref<!tpu.dma_semaphore, #tpu.memory_space<semaphore_mem>>)
      } else {
      }
      %dma_wait3A_877 = arith.constant 0 : i32
      %dma_wait3A_878 = arith.constant 0 : i32
      %dma_wait3A_879 = arith.constant 0 : i32
      %dma_wait3A_880 = tpu.memref_slice %arg7[%dma_wait3A_877, %dma_wait3A_878, %dma_wait3A_879] : memref<5x128x128xf32, #tpu.memory_space<vmem>> -> memref<1x128x128xf32, #tpu.memory_space<vmem>>
      %dma_wait3A_881 = tpu.memref_squeeze %dma_wait3A_880 : memref<1x128x128xf32, #tpu.memory_space<vmem>> -> memref<128x128xf32, #tpu.memory_space<vmem>>
      %dma_wait3A_882 = arith.constant 0 : i32
      %dma_wait3A_883 = arith.constant 0 : i32
      %dma_wait3A_884 = tpu.memref_slice %arg5[%dma_wait3A_882, %dma_wait3A_883] : memref<204800x128xf32, #tpu.memory_space<hbm>> -> memref<128x128xf32, #tpu.memory_space<hbm>>
      %dma_wait3A_885 = arith.constant 0 : i32
      %dma_wait3A_886 = arith.constant 0 : i32
      %dma_wait3A_887 = tpu.memref_slice %arg7[%dma_wait3A_877, %dma_wait3A_885, %dma_wait3A_886] : memref<5x128x128xf32, #tpu.memory_space<vmem>> -> memref<1x128x128xf32, #tpu.memory_space<vmem>>
      %dma_wait3A_888 = tpu.memref_squeeze %dma_wait3A_887 : memref<1x128x128xf32, #tpu.memory_space<vmem>> -> memref<128x128xf32, #tpu.memory_space<vmem>>
      %dma_wait3A_889 = arith.constant 0 : i32
      %dma_wait3A_890 = arith.constant 0 : i32
      %dma_wait3A_891 = tpu.memref_slice %arg5[%dma_wait3A_889, %dma_wait3A_890] : memref<204800x128xf32, #tpu.memory_space<hbm>> -> memref<128x128xf32, #tpu.memory_space<hbm>>
      tpu.wait_dma2 semaphore(%arg13 : memref<!tpu.dma_semaphore, #tpu.memory_space<semaphore_mem>>) src(%dma_wait3A_891 : memref<128x128xf32, #tpu.memory_space<hbm>>) dst(%dma_wait3A_888 : memref<128x128xf32, #tpu.memory_space<vmem>>)
      %add3A_892 = arith.constant 4 : i32
      %add3A_893 = arith.addi %add3A_869, %add3A_892 : i32
      %lt3A_894 = arith.constant 50 : i32
      %lt3A_895 = arith.cmpi slt, %add3A_893, %lt3A_894 : i32
      %convert_element_type3A_896 = arith.extui %lt3A_895 : i1 to i32
      %cond3A_897 = arith.constant 0 : i32
      %cond3A_898 = arith.cmpi ne, %convert_element_type3A_896, %cond3A_897 : i32
      scf.if %cond3A_898 {
        %add3A_1272 = arith.constant 4 : i32
        %add3A_1273 = arith.addi %add3A_869, %add3A_1272 : i32
        %add3A_1274 = arith.addi %mul3A_22, %add3A_1273 : i32
        %dma_start3A_1275 = arith.constant 2 : i32
        %dma_start3A_1276 = arith.constant 0 : i32
        %dma_start3A_1277 = tpu.memref_slice %arg6[%dma_start3A_1275, %dma_start3A_1276] : memref<5x128xi32, #tpu.memory_space<vmem>> -> memref<1x128xi32, #tpu.memory_space<vmem>>
        %dma_start3A_1278 = tpu.memref_squeeze %dma_start3A_1277 : memref<1x128xi32, #tpu.memory_space<vmem>> -> memref<128xi32, #tpu.memory_space<vmem>>
        %dma_start3A_1279 = arith.constant 0 : i32
        %dma_start3A_1280 = tpu.memref_slice %arg2[%add3A_1274, %rem3A_1, %dma_start3A_1279] : memref<200x8x128xi32, #tpu.memory_space<hbm>> -> memref<1x1x128xi32, #tpu.memory_space<hbm>>
        %dma_start3A_1281 = tpu.memref_squeeze %dma_start3A_1280 : memref<1x1x128xi32, #tpu.memory_space<hbm>> -> memref<128xi32, #tpu.memory_space<hbm>>
        %dma_start3A_1282 = arith.constant 0 : i32
        %dma_start3A_1283 = tpu.memref_slice %arg6[%dma_start3A_1275, %dma_start3A_1282] : memref<5x128xi32, #tpu.memory_space<vmem>> -> memref<1x128xi32, #tpu.memory_space<vmem>>
        %dma_start3A_1284 = tpu.memref_squeeze %dma_start3A_1283 : memref<1x128xi32, #tpu.memory_space<vmem>> -> memref<128xi32, #tpu.memory_space<vmem>>
        %dma_start3A_1285 = arith.constant 0 : i32
        %dma_start3A_1286 = tpu.memref_slice %arg2[%add3A_1274, %rem3A_1, %dma_start3A_1285] : memref<200x8x128xi32, #tpu.memory_space<hbm>> -> memref<1x1x128xi32, #tpu.memory_space<hbm>>
        %dma_start3A_1287 = tpu.memref_squeeze %dma_start3A_1286 : memref<1x1x128xi32, #tpu.memory_space<hbm>> -> memref<128xi32, #tpu.memory_space<hbm>>
        tpu.enqueue_dma source(%dma_start3A_1287 : memref<128xi32, #tpu.memory_space<hbm>>) target(%dma_start3A_1284 : memref<128xi32, #tpu.memory_space<vmem>>) target_semaphore(%arg20 : memref<!tpu.dma_semaphore, #tpu.memory_space<semaphore_mem>>)
      } else {
      }
      %mul3A_899 = arith.constant 200 : i32
      %mul3A_900 = arith.muli %mul3A_20, %mul3A_899 : i32
      %add3A_901 = arith.addi %mul3A_900, %mul3A_22 : i32
      %add3A_902 = arith.addi %add3A_901, %add3A_869 : i32
      %get3A_903 = arith.index_cast %add3A_869 : i32 to index
      %get3A_904 = arith.constant 0 : index
      %get3A_905 = tpu.vector_load %arg8[%get3A_903, %get3A_904] {strides = array<i32>} : memref<50x128xf32, #tpu.memory_space<vmem>>, vector<1x16xf32>,
      %get3A_906 = vector.shape_cast %get3A_905 : vector<1x16xf32> to vector<16xf32>
      %get3A_907 = arith.index_cast %add3A_869 : i32 to index
      %get3A_908 = arith.constant 16 : index
      %get3A_909 = tpu.vector_load %arg8[%get3A_907, %get3A_908] {strides = array<i32>} : memref<50x128xf32, #tpu.memory_space<vmem>>, vector<1x16xf32>,
      %get3A_910 = vector.shape_cast %get3A_909 : vector<1x16xf32> to vector<16xf32>
      %get3A_911 = arith.index_cast %add3A_869 : i32 to index
      %get3A_912 = arith.constant 32 : index
      %get3A_913 = tpu.vector_load %arg8[%get3A_911, %get3A_912] {strides = array<i32>} : memref<50x128xf32, #tpu.memory_space<vmem>>, vector<1x16xf32>,
      %get3A_914 = vector.shape_cast %get3A_913 : vector<1x16xf32> to vector<16xf32>
      %get3A_915 = arith.index_cast %add3A_869 : i32 to index
      %get3A_916 = arith.constant 48 : index
      %get3A_917 = tpu.vector_load %arg8[%get3A_915, %get3A_916] {strides = array<i32>} : memref<50x128xf32, #tpu.memory_space<vmem>>, vector<1x16xf32>,
      %get3A_918 = vector.shape_cast %get3A_917 : vector<1x16xf32> to vector<16xf32>
      %get3A_919 = arith.index_cast %add3A_869 : i32 to index
      %get3A_920 = arith.constant 64 : index
      %get3A_921 = tpu.vector_load %arg8[%get3A_919, %get3A_920] {strides = array<i32>} : memref<50x128xf32, #tpu.memory_space<vmem>>, vector<1x16xf32>,
      %get3A_922 = vector.shape_cast %get3A_921 : vector<1x16xf32> to vector<16xf32>
      %get3A_923 = arith.index_cast %add3A_869 : i32 to index
      %get3A_924 = arith.constant 80 : index
      %get3A_925 = tpu.vector_load %arg8[%get3A_923, %get3A_924] {strides = array<i32>} : memref<50x128xf32, #tpu.memory_space<vmem>>, vector<1x16xf32>,
      %get3A_926 = vector.shape_cast %get3A_925 : vector<1x16xf32> to vector<16xf32>
      %get3A_927 = arith.index_cast %add3A_869 : i32 to index
      %get3A_928 = arith.constant 96 : index
      %get3A_929 = tpu.vector_load %arg8[%get3A_927, %get3A_928] {strides = array<i32>} : memref<50x128xf32, #tpu.memory_space<vmem>>, vector<1x16xf32>,
      %get3A_930 = vector.shape_cast %get3A_929 : vector<1x16xf32> to vector<16xf32>
      %get3A_931 = arith.index_cast %add3A_869 : i32 to index
      %get3A_932 = arith.constant 112 : index
      %get3A_933 = tpu.vector_load %arg8[%get3A_931, %get3A_932] {strides = array<i32>} : memref<50x128xf32, #tpu.memory_space<vmem>>, vector<1x16xf32>,
      %get3A_934 = vector.shape_cast %get3A_933 : vector<1x16xf32> to vector<16xf32>
      %add3A_935 = arith.constant 0 : i32
      %add3A_936 = arith.addi %add3A_902, %add3A_935 : i32
      %add3A_937 = vector.broadcast %add3A_936 : i32 to vector<16xi32>
      %add3A_938 = arith.addi %mul3A_32, %add3A_937 : vector<16xi32>
      %swap3A_939 = arith.constant 3 : i32
      %swap3A_940 = arith.constant 0 : i32
      %swap3A_941 = arith.index_cast %swap3A_939 : i32 to index
      %swap3A_942 = arith.index_cast %swap3A_940 : i32 to index
      %swap3A_943 = arith.constant 0 : index
      %swap3A_944 = tpu.vector_load %arg9[%swap3A_941, %swap3A_942, %swap3A_943] {strides = array<i32>} : memref<5x2x64xi32, #tpu.memory_space<vmem>>, vector<1x1x16xi32>,
      %swap3A_945 = vector.shape_cast %swap3A_944 : vector<1x1x16xi32> to vector<16xi32>
      %swap3A_946 = vector.shape_cast %add3A_938 : vector<16xi32> to vector<1x1x16xi32>
      tpu.vector_store %arg9[%swap3A_941, %swap3A_942, %swap3A_943], %swap3A_946 {strides = array<i32>} : memref<5x2x64xi32, #tpu.memory_space<vmem>>, vector<1x1x16xi32>,
      %add3A_947 = arith.constant 3200 : i32
      %add3A_948 = arith.addi %add3A_902, %add3A_947 : i32
      %add3A_949 = vector.broadcast %add3A_948 : i32 to vector<16xi32>
      %add3A_950 = arith.addi %mul3A_32, %add3A_949 : vector<16xi32>
      %swap3A_951 = arith.constant 3 : i32
      %swap3A_952 = arith.constant 0 : i32
      %swap3A_953 = arith.index_cast %swap3A_951 : i32 to index
      %swap3A_954 = arith.index_cast %swap3A_952 : i32 to index
      %swap3A_955 = arith.constant 16 : index
      %swap3A_956 = tpu.vector_load %arg9[%swap3A_953, %swap3A_954, %swap3A_955] {strides = array<i32>} : memref<5x2x64xi32, #tpu.memory_space<vmem>>, vector<1x1x16xi32>,
      %swap3A_957 = vector.shape_cast %swap3A_956 : vector<1x1x16xi32> to vector<16xi32>
      %swap3A_958 = vector.shape_cast %add3A_950 : vector<16xi32> to vector<1x1x16xi32>
      tpu.vector_store %arg9[%swap3A_953, %swap3A_954, %swap3A_955], %swap3A_958 {strides = array<i32>} : memref<5x2x64xi32, #tpu.memory_space<vmem>>, vector<1x1x16xi32>,
      %add3A_959 = arith.constant 6400 : i32
      %add3A_960 = arith.addi %add3A_902, %add3A_959 : i32
      %add3A_961 = vector.broadcast %add3A_960 : i32 to vector<16xi32>
      %add3A_962 = arith.addi %mul3A_32, %add3A_961 : vector<16xi32>
      %swap3A_963 = arith.constant 3 : i32
      %swap3A_964 = arith.constant 0 : i32
      %swap3A_965 = arith.index_cast %swap3A_963 : i32 to index
      %swap3A_966 = arith.index_cast %swap3A_964 : i32 to index
      %swap3A_967 = arith.constant 32 : index
      %swap3A_968 = tpu.vector_load %arg9[%swap3A_965, %swap3A_966, %swap3A_967] {strides = array<i32>} : memref<5x2x64xi32, #tpu.memory_space<vmem>>, vector<1x1x16xi32>,
      %swap3A_969 = vector.shape_cast %swap3A_968 : vector<1x1x16xi32> to vector<16xi32>
      %swap3A_970 = vector.shape_cast %add3A_962 : vector<16xi32> to vector<1x1x16xi32>
      tpu.vector_store %arg9[%swap3A_965, %swap3A_966, %swap3A_967], %swap3A_970 {strides = array<i32>} : memref<5x2x64xi32, #tpu.memory_space<vmem>>, vector<1x1x16xi32>,
      %add3A_971 = arith.constant 9600 : i32
      %add3A_972 = arith.addi %add3A_902, %add3A_971 : i32
      %add3A_973 = vector.broadcast %add3A_972 : i32 to vector<16xi32>
      %add3A_974 = arith.addi %mul3A_32, %add3A_973 : vector<16xi32>
      %swap3A_975 = arith.constant 3 : i32
      %swap3A_976 = arith.constant 0 : i32
      %swap3A_977 = arith.index_cast %swap3A_975 : i32 to index
      %swap3A_978 = arith.index_cast %swap3A_976 : i32 to index
      %swap3A_979 = arith.constant 48 : index
      %swap3A_980 = tpu.vector_load %arg9[%swap3A_977, %swap3A_978, %swap3A_979] {strides = array<i32>} : memref<5x2x64xi32, #tpu.memory_space<vmem>>, vector<1x1x16xi32>,
      %swap3A_981 = vector.shape_cast %swap3A_980 : vector<1x1x16xi32> to vector<16xi32>
      %swap3A_982 = vector.shape_cast %add3A_974 : vector<16xi32> to vector<1x1x16xi32>
      tpu.vector_store %arg9[%swap3A_977, %swap3A_978, %swap3A_979], %swap3A_982 {strides = array<i32>} : memref<5x2x64xi32, #tpu.memory_space<vmem>>, vector<1x1x16xi32>,
      %scan3A_983 = arith.constant 0 : i32
      %scan3A_984 = arith.constant 0 : i32
      %scan3A_985 = arith.constant 64 : i32
      %scan3A_986 = arith.addi %scan3A_984, %scan3A_985 : i32
      %scan3A_987 = arith.constant 1 : i32
      scf.for %scan3A_1272 = %scan3A_984 to %scan3A_986 step %scan3A_987  : i32 {
        %get3A_1273 = arith.constant 3 : i32
        %get3A_1274 = arith.index_cast %get3A_1273 : i32 to index
        %get3A_1275 = arith.index_cast %scan3A_1272 : i32 to index
        %get3A_1276 = arith.constant 0 : index
        %get3A_1277 = tpu.vector_load %arg7[%get3A_1274, %get3A_1275, %get3A_1276] {strides = array<i32>} : memref<5x128x128xf32, #tpu.memory_space<vmem>>, vector<1x1x16xf32>,
        %get3A_1278 = vector.shape_cast %get3A_1277 : vector<1x1x16xf32> to vector<16xf32>
        %mul3A_1279 = arith.constant 11.3137083 : f32
        %mul3A_1280 = vector.broadcast %mul3A_1279 : f32 to vector<16xf32>
        %mul3A_1281 = arith.mulf %get3A_1278, %mul3A_1280 : vector<16xf32>
        %add3A_1282 = arith.addf %mul3A_1281, %get3A_906 : vector<16xf32>
        %swap3A_1283 = arith.constant 3 : i32
        %swap3A_1284 = arith.index_cast %swap3A_1283 : i32 to index
        %swap3A_1285 = arith.index_cast %scan3A_1272 : i32 to index
        %swap3A_1286 = arith.constant 0 : index
        %swap3A_1287 = tpu.vector_load %arg7[%swap3A_1284, %swap3A_1285, %swap3A_1286] {strides = array<i32>} : memref<5x128x128xf32, #tpu.memory_space<vmem>>, vector<1x1x16xf32>,
        %swap3A_1288 = vector.shape_cast %swap3A_1287 : vector<1x1x16xf32> to vector<16xf32>
        %swap3A_1289 = vector.shape_cast %add3A_1282 : vector<16xf32> to vector<1x1x16xf32>
        tpu.vector_store %arg7[%swap3A_1284, %swap3A_1285, %swap3A_1286], %swap3A_1289 {strides = array<i32>} : memref<5x128x128xf32, #tpu.memory_space<vmem>>, vector<1x1x16xf32>,
        %get3A_1290 = arith.constant 3 : i32
        %get3A_1291 = arith.index_cast %get3A_1290 : i32 to index
        %get3A_1292 = arith.index_cast %scan3A_1272 : i32 to index
        %get3A_1293 = arith.constant 16 : index
        %get3A_1294 = tpu.vector_load %arg7[%get3A_1291, %get3A_1292, %get3A_1293] {strides = array<i32>} : memref<5x128x128xf32, #tpu.memory_space<vmem>>, vector<1x1x16xf32>,
        %get3A_1295 = vector.shape_cast %get3A_1294 : vector<1x1x16xf32> to vector<16xf32>
        %mul3A_1296 = arith.constant 11.3137083 : f32
        %mul3A_1297 = vector.broadcast %mul3A_1296 : f32 to vector<16xf32>
        %mul3A_1298 = arith.mulf %get3A_1295, %mul3A_1297 : vector<16xf32>
        %add3A_1299 = arith.addf %mul3A_1298, %get3A_910 : vector<16xf32>
        %swap3A_1300 = arith.constant 3 : i32
        %swap3A_1301 = arith.index_cast %swap3A_1300 : i32 to index
        %swap3A_1302 = arith.index_cast %scan3A_1272 : i32 to index
        %swap3A_1303 = arith.constant 16 : index
        %swap3A_1304 = tpu.vector_load %arg7[%swap3A_1301, %swap3A_1302, %swap3A_1303] {strides = array<i32>} : memref<5x128x128xf32, #tpu.memory_space<vmem>>, vector<1x1x16xf32>,
        %swap3A_1305 = vector.shape_cast %swap3A_1304 : vector<1x1x16xf32> to vector<16xf32>
        %swap3A_1306 = vector.shape_cast %add3A_1299 : vector<16xf32> to vector<1x1x16xf32>
        tpu.vector_store %arg7[%swap3A_1301, %swap3A_1302, %swap3A_1303], %swap3A_1306 {strides = array<i32>} : memref<5x128x128xf32, #tpu.memory_space<vmem>>, vector<1x1x16xf32>,
        %get3A_1307 = arith.constant 3 : i32
        %get3A_1308 = arith.index_cast %get3A_1307 : i32 to index
        %get3A_1309 = arith.index_cast %scan3A_1272 : i32 to index
        %get3A_1310 = arith.constant 32 : index
        %get3A_1311 = tpu.vector_load %arg7[%get3A_1308, %get3A_1309, %get3A_1310] {strides = array<i32>} : memref<5x128x128xf32, #tpu.memory_space<vmem>>, vector<1x1x16xf32>,
        %get3A_1312 = vector.shape_cast %get3A_1311 : vector<1x1x16xf32> to vector<16xf32>
        %mul3A_1313 = arith.constant 11.3137083 : f32
        %mul3A_1314 = vector.broadcast %mul3A_1313 : f32 to vector<16xf32>
        %mul3A_1315 = arith.mulf %get3A_1312, %mul3A_1314 : vector<16xf32>
        %add3A_1316 = arith.addf %mul3A_1315, %get3A_914 : vector<16xf32>
        %swap3A_1317 = arith.constant 3 : i32
        %swap3A_1318 = arith.index_cast %swap3A_1317 : i32 to index
        %swap3A_1319 = arith.index_cast %scan3A_1272 : i32 to index
        %swap3A_1320 = arith.constant 32 : index
        %swap3A_1321 = tpu.vector_load %arg7[%swap3A_1318, %swap3A_1319, %swap3A_1320] {strides = array<i32>} : memref<5x128x128xf32, #tpu.memory_space<vmem>>, vector<1x1x16xf32>,
        %swap3A_1322 = vector.shape_cast %swap3A_1321 : vector<1x1x16xf32> to vector<16xf32>
        %swap3A_1323 = vector.shape_cast %add3A_1316 : vector<16xf32> to vector<1x1x16xf32>
        tpu.vector_store %arg7[%swap3A_1318, %swap3A_1319, %swap3A_1320], %swap3A_1323 {strides = array<i32>} : memref<5x128x128xf32, #tpu.memory_space<vmem>>, vector<1x1x16xf32>,
        %get3A_1324 = arith.constant 3 : i32
        %get3A_1325 = arith.index_cast %get3A_1324 : i32 to index
        %get3A_1326 = arith.index_cast %scan3A_1272 : i32 to index
        %get3A_1327 = arith.constant 48 : index
        %get3A_1328 = tpu.vector_load %arg7[%get3A_1325, %get3A_1326, %get3A_1327] {strides = array<i32>} : memref<5x128x128xf32, #tpu.memory_space<vmem>>, vector<1x1x16xf32>,
        %get3A_1329 = vector.shape_cast %get3A_1328 : vector<1x1x16xf32> to vector<16xf32>
        %mul3A_1330 = arith.constant 11.3137083 : f32
        %mul3A_1331 = vector.broadcast %mul3A_1330 : f32 to vector<16xf32>
        %mul3A_1332 = arith.mulf %get3A_1329, %mul3A_1331 : vector<16xf32>
        %add3A_1333 = arith.addf %mul3A_1332, %get3A_918 : vector<16xf32>
        %swap3A_1334 = arith.constant 3 : i32
        %swap3A_1335 = arith.index_cast %swap3A_1334 : i32 to index
        %swap3A_1336 = arith.index_cast %scan3A_1272 : i32 to index
        %swap3A_1337 = arith.constant 48 : index
        %swap3A_1338 = tpu.vector_load %arg7[%swap3A_1335, %swap3A_1336, %swap3A_1337] {strides = array<i32>} : memref<5x128x128xf32, #tpu.memory_space<vmem>>, vector<1x1x16xf32>,
        %swap3A_1339 = vector.shape_cast %swap3A_1338 : vector<1x1x16xf32> to vector<16xf32>
        %swap3A_1340 = vector.shape_cast %add3A_1333 : vector<16xf32> to vector<1x1x16xf32>
        tpu.vector_store %arg7[%swap3A_1335, %swap3A_1336, %swap3A_1337], %swap3A_1340 {strides = array<i32>} : memref<5x128x128xf32, #tpu.memory_space<vmem>>, vector<1x1x16xf32>,
        %get3A_1341 = arith.constant 3 : i32
        %get3A_1342 = arith.index_cast %get3A_1341 : i32 to index
        %get3A_1343 = arith.index_cast %scan3A_1272 : i32 to index
        %get3A_1344 = arith.constant 64 : index
        %get3A_1345 = tpu.vector_load %arg7[%get3A_1342, %get3A_1343, %get3A_1344] {strides = array<i32>} : memref<5x128x128xf32, #tpu.memory_space<vmem>>, vector<1x1x16xf32>,
        %get3A_1346 = vector.shape_cast %get3A_1345 : vector<1x1x16xf32> to vector<16xf32>
        %mul3A_1347 = arith.constant 11.3137083 : f32
        %mul3A_1348 = vector.broadcast %mul3A_1347 : f32 to vector<16xf32>
        %mul3A_1349 = arith.mulf %get3A_1346, %mul3A_1348 : vector<16xf32>
        %add3A_1350 = arith.addf %mul3A_1349, %get3A_922 : vector<16xf32>
        %swap3A_1351 = arith.constant 3 : i32
        %swap3A_1352 = arith.index_cast %swap3A_1351 : i32 to index
        %swap3A_1353 = arith.index_cast %scan3A_1272 : i32 to index
        %swap3A_1354 = arith.constant 64 : index
        %swap3A_1355 = tpu.vector_load %arg7[%swap3A_1352, %swap3A_1353, %swap3A_1354] {strides = array<i32>} : memref<5x128x128xf32, #tpu.memory_space<vmem>>, vector<1x1x16xf32>,
        %swap3A_1356 = vector.shape_cast %swap3A_1355 : vector<1x1x16xf32> to vector<16xf32>
        %swap3A_1357 = vector.shape_cast %add3A_1350 : vector<16xf32> to vector<1x1x16xf32>
        tpu.vector_store %arg7[%swap3A_1352, %swap3A_1353, %swap3A_1354], %swap3A_1357 {strides = array<i32>} : memref<5x128x128xf32, #tpu.memory_space<vmem>>, vector<1x1x16xf32>,
        %get3A_1358 = arith.constant 3 : i32
        %get3A_1359 = arith.index_cast %get3A_1358 : i32 to index
        %get3A_1360 = arith.index_cast %scan3A_1272 : i32 to index
        %get3A_1361 = arith.constant 80 : index
        %get3A_1362 = tpu.vector_load %arg7[%get3A_1359, %get3A_1360, %get3A_1361] {strides = array<i32>} : memref<5x128x128xf32, #tpu.memory_space<vmem>>, vector<1x1x16xf32>,
        %get3A_1363 = vector.shape_cast %get3A_1362 : vector<1x1x16xf32> to vector<16xf32>
        %mul3A_1364 = arith.constant 11.3137083 : f32
        %mul3A_1365 = vector.broadcast %mul3A_1364 : f32 to vector<16xf32>
        %mul3A_1366 = arith.mulf %get3A_1363, %mul3A_1365 : vector<16xf32>
        %add3A_1367 = arith.addf %mul3A_1366, %get3A_926 : vector<16xf32>
        %swap3A_1368 = arith.constant 3 : i32
        %swap3A_1369 = arith.index_cast %swap3A_1368 : i32 to index
        %swap3A_1370 = arith.index_cast %scan3A_1272 : i32 to index
        %swap3A_1371 = arith.constant 80 : index
        %swap3A_1372 = tpu.vector_load %arg7[%swap3A_1369, %swap3A_1370, %swap3A_1371] {strides = array<i32>} : memref<5x128x128xf32, #tpu.memory_space<vmem>>, vector<1x1x16xf32>,
        %swap3A_1373 = vector.shape_cast %swap3A_1372 : vector<1x1x16xf32> to vector<16xf32>
        %swap3A_1374 = vector.shape_cast %add3A_1367 : vector<16xf32> to vector<1x1x16xf32>
        tpu.vector_store %arg7[%swap3A_1369, %swap3A_1370, %swap3A_1371], %swap3A_1374 {strides = array<i32>} : memref<5x128x128xf32, #tpu.memory_space<vmem>>, vector<1x1x16xf32>,
        %get3A_1375 = arith.constant 3 : i32
        %get3A_1376 = arith.index_cast %get3A_1375 : i32 to index
        %get3A_1377 = arith.index_cast %scan3A_1272 : i32 to index
        %get3A_1378 = arith.constant 96 : index
        %get3A_1379 = tpu.vector_load %arg7[%get3A_1376, %get3A_1377, %get3A_1378] {strides = array<i32>} : memref<5x128x128xf32, #tpu.memory_space<vmem>>, vector<1x1x16xf32>,
        %get3A_1380 = vector.shape_cast %get3A_1379 : vector<1x1x16xf32> to vector<16xf32>
        %mul3A_1381 = arith.constant 11.3137083 : f32
        %mul3A_1382 = vector.broadcast %mul3A_1381 : f32 to vector<16xf32>
        %mul3A_1383 = arith.mulf %get3A_1380, %mul3A_1382 : vector<16xf32>
        %add3A_1384 = arith.addf %mul3A_1383, %get3A_930 : vector<16xf32>
        %swap3A_1385 = arith.constant 3 : i32
        %swap3A_1386 = arith.index_cast %swap3A_1385 : i32 to index
        %swap3A_1387 = arith.index_cast %scan3A_1272 : i32 to index
        %swap3A_1388 = arith.constant 96 : index
        %swap3A_1389 = tpu.vector_load %arg7[%swap3A_1386, %swap3A_1387, %swap3A_1388] {strides = array<i32>} : memref<5x128x128xf32, #tpu.memory_space<vmem>>, vector<1x1x16xf32>,
        %swap3A_1390 = vector.shape_cast %swap3A_1389 : vector<1x1x16xf32> to vector<16xf32>
        %swap3A_1391 = vector.shape_cast %add3A_1384 : vector<16xf32> to vector<1x1x16xf32>
        tpu.vector_store %arg7[%swap3A_1386, %swap3A_1387, %swap3A_1388], %swap3A_1391 {strides = array<i32>} : memref<5x128x128xf32, #tpu.memory_space<vmem>>, vector<1x1x16xf32>,
        %get3A_1392 = arith.constant 3 : i32
        %get3A_1393 = arith.index_cast %get3A_1392 : i32 to index
        %get3A_1394 = arith.index_cast %scan3A_1272 : i32 to index
        %get3A_1395 = arith.constant 112 : index
        %get3A_1396 = tpu.vector_load %arg7[%get3A_1393, %get3A_1394, %get3A_1395] {strides = array<i32>} : memref<5x128x128xf32, #tpu.memory_space<vmem>>, vector<1x1x16xf32>,
        %get3A_1397 = vector.shape_cast %get3A_1396 : vector<1x1x16xf32> to vector<16xf32>
        %mul3A_1398 = arith.constant 11.3137083 : f32
        %mul3A_1399 = vector.broadcast %mul3A_1398 : f32 to vector<16xf32>
        %mul3A_1400 = arith.mulf %get3A_1397, %mul3A_1399 : vector<16xf32>
        %add3A_1401 = arith.addf %mul3A_1400, %get3A_934 : vector<16xf32>
        %swap3A_1402 = arith.constant 3 : i32
        %swap3A_1403 = arith.index_cast %swap3A_1402 : i32 to index
        %swap3A_1404 = arith.index_cast %scan3A_1272 : i32 to index
        %swap3A_1405 = arith.constant 112 : index
        %swap3A_1406 = tpu.vector_load %arg7[%swap3A_1403, %swap3A_1404, %swap3A_1405] {strides = array<i32>} : memref<5x128x128xf32, #tpu.memory_space<vmem>>, vector<1x1x16xf32>,
        %swap3A_1407 = vector.shape_cast %swap3A_1406 : vector<1x1x16xf32> to vector<16xf32>
        %swap3A_1408 = vector.shape_cast %add3A_1401 : vector<16xf32> to vector<1x1x16xf32>
        tpu.vector_store %arg7[%swap3A_1403, %swap3A_1404, %swap3A_1405], %swap3A_1408 {strides = array<i32>} : memref<5x128x128xf32, #tpu.memory_space<vmem>>, vector<1x1x16xf32>,
      }
      %scan3A_988 = arith.constant 64 : i32
      %dma_start3A_989 = arith.constant 3 : i32
      %dma_start3A_990 = arith.constant 3 : i32
      %dma_start3A_991 = arith.constant 0 : i32
      %dma_start3A_992 = arith.constant 0 : i32
      %dma_start3A_993 = arith.constant 0 : i32
      %dma_start3A_994 = tpu.memref_slice %arg7[%dma_start3A_989, %dma_start3A_992, %dma_start3A_993] : memref<5x128x128xf32, #tpu.memory_space<vmem>> -> memref<1x64x128xf32, #tpu.memory_space<vmem>>
      %dma_start3A_995 = tpu.memref_squeeze %dma_start3A_994 : memref<1x64x128xf32, #tpu.memory_space<vmem>> -> memref<64x128xf32, #tpu.memory_space<vmem>>
      %dma_start3A_996 = arith.constant 0 : i32
      %dma_start3A_997 = tpu.memref_slice %arg9[%dma_start3A_990, %dma_start3A_991, %dma_start3A_996] : memref<5x2x64xi32, #tpu.memory_space<vmem>> -> memref<1x1x64xi32, #tpu.memory_space<vmem>>
      %dma_start3A_998 = tpu.memref_squeeze %dma_start3A_997 : memref<1x1x64xi32, #tpu.memory_space<vmem>> -> memref<64xi32, #tpu.memory_space<vmem>>
      %dma_start3A_999 = arith.constant 0 : i32
      %dma_start3A_1000 = arith.constant 0 : i32
      %dma_start3A_1001 = tpu.memref_slice %arg5[%dma_start3A_999, %dma_start3A_1000] : memref<204800x128xf32, #tpu.memory_space<hbm>> -> memref<204800x128xf32, #tpu.memory_space<hbm>>
      tpu.enqueue_indirect_dma source(%dma_start3A_995 : memref<64x128xf32, #tpu.memory_space<vmem>>) target(%dma_start3A_1001 : memref<204800x128xf32, #tpu.memory_space<hbm>>) offsets(%dma_start3A_998 : memref<64xi32, #tpu.memory_space<vmem>>) semaphore(%arg18 : memref<!tpu.dma_semaphore, #tpu.memory_space<semaphore_mem>>)
      %add3A_1002 = arith.constant 12800 : i32
      %add3A_1003 = arith.addi %add3A_902, %add3A_1002 : i32
      %add3A_1004 = vector.broadcast %add3A_1003 : i32 to vector<16xi32>
      %add3A_1005 = arith.addi %mul3A_32, %add3A_1004 : vector<16xi32>
      %swap3A_1006 = arith.constant 3 : i32
      %swap3A_1007 = arith.constant 1 : i32
      %swap3A_1008 = arith.index_cast %swap3A_1006 : i32 to index
      %swap3A_1009 = arith.index_cast %swap3A_1007 : i32 to index
      %swap3A_1010 = arith.constant 0 : index
      %swap3A_1011 = tpu.vector_load %arg9[%swap3A_1008, %swap3A_1009, %swap3A_1010] {strides = array<i32>} : memref<5x2x64xi32, #tpu.memory_space<vmem>>, vector<1x1x16xi32>,
      %swap3A_1012 = vector.shape_cast %swap3A_1011 : vector<1x1x16xi32> to vector<16xi32>
      %swap3A_1013 = vector.shape_cast %add3A_1005 : vector<16xi32> to vector<1x1x16xi32>
      tpu.vector_store %arg9[%swap3A_1008, %swap3A_1009, %swap3A_1010], %swap3A_1013 {strides = array<i32>} : memref<5x2x64xi32, #tpu.memory_space<vmem>>, vector<1x1x16xi32>,
      %add3A_1014 = arith.constant 16000 : i32
      %add3A_1015 = arith.addi %add3A_902, %add3A_1014 : i32
      %add3A_1016 = vector.broadcast %add3A_1015 : i32 to vector<16xi32>
      %add3A_1017 = arith.addi %mul3A_32, %add3A_1016 : vector<16xi32>
      %swap3A_1018 = arith.constant 3 : i32
      %swap3A_1019 = arith.constant 1 : i32
      %swap3A_1020 = arith.index_cast %swap3A_1018 : i32 to index
      %swap3A_1021 = arith.index_cast %swap3A_1019 : i32 to index
      %swap3A_1022 = arith.constant 16 : index
      %swap3A_1023 = tpu.vector_load %arg9[%swap3A_1020, %swap3A_1021, %swap3A_1022] {strides = array<i32>} : memref<5x2x64xi32, #tpu.memory_space<vmem>>, vector<1x1x16xi32>,
      %swap3A_1024 = vector.shape_cast %swap3A_1023 : vector<1x1x16xi32> to vector<16xi32>
      %swap3A_1025 = vector.shape_cast %add3A_1017 : vector<16xi32> to vector<1x1x16xi32>
      tpu.vector_store %arg9[%swap3A_1020, %swap3A_1021, %swap3A_1022], %swap3A_1025 {strides = array<i32>} : memref<5x2x64xi32, #tpu.memory_space<vmem>>, vector<1x1x16xi32>,
      %add3A_1026 = arith.constant 19200 : i32
      %add3A_1027 = arith.addi %add3A_902, %add3A_1026 : i32
      %add3A_1028 = vector.broadcast %add3A_1027 : i32 to vector<16xi32>
      %add3A_1029 = arith.addi %mul3A_32, %add3A_1028 : vector<16xi32>
      %swap3A_1030 = arith.constant 3 : i32
      %swap3A_1031 = arith.constant 1 : i32
      %swap3A_1032 = arith.index_cast %swap3A_1030 : i32 to index
      %swap3A_1033 = arith.index_cast %swap3A_1031 : i32 to index
      %swap3A_1034 = arith.constant 32 : index
      %swap3A_1035 = tpu.vector_load %arg9[%swap3A_1032, %swap3A_1033, %swap3A_1034] {strides = array<i32>} : memref<5x2x64xi32, #tpu.memory_space<vmem>>, vector<1x1x16xi32>,
      %swap3A_1036 = vector.shape_cast %swap3A_1035 : vector<1x1x16xi32> to vector<16xi32>
      %swap3A_1037 = vector.shape_cast %add3A_1029 : vector<16xi32> to vector<1x1x16xi32>
      tpu.vector_store %arg9[%swap3A_1032, %swap3A_1033, %swap3A_1034], %swap3A_1037 {strides = array<i32>} : memref<5x2x64xi32, #tpu.memory_space<vmem>>, vector<1x1x16xi32>,
      %add3A_1038 = arith.constant 22400 : i32
      %add3A_1039 = arith.addi %add3A_902, %add3A_1038 : i32
      %add3A_1040 = vector.broadcast %add3A_1039 : i32 to vector<16xi32>
      %add3A_1041 = arith.addi %mul3A_32, %add3A_1040 : vector<16xi32>
      %swap3A_1042 = arith.constant 3 : i32
      %swap3A_1043 = arith.constant 1 : i32
      %swap3A_1044 = arith.index_cast %swap3A_1042 : i32 to index
      %swap3A_1045 = arith.index_cast %swap3A_1043 : i32 to index
      %swap3A_1046 = arith.constant 48 : index
      %swap3A_1047 = tpu.vector_load %arg9[%swap3A_1044, %swap3A_1045, %swap3A_1046] {strides = array<i32>} : memref<5x2x64xi32, #tpu.memory_space<vmem>>, vector<1x1x16xi32>,
      %swap3A_1048 = vector.shape_cast %swap3A_1047 : vector<1x1x16xi32> to vector<16xi32>
      %swap3A_1049 = vector.shape_cast %add3A_1041 : vector<16xi32> to vector<1x1x16xi32>
      tpu.vector_store %arg9[%swap3A_1044, %swap3A_1045, %swap3A_1046], %swap3A_1049 {strides = array<i32>} : memref<5x2x64xi32, #tpu.memory_space<vmem>>, vector<1x1x16xi32>,
      %scan3A_1050 = arith.constant 0 : i32
      %scan3A_1051 = arith.constant 64 : i32
      %scan3A_1052 = arith.constant 64 : i32
      %scan3A_1053 = arith.addi %scan3A_1051, %scan3A_1052 : i32
      %scan3A_1054 = arith.constant 1 : i32
      scf.for %scan3A_1272 = %scan3A_1051 to %scan3A_1053 step %scan3A_1054  : i32 {
        %get3A_1273 = arith.constant 3 : i32
        %get3A_1274 = arith.index_cast %get3A_1273 : i32 to index
        %get3A_1275 = arith.index_cast %scan3A_1272 : i32 to index
        %get3A_1276 = arith.constant 0 : index
        %get3A_1277 = tpu.vector_load %arg7[%get3A_1274, %get3A_1275, %get3A_1276] {strides = array<i32>} : memref<5x128x128xf32, #tpu.memory_space<vmem>>, vector<1x1x16xf32>,
        %get3A_1278 = vector.shape_cast %get3A_1277 : vector<1x1x16xf32> to vector<16xf32>
        %mul3A_1279 = arith.constant 11.3137083 : f32
        %mul3A_1280 = vector.broadcast %mul3A_1279 : f32 to vector<16xf32>
        %mul3A_1281 = arith.mulf %get3A_1278, %mul3A_1280 : vector<16xf32>
        %add3A_1282 = arith.addf %mul3A_1281, %get3A_906 : vector<16xf32>
        %swap3A_1283 = arith.constant 3 : i32
        %swap3A_1284 = arith.index_cast %swap3A_1283 : i32 to index
        %swap3A_1285 = arith.index_cast %scan3A_1272 : i32 to index
        %swap3A_1286 = arith.constant 0 : index
        %swap3A_1287 = tpu.vector_load %arg7[%swap3A_1284, %swap3A_1285, %swap3A_1286] {strides = array<i32>} : memref<5x128x128xf32, #tpu.memory_space<vmem>>, vector<1x1x16xf32>,
        %swap3A_1288 = vector.shape_cast %swap3A_1287 : vector<1x1x16xf32> to vector<16xf32>
        %swap3A_1289 = vector.shape_cast %add3A_1282 : vector<16xf32> to vector<1x1x16xf32>
        tpu.vector_store %arg7[%swap3A_1284, %swap3A_1285, %swap3A_1286], %swap3A_1289 {strides = array<i32>} : memref<5x128x128xf32, #tpu.memory_space<vmem>>, vector<1x1x16xf32>,
        %get3A_1290 = arith.constant 3 : i32
        %get3A_1291 = arith.index_cast %get3A_1290 : i32 to index
        %get3A_1292 = arith.index_cast %scan3A_1272 : i32 to index
        %get3A_1293 = arith.constant 16 : index
        %get3A_1294 = tpu.vector_load %arg7[%get3A_1291, %get3A_1292, %get3A_1293] {strides = array<i32>} : memref<5x128x128xf32, #tpu.memory_space<vmem>>, vector<1x1x16xf32>,
        %get3A_1295 = vector.shape_cast %get3A_1294 : vector<1x1x16xf32> to vector<16xf32>
        %mul3A_1296 = arith.constant 11.3137083 : f32
        %mul3A_1297 = vector.broadcast %mul3A_1296 : f32 to vector<16xf32>
        %mul3A_1298 = arith.mulf %get3A_1295, %mul3A_1297 : vector<16xf32>
        %add3A_1299 = arith.addf %mul3A_1298, %get3A_910 : vector<16xf32>
        %swap3A_1300 = arith.constant 3 : i32
        %swap3A_1301 = arith.index_cast %swap3A_1300 : i32 to index
        %swap3A_1302 = arith.index_cast %scan3A_1272 : i32 to index
        %swap3A_1303 = arith.constant 16 : index
        %swap3A_1304 = tpu.vector_load %arg7[%swap3A_1301, %swap3A_1302, %swap3A_1303] {strides = array<i32>} : memref<5x128x128xf32, #tpu.memory_space<vmem>>, vector<1x1x16xf32>,
        %swap3A_1305 = vector.shape_cast %swap3A_1304 : vector<1x1x16xf32> to vector<16xf32>
        %swap3A_1306 = vector.shape_cast %add3A_1299 : vector<16xf32> to vector<1x1x16xf32>
        tpu.vector_store %arg7[%swap3A_1301, %swap3A_1302, %swap3A_1303], %swap3A_1306 {strides = array<i32>} : memref<5x128x128xf32, #tpu.memory_space<vmem>>, vector<1x1x16xf32>,
        %get3A_1307 = arith.constant 3 : i32
        %get3A_1308 = arith.index_cast %get3A_1307 : i32 to index
        %get3A_1309 = arith.index_cast %scan3A_1272 : i32 to index
        %get3A_1310 = arith.constant 32 : index
        %get3A_1311 = tpu.vector_load %arg7[%get3A_1308, %get3A_1309, %get3A_1310] {strides = array<i32>} : memref<5x128x128xf32, #tpu.memory_space<vmem>>, vector<1x1x16xf32>,
        %get3A_1312 = vector.shape_cast %get3A_1311 : vector<1x1x16xf32> to vector<16xf32>
        %mul3A_1313 = arith.constant 11.3137083 : f32
        %mul3A_1314 = vector.broadcast %mul3A_1313 : f32 to vector<16xf32>
        %mul3A_1315 = arith.mulf %get3A_1312, %mul3A_1314 : vector<16xf32>
        %add3A_1316 = arith.addf %mul3A_1315, %get3A_914 : vector<16xf32>
        %swap3A_1317 = arith.constant 3 : i32
        %swap3A_1318 = arith.index_cast %swap3A_1317 : i32 to index
        %swap3A_1319 = arith.index_cast %scan3A_1272 : i32 to index
        %swap3A_1320 = arith.constant 32 : index
        %swap3A_1321 = tpu.vector_load %arg7[%swap3A_1318, %swap3A_1319, %swap3A_1320] {strides = array<i32>} : memref<5x128x128xf32, #tpu.memory_space<vmem>>, vector<1x1x16xf32>,
        %swap3A_1322 = vector.shape_cast %swap3A_1321 : vector<1x1x16xf32> to vector<16xf32>
        %swap3A_1323 = vector.shape_cast %add3A_1316 : vector<16xf32> to vector<1x1x16xf32>
        tpu.vector_store %arg7[%swap3A_1318, %swap3A_1319, %swap3A_1320], %swap3A_1323 {strides = array<i32>} : memref<5x128x128xf32, #tpu.memory_space<vmem>>, vector<1x1x16xf32>,
        %get3A_1324 = arith.constant 3 : i32
        %get3A_1325 = arith.index_cast %get3A_1324 : i32 to index
        %get3A_1326 = arith.index_cast %scan3A_1272 : i32 to index
        %get3A_1327 = arith.constant 48 : index
        %get3A_1328 = tpu.vector_load %arg7[%get3A_1325, %get3A_1326, %get3A_1327] {strides = array<i32>} : memref<5x128x128xf32, #tpu.memory_space<vmem>>, vector<1x1x16xf32>,
        %get3A_1329 = vector.shape_cast %get3A_1328 : vector<1x1x16xf32> to vector<16xf32>
        %mul3A_1330 = arith.constant 11.3137083 : f32
        %mul3A_1331 = vector.broadcast %mul3A_1330 : f32 to vector<16xf32>
        %mul3A_1332 = arith.mulf %get3A_1329, %mul3A_1331 : vector<16xf32>
        %add3A_1333 = arith.addf %mul3A_1332, %get3A_918 : vector<16xf32>
        %swap3A_1334 = arith.constant 3 : i32
        %swap3A_1335 = arith.index_cast %swap3A_1334 : i32 to index
        %swap3A_1336 = arith.index_cast %scan3A_1272 : i32 to index
        %swap3A_1337 = arith.constant 48 : index
        %swap3A_1338 = tpu.vector_load %arg7[%swap3A_1335, %swap3A_1336, %swap3A_1337] {strides = array<i32>} : memref<5x128x128xf32, #tpu.memory_space<vmem>>, vector<1x1x16xf32>,
        %swap3A_1339 = vector.shape_cast %swap3A_1338 : vector<1x1x16xf32> to vector<16xf32>
        %swap3A_1340 = vector.shape_cast %add3A_1333 : vector<16xf32> to vector<1x1x16xf32>
        tpu.vector_store %arg7[%swap3A_1335, %swap3A_1336, %swap3A_1337], %swap3A_1340 {strides = array<i32>} : memref<5x128x128xf32, #tpu.memory_space<vmem>>, vector<1x1x16xf32>,
        %get3A_1341 = arith.constant 3 : i32
        %get3A_1342 = arith.index_cast %get3A_1341 : i32 to index
        %get3A_1343 = arith.index_cast %scan3A_1272 : i32 to index
        %get3A_1344 = arith.constant 64 : index
        %get3A_1345 = tpu.vector_load %arg7[%get3A_1342, %get3A_1343, %get3A_1344] {strides = array<i32>} : memref<5x128x128xf32, #tpu.memory_space<vmem>>, vector<1x1x16xf32>,
        %get3A_1346 = vector.shape_cast %get3A_1345 : vector<1x1x16xf32> to vector<16xf32>
        %mul3A_1347 = arith.constant 11.3137083 : f32
        %mul3A_1348 = vector.broadcast %mul3A_1347 : f32 to vector<16xf32>
        %mul3A_1349 = arith.mulf %get3A_1346, %mul3A_1348 : vector<16xf32>
        %add3A_1350 = arith.addf %mul3A_1349, %get3A_922 : vector<16xf32>
        %swap3A_1351 = arith.constant 3 : i32
        %swap3A_1352 = arith.index_cast %swap3A_1351 : i32 to index
        %swap3A_1353 = arith.index_cast %scan3A_1272 : i32 to index
        %swap3A_1354 = arith.constant 64 : index
        %swap3A_1355 = tpu.vector_load %arg7[%swap3A_1352, %swap3A_1353, %swap3A_1354] {strides = array<i32>} : memref<5x128x128xf32, #tpu.memory_space<vmem>>, vector<1x1x16xf32>,
        %swap3A_1356 = vector.shape_cast %swap3A_1355 : vector<1x1x16xf32> to vector<16xf32>
        %swap3A_1357 = vector.shape_cast %add3A_1350 : vector<16xf32> to vector<1x1x16xf32>
        tpu.vector_store %arg7[%swap3A_1352, %swap3A_1353, %swap3A_1354], %swap3A_1357 {strides = array<i32>} : memref<5x128x128xf32, #tpu.memory_space<vmem>>, vector<1x1x16xf32>,
        %get3A_1358 = arith.constant 3 : i32
        %get3A_1359 = arith.index_cast %get3A_1358 : i32 to index
        %get3A_1360 = arith.index_cast %scan3A_1272 : i32 to index
        %get3A_1361 = arith.constant 80 : index
        %get3A_1362 = tpu.vector_load %arg7[%get3A_1359, %get3A_1360, %get3A_1361] {strides = array<i32>} : memref<5x128x128xf32, #tpu.memory_space<vmem>>, vector<1x1x16xf32>,
        %get3A_1363 = vector.shape_cast %get3A_1362 : vector<1x1x16xf32> to vector<16xf32>
        %mul3A_1364 = arith.constant 11.3137083 : f32
        %mul3A_1365 = vector.broadcast %mul3A_1364 : f32 to vector<16xf32>
        %mul3A_1366 = arith.mulf %get3A_1363, %mul3A_1365 : vector<16xf32>
        %add3A_1367 = arith.addf %mul3A_1366, %get3A_926 : vector<16xf32>
        %swap3A_1368 = arith.constant 3 : i32
        %swap3A_1369 = arith.index_cast %swap3A_1368 : i32 to index
        %swap3A_1370 = arith.index_cast %scan3A_1272 : i32 to index
        %swap3A_1371 = arith.constant 80 : index
        %swap3A_1372 = tpu.vector_load %arg7[%swap3A_1369, %swap3A_1370, %swap3A_1371] {strides = array<i32>} : memref<5x128x128xf32, #tpu.memory_space<vmem>>, vector<1x1x16xf32>,
        %swap3A_1373 = vector.shape_cast %swap3A_1372 : vector<1x1x16xf32> to vector<16xf32>
        %swap3A_1374 = vector.shape_cast %add3A_1367 : vector<16xf32> to vector<1x1x16xf32>
        tpu.vector_store %arg7[%swap3A_1369, %swap3A_1370, %swap3A_1371], %swap3A_1374 {strides = array<i32>} : memref<5x128x128xf32, #tpu.memory_space<vmem>>, vector<1x1x16xf32>,
        %get3A_1375 = arith.constant 3 : i32
        %get3A_1376 = arith.index_cast %get3A_1375 : i32 to index
        %get3A_1377 = arith.index_cast %scan3A_1272 : i32 to index
        %get3A_1378 = arith.constant 96 : index
        %get3A_1379 = tpu.vector_load %arg7[%get3A_1376, %get3A_1377, %get3A_1378] {strides = array<i32>} : memref<5x128x128xf32, #tpu.memory_space<vmem>>, vector<1x1x16xf32>,
        %get3A_1380 = vector.shape_cast %get3A_1379 : vector<1x1x16xf32> to vector<16xf32>
        %mul3A_1381 = arith.constant 11.3137083 : f32
        %mul3A_1382 = vector.broadcast %mul3A_1381 : f32 to vector<16xf32>
        %mul3A_1383 = arith.mulf %get3A_1380, %mul3A_1382 : vector<16xf32>
        %add3A_1384 = arith.addf %mul3A_1383, %get3A_930 : vector<16xf32>
        %swap3A_1385 = arith.constant 3 : i32
        %swap3A_1386 = arith.index_cast %swap3A_1385 : i32 to index
        %swap3A_1387 = arith.index_cast %scan3A_1272 : i32 to index
        %swap3A_1388 = arith.constant 96 : index
        %swap3A_1389 = tpu.vector_load %arg7[%swap3A_1386, %swap3A_1387, %swap3A_1388] {strides = array<i32>} : memref<5x128x128xf32, #tpu.memory_space<vmem>>, vector<1x1x16xf32>,
        %swap3A_1390 = vector.shape_cast %swap3A_1389 : vector<1x1x16xf32> to vector<16xf32>
        %swap3A_1391 = vector.shape_cast %add3A_1384 : vector<16xf32> to vector<1x1x16xf32>
        tpu.vector_store %arg7[%swap3A_1386, %swap3A_1387, %swap3A_1388], %swap3A_1391 {strides = array<i32>} : memref<5x128x128xf32, #tpu.memory_space<vmem>>, vector<1x1x16xf32>,
        %get3A_1392 = arith.constant 3 : i32
        %get3A_1393 = arith.index_cast %get3A_1392 : i32 to index
        %get3A_1394 = arith.index_cast %scan3A_1272 : i32 to index
        %get3A_1395 = arith.constant 112 : index
        %get3A_1396 = tpu.vector_load %arg7[%get3A_1393, %get3A_1394, %get3A_1395] {strides = array<i32>} : memref<5x128x128xf32, #tpu.memory_space<vmem>>, vector<1x1x16xf32>,
        %get3A_1397 = vector.shape_cast %get3A_1396 : vector<1x1x16xf32> to vector<16xf32>
        %mul3A_1398 = arith.constant 11.3137083 : f32
        %mul3A_1399 = vector.broadcast %mul3A_1398 : f32 to vector<16xf32>
        %mul3A_1400 = arith.mulf %get3A_1397, %mul3A_1399 : vector<16xf32>
        %add3A_1401 = arith.addf %mul3A_1400, %get3A_934 : vector<16xf32>
        %swap3A_1402 = arith.constant 3 : i32
        %swap3A_1403 = arith.index_cast %swap3A_1402 : i32 to index
        %swap3A_1404 = arith.index_cast %scan3A_1272 : i32 to index
        %swap3A_1405 = arith.constant 112 : index
        %swap3A_1406 = tpu.vector_load %arg7[%swap3A_1403, %swap3A_1404, %swap3A_1405] {strides = array<i32>} : memref<5x128x128xf32, #tpu.memory_space<vmem>>, vector<1x1x16xf32>,
        %swap3A_1407 = vector.shape_cast %swap3A_1406 : vector<1x1x16xf32> to vector<16xf32>
        %swap3A_1408 = vector.shape_cast %add3A_1401 : vector<16xf32> to vector<1x1x16xf32>
        tpu.vector_store %arg7[%swap3A_1403, %swap3A_1404, %swap3A_1405], %swap3A_1408 {strides = array<i32>} : memref<5x128x128xf32, #tpu.memory_space<vmem>>, vector<1x1x16xf32>,
      }
      %scan3A_1055 = arith.constant 64 : i32
      %dma_start3A_1056 = arith.constant 3 : i32
      %dma_start3A_1057 = arith.constant 3 : i32
      %dma_start3A_1058 = arith.constant 1 : i32
      %dma_start3A_1059 = arith.constant 64 : i32
      %dma_start3A_1060 = arith.constant 0 : i32
      %dma_start3A_1061 = tpu.memref_slice %arg7[%dma_start3A_1056, %dma_start3A_1059, %dma_start3A_1060] : memref<5x128x128xf32, #tpu.memory_space<vmem>> -> memref<1x64x128xf32, #tpu.memory_space<vmem>>
      %dma_start3A_1062 = tpu.memref_squeeze %dma_start3A_1061 : memref<1x64x128xf32, #tpu.memory_space<vmem>> -> memref<64x128xf32, #tpu.memory_space<vmem>>
      %dma_start3A_1063 = arith.constant 0 : i32
      %dma_start3A_1064 = tpu.memref_slice %arg9[%dma_start3A_1057, %dma_start3A_1058, %dma_start3A_1063] : memref<5x2x64xi32, #tpu.memory_space<vmem>> -> memref<1x1x64xi32, #tpu.memory_space<vmem>>
      %dma_start3A_1065 = tpu.memref_squeeze %dma_start3A_1064 : memref<1x1x64xi32, #tpu.memory_space<vmem>> -> memref<64xi32, #tpu.memory_space<vmem>>
      %dma_start3A_1066 = arith.constant 0 : i32
      %dma_start3A_1067 = arith.constant 0 : i32
      %dma_start3A_1068 = tpu.memref_slice %arg5[%dma_start3A_1066, %dma_start3A_1067] : memref<204800x128xf32, #tpu.memory_space<hbm>> -> memref<204800x128xf32, #tpu.memory_space<hbm>>
      tpu.enqueue_indirect_dma source(%dma_start3A_1062 : memref<64x128xf32, #tpu.memory_space<vmem>>) target(%dma_start3A_1068 : memref<204800x128xf32, #tpu.memory_space<hbm>>) offsets(%dma_start3A_1065 : memref<64xi32, #tpu.memory_space<vmem>>) semaphore(%arg18 : memref<!tpu.dma_semaphore, #tpu.memory_space<semaphore_mem>>)
      %mul3A_1069 = arith.constant 5 : i32
      %mul3A_1070 = arith.muli %scan3A_261, %mul3A_1069 : i32
      %add3A_1071 = arith.constant 4 : i32
      %add3A_1072 = arith.addi %mul3A_1070, %add3A_1071 : i32
      %add3A_1073 = arith.constant 3 : i32
      %add3A_1074 = arith.addi %add3A_1072, %add3A_1073 : i32
      %lt3A_1075 = arith.constant 50 : i32
      %lt3A_1076 = arith.cmpi slt, %add3A_1074, %lt3A_1075 : i32
      %convert_element_type3A_1077 = arith.extui %lt3A_1076 : i1 to i32
      %cond3A_1078 = arith.constant 0 : i32
      %cond3A_1079 = arith.cmpi ne, %convert_element_type3A_1077, %cond3A_1078 : i32
      scf.if %cond3A_1079 {
        %dma_wait3A_1272 = arith.constant 0 : i32
        %dma_wait3A_1273 = arith.constant 0 : i32
        %dma_wait3A_1274 = arith.constant 0 : i32
        %dma_wait3A_1275 = arith.constant 0 : i32
        %dma_wait3A_1276 = tpu.memref_slice %arg6[%dma_wait3A_1274, %dma_wait3A_1275] : memref<5x128xi32, #tpu.memory_space<vmem>> -> memref<1x128xi32, #tpu.memory_space<vmem>>
        %dma_wait3A_1277 = tpu.memref_squeeze %dma_wait3A_1276 : memref<1x128xi32, #tpu.memory_space<vmem>> -> memref<128xi32, #tpu.memory_space<vmem>>
        %dma_wait3A_1278 = arith.constant 0 : i32
        %dma_wait3A_1279 = tpu.memref_slice %arg2[%dma_wait3A_1272, %dma_wait3A_1273, %dma_wait3A_1278] : memref<200x8x128xi32, #tpu.memory_space<hbm>> -> memref<1x1x128xi32, #tpu.memory_space<hbm>>
        %dma_wait3A_1280 = tpu.memref_squeeze %dma_wait3A_1279 : memref<1x1x128xi32, #tpu.memory_space<hbm>> -> memref<128xi32, #tpu.memory_space<hbm>>
        %dma_wait3A_1281 = arith.constant 0 : i32
        %dma_wait3A_1282 = tpu.memref_slice %arg6[%dma_wait3A_1274, %dma_wait3A_1281] : memref<5x128xi32, #tpu.memory_space<vmem>> -> memref<1x128xi32, #tpu.memory_space<vmem>>
        %dma_wait3A_1283 = tpu.memref_squeeze %dma_wait3A_1282 : memref<1x128xi32, #tpu.memory_space<vmem>> -> memref<128xi32, #tpu.memory_space<vmem>>
        %dma_wait3A_1284 = arith.constant 0 : i32
        %dma_wait3A_1285 = tpu.memref_slice %arg2[%dma_wait3A_1272, %dma_wait3A_1273, %dma_wait3A_1284] : memref<200x8x128xi32, #tpu.memory_space<hbm>> -> memref<1x1x128xi32, #tpu.memory_space<hbm>>
        %dma_wait3A_1286 = tpu.memref_squeeze %dma_wait3A_1285 : memref<1x1x128xi32, #tpu.memory_space<hbm>> -> memref<128xi32, #tpu.memory_space<hbm>>
        tpu.wait_dma2 semaphore(%arg20 : memref<!tpu.dma_semaphore, #tpu.memory_space<semaphore_mem>>) src(%dma_wait3A_1286 : memref<128xi32, #tpu.memory_space<hbm>>) dst(%dma_wait3A_1283 : memref<128xi32, #tpu.memory_space<vmem>>)
        %add3A_1287 = arith.constant 3 : i32
        %add3A_1288 = arith.addi %add3A_1072, %add3A_1287 : i32
        %ge3A = arith.constant 5 : i32
        %ge3A_1289 = arith.cmpi sge, %add3A_1288, %ge3A : i32
        %convert_element_type3A_1290 = arith.extui %ge3A_1289 : i1 to i32
        %cond3A_1291 = arith.constant 0 : i32
        %cond3A_1292 = arith.cmpi ne, %convert_element_type3A_1290, %cond3A_1291 : i32
        scf.if %cond3A_1292 {
          %dma_wait3A_1305 = arith.constant 0 : i32
          %dma_wait3A_1306 = arith.constant 0 : i32
          %dma_wait3A_1307 = arith.constant 0 : i32
          %dma_wait3A_1308 = tpu.memref_slice %arg7[%dma_wait3A_1305, %dma_wait3A_1306, %dma_wait3A_1307] : memref<5x128x128xf32, #tpu.memory_space<vmem>> -> memref<1x128x128xf32, #tpu.memory_space<vmem>>
          %dma_wait3A_1309 = tpu.memref_squeeze %dma_wait3A_1308 : memref<1x128x128xf32, #tpu.memory_space<vmem>> -> memref<128x128xf32, #tpu.memory_space<vmem>>
          %dma_wait3A_1310 = arith.constant 0 : i32
          %dma_wait3A_1311 = arith.constant 0 : i32
          %dma_wait3A_1312 = tpu.memref_slice %arg5[%dma_wait3A_1310, %dma_wait3A_1311] : memref<204800x128xf32, #tpu.memory_space<hbm>> -> memref<128x128xf32, #tpu.memory_space<hbm>>
          %dma_wait3A_1313 = arith.constant 0 : i32
          %dma_wait3A_1314 = arith.constant 0 : i32
          %dma_wait3A_1315 = tpu.memref_slice %arg5[%dma_wait3A_1313, %dma_wait3A_1314] : memref<204800x128xf32, #tpu.memory_space<hbm>> -> memref<128x128xf32, #tpu.memory_space<hbm>>
          %dma_wait3A_1316 = arith.constant 0 : i32
          %dma_wait3A_1317 = arith.constant 0 : i32
          %dma_wait3A_1318 = tpu.memref_slice %arg7[%dma_wait3A_1305, %dma_wait3A_1316, %dma_wait3A_1317] : memref<5x128x128xf32, #tpu.memory_space<vmem>> -> memref<1x128x128xf32, #tpu.memory_space<vmem>>
          %dma_wait3A_1319 = tpu.memref_squeeze %dma_wait3A_1318 : memref<1x128x128xf32, #tpu.memory_space<vmem>> -> memref<128x128xf32, #tpu.memory_space<vmem>>
          tpu.wait_dma2 semaphore(%arg17 : memref<!tpu.dma_semaphore, #tpu.memory_space<semaphore_mem>>) src(%dma_wait3A_1319 : memref<128x128xf32, #tpu.memory_space<vmem>>) dst(%dma_wait3A_1315 : memref<128x128xf32, #tpu.memory_space<hbm>>)
        } else {
        }
        %dma_start3A_1293 = arith.constant 2 : i32
        %dma_start3A_1294 = arith.constant 2 : i32
        %dma_start3A_1295 = arith.constant 0 : i32
        %dma_start3A_1296 = arith.constant 0 : i32
        %dma_start3A_1297 = tpu.memref_slice %arg7[%dma_start3A_1294, %dma_start3A_1295, %dma_start3A_1296] : memref<5x128x128xf32, #tpu.memory_space<vmem>> -> memref<1x128x128xf32, #tpu.memory_space<vmem>>
        %dma_start3A_1298 = tpu.memref_squeeze %dma_start3A_1297 : memref<1x128x128xf32, #tpu.memory_space<vmem>> -> memref<128x128xf32, #tpu.memory_space<vmem>>
        %dma_start3A_1299 = arith.constant 0 : i32
        %dma_start3A_1300 = tpu.memref_slice %arg6[%dma_start3A_1293, %dma_start3A_1299] : memref<5x128xi32, #tpu.memory_space<vmem>> -> memref<1x128xi32, #tpu.memory_space<vmem>>
        %dma_start3A_1301 = tpu.memref_squeeze %dma_start3A_1300 : memref<1x128xi32, #tpu.memory_space<vmem>> -> memref<128xi32, #tpu.memory_space<vmem>>
        %dma_start3A_1302 = arith.constant 0 : i32
        %dma_start3A_1303 = arith.constant 0 : i32
        %dma_start3A_1304 = tpu.memref_slice %arg3[%dma_start3A_1302, %dma_start3A_1303] : memref<100000x128xf32, #tpu.memory_space<hbm>> -> memref<100000x128xf32, #tpu.memory_space<hbm>>
        tpu.enqueue_indirect_dma source(%dma_start3A_1304 : memref<100000x128xf32, #tpu.memory_space<hbm>>) target(%dma_start3A_1298 : memref<128x128xf32, #tpu.memory_space<vmem>>) offsets(%dma_start3A_1301 : memref<128xi32, #tpu.memory_space<vmem>>) semaphore(%arg12 : memref<!tpu.dma_semaphore, #tpu.memory_space<semaphore_mem>>)
      } else {
      }
      %dma_wait3A_1080 = arith.constant 0 : i32
      %dma_wait3A_1081 = arith.constant 0 : i32
      %dma_wait3A_1082 = arith.constant 0 : i32
      %dma_wait3A_1083 = tpu.memref_slice %arg7[%dma_wait3A_1080, %dma_wait3A_1081, %dma_wait3A_1082] : memref<5x128x128xf32, #tpu.memory_space<vmem>> -> memref<1x128x128xf32, #tpu.memory_space<vmem>>
      %dma_wait3A_1084 = tpu.memref_squeeze %dma_wait3A_1083 : memref<1x128x128xf32, #tpu.memory_space<vmem>> -> memref<128x128xf32, #tpu.memory_space<vmem>>
      %dma_wait3A_1085 = arith.constant 0 : i32
      %dma_wait3A_1086 = arith.constant 0 : i32
      %dma_wait3A_1087 = tpu.memref_slice %arg5[%dma_wait3A_1085, %dma_wait3A_1086] : memref<204800x128xf32, #tpu.memory_space<hbm>> -> memref<128x128xf32, #tpu.memory_space<hbm>>
      %dma_wait3A_1088 = arith.constant 0 : i32
      %dma_wait3A_1089 = arith.constant 0 : i32
      %dma_wait3A_1090 = tpu.memref_slice %arg7[%dma_wait3A_1080, %dma_wait3A_1088, %dma_wait3A_1089] : memref<5x128x128xf32, #tpu.memory_space<vmem>> -> memref<1x128x128xf32, #tpu.memory_space<vmem>>
      %dma_wait3A_1091 = tpu.memref_squeeze %dma_wait3A_1090 : memref<1x128x128xf32, #tpu.memory_space<vmem>> -> memref<128x128xf32, #tpu.memory_space<vmem>>
      %dma_wait3A_1092 = arith.constant 0 : i32
      %dma_wait3A_1093 = arith.constant 0 : i32
      %dma_wait3A_1094 = tpu.memref_slice %arg5[%dma_wait3A_1092, %dma_wait3A_1093] : memref<204800x128xf32, #tpu.memory_space<hbm>> -> memref<128x128xf32, #tpu.memory_space<hbm>>
      tpu.wait_dma2 semaphore(%arg14 : memref<!tpu.dma_semaphore, #tpu.memory_space<semaphore_mem>>) src(%dma_wait3A_1094 : memref<128x128xf32, #tpu.memory_space<hbm>>) dst(%dma_wait3A_1091 : memref<128x128xf32, #tpu.memory_space<vmem>>)
      %add3A_1095 = arith.constant 4 : i32
      %add3A_1096 = arith.addi %add3A_1072, %add3A_1095 : i32
      %lt3A_1097 = arith.constant 50 : i32
      %lt3A_1098 = arith.cmpi slt, %add3A_1096, %lt3A_1097 : i32
      %convert_element_type3A_1099 = arith.extui %lt3A_1098 : i1 to i32
      %cond3A_1100 = arith.constant 0 : i32
      %cond3A_1101 = arith.cmpi ne, %convert_element_type3A_1099, %cond3A_1100 : i32
      scf.if %cond3A_1101 {
        %add3A_1272 = arith.constant 4 : i32
        %add3A_1273 = arith.addi %add3A_1072, %add3A_1272 : i32
        %add3A_1274 = arith.addi %mul3A_22, %add3A_1273 : i32
        %dma_start3A_1275 = arith.constant 3 : i32
        %dma_start3A_1276 = arith.constant 0 : i32
        %dma_start3A_1277 = tpu.memref_slice %arg6[%dma_start3A_1275, %dma_start3A_1276] : memref<5x128xi32, #tpu.memory_space<vmem>> -> memref<1x128xi32, #tpu.memory_space<vmem>>
        %dma_start3A_1278 = tpu.memref_squeeze %dma_start3A_1277 : memref<1x128xi32, #tpu.memory_space<vmem>> -> memref<128xi32, #tpu.memory_space<vmem>>
        %dma_start3A_1279 = arith.constant 0 : i32
        %dma_start3A_1280 = tpu.memref_slice %arg2[%add3A_1274, %rem3A_1, %dma_start3A_1279] : memref<200x8x128xi32, #tpu.memory_space<hbm>> -> memref<1x1x128xi32, #tpu.memory_space<hbm>>
        %dma_start3A_1281 = tpu.memref_squeeze %dma_start3A_1280 : memref<1x1x128xi32, #tpu.memory_space<hbm>> -> memref<128xi32, #tpu.memory_space<hbm>>
        %dma_start3A_1282 = arith.constant 0 : i32
        %dma_start3A_1283 = tpu.memref_slice %arg6[%dma_start3A_1275, %dma_start3A_1282] : memref<5x128xi32, #tpu.memory_space<vmem>> -> memref<1x128xi32, #tpu.memory_space<vmem>>
        %dma_start3A_1284 = tpu.memref_squeeze %dma_start3A_1283 : memref<1x128xi32, #tpu.memory_space<vmem>> -> memref<128xi32, #tpu.memory_space<vmem>>
        %dma_start3A_1285 = arith.constant 0 : i32
        %dma_start3A_1286 = tpu.memref_slice %arg2[%add3A_1274, %rem3A_1, %dma_start3A_1285] : memref<200x8x128xi32, #tpu.memory_space<hbm>> -> memref<1x1x128xi32, #tpu.memory_space<hbm>>
        %dma_start3A_1287 = tpu.memref_squeeze %dma_start3A_1286 : memref<1x1x128xi32, #tpu.memory_space<hbm>> -> memref<128xi32, #tpu.memory_space<hbm>>
        tpu.enqueue_dma source(%dma_start3A_1287 : memref<128xi32, #tpu.memory_space<hbm>>) target(%dma_start3A_1284 : memref<128xi32, #tpu.memory_space<vmem>>) target_semaphore(%arg20 : memref<!tpu.dma_semaphore, #tpu.memory_space<semaphore_mem>>)
      } else {
      }
      %mul3A_1102 = arith.constant 200 : i32
      %mul3A_1103 = arith.muli %mul3A_20, %mul3A_1102 : i32
      %add3A_1104 = arith.addi %mul3A_1103, %mul3A_22 : i32
      %add3A_1105 = arith.addi %add3A_1104, %add3A_1072 : i32
      %get3A_1106 = arith.index_cast %add3A_1072 : i32 to index
      %get3A_1107 = arith.constant 0 : index
      %get3A_1108 = tpu.vector_load %arg8[%get3A_1106, %get3A_1107] {strides = array<i32>} : memref<50x128xf32, #tpu.memory_space<vmem>>, vector<1x16xf32>,
      %get3A_1109 = vector.shape_cast %get3A_1108 : vector<1x16xf32> to vector<16xf32>
      %get3A_1110 = arith.index_cast %add3A_1072 : i32 to index
      %get3A_1111 = arith.constant 16 : index
      %get3A_1112 = tpu.vector_load %arg8[%get3A_1110, %get3A_1111] {strides = array<i32>} : memref<50x128xf32, #tpu.memory_space<vmem>>, vector<1x16xf32>,
      %get3A_1113 = vector.shape_cast %get3A_1112 : vector<1x16xf32> to vector<16xf32>
      %get3A_1114 = arith.index_cast %add3A_1072 : i32 to index
      %get3A_1115 = arith.constant 32 : index
      %get3A_1116 = tpu.vector_load %arg8[%get3A_1114, %get3A_1115] {strides = array<i32>} : memref<50x128xf32, #tpu.memory_space<vmem>>, vector<1x16xf32>,
      %get3A_1117 = vector.shape_cast %get3A_1116 : vector<1x16xf32> to vector<16xf32>
      %get3A_1118 = arith.index_cast %add3A_1072 : i32 to index
      %get3A_1119 = arith.constant 48 : index
      %get3A_1120 = tpu.vector_load %arg8[%get3A_1118, %get3A_1119] {strides = array<i32>} : memref<50x128xf32, #tpu.memory_space<vmem>>, vector<1x16xf32>,
      %get3A_1121 = vector.shape_cast %get3A_1120 : vector<1x16xf32> to vector<16xf32>
      %get3A_1122 = arith.index_cast %add3A_1072 : i32 to index
      %get3A_1123 = arith.constant 64 : index
      %get3A_1124 = tpu.vector_load %arg8[%get3A_1122, %get3A_1123] {strides = array<i32>} : memref<50x128xf32, #tpu.memory_space<vmem>>, vector<1x16xf32>,
      %get3A_1125 = vector.shape_cast %get3A_1124 : vector<1x16xf32> to vector<16xf32>
      %get3A_1126 = arith.index_cast %add3A_1072 : i32 to index
      %get3A_1127 = arith.constant 80 : index
      %get3A_1128 = tpu.vector_load %arg8[%get3A_1126, %get3A_1127] {strides = array<i32>} : memref<50x128xf32, #tpu.memory_space<vmem>>, vector<1x16xf32>,
      %get3A_1129 = vector.shape_cast %get3A_1128 : vector<1x16xf32> to vector<16xf32>
      %get3A_1130 = arith.index_cast %add3A_1072 : i32 to index
      %get3A_1131 = arith.constant 96 : index
      %get3A_1132 = tpu.vector_load %arg8[%get3A_1130, %get3A_1131] {strides = array<i32>} : memref<50x128xf32, #tpu.memory_space<vmem>>, vector<1x16xf32>,
      %get3A_1133 = vector.shape_cast %get3A_1132 : vector<1x16xf32> to vector<16xf32>
      %get3A_1134 = arith.index_cast %add3A_1072 : i32 to index
      %get3A_1135 = arith.constant 112 : index
      %get3A_1136 = tpu.vector_load %arg8[%get3A_1134, %get3A_1135] {strides = array<i32>} : memref<50x128xf32, #tpu.memory_space<vmem>>, vector<1x16xf32>,
      %get3A_1137 = vector.shape_cast %get3A_1136 : vector<1x16xf32> to vector<16xf32>
      %add3A_1138 = arith.constant 0 : i32
      %add3A_1139 = arith.addi %add3A_1105, %add3A_1138 : i32
      %add3A_1140 = vector.broadcast %add3A_1139 : i32 to vector<16xi32>
      %add3A_1141 = arith.addi %mul3A_32, %add3A_1140 : vector<16xi32>
      %swap3A_1142 = arith.constant 4 : i32
      %swap3A_1143 = arith.constant 0 : i32
      %swap3A_1144 = arith.index_cast %swap3A_1142 : i32 to index
      %swap3A_1145 = arith.index_cast %swap3A_1143 : i32 to index
      %swap3A_1146 = arith.constant 0 : index
      %swap3A_1147 = tpu.vector_load %arg9[%swap3A_1144, %swap3A_1145, %swap3A_1146] {strides = array<i32>} : memref<5x2x64xi32, #tpu.memory_space<vmem>>, vector<1x1x16xi32>,
      %swap3A_1148 = vector.shape_cast %swap3A_1147 : vector<1x1x16xi32> to vector<16xi32>
      %swap3A_1149 = vector.shape_cast %add3A_1141 : vector<16xi32> to vector<1x1x16xi32>
      tpu.vector_store %arg9[%swap3A_1144, %swap3A_1145, %swap3A_1146], %swap3A_1149 {strides = array<i32>} : memref<5x2x64xi32, #tpu.memory_space<vmem>>, vector<1x1x16xi32>,
      %add3A_1150 = arith.constant 3200 : i32
      %add3A_1151 = arith.addi %add3A_1105, %add3A_1150 : i32
      %add3A_1152 = vector.broadcast %add3A_1151 : i32 to vector<16xi32>
      %add3A_1153 = arith.addi %mul3A_32, %add3A_1152 : vector<16xi32>
      %swap3A_1154 = arith.constant 4 : i32
      %swap3A_1155 = arith.constant 0 : i32
      %swap3A_1156 = arith.index_cast %swap3A_1154 : i32 to index
      %swap3A_1157 = arith.index_cast %swap3A_1155 : i32 to index
      %swap3A_1158 = arith.constant 16 : index
      %swap3A_1159 = tpu.vector_load %arg9[%swap3A_1156, %swap3A_1157, %swap3A_1158] {strides = array<i32>} : memref<5x2x64xi32, #tpu.memory_space<vmem>>, vector<1x1x16xi32>,
      %swap3A_1160 = vector.shape_cast %swap3A_1159 : vector<1x1x16xi32> to vector<16xi32>
      %swap3A_1161 = vector.shape_cast %add3A_1153 : vector<16xi32> to vector<1x1x16xi32>
      tpu.vector_store %arg9[%swap3A_1156, %swap3A_1157, %swap3A_1158], %swap3A_1161 {strides = array<i32>} : memref<5x2x64xi32, #tpu.memory_space<vmem>>, vector<1x1x16xi32>,
      %add3A_1162 = arith.constant 6400 : i32
      %add3A_1163 = arith.addi %add3A_1105, %add3A_1162 : i32
      %add3A_1164 = vector.broadcast %add3A_1163 : i32 to vector<16xi32>
      %add3A_1165 = arith.addi %mul3A_32, %add3A_1164 : vector<16xi32>
      %swap3A_1166 = arith.constant 4 : i32
      %swap3A_1167 = arith.constant 0 : i32
      %swap3A_1168 = arith.index_cast %swap3A_1166 : i32 to index
      %swap3A_1169 = arith.index_cast %swap3A_1167 : i32 to index
      %swap3A_1170 = arith.constant 32 : index
      %swap3A_1171 = tpu.vector_load %arg9[%swap3A_1168, %swap3A_1169, %swap3A_1170] {strides = array<i32>} : memref<5x2x64xi32, #tpu.memory_space<vmem>>, vector<1x1x16xi32>,
      %swap3A_1172 = vector.shape_cast %swap3A_1171 : vector<1x1x16xi32> to vector<16xi32>
      %swap3A_1173 = vector.shape_cast %add3A_1165 : vector<16xi32> to vector<1x1x16xi32>
      tpu.vector_store %arg9[%swap3A_1168, %swap3A_1169, %swap3A_1170], %swap3A_1173 {strides = array<i32>} : memref<5x2x64xi32, #tpu.memory_space<vmem>>, vector<1x1x16xi32>,
      %add3A_1174 = arith.constant 9600 : i32
      %add3A_1175 = arith.addi %add3A_1105, %add3A_1174 : i32
      %add3A_1176 = vector.broadcast %add3A_1175 : i32 to vector<16xi32>
      %add3A_1177 = arith.addi %mul3A_32, %add3A_1176 : vector<16xi32>
      %swap3A_1178 = arith.constant 4 : i32
      %swap3A_1179 = arith.constant 0 : i32
      %swap3A_1180 = arith.index_cast %swap3A_1178 : i32 to index
      %swap3A_1181 = arith.index_cast %swap3A_1179 : i32 to index
      %swap3A_1182 = arith.constant 48 : index
      %swap3A_1183 = tpu.vector_load %arg9[%swap3A_1180, %swap3A_1181, %swap3A_1182] {strides = array<i32>} : memref<5x2x64xi32, #tpu.memory_space<vmem>>, vector<1x1x16xi32>,
      %swap3A_1184 = vector.shape_cast %swap3A_1183 : vector<1x1x16xi32> to vector<16xi32>
      %swap3A_1185 = vector.shape_cast %add3A_1177 : vector<16xi32> to vector<1x1x16xi32>
      tpu.vector_store %arg9[%swap3A_1180, %swap3A_1181, %swap3A_1182], %swap3A_1185 {strides = array<i32>} : memref<5x2x64xi32, #tpu.memory_space<vmem>>, vector<1x1x16xi32>,
      %scan3A_1186 = arith.constant 0 : i32
      %scan3A_1187 = arith.constant 0 : i32
      %scan3A_1188 = arith.constant 64 : i32
      %scan3A_1189 = arith.addi %scan3A_1187, %scan3A_1188 : i32
      %scan3A_1190 = arith.constant 1 : i32
      scf.for %scan3A_1272 = %scan3A_1187 to %scan3A_1189 step %scan3A_1190  : i32 {
        %get3A_1273 = arith.constant 4 : i32
        %get3A_1274 = arith.index_cast %get3A_1273 : i32 to index
        %get3A_1275 = arith.index_cast %scan3A_1272 : i32 to index
        %get3A_1276 = arith.constant 0 : index
        %get3A_1277 = tpu.vector_load %arg7[%get3A_1274, %get3A_1275, %get3A_1276] {strides = array<i32>} : memref<5x128x128xf32, #tpu.memory_space<vmem>>, vector<1x1x16xf32>,
        %get3A_1278 = vector.shape_cast %get3A_1277 : vector<1x1x16xf32> to vector<16xf32>
        %mul3A_1279 = arith.constant 11.3137083 : f32
        %mul3A_1280 = vector.broadcast %mul3A_1279 : f32 to vector<16xf32>
        %mul3A_1281 = arith.mulf %get3A_1278, %mul3A_1280 : vector<16xf32>
        %add3A_1282 = arith.addf %mul3A_1281, %get3A_1109 : vector<16xf32>
        %swap3A_1283 = arith.constant 4 : i32
        %swap3A_1284 = arith.index_cast %swap3A_1283 : i32 to index
        %swap3A_1285 = arith.index_cast %scan3A_1272 : i32 to index
        %swap3A_1286 = arith.constant 0 : index
        %swap3A_1287 = tpu.vector_load %arg7[%swap3A_1284, %swap3A_1285, %swap3A_1286] {strides = array<i32>} : memref<5x128x128xf32, #tpu.memory_space<vmem>>, vector<1x1x16xf32>,
        %swap3A_1288 = vector.shape_cast %swap3A_1287 : vector<1x1x16xf32> to vector<16xf32>
        %swap3A_1289 = vector.shape_cast %add3A_1282 : vector<16xf32> to vector<1x1x16xf32>
        tpu.vector_store %arg7[%swap3A_1284, %swap3A_1285, %swap3A_1286], %swap3A_1289 {strides = array<i32>} : memref<5x128x128xf32, #tpu.memory_space<vmem>>, vector<1x1x16xf32>,
        %get3A_1290 = arith.constant 4 : i32
        %get3A_1291 = arith.index_cast %get3A_1290 : i32 to index
        %get3A_1292 = arith.index_cast %scan3A_1272 : i32 to index
        %get3A_1293 = arith.constant 16 : index
        %get3A_1294 = tpu.vector_load %arg7[%get3A_1291, %get3A_1292, %get3A_1293] {strides = array<i32>} : memref<5x128x128xf32, #tpu.memory_space<vmem>>, vector<1x1x16xf32>,
        %get3A_1295 = vector.shape_cast %get3A_1294 : vector<1x1x16xf32> to vector<16xf32>
        %mul3A_1296 = arith.constant 11.3137083 : f32
        %mul3A_1297 = vector.broadcast %mul3A_1296 : f32 to vector<16xf32>
        %mul3A_1298 = arith.mulf %get3A_1295, %mul3A_1297 : vector<16xf32>
        %add3A_1299 = arith.addf %mul3A_1298, %get3A_1113 : vector<16xf32>
        %swap3A_1300 = arith.constant 4 : i32
        %swap3A_1301 = arith.index_cast %swap3A_1300 : i32 to index
        %swap3A_1302 = arith.index_cast %scan3A_1272 : i32 to index
        %swap3A_1303 = arith.constant 16 : index
        %swap3A_1304 = tpu.vector_load %arg7[%swap3A_1301, %swap3A_1302, %swap3A_1303] {strides = array<i32>} : memref<5x128x128xf32, #tpu.memory_space<vmem>>, vector<1x1x16xf32>,
        %swap3A_1305 = vector.shape_cast %swap3A_1304 : vector<1x1x16xf32> to vector<16xf32>
        %swap3A_1306 = vector.shape_cast %add3A_1299 : vector<16xf32> to vector<1x1x16xf32>
        tpu.vector_store %arg7[%swap3A_1301, %swap3A_1302, %swap3A_1303], %swap3A_1306 {strides = array<i32>} : memref<5x128x128xf32, #tpu.memory_space<vmem>>, vector<1x1x16xf32>,
        %get3A_1307 = arith.constant 4 : i32
        %get3A_1308 = arith.index_cast %get3A_1307 : i32 to index
        %get3A_1309 = arith.index_cast %scan3A_1272 : i32 to index
        %get3A_1310 = arith.constant 32 : index
        %get3A_1311 = tpu.vector_load %arg7[%get3A_1308, %get3A_1309, %get3A_1310] {strides = array<i32>} : memref<5x128x128xf32, #tpu.memory_space<vmem>>, vector<1x1x16xf32>,
        %get3A_1312 = vector.shape_cast %get3A_1311 : vector<1x1x16xf32> to vector<16xf32>
        %mul3A_1313 = arith.constant 11.3137083 : f32
        %mul3A_1314 = vector.broadcast %mul3A_1313 : f32 to vector<16xf32>
        %mul3A_1315 = arith.mulf %get3A_1312, %mul3A_1314 : vector<16xf32>
        %add3A_1316 = arith.addf %mul3A_1315, %get3A_1117 : vector<16xf32>
        %swap3A_1317 = arith.constant 4 : i32
        %swap3A_1318 = arith.index_cast %swap3A_1317 : i32 to index
        %swap3A_1319 = arith.index_cast %scan3A_1272 : i32 to index
        %swap3A_1320 = arith.constant 32 : index
        %swap3A_1321 = tpu.vector_load %arg7[%swap3A_1318, %swap3A_1319, %swap3A_1320] {strides = array<i32>} : memref<5x128x128xf32, #tpu.memory_space<vmem>>, vector<1x1x16xf32>,
        %swap3A_1322 = vector.shape_cast %swap3A_1321 : vector<1x1x16xf32> to vector<16xf32>
        %swap3A_1323 = vector.shape_cast %add3A_1316 : vector<16xf32> to vector<1x1x16xf32>
        tpu.vector_store %arg7[%swap3A_1318, %swap3A_1319, %swap3A_1320], %swap3A_1323 {strides = array<i32>} : memref<5x128x128xf32, #tpu.memory_space<vmem>>, vector<1x1x16xf32>,
        %get3A_1324 = arith.constant 4 : i32
        %get3A_1325 = arith.index_cast %get3A_1324 : i32 to index
        %get3A_1326 = arith.index_cast %scan3A_1272 : i32 to index
        %get3A_1327 = arith.constant 48 : index
        %get3A_1328 = tpu.vector_load %arg7[%get3A_1325, %get3A_1326, %get3A_1327] {strides = array<i32>} : memref<5x128x128xf32, #tpu.memory_space<vmem>>, vector<1x1x16xf32>,
        %get3A_1329 = vector.shape_cast %get3A_1328 : vector<1x1x16xf32> to vector<16xf32>
        %mul3A_1330 = arith.constant 11.3137083 : f32
        %mul3A_1331 = vector.broadcast %mul3A_1330 : f32 to vector<16xf32>
        %mul3A_1332 = arith.mulf %get3A_1329, %mul3A_1331 : vector<16xf32>
        %add3A_1333 = arith.addf %mul3A_1332, %get3A_1121 : vector<16xf32>
        %swap3A_1334 = arith.constant 4 : i32
        %swap3A_1335 = arith.index_cast %swap3A_1334 : i32 to index
        %swap3A_1336 = arith.index_cast %scan3A_1272 : i32 to index
        %swap3A_1337 = arith.constant 48 : index
        %swap3A_1338 = tpu.vector_load %arg7[%swap3A_1335, %swap3A_1336, %swap3A_1337] {strides = array<i32>} : memref<5x128x128xf32, #tpu.memory_space<vmem>>, vector<1x1x16xf32>,
        %swap3A_1339 = vector.shape_cast %swap3A_1338 : vector<1x1x16xf32> to vector<16xf32>
        %swap3A_1340 = vector.shape_cast %add3A_1333 : vector<16xf32> to vector<1x1x16xf32>
        tpu.vector_store %arg7[%swap3A_1335, %swap3A_1336, %swap3A_1337], %swap3A_1340 {strides = array<i32>} : memref<5x128x128xf32, #tpu.memory_space<vmem>>, vector<1x1x16xf32>,
        %get3A_1341 = arith.constant 4 : i32
        %get3A_1342 = arith.index_cast %get3A_1341 : i32 to index
        %get3A_1343 = arith.index_cast %scan3A_1272 : i32 to index
        %get3A_1344 = arith.constant 64 : index
        %get3A_1345 = tpu.vector_load %arg7[%get3A_1342, %get3A_1343, %get3A_1344] {strides = array<i32>} : memref<5x128x128xf32, #tpu.memory_space<vmem>>, vector<1x1x16xf32>,
        %get3A_1346 = vector.shape_cast %get3A_1345 : vector<1x1x16xf32> to vector<16xf32>
        %mul3A_1347 = arith.constant 11.3137083 : f32
        %mul3A_1348 = vector.broadcast %mul3A_1347 : f32 to vector<16xf32>
        %mul3A_1349 = arith.mulf %get3A_1346, %mul3A_1348 : vector<16xf32>
        %add3A_1350 = arith.addf %mul3A_1349, %get3A_1125 : vector<16xf32>
        %swap3A_1351 = arith.constant 4 : i32
        %swap3A_1352 = arith.index_cast %swap3A_1351 : i32 to index
        %swap3A_1353 = arith.index_cast %scan3A_1272 : i32 to index
        %swap3A_1354 = arith.constant 64 : index
        %swap3A_1355 = tpu.vector_load %arg7[%swap3A_1352, %swap3A_1353, %swap3A_1354] {strides = array<i32>} : memref<5x128x128xf32, #tpu.memory_space<vmem>>, vector<1x1x16xf32>,
        %swap3A_1356 = vector.shape_cast %swap3A_1355 : vector<1x1x16xf32> to vector<16xf32>
        %swap3A_1357 = vector.shape_cast %add3A_1350 : vector<16xf32> to vector<1x1x16xf32>
        tpu.vector_store %arg7[%swap3A_1352, %swap3A_1353, %swap3A_1354], %swap3A_1357 {strides = array<i32>} : memref<5x128x128xf32, #tpu.memory_space<vmem>>, vector<1x1x16xf32>,
        %get3A_1358 = arith.constant 4 : i32
        %get3A_1359 = arith.index_cast %get3A_1358 : i32 to index
        %get3A_1360 = arith.index_cast %scan3A_1272 : i32 to index
        %get3A_1361 = arith.constant 80 : index
        %get3A_1362 = tpu.vector_load %arg7[%get3A_1359, %get3A_1360, %get3A_1361] {strides = array<i32>} : memref<5x128x128xf32, #tpu.memory_space<vmem>>, vector<1x1x16xf32>,
        %get3A_1363 = vector.shape_cast %get3A_1362 : vector<1x1x16xf32> to vector<16xf32>
        %mul3A_1364 = arith.constant 11.3137083 : f32
        %mul3A_1365 = vector.broadcast %mul3A_1364 : f32 to vector<16xf32>
        %mul3A_1366 = arith.mulf %get3A_1363, %mul3A_1365 : vector<16xf32>
        %add3A_1367 = arith.addf %mul3A_1366, %get3A_1129 : vector<16xf32>
        %swap3A_1368 = arith.constant 4 : i32
        %swap3A_1369 = arith.index_cast %swap3A_1368 : i32 to index
        %swap3A_1370 = arith.index_cast %scan3A_1272 : i32 to index
        %swap3A_1371 = arith.constant 80 : index
        %swap3A_1372 = tpu.vector_load %arg7[%swap3A_1369, %swap3A_1370, %swap3A_1371] {strides = array<i32>} : memref<5x128x128xf32, #tpu.memory_space<vmem>>, vector<1x1x16xf32>,
        %swap3A_1373 = vector.shape_cast %swap3A_1372 : vector<1x1x16xf32> to vector<16xf32>
        %swap3A_1374 = vector.shape_cast %add3A_1367 : vector<16xf32> to vector<1x1x16xf32>
        tpu.vector_store %arg7[%swap3A_1369, %swap3A_1370, %swap3A_1371], %swap3A_1374 {strides = array<i32>} : memref<5x128x128xf32, #tpu.memory_space<vmem>>, vector<1x1x16xf32>,
        %get3A_1375 = arith.constant 4 : i32
        %get3A_1376 = arith.index_cast %get3A_1375 : i32 to index
        %get3A_1377 = arith.index_cast %scan3A_1272 : i32 to index
        %get3A_1378 = arith.constant 96 : index
        %get3A_1379 = tpu.vector_load %arg7[%get3A_1376, %get3A_1377, %get3A_1378] {strides = array<i32>} : memref<5x128x128xf32, #tpu.memory_space<vmem>>, vector<1x1x16xf32>,
        %get3A_1380 = vector.shape_cast %get3A_1379 : vector<1x1x16xf32> to vector<16xf32>
        %mul3A_1381 = arith.constant 11.3137083 : f32
        %mul3A_1382 = vector.broadcast %mul3A_1381 : f32 to vector<16xf32>
        %mul3A_1383 = arith.mulf %get3A_1380, %mul3A_1382 : vector<16xf32>
        %add3A_1384 = arith.addf %mul3A_1383, %get3A_1133 : vector<16xf32>
        %swap3A_1385 = arith.constant 4 : i32
        %swap3A_1386 = arith.index_cast %swap3A_1385 : i32 to index
        %swap3A_1387 = arith.index_cast %scan3A_1272 : i32 to index
        %swap3A_1388 = arith.constant 96 : index
        %swap3A_1389 = tpu.vector_load %arg7[%swap3A_1386, %swap3A_1387, %swap3A_1388] {strides = array<i32>} : memref<5x128x128xf32, #tpu.memory_space<vmem>>, vector<1x1x16xf32>,
        %swap3A_1390 = vector.shape_cast %swap3A_1389 : vector<1x1x16xf32> to vector<16xf32>
        %swap3A_1391 = vector.shape_cast %add3A_1384 : vector<16xf32> to vector<1x1x16xf32>
        tpu.vector_store %arg7[%swap3A_1386, %swap3A_1387, %swap3A_1388], %swap3A_1391 {strides = array<i32>} : memref<5x128x128xf32, #tpu.memory_space<vmem>>, vector<1x1x16xf32>,
        %get3A_1392 = arith.constant 4 : i32
        %get3A_1393 = arith.index_cast %get3A_1392 : i32 to index
        %get3A_1394 = arith.index_cast %scan3A_1272 : i32 to index
        %get3A_1395 = arith.constant 112 : index
        %get3A_1396 = tpu.vector_load %arg7[%get3A_1393, %get3A_1394, %get3A_1395] {strides = array<i32>} : memref<5x128x128xf32, #tpu.memory_space<vmem>>, vector<1x1x16xf32>,
        %get3A_1397 = vector.shape_cast %get3A_1396 : vector<1x1x16xf32> to vector<16xf32>
        %mul3A_1398 = arith.constant 11.3137083 : f32
        %mul3A_1399 = vector.broadcast %mul3A_1398 : f32 to vector<16xf32>
        %mul3A_1400 = arith.mulf %get3A_1397, %mul3A_1399 : vector<16xf32>
        %add3A_1401 = arith.addf %mul3A_1400, %get3A_1137 : vector<16xf32>
        %swap3A_1402 = arith.constant 4 : i32
        %swap3A_1403 = arith.index_cast %swap3A_1402 : i32 to index
        %swap3A_1404 = arith.index_cast %scan3A_1272 : i32 to index
        %swap3A_1405 = arith.constant 112 : index
        %swap3A_1406 = tpu.vector_load %arg7[%swap3A_1403, %swap3A_1404, %swap3A_1405] {strides = array<i32>} : memref<5x128x128xf32, #tpu.memory_space<vmem>>, vector<1x1x16xf32>,
        %swap3A_1407 = vector.shape_cast %swap3A_1406 : vector<1x1x16xf32> to vector<16xf32>
        %swap3A_1408 = vector.shape_cast %add3A_1401 : vector<16xf32> to vector<1x1x16xf32>
        tpu.vector_store %arg7[%swap3A_1403, %swap3A_1404, %swap3A_1405], %swap3A_1408 {strides = array<i32>} : memref<5x128x128xf32, #tpu.memory_space<vmem>>, vector<1x1x16xf32>,
      }
      %scan3A_1191 = arith.constant 64 : i32
      %dma_start3A_1192 = arith.constant 4 : i32
      %dma_start3A_1193 = arith.constant 4 : i32
      %dma_start3A_1194 = arith.constant 0 : i32
      %dma_start3A_1195 = arith.constant 0 : i32
      %dma_start3A_1196 = arith.constant 0 : i32
      %dma_start3A_1197 = tpu.memref_slice %arg7[%dma_start3A_1192, %dma_start3A_1195, %dma_start3A_1196] : memref<5x128x128xf32, #tpu.memory_space<vmem>> -> memref<1x64x128xf32, #tpu.memory_space<vmem>>
      %dma_start3A_1198 = tpu.memref_squeeze %dma_start3A_1197 : memref<1x64x128xf32, #tpu.memory_space<vmem>> -> memref<64x128xf32, #tpu.memory_space<vmem>>
      %dma_start3A_1199 = arith.constant 0 : i32
      %dma_start3A_1200 = tpu.memref_slice %arg9[%dma_start3A_1193, %dma_start3A_1194, %dma_start3A_1199] : memref<5x2x64xi32, #tpu.memory_space<vmem>> -> memref<1x1x64xi32, #tpu.memory_space<vmem>>
      %dma_start3A_1201 = tpu.memref_squeeze %dma_start3A_1200 : memref<1x1x64xi32, #tpu.memory_space<vmem>> -> memref<64xi32, #tpu.memory_space<vmem>>
      %dma_start3A_1202 = arith.constant 0 : i32
      %dma_start3A_1203 = arith.constant 0 : i32
      %dma_start3A_1204 = tpu.memref_slice %arg5[%dma_start3A_1202, %dma_start3A_1203] : memref<204800x128xf32, #tpu.memory_space<hbm>> -> memref<204800x128xf32, #tpu.memory_space<hbm>>
      tpu.enqueue_indirect_dma source(%dma_start3A_1198 : memref<64x128xf32, #tpu.memory_space<vmem>>) target(%dma_start3A_1204 : memref<204800x128xf32, #tpu.memory_space<hbm>>) offsets(%dma_start3A_1201 : memref<64xi32, #tpu.memory_space<vmem>>) semaphore(%arg19 : memref<!tpu.dma_semaphore, #tpu.memory_space<semaphore_mem>>)
      %add3A_1205 = arith.constant 12800 : i32
      %add3A_1206 = arith.addi %add3A_1105, %add3A_1205 : i32
      %add3A_1207 = vector.broadcast %add3A_1206 : i32 to vector<16xi32>
      %add3A_1208 = arith.addi %mul3A_32, %add3A_1207 : vector<16xi32>
      %swap3A_1209 = arith.constant 4 : i32
      %swap3A_1210 = arith.constant 1 : i32
      %swap3A_1211 = arith.index_cast %swap3A_1209 : i32 to index
      %swap3A_1212 = arith.index_cast %swap3A_1210 : i32 to index
      %swap3A_1213 = arith.constant 0 : index
      %swap3A_1214 = tpu.vector_load %arg9[%swap3A_1211, %swap3A_1212, %swap3A_1213] {strides = array<i32>} : memref<5x2x64xi32, #tpu.memory_space<vmem>>, vector<1x1x16xi32>,
      %swap3A_1215 = vector.shape_cast %swap3A_1214 : vector<1x1x16xi32> to vector<16xi32>
      %swap3A_1216 = vector.shape_cast %add3A_1208 : vector<16xi32> to vector<1x1x16xi32>
      tpu.vector_store %arg9[%swap3A_1211, %swap3A_1212, %swap3A_1213], %swap3A_1216 {strides = array<i32>} : memref<5x2x64xi32, #tpu.memory_space<vmem>>, vector<1x1x16xi32>,
      %add3A_1217 = arith.constant 16000 : i32
      %add3A_1218 = arith.addi %add3A_1105, %add3A_1217 : i32
      %add3A_1219 = vector.broadcast %add3A_1218 : i32 to vector<16xi32>
      %add3A_1220 = arith.addi %mul3A_32, %add3A_1219 : vector<16xi32>
      %swap3A_1221 = arith.constant 4 : i32
      %swap3A_1222 = arith.constant 1 : i32
      %swap3A_1223 = arith.index_cast %swap3A_1221 : i32 to index
      %swap3A_1224 = arith.index_cast %swap3A_1222 : i32 to index
      %swap3A_1225 = arith.constant 16 : index
      %swap3A_1226 = tpu.vector_load %arg9[%swap3A_1223, %swap3A_1224, %swap3A_1225] {strides = array<i32>} : memref<5x2x64xi32, #tpu.memory_space<vmem>>, vector<1x1x16xi32>,
      %swap3A_1227 = vector.shape_cast %swap3A_1226 : vector<1x1x16xi32> to vector<16xi32>
      %swap3A_1228 = vector.shape_cast %add3A_1220 : vector<16xi32> to vector<1x1x16xi32>
      tpu.vector_store %arg9[%swap3A_1223, %swap3A_1224, %swap3A_1225], %swap3A_1228 {strides = array<i32>} : memref<5x2x64xi32, #tpu.memory_space<vmem>>, vector<1x1x16xi32>,
      %add3A_1229 = arith.constant 19200 : i32
      %add3A_1230 = arith.addi %add3A_1105, %add3A_1229 : i32
      %add3A_1231 = vector.broadcast %add3A_1230 : i32 to vector<16xi32>
      %add3A_1232 = arith.addi %mul3A_32, %add3A_1231 : vector<16xi32>
      %swap3A_1233 = arith.constant 4 : i32
      %swap3A_1234 = arith.constant 1 : i32
      %swap3A_1235 = arith.index_cast %swap3A_1233 : i32 to index
      %swap3A_1236 = arith.index_cast %swap3A_1234 : i32 to index
      %swap3A_1237 = arith.constant 32 : index
      %swap3A_1238 = tpu.vector_load %arg9[%swap3A_1235, %swap3A_1236, %swap3A_1237] {strides = array<i32>} : memref<5x2x64xi32, #tpu.memory_space<vmem>>, vector<1x1x16xi32>,
      %swap3A_1239 = vector.shape_cast %swap3A_1238 : vector<1x1x16xi32> to vector<16xi32>
      %swap3A_1240 = vector.shape_cast %add3A_1232 : vector<16xi32> to vector<1x1x16xi32>
      tpu.vector_store %arg9[%swap3A_1235, %swap3A_1236, %swap3A_1237], %swap3A_1240 {strides = array<i32>} : memref<5x2x64xi32, #tpu.memory_space<vmem>>, vector<1x1x16xi32>,
      %add3A_1241 = arith.constant 22400 : i32
      %add3A_1242 = arith.addi %add3A_1105, %add3A_1241 : i32
      %add3A_1243 = vector.broadcast %add3A_1242 : i32 to vector<16xi32>
      %add3A_1244 = arith.addi %mul3A_32, %add3A_1243 : vector<16xi32>
      %swap3A_1245 = arith.constant 4 : i32
      %swap3A_1246 = arith.constant 1 : i32
      %swap3A_1247 = arith.index_cast %swap3A_1245 : i32 to index
      %swap3A_1248 = arith.index_cast %swap3A_1246 : i32 to index
      %swap3A_1249 = arith.constant 48 : index
      %swap3A_1250 = tpu.vector_load %arg9[%swap3A_1247, %swap3A_1248, %swap3A_1249] {strides = array<i32>} : memref<5x2x64xi32, #tpu.memory_space<vmem>>, vector<1x1x16xi32>,
      %swap3A_1251 = vector.shape_cast %swap3A_1250 : vector<1x1x16xi32> to vector<16xi32>
      %swap3A_1252 = vector.shape_cast %add3A_1244 : vector<16xi32> to vector<1x1x16xi32>
      tpu.vector_store %arg9[%swap3A_1247, %swap3A_1248, %swap3A_1249], %swap3A_1252 {strides = array<i32>} : memref<5x2x64xi32, #tpu.memory_space<vmem>>, vector<1x1x16xi32>,
      %scan3A_1253 = arith.constant 0 : i32
      %scan3A_1254 = arith.constant 64 : i32
      %scan3A_1255 = arith.constant 64 : i32
      %scan3A_1256 = arith.addi %scan3A_1254, %scan3A_1255 : i32
      %scan3A_1257 = arith.constant 1 : i32
      scf.for %scan3A_1272 = %scan3A_1254 to %scan3A_1256 step %scan3A_1257  : i32 {
        %get3A_1273 = arith.constant 4 : i32
        %get3A_1274 = arith.index_cast %get3A_1273 : i32 to index
        %get3A_1275 = arith.index_cast %scan3A_1272 : i32 to index
        %get3A_1276 = arith.constant 0 : index
        %get3A_1277 = tpu.vector_load %arg7[%get3A_1274, %get3A_1275, %get3A_1276] {strides = array<i32>} : memref<5x128x128xf32, #tpu.memory_space<vmem>>, vector<1x1x16xf32>,
        %get3A_1278 = vector.shape_cast %get3A_1277 : vector<1x1x16xf32> to vector<16xf32>
        %mul3A_1279 = arith.constant 11.3137083 : f32
        %mul3A_1280 = vector.broadcast %mul3A_1279 : f32 to vector<16xf32>
        %mul3A_1281 = arith.mulf %get3A_1278, %mul3A_1280 : vector<16xf32>
        %add3A_1282 = arith.addf %mul3A_1281, %get3A_1109 : vector<16xf32>
        %swap3A_1283 = arith.constant 4 : i32
        %swap3A_1284 = arith.index_cast %swap3A_1283 : i32 to index
        %swap3A_1285 = arith.index_cast %scan3A_1272 : i32 to index
        %swap3A_1286 = arith.constant 0 : index
        %swap3A_1287 = tpu.vector_load %arg7[%swap3A_1284, %swap3A_1285, %swap3A_1286] {strides = array<i32>} : memref<5x128x128xf32, #tpu.memory_space<vmem>>, vector<1x1x16xf32>,
        %swap3A_1288 = vector.shape_cast %swap3A_1287 : vector<1x1x16xf32> to vector<16xf32>
        %swap3A_1289 = vector.shape_cast %add3A_1282 : vector<16xf32> to vector<1x1x16xf32>
        tpu.vector_store %arg7[%swap3A_1284, %swap3A_1285, %swap3A_1286], %swap3A_1289 {strides = array<i32>} : memref<5x128x128xf32, #tpu.memory_space<vmem>>, vector<1x1x16xf32>,
        %get3A_1290 = arith.constant 4 : i32
        %get3A_1291 = arith.index_cast %get3A_1290 : i32 to index
        %get3A_1292 = arith.index_cast %scan3A_1272 : i32 to index
        %get3A_1293 = arith.constant 16 : index
        %get3A_1294 = tpu.vector_load %arg7[%get3A_1291, %get3A_1292, %get3A_1293] {strides = array<i32>} : memref<5x128x128xf32, #tpu.memory_space<vmem>>, vector<1x1x16xf32>,
        %get3A_1295 = vector.shape_cast %get3A_1294 : vector<1x1x16xf32> to vector<16xf32>
        %mul3A_1296 = arith.constant 11.3137083 : f32
        %mul3A_1297 = vector.broadcast %mul3A_1296 : f32 to vector<16xf32>
        %mul3A_1298 = arith.mulf %get3A_1295, %mul3A_1297 : vector<16xf32>
        %add3A_1299 = arith.addf %mul3A_1298, %get3A_1113 : vector<16xf32>
        %swap3A_1300 = arith.constant 4 : i32
        %swap3A_1301 = arith.index_cast %swap3A_1300 : i32 to index
        %swap3A_1302 = arith.index_cast %scan3A_1272 : i32 to index
        %swap3A_1303 = arith.constant 16 : index
        %swap3A_1304 = tpu.vector_load %arg7[%swap3A_1301, %swap3A_1302, %swap3A_1303] {strides = array<i32>} : memref<5x128x128xf32, #tpu.memory_space<vmem>>, vector<1x1x16xf32>,
        %swap3A_1305 = vector.shape_cast %swap3A_1304 : vector<1x1x16xf32> to vector<16xf32>
        %swap3A_1306 = vector.shape_cast %add3A_1299 : vector<16xf32> to vector<1x1x16xf32>
        tpu.vector_store %arg7[%swap3A_1301, %swap3A_1302, %swap3A_1303], %swap3A_1306 {strides = array<i32>} : memref<5x128x128xf32, #tpu.memory_space<vmem>>, vector<1x1x16xf32>,
        %get3A_1307 = arith.constant 4 : i32
        %get3A_1308 = arith.index_cast %get3A_1307 : i32 to index
        %get3A_1309 = arith.index_cast %scan3A_1272 : i32 to index
        %get3A_1310 = arith.constant 32 : index
        %get3A_1311 = tpu.vector_load %arg7[%get3A_1308, %get3A_1309, %get3A_1310] {strides = array<i32>} : memref<5x128x128xf32, #tpu.memory_space<vmem>>, vector<1x1x16xf32>,
        %get3A_1312 = vector.shape_cast %get3A_1311 : vector<1x1x16xf32> to vector<16xf32>
        %mul3A_1313 = arith.constant 11.3137083 : f32
        %mul3A_1314 = vector.broadcast %mul3A_1313 : f32 to vector<16xf32>
        %mul3A_1315 = arith.mulf %get3A_1312, %mul3A_1314 : vector<16xf32>
        %add3A_1316 = arith.addf %mul3A_1315, %get3A_1117 : vector<16xf32>
        %swap3A_1317 = arith.constant 4 : i32
        %swap3A_1318 = arith.index_cast %swap3A_1317 : i32 to index
        %swap3A_1319 = arith.index_cast %scan3A_1272 : i32 to index
        %swap3A_1320 = arith.constant 32 : index
        %swap3A_1321 = tpu.vector_load %arg7[%swap3A_1318, %swap3A_1319, %swap3A_1320] {strides = array<i32>} : memref<5x128x128xf32, #tpu.memory_space<vmem>>, vector<1x1x16xf32>,
        %swap3A_1322 = vector.shape_cast %swap3A_1321 : vector<1x1x16xf32> to vector<16xf32>
        %swap3A_1323 = vector.shape_cast %add3A_1316 : vector<16xf32> to vector<1x1x16xf32>
        tpu.vector_store %arg7[%swap3A_1318, %swap3A_1319, %swap3A_1320], %swap3A_1323 {strides = array<i32>} : memref<5x128x128xf32, #tpu.memory_space<vmem>>, vector<1x1x16xf32>,
        %get3A_1324 = arith.constant 4 : i32
        %get3A_1325 = arith.index_cast %get3A_1324 : i32 to index
        %get3A_1326 = arith.index_cast %scan3A_1272 : i32 to index
        %get3A_1327 = arith.constant 48 : index
        %get3A_1328 = tpu.vector_load %arg7[%get3A_1325, %get3A_1326, %get3A_1327] {strides = array<i32>} : memref<5x128x128xf32, #tpu.memory_space<vmem>>, vector<1x1x16xf32>,
        %get3A_1329 = vector.shape_cast %get3A_1328 : vector<1x1x16xf32> to vector<16xf32>
        %mul3A_1330 = arith.constant 11.3137083 : f32
        %mul3A_1331 = vector.broadcast %mul3A_1330 : f32 to vector<16xf32>
        %mul3A_1332 = arith.mulf %get3A_1329, %mul3A_1331 : vector<16xf32>
        %add3A_1333 = arith.addf %mul3A_1332, %get3A_1121 : vector<16xf32>
        %swap3A_1334 = arith.constant 4 : i32
        %swap3A_1335 = arith.index_cast %swap3A_1334 : i32 to index
        %swap3A_1336 = arith.index_cast %scan3A_1272 : i32 to index
        %swap3A_1337 = arith.constant 48 : index
        %swap3A_1338 = tpu.vector_load %arg7[%swap3A_1335, %swap3A_1336, %swap3A_1337] {strides = array<i32>} : memref<5x128x128xf32, #tpu.memory_space<vmem>>, vector<1x1x16xf32>,
        %swap3A_1339 = vector.shape_cast %swap3A_1338 : vector<1x1x16xf32> to vector<16xf32>
        %swap3A_1340 = vector.shape_cast %add3A_1333 : vector<16xf32> to vector<1x1x16xf32>
        tpu.vector_store %arg7[%swap3A_1335, %swap3A_1336, %swap3A_1337], %swap3A_1340 {strides = array<i32>} : memref<5x128x128xf32, #tpu.memory_space<vmem>>, vector<1x1x16xf32>,
        %get3A_1341 = arith.constant 4 : i32
        %get3A_1342 = arith.index_cast %get3A_1341 : i32 to index
        %get3A_1343 = arith.index_cast %scan3A_1272 : i32 to index
        %get3A_1344 = arith.constant 64 : index
        %get3A_1345 = tpu.vector_load %arg7[%get3A_1342, %get3A_1343, %get3A_1344] {strides = array<i32>} : memref<5x128x128xf32, #tpu.memory_space<vmem>>, vector<1x1x16xf32>,
        %get3A_1346 = vector.shape_cast %get3A_1345 : vector<1x1x16xf32> to vector<16xf32>
        %mul3A_1347 = arith.constant 11.3137083 : f32
        %mul3A_1348 = vector.broadcast %mul3A_1347 : f32 to vector<16xf32>
        %mul3A_1349 = arith.mulf %get3A_1346, %mul3A_1348 : vector<16xf32>
        %add3A_1350 = arith.addf %mul3A_1349, %get3A_1125 : vector<16xf32>
        %swap3A_1351 = arith.constant 4 : i32
        %swap3A_1352 = arith.index_cast %swap3A_1351 : i32 to index
        %swap3A_1353 = arith.index_cast %scan3A_1272 : i32 to index
        %swap3A_1354 = arith.constant 64 : index
        %swap3A_1355 = tpu.vector_load %arg7[%swap3A_1352, %swap3A_1353, %swap3A_1354] {strides = array<i32>} : memref<5x128x128xf32, #tpu.memory_space<vmem>>, vector<1x1x16xf32>,
        %swap3A_1356 = vector.shape_cast %swap3A_1355 : vector<1x1x16xf32> to vector<16xf32>
        %swap3A_1357 = vector.shape_cast %add3A_1350 : vector<16xf32> to vector<1x1x16xf32>
        tpu.vector_store %arg7[%swap3A_1352, %swap3A_1353, %swap3A_1354], %swap3A_1357 {strides = array<i32>} : memref<5x128x128xf32, #tpu.memory_space<vmem>>, vector<1x1x16xf32>,
        %get3A_1358 = arith.constant 4 : i32
        %get3A_1359 = arith.index_cast %get3A_1358 : i32 to index
        %get3A_1360 = arith.index_cast %scan3A_1272 : i32 to index
        %get3A_1361 = arith.constant 80 : index
        %get3A_1362 = tpu.vector_load %arg7[%get3A_1359, %get3A_1360, %get3A_1361] {strides = array<i32>} : memref<5x128x128xf32, #tpu.memory_space<vmem>>, vector<1x1x16xf32>,
        %get3A_1363 = vector.shape_cast %get3A_1362 : vector<1x1x16xf32> to vector<16xf32>
        %mul3A_1364 = arith.constant 11.3137083 : f32
        %mul3A_1365 = vector.broadcast %mul3A_1364 : f32 to vector<16xf32>
        %mul3A_1366 = arith.mulf %get3A_1363, %mul3A_1365 : vector<16xf32>
        %add3A_1367 = arith.addf %mul3A_1366, %get3A_1129 : vector<16xf32>
        %swap3A_1368 = arith.constant 4 : i32
        %swap3A_1369 = arith.index_cast %swap3A_1368 : i32 to index
        %swap3A_1370 = arith.index_cast %scan3A_1272 : i32 to index
        %swap3A_1371 = arith.constant 80 : index
        %swap3A_1372 = tpu.vector_load %arg7[%swap3A_1369, %swap3A_1370, %swap3A_1371] {strides = array<i32>} : memref<5x128x128xf32, #tpu.memory_space<vmem>>, vector<1x1x16xf32>,
        %swap3A_1373 = vector.shape_cast %swap3A_1372 : vector<1x1x16xf32> to vector<16xf32>
        %swap3A_1374 = vector.shape_cast %add3A_1367 : vector<16xf32> to vector<1x1x16xf32>
        tpu.vector_store %arg7[%swap3A_1369, %swap3A_1370, %swap3A_1371], %swap3A_1374 {strides = array<i32>} : memref<5x128x128xf32, #tpu.memory_space<vmem>>, vector<1x1x16xf32>,
        %get3A_1375 = arith.constant 4 : i32
        %get3A_1376 = arith.index_cast %get3A_1375 : i32 to index
        %get3A_1377 = arith.index_cast %scan3A_1272 : i32 to index
        %get3A_1378 = arith.constant 96 : index
        %get3A_1379 = tpu.vector_load %arg7[%get3A_1376, %get3A_1377, %get3A_1378] {strides = array<i32>} : memref<5x128x128xf32, #tpu.memory_space<vmem>>, vector<1x1x16xf32>,
        %get3A_1380 = vector.shape_cast %get3A_1379 : vector<1x1x16xf32> to vector<16xf32>
        %mul3A_1381 = arith.constant 11.3137083 : f32
        %mul3A_1382 = vector.broadcast %mul3A_1381 : f32 to vector<16xf32>
        %mul3A_1383 = arith.mulf %get3A_1380, %mul3A_1382 : vector<16xf32>
        %add3A_1384 = arith.addf %mul3A_1383, %get3A_1133 : vector<16xf32>
        %swap3A_1385 = arith.constant 4 : i32
        %swap3A_1386 = arith.index_cast %swap3A_1385 : i32 to index
        %swap3A_1387 = arith.index_cast %scan3A_1272 : i32 to index
        %swap3A_1388 = arith.constant 96 : index
        %swap3A_1389 = tpu.vector_load %arg7[%swap3A_1386, %swap3A_1387, %swap3A_1388] {strides = array<i32>} : memref<5x128x128xf32, #tpu.memory_space<vmem>>, vector<1x1x16xf32>,
        %swap3A_1390 = vector.shape_cast %swap3A_1389 : vector<1x1x16xf32> to vector<16xf32>
        %swap3A_1391 = vector.shape_cast %add3A_1384 : vector<16xf32> to vector<1x1x16xf32>
        tpu.vector_store %arg7[%swap3A_1386, %swap3A_1387, %swap3A_1388], %swap3A_1391 {strides = array<i32>} : memref<5x128x128xf32, #tpu.memory_space<vmem>>, vector<1x1x16xf32>,
        %get3A_1392 = arith.constant 4 : i32
        %get3A_1393 = arith.index_cast %get3A_1392 : i32 to index
        %get3A_1394 = arith.index_cast %scan3A_1272 : i32 to index
        %get3A_1395 = arith.constant 112 : index
        %get3A_1396 = tpu.vector_load %arg7[%get3A_1393, %get3A_1394, %get3A_1395] {strides = array<i32>} : memref<5x128x128xf32, #tpu.memory_space<vmem>>, vector<1x1x16xf32>,
        %get3A_1397 = vector.shape_cast %get3A_1396 : vector<1x1x16xf32> to vector<16xf32>
        %mul3A_1398 = arith.constant 11.3137083 : f32
        %mul3A_1399 = vector.broadcast %mul3A_1398 : f32 to vector<16xf32>
        %mul3A_1400 = arith.mulf %get3A_1397, %mul3A_1399 : vector<16xf32>
        %add3A_1401 = arith.addf %mul3A_1400, %get3A_1137 : vector<16xf32>
        %swap3A_1402 = arith.constant 4 : i32
        %swap3A_1403 = arith.index_cast %swap3A_1402 : i32 to index
        %swap3A_1404 = arith.index_cast %scan3A_1272 : i32 to index
        %swap3A_1405 = arith.constant 112 : index
        %swap3A_1406 = tpu.vector_load %arg7[%swap3A_1403, %swap3A_1404, %swap3A_1405] {strides = array<i32>} : memref<5x128x128xf32, #tpu.memory_space<vmem>>, vector<1x1x16xf32>,
        %swap3A_1407 = vector.shape_cast %swap3A_1406 : vector<1x1x16xf32> to vector<16xf32>
        %swap3A_1408 = vector.shape_cast %add3A_1401 : vector<16xf32> to vector<1x1x16xf32>
        tpu.vector_store %arg7[%swap3A_1403, %swap3A_1404, %swap3A_1405], %swap3A_1408 {strides = array<i32>} : memref<5x128x128xf32, #tpu.memory_space<vmem>>, vector<1x1x16xf32>,
      }
      %scan3A_1258 = arith.constant 64 : i32
      %dma_start3A_1259 = arith.constant 4 : i32
      %dma_start3A_1260 = arith.constant 4 : i32
      %dma_start3A_1261 = arith.constant 1 : i32
      %dma_start3A_1262 = arith.constant 64 : i32
      %dma_start3A_1263 = arith.constant 0 : i32
      %dma_start3A_1264 = tpu.memref_slice %arg7[%dma_start3A_1259, %dma_start3A_1262, %dma_start3A_1263] : memref<5x128x128xf32, #tpu.memory_space<vmem>> -> memref<1x64x128xf32, #tpu.memory_space<vmem>>
      %dma_start3A_1265 = tpu.memref_squeeze %dma_start3A_1264 : memref<1x64x128xf32, #tpu.memory_space<vmem>> -> memref<64x128xf32, #tpu.memory_space<vmem>>
      %dma_start3A_1266 = arith.constant 0 : i32
      %dma_start3A_1267 = tpu.memref_slice %arg9[%dma_start3A_1260, %dma_start3A_1261, %dma_start3A_1266] : memref<5x2x64xi32, #tpu.memory_space<vmem>> -> memref<1x1x64xi32, #tpu.memory_space<vmem>>
      %dma_start3A_1268 = tpu.memref_squeeze %dma_start3A_1267 : memref<1x1x64xi32, #tpu.memory_space<vmem>> -> memref<64xi32, #tpu.memory_space<vmem>>
      %dma_start3A_1269 = arith.constant 0 : i32
      %dma_start3A_1270 = arith.constant 0 : i32
      %dma_start3A_1271 = tpu.memref_slice %arg5[%dma_start3A_1269, %dma_start3A_1270] : memref<204800x128xf32, #tpu.memory_space<hbm>> -> memref<204800x128xf32, #tpu.memory_space<hbm>>
      tpu.enqueue_indirect_dma source(%dma_start3A_1265 : memref<64x128xf32, #tpu.memory_space<vmem>>) target(%dma_start3A_1271 : memref<204800x128xf32, #tpu.memory_space<hbm>>) offsets(%dma_start3A_1268 : memref<64xi32, #tpu.memory_space<vmem>>) semaphore(%arg19 : memref<!tpu.dma_semaphore, #tpu.memory_space<semaphore_mem>>)
    }
    %scan3A_185 = arith.constant 10 : i32
    %dma_wait3A_186 = arith.constant 0 : i32
    %dma_wait3A_187 = arith.constant 0 : i32
    %dma_wait3A_188 = arith.constant 0 : i32
    %dma_wait3A_189 = tpu.memref_slice %arg7[%dma_wait3A_186, %dma_wait3A_187, %dma_wait3A_188] : memref<5x128x128xf32, #tpu.memory_space<vmem>> -> memref<1x128x128xf32, #tpu.memory_space<vmem>>
    %dma_wait3A_190 = tpu.memref_squeeze %dma_wait3A_189 : memref<1x128x128xf32, #tpu.memory_space<vmem>> -> memref<128x128xf32, #tpu.memory_space<vmem>>
    %dma_wait3A_191 = arith.constant 0 : i32
    %dma_wait3A_192 = arith.constant 0 : i32
    %dma_wait3A_193 = tpu.memref_slice %arg5[%dma_wait3A_191, %dma_wait3A_192] : memref<204800x128xf32, #tpu.memory_space<hbm>> -> memref<128x128xf32, #tpu.memory_space<hbm>>
    %dma_wait3A_194 = arith.constant 0 : i32
    %dma_wait3A_195 = arith.constant 0 : i32
    %dma_wait3A_196 = tpu.memref_slice %arg5[%dma_wait3A_194, %dma_wait3A_195] : memref<204800x128xf32, #tpu.memory_space<hbm>> -> memref<128x128xf32, #tpu.memory_space<hbm>>
    %dma_wait3A_197 = arith.constant 0 : i32
    %dma_wait3A_198 = arith.constant 0 : i32
    %dma_wait3A_199 = tpu.memref_slice %arg7[%dma_wait3A_186, %dma_wait3A_197, %dma_wait3A_198] : memref<5x128x128xf32, #tpu.memory_space<vmem>> -> memref<1x128x128xf32, #tpu.memory_space<vmem>>
    %dma_wait3A_200 = tpu.memref_squeeze %dma_wait3A_199 : memref<1x128x128xf32, #tpu.memory_space<vmem>> -> memref<128x128xf32, #tpu.memory_space<vmem>>
    tpu.wait_dma2 semaphore(%arg15 : memref<!tpu.dma_semaphore, #tpu.memory_space<semaphore_mem>>) src(%dma_wait3A_200 : memref<128x128xf32, #tpu.memory_space<vmem>>) dst(%dma_wait3A_196 : memref<128x128xf32, #tpu.memory_space<hbm>>)
    %dma_wait3A_201 = arith.constant 0 : i32
    %dma_wait3A_202 = arith.constant 0 : i32
    %dma_wait3A_203 = arith.constant 0 : i32
    %dma_wait3A_204 = tpu.memref_slice %arg7[%dma_wait3A_201, %dma_wait3A_202, %dma_wait3A_203] : memref<5x128x128xf32, #tpu.memory_space<vmem>> -> memref<1x128x128xf32, #tpu.memory_space<vmem>>
    %dma_wait3A_205 = tpu.memref_squeeze %dma_wait3A_204 : memref<1x128x128xf32, #tpu.memory_space<vmem>> -> memref<128x128xf32, #tpu.memory_space<vmem>>
    %dma_wait3A_206 = arith.constant 0 : i32
    %dma_wait3A_207 = arith.constant 0 : i32
    %dma_wait3A_208 = tpu.memref_slice %arg5[%dma_wait3A_206, %dma_wait3A_207] : memref<204800x128xf32, #tpu.memory_space<hbm>> -> memref<128x128xf32, #tpu.memory_space<hbm>>
    %dma_wait3A_209 = arith.constant 0 : i32
    %dma_wait3A_210 = arith.constant 0 : i32
    %dma_wait3A_211 = tpu.memref_slice %arg5[%dma_wait3A_209, %dma_wait3A_210] : memref<204800x128xf32, #tpu.memory_space<hbm>> -> memref<128x128xf32, #tpu.memory_space<hbm>>
    %dma_wait3A_212 = arith.constant 0 : i32
    %dma_wait3A_213 = arith.constant 0 : i32
    %dma_wait3A_214 = tpu.memref_slice %arg7[%dma_wait3A_201, %dma_wait3A_212, %dma_wait3A_213] : memref<5x128x128xf32, #tpu.memory_space<vmem>> -> memref<1x128x128xf32, #tpu.memory_space<vmem>>
    %dma_wait3A_215 = tpu.memref_squeeze %dma_wait3A_214 : memref<1x128x128xf32, #tpu.memory_space<vmem>> -> memref<128x128xf32, #tpu.memory_space<vmem>>
    tpu.wait_dma2 semaphore(%arg16 : memref<!tpu.dma_semaphore, #tpu.memory_space<semaphore_mem>>) src(%dma_wait3A_215 : memref<128x128xf32, #tpu.memory_space<vmem>>) dst(%dma_wait3A_211 : memref<128x128xf32, #tpu.memory_space<hbm>>)
    %dma_wait3A_216 = arith.constant 0 : i32
    %dma_wait3A_217 = arith.constant 0 : i32
    %dma_wait3A_218 = arith.constant 0 : i32
    %dma_wait3A_219 = tpu.memref_slice %arg7[%dma_wait3A_216, %dma_wait3A_217, %dma_wait3A_218] : memref<5x128x128xf32, #tpu.memory_space<vmem>> -> memref<1x128x128xf32, #tpu.memory_space<vmem>>
    %dma_wait3A_220 = tpu.memref_squeeze %dma_wait3A_219 : memref<1x128x128xf32, #tpu.memory_space<vmem>> -> memref<128x128xf32, #tpu.memory_space<vmem>>
    %dma_wait3A_221 = arith.constant 0 : i32
    %dma_wait3A_222 = arith.constant 0 : i32
    %dma_wait3A_223 = tpu.memref_slice %arg5[%dma_wait3A_221, %dma_wait3A_222] : memref<204800x128xf32, #tpu.memory_space<hbm>> -> memref<128x128xf32, #tpu.memory_space<hbm>>
    %dma_wait3A_224 = arith.constant 0 : i32
    %dma_wait3A_225 = arith.constant 0 : i32
    %dma_wait3A_226 = tpu.memref_slice %arg5[%dma_wait3A_224, %dma_wait3A_225] : memref<204800x128xf32, #tpu.memory_space<hbm>> -> memref<128x128xf32, #tpu.memory_space<hbm>>
    %dma_wait3A_227 = arith.constant 0 : i32
    %dma_wait3A_228 = arith.constant 0 : i32
    %dma_wait3A_229 = tpu.memref_slice %arg7[%dma_wait3A_216, %dma_wait3A_227, %dma_wait3A_228] : memref<5x128x128xf32, #tpu.memory_space<vmem>> -> memref<1x128x128xf32, #tpu.memory_space<vmem>>
    %dma_wait3A_230 = tpu.memref_squeeze %dma_wait3A_229 : memref<1x128x128xf32, #tpu.memory_space<vmem>> -> memref<128x128xf32, #tpu.memory_space<vmem>>
    tpu.wait_dma2 semaphore(%arg17 : memref<!tpu.dma_semaphore, #tpu.memory_space<semaphore_mem>>) src(%dma_wait3A_230 : memref<128x128xf32, #tpu.memory_space<vmem>>) dst(%dma_wait3A_226 : memref<128x128xf32, #tpu.memory_space<hbm>>)
    %dma_wait3A_231 = arith.constant 0 : i32
    %dma_wait3A_232 = arith.constant 0 : i32
    %dma_wait3A_233 = arith.constant 0 : i32
    %dma_wait3A_234 = tpu.memref_slice %arg7[%dma_wait3A_231, %dma_wait3A_232, %dma_wait3A_233] : memref<5x128x128xf32, #tpu.memory_space<vmem>> -> memref<1x128x128xf32, #tpu.memory_space<vmem>>
    %dma_wait3A_235 = tpu.memref_squeeze %dma_wait3A_234 : memref<1x128x128xf32, #tpu.memory_space<vmem>> -> memref<128x128xf32, #tpu.memory_space<vmem>>
    %dma_wait3A_236 = arith.constant 0 : i32
    %dma_wait3A_237 = arith.constant 0 : i32
    %dma_wait3A_238 = tpu.memref_slice %arg5[%dma_wait3A_236, %dma_wait3A_237] : memref<204800x128xf32, #tpu.memory_space<hbm>> -> memref<128x128xf32, #tpu.memory_space<hbm>>
    %dma_wait3A_239 = arith.constant 0 : i32
    %dma_wait3A_240 = arith.constant 0 : i32
    %dma_wait3A_241 = tpu.memref_slice %arg5[%dma_wait3A_239, %dma_wait3A_240] : memref<204800x128xf32, #tpu.memory_space<hbm>> -> memref<128x128xf32, #tpu.memory_space<hbm>>
    %dma_wait3A_242 = arith.constant 0 : i32
    %dma_wait3A_243 = arith.constant 0 : i32
    %dma_wait3A_244 = tpu.memref_slice %arg7[%dma_wait3A_231, %dma_wait3A_242, %dma_wait3A_243] : memref<5x128x128xf32, #tpu.memory_space<vmem>> -> memref<1x128x128xf32, #tpu.memory_space<vmem>>
    %dma_wait3A_245 = tpu.memref_squeeze %dma_wait3A_244 : memref<1x128x128xf32, #tpu.memory_space<vmem>> -> memref<128x128xf32, #tpu.memory_space<vmem>>
    tpu.wait_dma2 semaphore(%arg18 : memref<!tpu.dma_semaphore, #tpu.memory_space<semaphore_mem>>) src(%dma_wait3A_245 : memref<128x128xf32, #tpu.memory_space<vmem>>) dst(%dma_wait3A_241 : memref<128x128xf32, #tpu.memory_space<hbm>>)
    %dma_wait3A_246 = arith.constant 0 : i32
    %dma_wait3A_247 = arith.constant 0 : i32
    %dma_wait3A_248 = arith.constant 0 : i32
    %dma_wait3A_249 = tpu.memref_slice %arg7[%dma_wait3A_246, %dma_wait3A_247, %dma_wait3A_248] : memref<5x128x128xf32, #tpu.memory_space<vmem>> -> memref<1x128x128xf32, #tpu.memory_space<vmem>>
    %dma_wait3A_250 = tpu.memref_squeeze %dma_wait3A_249 : memref<1x128x128xf32, #tpu.memory_space<vmem>> -> memref<128x128xf32, #tpu.memory_space<vmem>>
    %dma_wait3A_251 = arith.constant 0 : i32
    %dma_wait3A_252 = arith.constant 0 : i32
    %dma_wait3A_253 = tpu.memref_slice %arg5[%dma_wait3A_251, %dma_wait3A_252] : memref<204800x128xf32, #tpu.memory_space<hbm>> -> memref<128x128xf32, #tpu.memory_space<hbm>>
    %dma_wait3A_254 = arith.constant 0 : i32
    %dma_wait3A_255 = arith.constant 0 : i32
    %dma_wait3A_256 = tpu.memref_slice %arg5[%dma_wait3A_254, %dma_wait3A_255] : memref<204800x128xf32, #tpu.memory_space<hbm>> -> memref<128x128xf32, #tpu.memory_space<hbm>>
    %dma_wait3A_257 = arith.constant 0 : i32
    %dma_wait3A_258 = arith.constant 0 : i32
    %dma_wait3A_259 = tpu.memref_slice %arg7[%dma_wait3A_246, %dma_wait3A_257, %dma_wait3A_258] : memref<5x128x128xf32, #tpu.memory_space<vmem>> -> memref<1x128x128xf32, #tpu.memory_space<vmem>>
    %dma_wait3A_260 = tpu.memref_squeeze %dma_wait3A_259 : memref<1x128x128xf32, #tpu.memory_space<vmem>> -> memref<128x128xf32, #tpu.memory_space<vmem>>
    tpu.wait_dma2 semaphore(%arg19 : memref<!tpu.dma_semaphore, #tpu.memory_space<semaphore_mem>>) src(%dma_wait3A_260 : memref<128x128xf32, #tpu.memory_space<vmem>>) dst(%dma_wait3A_256 : memref<128x128xf32, #tpu.memory_space<hbm>>)
    return
  }
}

</mosaic_0001>

<sc_bundles>
// kernel: kernel.3.cloned.1.call-start
scs
__scs_entry_jumppad:
0x0: {  	(pc) =	sbr.rel $0x88, $3  }
0x1: {  	(tag) =	ssettag $0x0;
	lr =	simm.s32 $0x1  }
0x2: {  	[smem:$0x3F9E] =	sst lr;
	_ =	strace $0xD0000000  }
0x3: {  	_ = 	snop  }
0x4: {  	_ = 	snop  }
0x5: {  	_ = 	snop  }
0x6: {  	_ = 	snop  }
0x7: {  	_ = 	snop  }
__scs_overlays_trampoline_lowered:
0x8: {  	[smem:$0x3FAD] =	sst s0  }
0x9: {  	[smem:$0x3FAE] =	sst s1  }
0xa: {  	[smem:$0x3FAF] =	sst s2  }
0xb: {  	[smem:$0x3FB0] =	sst s3  }
0xc: {  	[smem:$0x3FB1] =	sst s4  }
0xd: {  	[smem:$0x3FB2] =	sst s5  }
0xe: {  	[smem:$0x3FB3] =	sst s6  }
0xf: {  	[smem:$0x3FB4] =	sst s7  }
0x10: {  	[smem:$0x3FB5] =	sst s8  }
0x11: {  	[smem:$0x3FB6] =	sst s9;
	s0 =	simm.s32 @!p0 $0x0  }
0x12: {  	s1 =	sld [smem:$0x3F9C];
	s0 =	simm.s32 @p0 $0x1  }
0x13: {  	[smem:$0x3FB7] =	sst s0;
	s0 =	simm.s32 @!p1 $0x0  }
0x14: {  	s2 =	sld [smem:$0x3F9B];
	s0 =	simm.s32 @p1 $0x1  }
0x15: {  	[smem:$0x3FB8] =	sst s0;
	s0 =	simm.s32 @!p2 $0x0  }
0x16: {  	s3 =	sld [smem:$0x3FDB];
	s0 =	simm.s32 @p2 $0x1  }
0x17: {  	s4 =	simm.s32 $0x1BF5;
	[smem:$0x3FBA] =	sst s0  }
0x18: {  	s0 =	sld [smem:$0x3F9D];
	_ =	swait.ge [sflag:s4], $0x0  }
0x19: {  	s7 =	sld [smem:$0x3F9E]  }
0x1a: {  	s8 =	sadd.s32 $0xFFFFE003, lr  }
0x1b: {  	s9 =	sadd.s32 $0xFFFFFEF7, lr;
	s5 =	simm.s32 $0xFFFFFFFF;
	p2 =	slt.u32 s8, $0xFFFFF086  }
0x1c: {  	p1 =	slt.u32 s9, $0xF7A;
	s5 =	simm.s32 @!p2 $0x0  }
0x1d: {  	s5 =	simm.s32 @p1 $0x1;
	p0 =	seq.s32 s7, s2  }
0x1e: {  	s7 =	smul.u32 @!p0 $0xF7A, s2;
	p2 =	seq.s32 @!p0 s5, $0x0  }
0x1f: {  	s9 =	smul.u32 $0xF7A, s1;
	s8 =	simm.s32 @!p0 $0x1BF5;
	p2 =	por !p2, p0  }
0x20: {  	[sflag:s8] =	ssyncset.s32 @!p0 $0xFFFFF086;
	s6 =	sadd.s32 @!p0 s3, s7;
	s7 =	simm.s32 @!p0 $0x108  }
0x21: {  	s3 =	sadd.s32 s3, s9;
	s6 =	sadd.s32 @!p0 $0x88, s6;
	s7 =	simm.s32 @p2 $0x1082  }
0x22: {  	[simem:s7], [sflag:s8] =	dma.local @!p0 [hbm:s6], $0xF7A  }
0x23: {  	s9 =	sor.u32 $0xD0000000, s2;
	s6 =	simm.s32 $0x108;
	_ =	swait.ge @!p0 [sflag:s8], $0x0  }
0x24: {  	s3 =	sadd.s32 $0x88, s3;
	s6 =	simm.s32 @!p1 $0x1082;
	[sflag:s4] =	ssyncset.s32 $0xFFFFF086  }
0x25: {  	[simem:s6], [sflag:s4] =	dma.local [hbm:s3], $0xF7A  }
0x26: {  	[smem:$0x3F9E] =	sst s1;
	(tag) =	ssettag s2;
	_ =	strace s9  }
0x27: {  	s1 =	sld [smem:$0x3FAE]  }
0x28: {  	s2 =	sld [smem:$0x3FAF]  }
0x29: {  	s4 =	sld [smem:$0x3FB1]  }
0x2a: {  	p0 =	seq.s32 s5, $0x0;
	s5 =	sld [smem:$0x3FB2]  }
0x2b: {  	s6 =	sld [smem:$0x3FB3]  }
0x2c: {  	s7 =	sld [smem:$0x3FB4]  }
0x2d: {  	s3 =	simm.s32 $0x108;
	s8 =	sld [smem:$0x3FB5]  }
0x2e: {  	s3 =	simm.s32 @!p0 $0x1082;
	s9 =	sld [smem:$0x3FB6]  }
0x2f: {  	lr =	sadd.s32 s0, s3;
	s0 =	sld [smem:$0x3FAD]  }
0x30: {  	s3 =	sld [smem:$0x3FB0]  }
0x31: {  	[smem:$0x3FB9] =	sst s10  }
0x32: {  	s10 =	sld [smem:$0x3FB7];
	_ =	sdelay $0x3  }
0x33: {  	p0 =	seq.s32 s10, $0x1;
	s10 =	sld [smem:$0x3FB9];
	_ =	sdelay $0x3  }
0x34: {  	[smem:$0x3FB9] =	sst s10  }
0x35: {  	s10 =	sld [smem:$0x3FB8];
	_ =	sdelay $0x3  }
0x36: {  	p1 =	seq.s32 s10, $0x1;
	s10 =	sld [smem:$0x3FB9];
	_ =	sdelay $0x3  }
0x37: {  	[smem:$0x3FB9] =	sst s10  }
0x38: {  	s10 =	sld [smem:$0x3FBA]  }
0x39: {  	_ = 	snop;
	(pc) =	sbr.ind lr, $3  }
0x3a: {  	_ = 	snop  }
0x3b: {  	_ = 	snop  }
0x3c: {  	p2 =	seq.s32 s10, $0x1;
	s10 =	sld [smem:$0x3FB9]  }
0x3d: {  	_ =	shalt  }
0x3e: {  	_ =	shalt  }
0x3f: {  	_ =	shalt  }
0x40: {  	_ =	shalt  }
0x41: {  	_ =	shalt  }
0x42: {  	_ =	shalt  }
0x43: {  	_ =	shalt  }
0x44: {  	_ =	shalt  }
0x45: {  	_ =	shalt  }
0x46: {  	_ =	shalt  }
0x47: {  	_ =	shalt  }
0x48: {  	_ =	shalt  }
0x49: {  	_ =	shalt  }
0x4a: {  	_ =	shalt  }
0x4b: {  	_ =	shalt  }
0x4c: {  	_ =	shalt  }
0x4d: {  	_ =	shalt  }
0x4e: {  	_ =	shalt  }
0x4f: {  	_ =	shalt  }
0x50: {  	_ =	shalt  }
0x51: {  	_ =	shalt  }
0x52: {  	_ =	shalt  }
0x53: {  	_ =	shalt  }
0x54: {  	_ =	shalt  }
0x55: {  	_ =	shalt  }
0x56: {  	_ =	shalt  }
0x57: {  	_ =	shalt  }
0x58: {  	_ =	shalt  }
0x59: {  	_ =	shalt  }
0x5a: {  	_ =	shalt  }
0x5b: {  	_ =	shalt  }
0x5c: {  	_ =	shalt  }
0x5d: {  	_ =	shalt  }
0x5e: {  	_ =	shalt  }
0x5f: {  	_ =	shalt  }
0x60: {  	_ =	shalt  }
0x61: {  	_ =	shalt  }
0x62: {  	_ =	shalt  }
0x63: {  	_ =	shalt  }
0x64: {  	_ =	shalt  }
0x65: {  	_ =	shalt  }
0x66: {  	_ =	shalt  }
0x67: {  	_ =	shalt  }
0x68: {  	_ =	shalt  }
0x69: {  	_ =	shalt  }
0x6a: {  	_ =	shalt  }
0x6b: {  	_ =	shalt  }
0x6c: {  	_ =	shalt  }
0x6d: {  	_ =	shalt  }
0x6e: {  	_ =	shalt  }
0x6f: {  	_ =	shalt  }
0x70: {  	_ =	shalt  }
0x71: {  	_ =	shalt  }
0x72: {  	_ =	shalt  }
0x73: {  	_ =	shalt  }
0x74: {  	_ =	shalt  }
0x75: {  	_ =	shalt  }
0x76: {  	_ =	shalt  }
0x77: {  	_ =	shalt  }
0x78: {  	_ =	shalt  }
0x79: {  	_ =	shalt  }
0x7a: {  	_ =	shalt  }
0x7b: {  	_ =	shalt  }
0x7c: {  	_ =	shalt  }
0x7d: {  	_ =	shalt  }
0x7e: {  	_ =	shalt  }
0x7f: {  	_ =	shalt  }
0x80: {  	_ =	shalt  }
0x81: {  	_ =	shalt  }
0x82: {  	_ =	shalt  }
0x83: {  	_ =	shalt  }
0x84: {  	_ =	shalt  }
0x85: {  	_ =	shalt  }
0x86: {  	_ =	shalt  }
0x87: {  	_ =	shalt  }
.Lfunc_end0:
.L_simem_size_0:
called_computation_lowered:
.L_overlay_start_0:
0x88: {  	s2 =	sld [smem:$0x3FD9]  }
0x89: {  	s3 =	sld [smem:$0x3FFE];
	_ =	sdelay $0x1  }
0x8a: {  	s1 =	srdreg.scid  }
0x8b: {  	s0 =	sand.u32 $0x1, s1  }
0x8c: {  	s17 =	sshll.u32 s0, $0xA;
	s2 =	sadd.s32 s3, s2  }
0x8d: {  	s2 =	sadd.s32 s2, s17  }
0x8e: {  	[smem:$0x3FC5] =	sst s2  }
0x8f: {  	_ = 	snop  }
0x90: {  	s2 =	sld [smem:$0x3FC8]  }
0x91: {  	s18 =	sld [smem:$0x3FD0];
	(tm) =	ssettm $0x1  }
0x92: {  	s4 =	sld [smem:$0x3FFB];
	_ =	sdelay $0x3  }
0x93: {  	_ =	strace s4  }
0x94: {  	s4 =	sld [smem:$0x3FFC];
	_ =	sdelay $0x3  }
0x95: {  	_ =	strace s4  }
0x96: {  	s4 =	sld [smem:$0x3FFD];
	_ =	sdelay $0x3  }
0x97: {  	_ =	strace s4  }
0x98: {  	_ =	strace $0x8FFFFFFF  }
0x99: {  	s19 =	sld [smem:$0x3FDB];
	_ =	sdelay $0x1  }
0x9a: {  	s5 =	simm.s32 $_scs_section_size  }
0x9b: {  	s6 =	simm.s32 $_size__tile_overlayer_lowered;
	s7 =	simm.s32 $_tile_overlayer_lowered  }
0x9c: {  	s22 =	simm.s32 $0x1BFF;
	s21 =	sshll.u32 s7, $0x1;
	s4 =	sadd.s32 s5, s19  }
0x9d: {  	s8 =	simm.s32 $0x0;
	s20 =	sshll.u32 s6, $0x1;
	s6 =	sadd.s32 s21, s4  }
0x9e: {  	[timem:s8], [sflag:s22] =	dma.local [hbm:s6], s20  }
0x9f: {  	_ =	swait.ge [sflag:s22], s20  }
0xa0: {  	s5 =	ssub.s32 $0x0, s20;
	[sflag:s22] =	ssyncset.done $0x0  }
0xa1: {  	[sflag:s22] =	ssyncadd.s32 s5;
	_ =	sdelay $0x1  }
0xa2: {  	s23 =	simm.s32 $0x1B8B  }
0xa3: {  	_ =	swait.ge [sflag:s23], $0x1  }
0xa4: {  	[sflag:s23] =	ssyncset.done $0x0  }
0xa5: {  	s25 =	simm.s32 $0x1B8E;
	s24 =	sld [smem:$0x3FFE];
	[sflag:s23] =	ssyncadd.s32 $0xFFFFFFFF  }
0xa6: {  	s26 =	simm.s32 $execute0_lowered;
	[smem:$0x3FD2] =	sst s25  }
0xa7: {  	s6 =	sshll.u32 s26, $0x1;
	_ =	strace $0x80000046;
	[dreg:$0x1] =	wrdreg $0xFFFFFFFF  }
0xa8: {  	s28 =	simm.s32 $_size_execute0_lowered;
	s4 =	sadd.s32 s4, s6;
	[dreg:$0x0] =	wrdreg $0x0  }
0xa9: {  	s6 =	sshll.u32 s28, $0x1;
	[dreg:$0x2] =	wrdreg s4  }
0xaa: {  	[dreg:$0x3] =	wrdreg s6  }
0xab: {  	[dreg:$0x4] =	wrdreg $0xC0  }
0xac: {  	_ =	task [dreg:s8], $0x5FFFF  }
0xad: {  	[dreg:$0x1] =	wrdreg $0xFFFFFFFF  }
0xae: {  	[dreg:$0x0] =	wrdreg $0x60  }
0xaf: {  	[dreg:$0x2] =	wrdreg s24  }
0xb0: {  	[dreg:$0x3] =	wrdreg s2  }
0xb1: {  	[dreg:$0x4] =	wrdreg s18  }
0xb2: {  	[dreg:$0x5] =	wrdreg $0x9  }
0xb3: {  	_ =	task.clear_ibuf [dreg:s8], $0x6FFFF;
	_ =	strace $0x90000046  }
0xb4: {  	s29 =	simm.s32 $0x9;
	_ =	strace $0x80000048  }
0xb5: {  	_ =	swait.ge [sflag:s29], $0x1  }
0xb6: {  	[sflag:s29] =	ssyncadd.s32 $0xFFFFFFFF  }
0xb7: {  	_ =	strace $0x90000048  }
0xb8: {  	_ =	sfence  }
0xb9: {  	s30 =	sld [smem:$0x0];
	_ =	sdelay $0x2  }
0xba: {  	s31 =	sshll.u32 s1, $0xD;
	s1 =	sshrl.u32 s1, $0x2  }
0xbb: {  	s3 =	sand.u32 $0x4000, s31;
	s1 =	sadd.s32 s1, s30  }
0xbc: {  	s0 =	sor.u32 s3, s0;
	s1 =	sshll.u32 s1, $0x11  }
0xbd: {  	s0 =	sor.u32 s1, s0  }
0xbe: {  	s0 =	sadd.s32 $0x8F2B, s0  }
0xbf: {  	[sflag:s0] =	ssyncadd.remote.s32 $0x1  }
0xc0: {  	_ =	sfence.sel $0xFFFF  }
0xc1: {  	[dreg:$0x0] =	wrdreg $0xFFFFFFFF;
	(pc) =	sbr.abs _section_cstart, $3  }
0xc2: {  	[dreg:$0x1] =	wrdreg $0xFFFFFFFF  }
0xc3: {  	_ =	task.clear_ibuf [dreg:s8], $0x2FFFF;
	_ =	strace $0x9FFFFFFF  }
0xc4: {  	(tm) =	ssettm $0x7FFFFFFF  }
0xc5: {  	_ =	shalt  }
tec
execute0_lowered:
.L_overlay_start_1:
0x0: {  	(tag) =	ssettag $0x1  }
0x1: {  	s0 =	rddreg [dreg:$0x0]  }
0x2: {  	s1 =	rddreg [dreg:$0x1]  }
0x3: {  	s2 =	rddreg [dreg:$0x2]  }
0x4: {  	s3 =	simm.s32 $0x0;
	s5 =	stileid.u32;
	s4 =	srdreg.scid  }
0x5: {  	s29 =	simm.s32 $0xC400;
	s30 =	simm.s32 $0x1;
	s31 =	simm.s32 $0x200  }
0x6: {  	s18 =	simm.s32 $0x12400;
	[smem:$0x7FF] =	sst s3;
	s20 =	sshrl.u32 s5, $0x2  }
0x7: {  	s5 =	sshll.u32 s5, $0x1;
	s4 =	sand.u32 $0x1, s4;
	_ =	strace $0x80000047  }
0x8: {  	s7 =	smul.u32 $0x380, s20;
	s5 =	sand.u32 $0x6, s5;
	s8 =	ssub.s32 $0x2, s4  }
0x9: {  	s9 =	smul.u32 $0xC800, s20;
	s4 =	sor.u32 s4, s5;
	s5 =	sadd.s32 $0x1200, s0  }
0xa: {  	s10 =	sshrl.u32 s8, $0x1;
	s0 =	sadd.s32 s7, s0;
	s7 =	smul.u32 $0x32, s20  }
0xb: {  	s6 =	sshll.u32 s4, $0x7;
	s8 =	ssub.s32 s8, s10;
	s4 =	smul.u32 $0x6400, s4  }
0xc: {  	s20 =	simm.s32 $0x80;
	s10 =	simm.s32 $0x2;
	s9 =	sor.u32 s9, s6  }
0xd: {  	s0 =	sadd.s32 $0x400, s0;
	s28 =	smax.u32 s8, $0x1;
	s8 =	simm.s32 $0x10400  }
0xe: {  	[dreg:$0x4] =	wrdreg s0;
	s21 =	sshrl.u32 s9, $0x3;
	s23 =	sadd.s32 $0x800, s9  }
0xf: {  	s24 =	sadd.s32 $0xC00, s9;
	s13 =	sor.u32 s7, s4;
	s14 =	sadd.s32 $0x5, s7  }
0x10: {  	s15 =	sadd.s32 $0x6, s7;
	s16 =	sadd.s32 $0x7, s7;
	s17 =	sadd.s32 $0x8, s7  }
0x11: {  	[dreg:$0x9] =	wrdreg s28;
	s9 =	simm.s32 $0x0;
	s22 =	sadd.s32 s5, s21  }
0x12: {  	s0 =	sshrl.u32 s23, $0x3;
	[dreg:$0x5] =	wrdreg s22;
	s25 =	sadd.s32 $0x80, s22  }
0x13: {  	s3 =	sshrl.u32 s24, $0x3;
	s0 =	sadd.s32 s5, s0;
	[dreg:$0x6] =	wrdreg s25  }
0x14: {  	s23 =	simm.s32 $0x400;
	s26 =	sadd.s32 s5, s3;
	[dreg:$0x7] =	wrdreg s0  }
0x15: {  	v0 =	vlaneseq.u32;
	s24 =	simm.s32 $0x4400;
	s22 =	simm.s32 $0xB;
	[dreg:$0x8] =	wrdreg s26  }
0x16: {  	v0 =	vmul.u32 $0xC8, v0;
	s25 =	simm.s32 $0x8400;
	s26 =	simm.s32 $0x180;
	s0 =	simm.s32 $0x40  }
.LBB2_1:
0x17: {  	[dreg:$0xa] =	wrdreg s9  }
0x18: {  	s3 =	simm.s32 $0x0;
	s4 =	rddreg [dreg:$0x4];
	s28 =	simm.s32 $0x14400  }
0x19: {  	[tilespmem:s28], [sflag:$0xC] =	stream.linear.gather [hbm4b:s4+s3], $0x1900, $0x38;
	[tilespmem:$0x16500] =	vst v63  }
0x1a: {  	s9 =	rddreg [dreg:$0x5]  }
0x1b: {  	[tilespmem:s3], [sflag:$0xB] =	stream.linear.gather [hbm4b:s9+s3], $0x80, $0x38;
	[tilespmem:$0x16500] =	vst v63  }
0x1c: {  	s11 =	rddreg [dreg:$0x6]  }
0x1d: {  	[tilespmem:s20], [sflag:$0xB] =	stream.linear.gather [hbm4b:s11+s3], $0x80, $0x38;
	[tilespmem:$0x16500] =	vst v63  }
0x1e: {  	s12 =	rddreg [dreg:$0x7];
	s19 =	simm.s32 $0x100  }
0x1f: {  	[tilespmem:s19], [sflag:$0xB] =	stream.linear.gather [hbm4b:s12+s3], $0x80, $0x38;
	[tilespmem:$0x16500] =	vst v63  }
0x20: {  	_ =	swait.ge [sflag:s22], $0x80  }
0x21: {  	[sflag:s22] =	ssyncset.done $0x0  }
0x22: {  	[sflag:s22] =	ssyncadd.s32 $0xFFFFFF80  }
0x23: {  	_ =	swait.ge [sflag:s22], $0x80  }
0x24: {  	[sflag:s22] =	ssyncset.done $0x0  }
0x25: {  	[sflag:s22] =	ssyncadd.s32 $0xFFFFFF80  }
0x26: {  	_ =	swait.ge [sflag:s22], $0x80  }
0x27: {  	[sflag:s22] =	ssyncset.done $0x0  }
0x28: {  	[sflag:s22] =	ssyncadd.s32 $0xFFFFFF80  }
0x29: {  	[tilespmem:s23], [sflag:$0x1] =	stream.indirect.gather [hbm4b:s1+s20], $0x80, s3, s20, $0xb8;
	[tilespmem:$0x16500] =	vst v63  }
0x2a: {  	_ = 	snop  }
0x2b: {  	[tilespmem:s24], [sflag:$0x2] =	stream.indirect.gather [hbm4b:s1+s20], $0x80, s20, s20, $0xb8;
	[tilespmem:$0x16500] =	vst v63  }
0x2c: {  	_ = 	snop  }
0x2d: {  	[tilespmem:s25], [sflag:$0x3] =	stream.indirect.gather [hbm4b:s1+s20], $0x80, s19, s20, $0xb8;
	[tilespmem:$0x16500] =	vst v63  }
0x2e: {  	s28 =	simm.s32 $0xC;
	s21 =	rddreg [dreg:$0x8]  }
0x2f: {  	[tilespmem:s26], [sflag:$0xB] =	stream.linear.gather [hbm4b:s21+s3], $0x80, $0x38;
	[tilespmem:$0x16500] =	vst v63  }
0x30: {  	_ =	swait.ge [sflag:s28], $0x1900  }
0x31: {  	[sflag:s28] =	ssyncset.done $0x0  }
0x32: {  	s9 =	simm.s32 $0x0;
	[sflag:s28] =	ssyncadd.s32 $0xFFFFE700  }
.LBB2_2:
0x33: {  	_ =	swait.ge [sflag:s22], $0x80  }
0x34: {  	p0 =	seq.s32 s9, $0x0;
	s4 =	smul.u32 $0x5, s9;
	[sflag:s22] =	ssyncset.done $0x0  }
0x35: {  	s3 =	simm.s32 @!p0 $0x9;
	[sflag:s22] =	ssyncadd.s32 $0xFFFFFF80  }
0x36: {  	s28 =	sadd.s32 $0x4, s4;
	_ =	swait.ge @!p0 [sflag:s3], $0x4000  }
0x37: {  	s19 =	sadd.s32 s7, s28;
	[sflag:s3] =	ssyncset.done @!p0 $0x0  }
0x38: {  	[sflag:s3] =	ssyncadd.s32 @!p0 $0xFFFFC000;
	s3 =	sshll.u32 s19, $0xA  }
0x39: {  	[tilespmem:s29], [sflag:$0x4] =	stream.indirect.gather [hbm4b:s1+s20], $0x80, s26, s20, $0xb8;
	[tilespmem:$0x16500] =	vst v63  }
0x3a: {  	s19 =	smul.u32 $0xA00, s9;
	s3 =	sor.u32 s6, s3;
	_ =	swait.ge [sflag:s30], $0x4000  }
0x3b: {  	s11 =	simm.s32 $0x0;
	s3 =	sshrl.u32 s3, $0x3;
	[sflag:s30] =	ssyncset.done $0x0  }
0x3c: {  	s21 =	sshra.s32 s19, $0x2;
	s3 =	sadd.s32 s5, s3;
	[sflag:s30] =	ssyncadd.s32 $0xFFFFC000  }
0x3d: {  	[tilespmem:s31], [sflag:$0xB] =	stream.linear.gather [hbm4b:s3+s11], $0x80, $0x38;
	[tilespmem:$0x16500] =	vst v63  }
0x3e: {  	v8 =	vld [tilespmem:s21+$0x14400]  }
0x3f: {  	v7 =	vld [tilespmem:s21+$0x14410]  }
0x40: {  	v6 =	vld [tilespmem:s21+$0x14420]  }
0x41: {  	v5 =	vld [tilespmem:s21+$0x14430]  }
0x42: {  	v4 =	vld [tilespmem:s21+$0x14440]  }
0x43: {  	s19 =	sadd.s32 s13, s4;
	v3 =	vld [tilespmem:s21+$0x14450]  }
0x44: {  	v9 =	vadd.s32 s19, v0;
	s11 =	sadd.s32 $0xC80, s19;
	v2 =	vld [tilespmem:s21+$0x14460]  }
0x45: {  	s12 =	sadd.s32 $0x1900, s19;
	v1 =	vld [tilespmem:s21+$0x14470];
	[tilespmem:$0x16000] =	vst v9;
	v9 =	vadd.s32 s11, v0  }
0x46: {  	s21 =	sadd.s32 $0x2580, s19;
	[tilespmem:$0x16010] =	vst v9;
	v9 =	vadd.s32 s12, v0  }
0x47: {  	[tilespmem:$0x16020] =	vst v9;
	v9 =	vadd.s32 s21, v0  }
0x48: {  	s21 =	simm.s32 $0x0;
	[tilespmem:$0x16030] =	vst v9  }
0x49: {  	v10 =	vld [tilespmem:s21+$0x400]  }
0x4a: {  	v14 =	vld [tilespmem:s21+$0x410]  }
0x4b: {  	v13 =	vld [tilespmem:s21+$0x420]  }
0x4c: {  	v12 =	vld [tilespmem:s21+$0x430]  }
0x4d: {  	v11 =	vld [tilespmem:s21+$0x440]  }
0x4e: {  	v9 =	vld [tilespmem:s21+$0x450];
	v15 =	vmul.f32 $1.131370830e+01, v10  }
0x4f: {  	s3 =	sadd.s32 $0x3, s4;
	s11 =	simm.s32 $0x200;
	v14 =	vmul.f32 $1.131370830e+01, v14;
	v10 =	vld [tilespmem:s21+$0x460]  }
.LBB2_3:
0x50: {  	p1 =	sne.s32 s11, $0x7E00;
	v15 =	vadd.f32 v15, v8;
	v13 =	vmul.f32 $1.131370830e+01, v13;
	v16 =	vld [tilespmem:s21+$0x470]  }
0x51: {  	v14 =	vadd.f32 v14, v7;
	v12 =	vmul.f32 $1.131370830e+01, v12  }
0x52: {  	s12 =	sshra.s32 s11, $0x2;
	[tilespmem:s21+$0x400] =	vst v15;
	v13 =	vadd.f32 v13, v6;
	v11 =	vmul.f32 $1.131370830e+01, v11  }
0x53: {  	v15 =	vld [tilespmem:s12+$0x400];
	[tilespmem:s21+$0x410] =	vst v14;
	v12 =	vadd.f32 v12, v5;
	v9 =	vmul.f32 $1.131370830e+01, v9  }
0x54: {  	v14 =	vld [tilespmem:s12+$0x410];
	[tilespmem:s21+$0x420] =	vst v13;
	v11 =	vadd.f32 v11, v4;
	v10 =	vmul.f32 $1.131370830e+01, v10  }
.Ltmp0:
0x55: {  	v13 =	vld [tilespmem:s12+$0x420];
	[tilespmem:s21+$0x430] =	vst v12;
	v9 =	vadd.f32 v9, v3;
	v16 =	vmul.f32 $1.131370830e+01, v16;
	(pc) =	sbr.rel @p1 .LBB2_3-.Ltmp0, $4  }
0x56: {  	v12 =	vld [tilespmem:s12+$0x430];
	[tilespmem:s21+$0x440] =	vst v11;
	v10 =	vadd.f32 v10, v2  }
0x57: {  	v11 =	vld [tilespmem:s12+$0x440];
	[tilespmem:s21+$0x450] =	vst v9;
	v16 =	vadd.f32 v16, v1  }
0x58: {  	v15 =	vmul.f32 $1.131370830e+01, v15;
	v9 =	vld [tilespmem:s12+$0x450];
	[tilespmem:s21+$0x460] =	vst v10  }
0x59: {  	s11 =	sadd.s32 $0x200, s11;
	v14 =	vmul.f32 $1.131370830e+01, v14;
	v10 =	vld [tilespmem:s12+$0x460];
	[tilespmem:s21+$0x470] =	vst v16;
	s21 =	smov.u32 s12  }
0x5a: {  	v15 =	vadd.f32 v15, v8;
	v13 =	vmul.f32 $1.131370830e+01, v13;
	v16 =	vld [tilespmem:s21+$0x470]  }
0x5b: {  	v14 =	vadd.f32 v14, v7;
	v12 =	vmul.f32 $1.131370830e+01, v12  }
0x5c: {  	[tilespmem:s21+$0x400] =	vst v15;
	v13 =	vadd.f32 v13, v6;
	v11 =	vmul.f32 $1.131370830e+01, v11  }
0x5d: {  	[tilespmem:s21+$0x410] =	vst v14;
	v12 =	vadd.f32 v12, v5;
	v9 =	vmul.f32 $1.131370830e+01, v9  }
0x5e: {  	[tilespmem:s21+$0x420] =	vst v13;
	v11 =	vadd.f32 v11, v4;
	v10 =	vmul.f32 $1.131370830e+01, v10  }
0x5f: {  	[tilespmem:s21+$0x430] =	vst v12;
	v9 =	vadd.f32 v9, v3;
	v12 =	vmul.f32 $1.131370830e+01, v16  }
0x60: {  	[tilespmem:s21+$0x440] =	vst v11;
	v10 =	vadd.f32 v10, v2  }
0x61: {  	[tilespmem:s21+$0x450] =	vst v9;
	v9 =	vadd.f32 v12, v1  }
0x62: {  	[tilespmem:s21+$0x460] =	vst v10  }
0x63: {  	s11 =	simm.s32 $0x16000;
	s12 =	sadd.s32 $0x3200, s19;
	[tilespmem:s21+$0x470] =	vst v9;
	s21 =	sadd.s32 $0x3E80, s19  }
0x64: {  	v9 =	vadd.s32 s12, v0;
	[hbm4b:s2+s0] =	stream.indirect.scatter [tilespmem:s23], [sflag:$0x6], $0x80, s11, s0, $0xb8;
	[tilespmem:$0x16500] =	vst v63  }
0x65: {  	s12 =	sadd.s32 $0x4B00, s19;
	[tilespmem:$0x16080] =	vst v9;
	v9 =	vadd.s32 s21, v0  }
0x66: {  	s21 =	sadd.s32 $0x5780, s19;
	[tilespmem:$0x16090] =	vst v9;
	v9 =	vadd.s32 s12, v0  }
0x67: {  	[tilespmem:$0x160A0] =	vst v9;
	v9 =	vadd.s32 s21, v0  }
0x68: {  	s19 =	simm.s32 $0x0;
	[tilespmem:$0x160B0] =	vst v9  }
0x69: {  	v9 =	vld [tilespmem:s19+$0x2400]  }
0x6a: {  	v14 =	vld [tilespmem:s19+$0x2410]  }
0x6b: {  	v13 =	vld [tilespmem:s19+$0x2420]  }
0x6c: {  	v12 =	vld [tilespmem:s19+$0x2430]  }
0x6d: {  	v11 =	vld [tilespmem:s19+$0x2440]  }
0x6e: {  	v10 =	vld [tilespmem:s19+$0x2450];
	v15 =	vmul.f32 $1.131370830e+01, v9  }
0x6f: {  	s11 =	simm.s32 $0x200;
	v14 =	vmul.f32 $1.131370830e+01, v14;
	v9 =	vld [tilespmem:s19+$0x2460]  }
.LBB2_5:
0x70: {  	p1 =	sne.s32 s11, $0x7E00;
	v15 =	vadd.f32 v15, v8;
	v13 =	vmul.f32 $1.131370830e+01, v13;
	v16 =	vld [tilespmem:s19+$0x2470]  }
0x71: {  	v14 =	vadd.f32 v14, v7;
	v12 =	vmul.f32 $1.131370830e+01, v12  }
0x72: {  	s12 =	sshra.s32 s11, $0x2;
	[tilespmem:s19+$0x2400] =	vst v15;
	v13 =	vadd.f32 v13, v6;
	v11 =	vmul.f32 $1.131370830e+01, v11  }
0x73: {  	v15 =	vld [tilespmem:s12+$0x2400];
	[tilespmem:s19+$0x2410] =	vst v14;
	v12 =	vadd.f32 v12, v5;
	v10 =	vmul.f32 $1.131370830e+01, v10  }
0x74: {  	v14 =	vld [tilespmem:s12+$0x2410];
	[tilespmem:s19+$0x2420] =	vst v13;
	v11 =	vadd.f32 v11, v4;
	v9 =	vmul.f32 $1.131370830e+01, v9  }
.Ltmp1:
0x75: {  	v13 =	vld [tilespmem:s12+$0x2420];
	[tilespmem:s19+$0x2430] =	vst v12;
	v10 =	vadd.f32 v10, v3;
	v16 =	vmul.f32 $1.131370830e+01, v16;
	(pc) =	sbr.rel @p1 .LBB2_5-.Ltmp1, $4  }
0x76: {  	v12 =	vld [tilespmem:s12+$0x2430];
	[tilespmem:s19+$0x2440] =	vst v11;
	v9 =	vadd.f32 v9, v2  }
0x77: {  	v11 =	vld [tilespmem:s12+$0x2440];
	[tilespmem:s19+$0x2450] =	vst v10;
	v16 =	vadd.f32 v16, v1  }
0x78: {  	v15 =	vmul.f32 $1.131370830e+01, v15;
	v10 =	vld [tilespmem:s12+$0x2450];
	[tilespmem:s19+$0x2460] =	vst v9  }
0x79: {  	s11 =	sadd.s32 $0x200, s11;
	v14 =	vmul.f32 $1.131370830e+01, v14;
	v9 =	vld [tilespmem:s12+$0x2460];
	[tilespmem:s19+$0x2470] =	vst v16;
	s19 =	smov.u32 s12  }
0x7a: {  	v8 =	vadd.f32 v15, v8;
	v13 =	vmul.f32 $1.131370830e+01, v13;
	v15 =	vld [tilespmem:s19+$0x2470]  }
0x7b: {  	v7 =	vadd.f32 v14, v7;
	v12 =	vmul.f32 $1.131370830e+01, v12  }
0x7c: {  	[tilespmem:s19+$0x2400] =	vst v8;
	v6 =	vadd.f32 v13, v6;
	v8 =	vmul.f32 $1.131370830e+01, v11  }
0x7d: {  	[tilespmem:s19+$0x2410] =	vst v7;
	v5 =	vadd.f32 v12, v5;
	v7 =	vmul.f32 $1.131370830e+01, v10  }
0x7e: {  	[tilespmem:s19+$0x2420] =	vst v6;
	v4 =	vadd.f32 v8, v4;
	v6 =	vmul.f32 $1.131370830e+01, v9  }
0x7f: {  	[tilespmem:s19+$0x2430] =	vst v5;
	v3 =	vadd.f32 v7, v3;
	v5 =	vmul.f32 $1.131370830e+01, v15  }
0x80: {  	[tilespmem:s19+$0x2440] =	vst v4;
	v2 =	vadd.f32 v6, v2  }
0x81: {  	[tilespmem:s19+$0x2450] =	vst v3;
	v1 =	vadd.f32 v5, v1  }
0x82: {  	[tilespmem:s19+$0x2460] =	vst v2  }
0x83: {  	s11 =	simm.s32 $0x16080;
	s12 =	simm.s32 $0x2400;
	[tilespmem:s19+$0x2470] =	vst v1  }
0x84: {  	[hbm4b:s2+s0] =	stream.indirect.scatter [tilespmem:s12], [sflag:$0x6], $0x80, s11, s0, $0xb8;
	[tilespmem:$0x16500] =	vst v63  }
0x85: {  	_ =	swait.ge [sflag:s22], $0x80  }
0x86: {  	[sflag:s22] =	ssyncset.done $0x0  }
0x87: {  	s11 =	simm.s32 @!p0 $0xA;
	[sflag:s22] =	ssyncadd.s32 $0xFFFFFF80  }
0x88: {  	_ =	swait.ge @!p0 [sflag:s11], $0x4000  }
0x89: {  	[sflag:s11] =	ssyncset.done @!p0 $0x0  }
0x8a: {  	[sflag:s11] =	ssyncadd.s32 @!p0 $0xFFFFC000;
	p0 =	seq.s32 s9, $0x9  }
0x8b: {  	[tilespmem:s8], [sflag:$0x5] =	stream.indirect.gather [hbm4b:s1+s20], $0x80, s31, s20, $0xb8;
	[tilespmem:$0x16500] =	vst v63  }
0x8c: {  	s11 =	sadd.s32 @!p0 s4, s14  }
0x8d: {  	s11 =	sshll.u32 @!p0 s11, $0xA  }
0x8e: {  	_ =	swait.ge [sflag:s10], $0x4000;
	s11 =	sor.u32 @!p0 s6, s11  }
0x8f: {  	s21 =	sadd.s32 $0x1, s4;
	[sflag:s10] =	ssyncset.done $0x0;
	s11 =	sshrl.u32 @!p0 s11, $0x3  }
0x90: {  	s19 =	simm.s32 @!p0 $0x0;
	[sflag:s10] =	ssyncadd.s32 $0xFFFFC000;
	s11 =	sadd.s32 @!p0 s5, s11  }
0x91: {  	[tilespmem:s19], [sflag:$0xB] =	stream.linear.gather @!p0 [hbm4b:s11+s19], $0x80, $0x38;
	[tilespmem:$0x16500] =	vst v63  }
0x92: {  	s19 =	sshll.u32 s21, $0x7  }
0x93: {  	s11 =	sand.u32 $0x3FFFFF80, s19  }
0x94: {  	v8 =	vld [tilespmem:s11+$0x14400]  }
0x95: {  	v7 =	vld [tilespmem:s11+$0x14410]  }
0x96: {  	v6 =	vld [tilespmem:s11+$0x14420]  }
0x97: {  	v5 =	vld [tilespmem:s11+$0x14430]  }
0x98: {  	v4 =	vld [tilespmem:s11+$0x14440]  }
0x99: {  	s19 =	sadd.s32 s13, s21;
	v3 =	vld [tilespmem:s11+$0x14450]  }
0x9a: {  	v2 =	vld [tilespmem:s11+$0x14460];
	v9 =	vadd.s32 s19, v0;
	s21 =	sadd.s32 $0xC80, s19  }
0x9b: {  	v1 =	vld [tilespmem:s11+$0x14470];
	s12 =	sadd.s32 $0x1900, s19;
	[tilespmem:$0x16100] =	vst v9;
	v9 =	vadd.s32 s21, v0  }
0x9c: {  	s21 =	sadd.s32 $0x2580, s19;
	[tilespmem:$0x16110] =	vst v9;
	v9 =	vadd.s32 s12, v0  }
0x9d: {  	[tilespmem:$0x16120] =	vst v9;
	v9 =	vadd.s32 s21, v0  }
0x9e: {  	s21 =	simm.s32 $0x0;
	[tilespmem:$0x16130] =	vst v9  }
0x9f: {  	v9 =	vld [tilespmem:s21+$0x4400]  }
0xa0: {  	v14 =	vld [tilespmem:s21+$0x4410]  }
0xa1: {  	v13 =	vld [tilespmem:s21+$0x4420]  }
0xa2: {  	v12 =	vld [tilespmem:s21+$0x4430]  }
0xa3: {  	v11 =	vld [tilespmem:s21+$0x4440]  }
0xa4: {  	v10 =	vld [tilespmem:s21+$0x4450];
	v15 =	vmul.f32 $1.131370830e+01, v9  }
0xa5: {  	s11 =	simm.s32 $0x200;
	v14 =	vmul.f32 $1.131370830e+01, v14;
	v9 =	vld [tilespmem:s21+$0x4460]  }
.LBB2_7:
0xa6: {  	p1 =	sne.s32 s11, $0x7E00;
	v15 =	vadd.f32 v15, v8;
	v13 =	vmul.f32 $1.131370830e+01, v13;
	v16 =	vld [tilespmem:s21+$0x4470]  }
0xa7: {  	v14 =	vadd.f32 v14, v7;
	v12 =	vmul.f32 $1.131370830e+01, v12  }
0xa8: {  	s12 =	sshra.s32 s11, $0x2;
	[tilespmem:s21+$0x4400] =	vst v15;
	v13 =	vadd.f32 v13, v6;
	v11 =	vmul.f32 $1.131370830e+01, v11  }
0xa9: {  	v15 =	vld [tilespmem:s12+$0x4400];
	[tilespmem:s21+$0x4410] =	vst v14;
	v12 =	vadd.f32 v12, v5;
	v10 =	vmul.f32 $1.131370830e+01, v10  }
0xaa: {  	v14 =	vld [tilespmem:s12+$0x4410];
	[tilespmem:s21+$0x4420] =	vst v13;
	v11 =	vadd.f32 v11, v4;
	v9 =	vmul.f32 $1.131370830e+01, v9  }
.Ltmp2:
0xab: {  	v13 =	vld [tilespmem:s12+$0x4420];
	[tilespmem:s21+$0x4430] =	vst v12;
	v10 =	vadd.f32 v10, v3;
	v16 =	vmul.f32 $1.131370830e+01, v16;
	(pc) =	sbr.rel @p1 .LBB2_7-.Ltmp2, $4  }
0xac: {  	v12 =	vld [tilespmem:s12+$0x4430];
	[tilespmem:s21+$0x4440] =	vst v11;
	v9 =	vadd.f32 v9, v2  }
0xad: {  	v11 =	vld [tilespmem:s12+$0x4440];
	[tilespmem:s21+$0x4450] =	vst v10;
	v16 =	vadd.f32 v16, v1  }
0xae: {  	v15 =	vmul.f32 $1.131370830e+01, v15;
	v10 =	vld [tilespmem:s12+$0x4450];
	[tilespmem:s21+$0x4460] =	vst v9  }
0xaf: {  	s11 =	sadd.s32 $0x200, s11;
	v14 =	vmul.f32 $1.131370830e+01, v14;
	v9 =	vld [tilespmem:s12+$0x4460];
	[tilespmem:s21+$0x4470] =	vst v16;
	s21 =	smov.u32 s12  }
0xb0: {  	v15 =	vadd.f32 v15, v8;
	v13 =	vmul.f32 $1.131370830e+01, v13;
	v16 =	vld [tilespmem:s21+$0x4470]  }
0xb1: {  	v14 =	vadd.f32 v14, v7;
	v12 =	vmul.f32 $1.131370830e+01, v12  }
0xb2: {  	[tilespmem:s21+$0x4400] =	vst v15;
	v13 =	vadd.f32 v13, v6;
	v11 =	vmul.f32 $1.131370830e+01, v11  }
0xb3: {  	[tilespmem:s21+$0x4410] =	vst v14;
	v12 =	vadd.f32 v12, v5;
	v10 =	vmul.f32 $1.131370830e+01, v10  }
0xb4: {  	[tilespmem:s21+$0x4420] =	vst v13;
	v11 =	vadd.f32 v11, v4;
	v9 =	vmul.f32 $1.131370830e+01, v9  }
0xb5: {  	[tilespmem:s21+$0x4430] =	vst v12;
	v10 =	vadd.f32 v10, v3;
	v12 =	vmul.f32 $1.131370830e+01, v16  }
0xb6: {  	[tilespmem:s21+$0x4440] =	vst v11;
	v9 =	vadd.f32 v9, v2  }
0xb7: {  	[tilespmem:s21+$0x4450] =	vst v10;
	v10 =	vadd.f32 v12, v1  }
0xb8: {  	[tilespmem:s21+$0x4460] =	vst v9  }
0xb9: {  	s11 =	simm.s32 $0x16100;
	s12 =	sadd.s32 $0x3200, s19;
	[tilespmem:s21+$0x4470] =	vst v10;
	s21 =	sadd.s32 $0x3E80, s19  }
0xba: {  	v9 =	vadd.s32 s12, v0;
	[hbm4b:s2+s0] =	stream.indirect.scatter [tilespmem:s24], [sflag:$0x7], $0x80, s11, s0, $0xb8;
	[tilespmem:$0x16500] =	vst v63  }
0xbb: {  	s12 =	sadd.s32 $0x4B00, s19;
	[tilespmem:$0x16180] =	vst v9;
	v9 =	vadd.s32 s21, v0  }
0xbc: {  	s21 =	sadd.s32 $0x5780, s19;
	[tilespmem:$0x16190] =	vst v9;
	v9 =	vadd.s32 s12, v0  }
0xbd: {  	[tilespmem:$0x161A0] =	vst v9;
	v9 =	vadd.s32 s21, v0  }
0xbe: {  	s19 =	simm.s32 $0x0;
	[tilespmem:$0x161B0] =	vst v9  }
0xbf: {  	v9 =	vld [tilespmem:s19+$0x6400]  }
0xc0: {  	v14 =	vld [tilespmem:s19+$0x6410]  }
0xc1: {  	v13 =	vld [tilespmem:s19+$0x6420]  }
0xc2: {  	v12 =	vld [tilespmem:s19+$0x6430]  }
0xc3: {  	v11 =	vld [tilespmem:s19+$0x6440]  }
0xc4: {  	v10 =	vld [tilespmem:s19+$0x6450];
	v15 =	vmul.f32 $1.131370830e+01, v9  }
0xc5: {  	s11 =	simm.s32 $0x200;
	v14 =	vmul.f32 $1.131370830e+01, v14;
	v9 =	vld [tilespmem:s19+$0x6460]  }
.LBB2_9:
0xc6: {  	p1 =	sne.s32 s11, $0x7E00;
	v15 =	vadd.f32 v15, v8;
	v13 =	vmul.f32 $1.131370830e+01, v13;
	v16 =	vld [tilespmem:s19+$0x6470]  }
0xc7: {  	v14 =	vadd.f32 v14, v7;
	v12 =	vmul.f32 $1.131370830e+01, v12  }
0xc8: {  	s12 =	sshra.s32 s11, $0x2;
	[tilespmem:s19+$0x6400] =	vst v15;
	v13 =	vadd.f32 v13, v6;
	v11 =	vmul.f32 $1.131370830e+01, v11  }
0xc9: {  	v15 =	vld [tilespmem:s12+$0x6400];
	[tilespmem:s19+$0x6410] =	vst v14;
	v12 =	vadd.f32 v12, v5;
	v10 =	vmul.f32 $1.131370830e+01, v10  }
0xca: {  	v14 =	vld [tilespmem:s12+$0x6410];
	[tilespmem:s19+$0x6420] =	vst v13;
	v11 =	vadd.f32 v11, v4;
	v9 =	vmul.f32 $1.131370830e+01, v9  }
.Ltmp3:
0xcb: {  	v13 =	vld [tilespmem:s12+$0x6420];
	[tilespmem:s19+$0x6430] =	vst v12;
	v10 =	vadd.f32 v10, v3;
	v16 =	vmul.f32 $1.131370830e+01, v16;
	(pc) =	sbr.rel @p1 .LBB2_9-.Ltmp3, $4  }
0xcc: {  	v12 =	vld [tilespmem:s12+$0x6430];
	[tilespmem:s19+$0x6440] =	vst v11;
	v9 =	vadd.f32 v9, v2  }
0xcd: {  	v11 =	vld [tilespmem:s12+$0x6440];
	[tilespmem:s19+$0x6450] =	vst v10;
	v16 =	vadd.f32 v16, v1  }
0xce: {  	v15 =	vmul.f32 $1.131370830e+01, v15;
	v10 =	vld [tilespmem:s12+$0x6450];
	[tilespmem:s19+$0x6460] =	vst v9  }
0xcf: {  	s11 =	sadd.s32 $0x200, s11;
	v14 =	vmul.f32 $1.131370830e+01, v14;
	v9 =	vld [tilespmem:s12+$0x6460];
	[tilespmem:s19+$0x6470] =	vst v16;
	s19 =	smov.u32 s12  }
0xd0: {  	v8 =	vadd.f32 v15, v8;
	v13 =	vmul.f32 $1.131370830e+01, v13;
	v15 =	vld [tilespmem:s19+$0x6470]  }
0xd1: {  	v7 =	vadd.f32 v14, v7;
	v12 =	vmul.f32 $1.131370830e+01, v12  }
0xd2: {  	[tilespmem:s19+$0x6400] =	vst v8;
	v6 =	vadd.f32 v13, v6;
	v8 =	vmul.f32 $1.131370830e+01, v11  }
0xd3: {  	[tilespmem:s19+$0x6410] =	vst v7;
	v5 =	vadd.f32 v12, v5;
	v7 =	vmul.f32 $1.131370830e+01, v10  }
0xd4: {  	[tilespmem:s19+$0x6420] =	vst v6;
	v4 =	vadd.f32 v8, v4;
	v6 =	vmul.f32 $1.131370830e+01, v9  }
0xd5: {  	[tilespmem:s19+$0x6430] =	vst v5;
	v3 =	vadd.f32 v7, v3;
	v5 =	vmul.f32 $1.131370830e+01, v15  }
0xd6: {  	[tilespmem:s19+$0x6440] =	vst v4;
	v2 =	vadd.f32 v6, v2  }
0xd7: {  	[tilespmem:s19+$0x6450] =	vst v3;
	v1 =	vadd.f32 v5, v1  }
0xd8: {  	[tilespmem:s19+$0x6460] =	vst v2  }
0xd9: {  	s11 =	simm.s32 $0x16180;
	s12 =	simm.s32 $0x6400;
	[tilespmem:s19+$0x6470] =	vst v1  }
0xda: {  	[hbm4b:s2+s0] =	stream.indirect.scatter [tilespmem:s12], [sflag:$0x7], $0x80, s11, s0, $0xb8;
	[tilespmem:$0x16500] =	vst v63  }
0xdb: {  	s11 =	simm.s32 @p0 $0x3  }
0xdc: {  	_ =	swait.ge @p0 [sflag:s11], $0x4000  }
0xdd: {  	[sflag:s11] =	ssyncset.done @p0 $0x0  }
0xde: {  	[sflag:s11] =	ssyncadd.s32 @p0 $0xFFFFC000;
	s11 =	simm.s32 @!p0 $0xB  }
0xdf: {  	_ =	swait.ge @!p0 [sflag:s11], $0x80  }
0xe0: {  	[sflag:s11] =	ssyncset.done @!p0 $0x0  }
0xe1: {  	[sflag:s11] =	ssyncadd.s32 @!p0 $0xFFFFFF80;
	s11 =	simm.s32 @!p0 $0x6  }
0xe2: {  	_ =	swait.ge @!p0 [sflag:s11], $0x4000  }
0xe3: {  	s19 =	simm.s32 @!p0 $0x400;
	[sflag:s11] =	ssyncset.done @!p0 $0x0  }
0xe4: {  	s12 =	simm.s32 @!p0 $0x0;
	[sflag:s11] =	ssyncadd.s32 @!p0 $0xFFFFC000;
	s11 =	simm.s32 @!p0 $0x80  }
0xe5: {  	[tilespmem:s19], [sflag:$0x1] =	stream.indirect.gather @!p0 [hbm4b:s1+s11], $0x80, s12, s11, $0xb8;
	[tilespmem:$0x16500] =	vst v63  }
0xe6: {  	s19 =	sadd.s32 @!p0 s4, s15  }
0xe7: {  	s21 =	simm.s32 @!p0 $0x3;
	s19 =	sshll.u32 @!p0 s19, $0xA  }
0xe8: {  	_ =	swait.ge @!p0 [sflag:s21], $0x4000;
	s19 =	sor.u32 @!p0 s6, s19  }
0xe9: {  	[sflag:s21] =	ssyncset.done @!p0 $0x0;
	s19 =	sshrl.u32 @!p0 s19, $0x3  }
0xea: {  	[sflag:s21] =	ssyncadd.s32 @!p0 $0xFFFFC000;
	s21 =	sadd.s32 $0x2, s4;
	s19 =	sadd.s32 @!p0 s5, s19  }
0xeb: {  	[tilespmem:s11], [sflag:$0xB] =	stream.linear.gather @!p0 [hbm4b:s19+s12], $0x80, $0x38;
	[tilespmem:$0x16500] =	vst v63  }
0xec: {  	s19 =	sshll.u32 s21, $0x7  }
0xed: {  	s11 =	sand.u32 $0x3FFFFF80, s19  }
0xee: {  	v8 =	vld [tilespmem:s11+$0x14400]  }
0xef: {  	v7 =	vld [tilespmem:s11+$0x14410]  }
0xf0: {  	v6 =	vld [tilespmem:s11+$0x14420]  }
0xf1: {  	v5 =	vld [tilespmem:s11+$0x14430]  }
0xf2: {  	v4 =	vld [tilespmem:s11+$0x14440]  }
0xf3: {  	s19 =	sadd.s32 s13, s21;
	v3 =	vld [tilespmem:s11+$0x14450]  }
0xf4: {  	v2 =	vld [tilespmem:s11+$0x14460];
	v9 =	vadd.s32 s19, v0;
	s21 =	sadd.s32 $0xC80, s19  }
0xf5: {  	v1 =	vld [tilespmem:s11+$0x14470];
	s12 =	sadd.s32 $0x1900, s19;
	[tilespmem:$0x16200] =	vst v9;
	v9 =	vadd.s32 s21, v0  }
0xf6: {  	s21 =	sadd.s32 $0x2580, s19;
	[tilespmem:$0x16210] =	vst v9;
	v9 =	vadd.s32 s12, v0  }
0xf7: {  	[tilespmem:$0x16220] =	vst v9;
	v9 =	vadd.s32 s21, v0  }
0xf8: {  	s21 =	simm.s32 $0x0;
	[tilespmem:$0x16230] =	vst v9  }
0xf9: {  	v9 =	vld [tilespmem:s21+$0x8400]  }
0xfa: {  	v14 =	vld [tilespmem:s21+$0x8410]  }
0xfb: {  	v13 =	vld [tilespmem:s21+$0x8420]  }
0xfc: {  	v12 =	vld [tilespmem:s21+$0x8430]  }
0xfd: {  	v11 =	vld [tilespmem:s21+$0x8440]  }
0xfe: {  	v10 =	vld [tilespmem:s21+$0x8450];
	v15 =	vmul.f32 $1.131370830e+01, v9  }
0xff: {  	s11 =	simm.s32 $0x200;
	v14 =	vmul.f32 $1.131370830e+01, v14;
	v9 =	vld [tilespmem:s21+$0x8460]  }
.LBB2_11:
0x100: {  	p1 =	sne.s32 s11, $0x7E00;
	v15 =	vadd.f32 v15, v8;
	v13 =	vmul.f32 $1.131370830e+01, v13;
	v16 =	vld [tilespmem:s21+$0x8470]  }
0x101: {  	v14 =	vadd.f32 v14, v7;
	v12 =	vmul.f32 $1.131370830e+01, v12  }
0x102: {  	s12 =	sshra.s32 s11, $0x2;
	[tilespmem:s21+$0x8400] =	vst v15;
	v13 =	vadd.f32 v13, v6;
	v11 =	vmul.f32 $1.131370830e+01, v11  }
0x103: {  	v15 =	vld [tilespmem:s12+$0x8400];
	[tilespmem:s21+$0x8410] =	vst v14;
	v12 =	vadd.f32 v12, v5;
	v10 =	vmul.f32 $1.131370830e+01, v10  }
0x104: {  	v14 =	vld [tilespmem:s12+$0x8410];
	[tilespmem:s21+$0x8420] =	vst v13;
	v11 =	vadd.f32 v11, v4;
	v9 =	vmul.f32 $1.131370830e+01, v9  }
.Ltmp4:
0x105: {  	v13 =	vld [tilespmem:s12+$0x8420];
	[tilespmem:s21+$0x8430] =	vst v12;
	v10 =	vadd.f32 v10, v3;
	v16 =	vmul.f32 $1.131370830e+01, v16;
	(pc) =	sbr.rel @p1 .LBB2_11-.Ltmp4, $4  }
0x106: {  	v12 =	vld [tilespmem:s12+$0x8430];
	[tilespmem:s21+$0x8440] =	vst v11;
	v9 =	vadd.f32 v9, v2  }
0x107: {  	v11 =	vld [tilespmem:s12+$0x8440];
	[tilespmem:s21+$0x8450] =	vst v10;
	v16 =	vadd.f32 v16, v1  }
0x108: {  	v15 =	vmul.f32 $1.131370830e+01, v15;
	v10 =	vld [tilespmem:s12+$0x8450];
	[tilespmem:s21+$0x8460] =	vst v9  }
0x109: {  	s11 =	sadd.s32 $0x200, s11;
	v14 =	vmul.f32 $1.131370830e+01, v14;
	v9 =	vld [tilespmem:s12+$0x8460];
	[tilespmem:s21+$0x8470] =	vst v16;
	s21 =	smov.u32 s12  }
0x10a: {  	v15 =	vadd.f32 v15, v8;
	v13 =	vmul.f32 $1.131370830e+01, v13;
	v16 =	vld [tilespmem:s21+$0x8470]  }
0x10b: {  	v14 =	vadd.f32 v14, v7;
	v12 =	vmul.f32 $1.131370830e+01, v12  }
0x10c: {  	[tilespmem:s21+$0x8400] =	vst v15;
	v13 =	vadd.f32 v13, v6;
	v11 =	vmul.f32 $1.131370830e+01, v11  }
0x10d: {  	[tilespmem:s21+$0x8410] =	vst v14;
	v12 =	vadd.f32 v12, v5;
	v10 =	vmul.f32 $1.131370830e+01, v10  }
0x10e: {  	[tilespmem:s21+$0x8420] =	vst v13;
	v11 =	vadd.f32 v11, v4;
	v9 =	vmul.f32 $1.131370830e+01, v9  }
0x10f: {  	[tilespmem:s21+$0x8430] =	vst v12;
	v10 =	vadd.f32 v10, v3;
	v12 =	vmul.f32 $1.131370830e+01, v16  }
0x110: {  	[tilespmem:s21+$0x8440] =	vst v11;
	v9 =	vadd.f32 v9, v2  }
0x111: {  	[tilespmem:s21+$0x8450] =	vst v10;
	v10 =	vadd.f32 v12, v1  }
0x112: {  	[tilespmem:s21+$0x8460] =	vst v9  }
0x113: {  	s11 =	simm.s32 $0x16200;
	s12 =	sadd.s32 $0x3200, s19;
	[tilespmem:s21+$0x8470] =	vst v10;
	s21 =	sadd.s32 $0x3E80, s19  }
0x114: {  	v9 =	vadd.s32 s12, v0;
	[hbm4b:s2+s0] =	stream.indirect.scatter [tilespmem:s25], [sflag:$0x8], $0x80, s11, s0, $0xb8;
	[tilespmem:$0x16500] =	vst v63  }
0x115: {  	s12 =	sadd.s32 $0x4B00, s19;
	[tilespmem:$0x16280] =	vst v9;
	v9 =	vadd.s32 s21, v0  }
0x116: {  	s21 =	sadd.s32 $0x5780, s19;
	[tilespmem:$0x16290] =	vst v9;
	v9 =	vadd.s32 s12, v0  }
0x117: {  	[tilespmem:$0x162A0] =	vst v9;
	v9 =	vadd.s32 s21, v0  }
0x118: {  	s19 =	simm.s32 $0x0;
	[tilespmem:$0x162B0] =	vst v9  }
0x119: {  	v9 =	vld [tilespmem:s19+$0xA400]  }
0x11a: {  	v14 =	vld [tilespmem:s19+$0xA410]  }
0x11b: {  	v13 =	vld [tilespmem:s19+$0xA420]  }
0x11c: {  	v12 =	vld [tilespmem:s19+$0xA430]  }
0x11d: {  	v11 =	vld [tilespmem:s19+$0xA440]  }
0x11e: {  	v10 =	vld [tilespmem:s19+$0xA450];
	v15 =	vmul.f32 $1.131370830e+01, v9  }
0x11f: {  	s11 =	simm.s32 $0x200;
	v14 =	vmul.f32 $1.131370830e+01, v14;
	v9 =	vld [tilespmem:s19+$0xA460]  }
.LBB2_13:
0x120: {  	p1 =	sne.s32 s11, $0x7E00;
	v15 =	vadd.f32 v15, v8;
	v13 =	vmul.f32 $1.131370830e+01, v13;
	v16 =	vld [tilespmem:s19+$0xA470]  }
0x121: {  	v14 =	vadd.f32 v14, v7;
	v12 =	vmul.f32 $1.131370830e+01, v12  }
0x122: {  	s12 =	sshra.s32 s11, $0x2;
	[tilespmem:s19+$0xA400] =	vst v15;
	v13 =	vadd.f32 v13, v6;
	v11 =	vmul.f32 $1.131370830e+01, v11  }
0x123: {  	v15 =	vld [tilespmem:s12+$0xA400];
	[tilespmem:s19+$0xA410] =	vst v14;
	v12 =	vadd.f32 v12, v5;
	v10 =	vmul.f32 $1.131370830e+01, v10  }
0x124: {  	v14 =	vld [tilespmem:s12+$0xA410];
	[tilespmem:s19+$0xA420] =	vst v13;
	v11 =	vadd.f32 v11, v4;
	v9 =	vmul.f32 $1.131370830e+01, v9  }
.Ltmp5:
0x125: {  	v13 =	vld [tilespmem:s12+$0xA420];
	[tilespmem:s19+$0xA430] =	vst v12;
	v10 =	vadd.f32 v10, v3;
	v16 =	vmul.f32 $1.131370830e+01, v16;
	(pc) =	sbr.rel @p1 .LBB2_13-.Ltmp5, $4  }
0x126: {  	v12 =	vld [tilespmem:s12+$0xA430];
	[tilespmem:s19+$0xA440] =	vst v11;
	v9 =	vadd.f32 v9, v2  }
0x127: {  	v11 =	vld [tilespmem:s12+$0xA440];
	[tilespmem:s19+$0xA450] =	vst v10;
	v16 =	vadd.f32 v16, v1  }
0x128: {  	v15 =	vmul.f32 $1.131370830e+01, v15;
	v10 =	vld [tilespmem:s12+$0xA450];
	[tilespmem:s19+$0xA460] =	vst v9  }
0x129: {  	s11 =	sadd.s32 $0x200, s11;
	v14 =	vmul.f32 $1.131370830e+01, v14;
	v9 =	vld [tilespmem:s12+$0xA460];
	[tilespmem:s19+$0xA470] =	vst v16;
	s19 =	smov.u32 s12  }
0x12a: {  	v8 =	vadd.f32 v15, v8;
	v13 =	vmul.f32 $1.131370830e+01, v13;
	v15 =	vld [tilespmem:s19+$0xA470]  }
0x12b: {  	v7 =	vadd.f32 v14, v7;
	v12 =	vmul.f32 $1.131370830e+01, v12  }
0x12c: {  	[tilespmem:s19+$0xA400] =	vst v8;
	v6 =	vadd.f32 v13, v6;
	v8 =	vmul.f32 $1.131370830e+01, v11  }
0x12d: {  	[tilespmem:s19+$0xA410] =	vst v7;
	v5 =	vadd.f32 v12, v5;
	v7 =	vmul.f32 $1.131370830e+01, v10  }
0x12e: {  	[tilespmem:s19+$0xA420] =	vst v6;
	v4 =	vadd.f32 v8, v4;
	v6 =	vmul.f32 $1.131370830e+01, v9  }
0x12f: {  	[tilespmem:s19+$0xA430] =	vst v5;
	v3 =	vadd.f32 v7, v3;
	v5 =	vmul.f32 $1.131370830e+01, v15  }
0x130: {  	[tilespmem:s19+$0xA440] =	vst v4;
	v2 =	vadd.f32 v6, v2  }
0x131: {  	[tilespmem:s19+$0xA450] =	vst v3;
	v1 =	vadd.f32 v5, v1  }
0x132: {  	[tilespmem:s19+$0xA460] =	vst v2  }
0x133: {  	s11 =	simm.s32 $0x16280;
	s12 =	simm.s32 $0xA400;
	[tilespmem:s19+$0xA470] =	vst v1  }
0x134: {  	[hbm4b:s2+s0] =	stream.indirect.scatter [tilespmem:s12], [sflag:$0x8], $0x80, s11, s0, $0xb8;
	[tilespmem:$0x16500] =	vst v63  }
0x135: {  	s11 =	simm.s32 @p0 $0x4  }
0x136: {  	_ =	swait.ge @p0 [sflag:s11], $0x4000  }
0x137: {  	[sflag:s11] =	ssyncset.done @p0 $0x0  }
0x138: {  	[sflag:s11] =	ssyncadd.s32 @p0 $0xFFFFC000;
	s11 =	simm.s32 @!p0 $0xB  }
0x139: {  	_ =	swait.ge @!p0 [sflag:s11], $0x80  }
0x13a: {  	[sflag:s11] =	ssyncset.done @!p0 $0x0  }
0x13b: {  	[sflag:s11] =	ssyncadd.s32 @!p0 $0xFFFFFF80;
	s11 =	simm.s32 @!p0 $0x7  }
0x13c: {  	_ =	swait.ge @!p0 [sflag:s11], $0x4000  }
0x13d: {  	[sflag:s11] =	ssyncset.done @!p0 $0x0  }
0x13e: {  	s12 =	simm.s32 @!p0 $0x4400;
	[sflag:s11] =	ssyncadd.s32 @!p0 $0xFFFFC000;
	s11 =	simm.s32 @!p0 $0x80  }
0x13f: {  	[tilespmem:s12], [sflag:$0x2] =	stream.indirect.gather @!p0 [hbm4b:s1+s11], $0x80, s11, s11, $0xb8;
	[tilespmem:$0x16500] =	vst v63  }
0x140: {  	s11 =	simm.s32 @!p0 $0x4;
	s12 =	sadd.s32 @!p0 s4, s16  }
0x141: {  	_ =	swait.ge @!p0 [sflag:s11], $0x4000;
	s12 =	sshll.u32 @!p0 s12, $0xA  }
0x142: {  	[sflag:s11] =	ssyncset.done @!p0 $0x0;
	s12 =	sor.u32 @!p0 s6, s12  }
0x143: {  	s21 =	sshll.u32 s3, $0x7;
	[sflag:s11] =	ssyncadd.s32 @!p0 $0xFFFFC000;
	s11 =	sshrl.u32 @!p0 s12, $0x3  }
0x144: {  	s19 =	simm.s32 @!p0 $0x100;
	s12 =	simm.s32 @!p0 $0x0;
	s11 =	sadd.s32 @!p0 s5, s11  }
0x145: {  	[tilespmem:s19], [sflag:$0xB] =	stream.linear.gather @!p0 [hbm4b:s11+s12], $0x80, $0x38;
	[tilespmem:$0x16500] =	vst v63  }
0x146: {  	s11 =	sand.u32 $0x3FFFFF80, s21  }
0x147: {  	v8 =	vld [tilespmem:s11+$0x14400]  }
0x148: {  	v7 =	vld [tilespmem:s11+$0x14410]  }
0x149: {  	v6 =	vld [tilespmem:s11+$0x14420]  }
0x14a: {  	v5 =	vld [tilespmem:s11+$0x14430]  }
0x14b: {  	v4 =	vld [tilespmem:s11+$0x14440]  }
0x14c: {  	s3 =	sadd.s32 s13, s3;
	v3 =	vld [tilespmem:s11+$0x14450]  }
0x14d: {  	v9 =	vadd.s32 s3, v0;
	s12 =	sadd.s32 $0xC80, s3;
	v2 =	vld [tilespmem:s11+$0x14460]  }
0x14e: {  	s19 =	sadd.s32 $0x1900, s3;
	v1 =	vld [tilespmem:s11+$0x14470];
	[tilespmem:$0x16300] =	vst v9;
	v9 =	vadd.s32 s12, v0  }
0x14f: {  	s21 =	sadd.s32 $0x2580, s3;
	[tilespmem:$0x16310] =	vst v9;
	v9 =	vadd.s32 s19, v0  }
0x150: {  	[tilespmem:$0x16320] =	vst v9;
	v9 =	vadd.s32 s21, v0  }
0x151: {  	s19 =	simm.s32 $0x0;
	[tilespmem:$0x16330] =	vst v9  }
0x152: {  	v9 =	vld [tilespmem:s19+$0xC400]  }
0x153: {  	v14 =	vld [tilespmem:s19+$0xC410]  }
0x154: {  	v13 =	vld [tilespmem:s19+$0xC420]  }
0x155: {  	v12 =	vld [tilespmem:s19+$0xC430]  }
0x156: {  	v11 =	vld [tilespmem:s19+$0xC440]  }
0x157: {  	v10 =	vld [tilespmem:s19+$0xC450];
	v15 =	vmul.f32 $1.131370830e+01, v9  }
0x158: {  	s11 =	simm.s32 $0x200;
	v14 =	vmul.f32 $1.131370830e+01, v14;
	v9 =	vld [tilespmem:s19+$0xC460]  }
.LBB2_15:
0x159: {  	p0 =	sne.s32 s11, $0x7E00;
	v15 =	vadd.f32 v15, v8;
	v13 =	vmul.f32 $1.131370830e+01, v13;
	v16 =	vld [tilespmem:s19+$0xC470]  }
0x15a: {  	v14 =	vadd.f32 v14, v7;
	v12 =	vmul.f32 $1.131370830e+01, v12  }
0x15b: {  	s12 =	sshra.s32 s11, $0x2;
	[tilespmem:s19+$0xC400] =	vst v15;
	v13 =	vadd.f32 v13, v6;
	v11 =	vmul.f32 $1.131370830e+01, v11  }
0x15c: {  	v15 =	vld [tilespmem:s12+$0xC400];
	[tilespmem:s19+$0xC410] =	vst v14;
	v12 =	vadd.f32 v12, v5;
	v10 =	vmul.f32 $1.131370830e+01, v10  }
0x15d: {  	v14 =	vld [tilespmem:s12+$0xC410];
	[tilespmem:s19+$0xC420] =	vst v13;
	v11 =	vadd.f32 v11, v4;
	v9 =	vmul.f32 $1.131370830e+01, v9  }
.Ltmp6:
0x15e: {  	v13 =	vld [tilespmem:s12+$0xC420];
	[tilespmem:s19+$0xC430] =	vst v12;
	v10 =	vadd.f32 v10, v3;
	v16 =	vmul.f32 $1.131370830e+01, v16;
	(pc) =	sbr.rel @p0 .LBB2_15-.Ltmp6, $4  }
0x15f: {  	v12 =	vld [tilespmem:s12+$0xC430];
	[tilespmem:s19+$0xC440] =	vst v11;
	v9 =	vadd.f32 v9, v2  }
0x160: {  	v11 =	vld [tilespmem:s12+$0xC440];
	[tilespmem:s19+$0xC450] =	vst v10;
	v16 =	vadd.f32 v16, v1  }
0x161: {  	v15 =	vmul.f32 $1.131370830e+01, v15;
	v10 =	vld [tilespmem:s12+$0xC450];
	[tilespmem:s19+$0xC460] =	vst v9  }
0x162: {  	s11 =	sadd.s32 $0x200, s11;
	v14 =	vmul.f32 $1.131370830e+01, v14;
	v9 =	vld [tilespmem:s12+$0xC460];
	[tilespmem:s19+$0xC470] =	vst v16;
	s19 =	smov.u32 s12  }
0x163: {  	v15 =	vadd.f32 v15, v8;
	v13 =	vmul.f32 $1.131370830e+01, v13;
	v16 =	vld [tilespmem:s19+$0xC470]  }
0x164: {  	v14 =	vadd.f32 v14, v7;
	v12 =	vmul.f32 $1.131370830e+01, v12  }
0x165: {  	[tilespmem:s19+$0xC400] =	vst v15;
	v13 =	vadd.f32 v13, v6;
	v11 =	vmul.f32 $1.131370830e+01, v11  }
0x166: {  	[tilespmem:s19+$0xC410] =	vst v14;
	v12 =	vadd.f32 v12, v5;
	v10 =	vmul.f32 $1.131370830e+01, v10  }
0x167: {  	[tilespmem:s19+$0xC420] =	vst v13;
	v11 =	vadd.f32 v11, v4;
	v9 =	vmul.f32 $1.131370830e+01, v9  }
0x168: {  	[tilespmem:s19+$0xC430] =	vst v12;
	v10 =	vadd.f32 v10, v3;
	v12 =	vmul.f32 $1.131370830e+01, v16  }
0x169: {  	[tilespmem:s19+$0xC440] =	vst v11;
	v9 =	vadd.f32 v9, v2  }
0x16a: {  	[tilespmem:s19+$0xC450] =	vst v10;
	v10 =	vadd.f32 v12, v1  }
0x16b: {  	[tilespmem:s19+$0xC460] =	vst v9  }
0x16c: {  	s11 =	simm.s32 $0x16300;
	s21 =	sadd.s32 $0x3200, s3;
	s12 =	sadd.s32 $0x3E80, s3;
	[tilespmem:s19+$0xC470] =	vst v10  }
0x16d: {  	v9 =	vadd.s32 s21, v0;
	[hbm4b:s2+s0] =	stream.indirect.scatter [tilespmem:s29], [sflag:$0x9], $0x80, s11, s0, $0xb8;
	[tilespmem:$0x16500] =	vst v63  }
0x16e: {  	s19 =	sadd.s32 $0x4B00, s3;
	[tilespmem:$0x16380] =	vst v9;
	v9 =	vadd.s32 s12, v0  }
0x16f: {  	s21 =	sadd.s32 $0x5780, s3;
	[tilespmem:$0x16390] =	vst v9;
	v9 =	vadd.s32 s19, v0  }
0x170: {  	[tilespmem:$0x163A0] =	vst v9;
	v9 =	vadd.s32 s21, v0  }
0x171: {  	s3 =	simm.s32 $0x0;
	[tilespmem:$0x163B0] =	vst v9  }
0x172: {  	v9 =	vld [tilespmem:s3+$0xE400]  }
0x173: {  	v14 =	vld [tilespmem:s3+$0xE410]  }
0x174: {  	v13 =	vld [tilespmem:s3+$0xE420]  }
0x175: {  	v12 =	vld [tilespmem:s3+$0xE430]  }
0x176: {  	v11 =	vld [tilespmem:s3+$0xE440]  }
0x177: {  	v10 =	vld [tilespmem:s3+$0xE450];
	v15 =	vmul.f32 $1.131370830e+01, v9  }
0x178: {  	s11 =	simm.s32 $0x200;
	v14 =	vmul.f32 $1.131370830e+01, v14;
	v9 =	vld [tilespmem:s3+$0xE460]  }
.LBB2_17:
0x179: {  	p0 =	sne.s32 s11, $0x7E00;
	v15 =	vadd.f32 v15, v8;
	v13 =	vmul.f32 $1.131370830e+01, v13;
	v16 =	vld [tilespmem:s3+$0xE470]  }
0x17a: {  	v14 =	vadd.f32 v14, v7;
	v12 =	vmul.f32 $1.131370830e+01, v12  }
0x17b: {  	s12 =	sshra.s32 s11, $0x2;
	[tilespmem:s3+$0xE400] =	vst v15;
	v13 =	vadd.f32 v13, v6;
	v11 =	vmul.f32 $1.131370830e+01, v11  }
0x17c: {  	v15 =	vld [tilespmem:s12+$0xE400];
	[tilespmem:s3+$0xE410] =	vst v14;
	v12 =	vadd.f32 v12, v5;
	v10 =	vmul.f32 $1.131370830e+01, v10  }
0x17d: {  	v14 =	vld [tilespmem:s12+$0xE410];
	[tilespmem:s3+$0xE420] =	vst v13;
	v11 =	vadd.f32 v11, v4;
	v9 =	vmul.f32 $1.131370830e+01, v9  }
.Ltmp7:
0x17e: {  	v13 =	vld [tilespmem:s12+$0xE420];
	[tilespmem:s3+$0xE430] =	vst v12;
	v10 =	vadd.f32 v10, v3;
	v16 =	vmul.f32 $1.131370830e+01, v16;
	(pc) =	sbr.rel @p0 .LBB2_17-.Ltmp7, $4  }
0x17f: {  	v12 =	vld [tilespmem:s12+$0xE430];
	[tilespmem:s3+$0xE440] =	vst v11;
	v9 =	vadd.f32 v9, v2  }
0x180: {  	v11 =	vld [tilespmem:s12+$0xE440];
	[tilespmem:s3+$0xE450] =	vst v10;
	v16 =	vadd.f32 v16, v1  }
0x181: {  	v15 =	vmul.f32 $1.131370830e+01, v15;
	v10 =	vld [tilespmem:s12+$0xE450];
	[tilespmem:s3+$0xE460] =	vst v9  }
0x182: {  	s11 =	sadd.s32 $0x200, s11;
	v14 =	vmul.f32 $1.131370830e+01, v14;
	v9 =	vld [tilespmem:s12+$0xE460];
	[tilespmem:s3+$0xE470] =	vst v16;
	s3 =	smov.u32 s12  }
0x183: {  	v8 =	vadd.f32 v15, v8;
	v13 =	vmul.f32 $1.131370830e+01, v13;
	v15 =	vld [tilespmem:s3+$0xE470]  }
0x184: {  	v7 =	vadd.f32 v14, v7;
	v12 =	vmul.f32 $1.131370830e+01, v12  }
0x185: {  	[tilespmem:s3+$0xE400] =	vst v8;
	v6 =	vadd.f32 v13, v6;
	v8 =	vmul.f32 $1.131370830e+01, v11  }
0x186: {  	[tilespmem:s3+$0xE410] =	vst v7;
	v5 =	vadd.f32 v12, v5;
	v7 =	vmul.f32 $1.131370830e+01, v10  }
0x187: {  	[tilespmem:s3+$0xE420] =	vst v6;
	v4 =	vadd.f32 v8, v4;
	v6 =	vmul.f32 $1.131370830e+01, v9  }
0x188: {  	[tilespmem:s3+$0xE430] =	vst v5;
	v3 =	vadd.f32 v7, v3;
	v5 =	vmul.f32 $1.131370830e+01, v15  }
0x189: {  	[tilespmem:s3+$0xE440] =	vst v4;
	v2 =	vadd.f32 v6, v2  }
0x18a: {  	[tilespmem:s3+$0xE450] =	vst v3;
	v1 =	vadd.f32 v5, v1  }
0x18b: {  	p0 =	sne.s32 s9, $0x9;
	[tilespmem:s3+$0xE460] =	vst v2  }
0x18c: {  	s21 =	simm.s32 $0x16380;
	s11 =	simm.s32 $0xE400;
	[tilespmem:s3+$0xE470] =	vst v1;
	s3 =	simm.s32 @p0 $0xB  }
0x18d: {  	[hbm4b:s2+s0] =	stream.indirect.scatter [tilespmem:s11], [sflag:$0x9], $0x80, s21, s0, $0xb8;
	[tilespmem:$0x16500] =	vst v63  }
0x18e: {  	_ =	swait.ge @p0 [sflag:s3], $0x80  }
0x18f: {  	[sflag:s3] =	ssyncset.done @p0 $0x0  }
0x190: {  	[sflag:s3] =	ssyncadd.s32 @p0 $0xFFFFFF80;
	s3 =	simm.s32 @p0 $0x8  }
0x191: {  	_ =	swait.ge @p0 [sflag:s3], $0x4000  }
0x192: {  	s12 =	simm.s32 @p0 $0x8400;
	[sflag:s3] =	ssyncset.done @p0 $0x0  }
0x193: {  	s11 =	simm.s32 @p0 $0x100;
	[sflag:s3] =	ssyncadd.s32 @p0 $0xFFFFC000;
	s3 =	simm.s32 @p0 $0x80  }
0x194: {  	[tilespmem:s12], [sflag:$0x3] =	stream.indirect.gather @p0 [hbm4b:s1+s3], $0x80, s11, s3, $0xb8;
	[tilespmem:$0x16500] =	vst v63  }
0x195: {  	s4 =	sadd.s32 @p0 s4, s17;
	s3 =	simm.s32 @p0 $0x5  }
0x196: {  	s4 =	sshll.u32 @p0 s4, $0xA;
	_ =	swait.ge @p0 [sflag:s3], $0x4000  }
0x197: {  	s4 =	sor.u32 @p0 s6, s4;
	[sflag:s3] =	ssyncset.done @p0 $0x0  }
0x198: {  	[sflag:s3] =	ssyncadd.s32 @p0 $0xFFFFC000;
	s3 =	sshrl.u32 @p0 s4, $0x3  }
0x199: {  	s11 =	simm.s32 @p0 $0x180;
	s4 =	simm.s32 @p0 $0x0;
	s3 =	sadd.s32 @p0 s5, s3  }
0x19a: {  	[tilespmem:s11], [sflag:$0xB] =	stream.linear.gather @p0 [hbm4b:s3+s4], $0x80, $0x38;
	[tilespmem:$0x16500] =	vst v63  }
0x19b: {  	s3 =	simm.s32 @!p0 $0x5  }
0x19c: {  	_ =	swait.ge @!p0 [sflag:s3], $0x4000  }
0x19d: {  	s12 =	sshll.u32 s28, $0x7;
	[sflag:s3] =	ssyncset.done @!p0 $0x0  }
0x19e: {  	s4 =	sand.u32 $0x3FFFFF80, s12;
	[sflag:s3] =	ssyncadd.s32 @!p0 $0xFFFFC000  }
0x19f: {  	v8 =	vld [tilespmem:s4+$0x14400]  }
0x1a0: {  	v7 =	vld [tilespmem:s4+$0x14410]  }
0x1a1: {  	v6 =	vld [tilespmem:s4+$0x14420]  }
0x1a2: {  	v5 =	vld [tilespmem:s4+$0x14430]  }
0x1a3: {  	v4 =	vld [tilespmem:s4+$0x14440]  }
0x1a4: {  	s3 =	sadd.s32 s13, s28;
	v3 =	vld [tilespmem:s4+$0x14450]  }
0x1a5: {  	v2 =	vld [tilespmem:s4+$0x14460];
	v9 =	vadd.s32 s3, v0;
	s19 =	sadd.s32 $0xC80, s3  }
0x1a6: {  	v1 =	vld [tilespmem:s4+$0x14470];
	s21 =	sadd.s32 $0x1900, s3;
	[tilespmem:$0x16400] =	vst v9;
	v9 =	vadd.s32 s19, v0  }
0x1a7: {  	s28 =	sadd.s32 $0x2580, s3;
	[tilespmem:$0x16410] =	vst v9;
	v9 =	vadd.s32 s21, v0  }
0x1a8: {  	[tilespmem:$0x16420] =	vst v9;
	v9 =	vadd.s32 s28, v0  }
0x1a9: {  	s4 =	simm.s32 $0x0;
	[tilespmem:$0x16430] =	vst v9  }
0x1aa: {  	v9 =	vld [tilespmem:s4+$0x10400]  }
0x1ab: {  	v14 =	vld [tilespmem:s4+$0x10410]  }
0x1ac: {  	v13 =	vld [tilespmem:s4+$0x10420]  }
0x1ad: {  	v12 =	vld [tilespmem:s4+$0x10430]  }
0x1ae: {  	v11 =	vld [tilespmem:s4+$0x10440]  }
0x1af: {  	v10 =	vld [tilespmem:s4+$0x10450];
	v15 =	vmul.f32 $1.131370830e+01, v9  }
0x1b0: {  	s11 =	simm.s32 $0x200;
	v14 =	vmul.f32 $1.131370830e+01, v14;
	v9 =	vld [tilespmem:s4+$0x10460]  }
.LBB2_19:
0x1b1: {  	p0 =	sne.s32 s11, $0x7E00;
	v15 =	vadd.f32 v15, v8;
	v13 =	vmul.f32 $1.131370830e+01, v13;
	v16 =	vld [tilespmem:s4+$0x10470]  }
0x1b2: {  	v14 =	vadd.f32 v14, v7;
	v12 =	vmul.f32 $1.131370830e+01, v12  }
0x1b3: {  	s12 =	sshra.s32 s11, $0x2;
	[tilespmem:s4+$0x10400] =	vst v15;
	v13 =	vadd.f32 v13, v6;
	v11 =	vmul.f32 $1.131370830e+01, v11  }
0x1b4: {  	v15 =	vld [tilespmem:s12+$0x10400];
	[tilespmem:s4+$0x10410] =	vst v14;
	v12 =	vadd.f32 v12, v5;
	v10 =	vmul.f32 $1.131370830e+01, v10  }
0x1b5: {  	v14 =	vld [tilespmem:s12+$0x10410];
	[tilespmem:s4+$0x10420] =	vst v13;
	v11 =	vadd.f32 v11, v4;
	v9 =	vmul.f32 $1.131370830e+01, v9  }
.Ltmp8:
0x1b6: {  	v13 =	vld [tilespmem:s12+$0x10420];
	[tilespmem:s4+$0x10430] =	vst v12;
	v10 =	vadd.f32 v10, v3;
	v16 =	vmul.f32 $1.131370830e+01, v16;
	(pc) =	sbr.rel @p0 .LBB2_19-.Ltmp8, $4  }
0x1b7: {  	v12 =	vld [tilespmem:s12+$0x10430];
	[tilespmem:s4+$0x10440] =	vst v11;
	v9 =	vadd.f32 v9, v2  }
0x1b8: {  	v11 =	vld [tilespmem:s12+$0x10440];
	[tilespmem:s4+$0x10450] =	vst v10;
	v16 =	vadd.f32 v16, v1  }
0x1b9: {  	v15 =	vmul.f32 $1.131370830e+01, v15;
	v10 =	vld [tilespmem:s12+$0x10450];
	[tilespmem:s4+$0x10460] =	vst v9  }
0x1ba: {  	s11 =	sadd.s32 $0x200, s11;
	v14 =	vmul.f32 $1.131370830e+01, v14;
	v9 =	vld [tilespmem:s12+$0x10460];
	[tilespmem:s4+$0x10470] =	vst v16;
	s4 =	smov.u32 s12  }
0x1bb: {  	v15 =	vadd.f32 v15, v8;
	v13 =	vmul.f32 $1.131370830e+01, v13;
	v16 =	vld [tilespmem:s4+$0x10470]  }
0x1bc: {  	v14 =	vadd.f32 v14, v7;
	v12 =	vmul.f32 $1.131370830e+01, v12  }
0x1bd: {  	[tilespmem:s4+$0x10400] =	vst v15;
	v13 =	vadd.f32 v13, v6;
	v11 =	vmul.f32 $1.131370830e+01, v11  }
0x1be: {  	[tilespmem:s4+$0x10410] =	vst v14;
	v12 =	vadd.f32 v12, v5;
	v10 =	vmul.f32 $1.131370830e+01, v10  }
0x1bf: {  	[tilespmem:s4+$0x10420] =	vst v13;
	v11 =	vadd.f32 v11, v4;
	v9 =	vmul.f32 $1.131370830e+01, v9  }
0x1c0: {  	[tilespmem:s4+$0x10430] =	vst v12;
	v10 =	vadd.f32 v10, v3;
	v12 =	vmul.f32 $1.131370830e+01, v16  }
0x1c1: {  	[tilespmem:s4+$0x10440] =	vst v11;
	v9 =	vadd.f32 v9, v2  }
0x1c2: {  	[tilespmem:s4+$0x10450] =	vst v10;
	v10 =	vadd.f32 v12, v1  }
0x1c3: {  	[tilespmem:s4+$0x10460] =	vst v9  }
0x1c4: {  	s11 =	simm.s32 $0x16400;
	s12 =	sadd.s32 $0x3200, s3;
	s19 =	sadd.s32 $0x3E80, s3;
	[tilespmem:s4+$0x10470] =	vst v10  }
0x1c5: {  	v9 =	vadd.s32 s12, v0;
	[hbm4b:s2+s0] =	stream.indirect.scatter [tilespmem:s8], [sflag:$0xA], $0x80, s11, s0, $0xb8;
	[tilespmem:$0x16500] =	vst v63  }
0x1c6: {  	s21 =	sadd.s32 $0x4B00, s3;
	[tilespmem:$0x16480] =	vst v9;
	v9 =	vadd.s32 s19, v0  }
0x1c7: {  	s28 =	sadd.s32 $0x5780, s3;
	[tilespmem:$0x16490] =	vst v9;
	v9 =	vadd.s32 s21, v0  }
0x1c8: {  	[tilespmem:$0x164A0] =	vst v9;
	v9 =	vadd.s32 s28, v0  }
0x1c9: {  	s3 =	simm.s32 $0x0;
	[tilespmem:$0x164B0] =	vst v9  }
0x1ca: {  	v9 =	vld [tilespmem:s3+$0x12400]  }
0x1cb: {  	v14 =	vld [tilespmem:s3+$0x12410]  }
0x1cc: {  	v13 =	vld [tilespmem:s3+$0x12420]  }
0x1cd: {  	v12 =	vld [tilespmem:s3+$0x12430]  }
0x1ce: {  	v11 =	vld [tilespmem:s3+$0x12440]  }
0x1cf: {  	v10 =	vld [tilespmem:s3+$0x12450];
	v15 =	vmul.f32 $1.131370830e+01, v9  }
0x1d0: {  	s4 =	simm.s32 $0x200;
	v14 =	vmul.f32 $1.131370830e+01, v14;
	v9 =	vld [tilespmem:s3+$0x12460]  }
.LBB2_21:
0x1d1: {  	p0 =	sne.s32 s4, $0x7E00;
	v15 =	vadd.f32 v15, v8;
	v13 =	vmul.f32 $1.131370830e+01, v13;
	v16 =	vld [tilespmem:s3+$0x12470]  }
0x1d2: {  	v14 =	vadd.f32 v14, v7;
	v12 =	vmul.f32 $1.131370830e+01, v12  }
0x1d3: {  	s11 =	sshra.s32 s4, $0x2;
	[tilespmem:s3+$0x12400] =	vst v15;
	v13 =	vadd.f32 v13, v6;
	v11 =	vmul.f32 $1.131370830e+01, v11  }
0x1d4: {  	v15 =	vld [tilespmem:s11+$0x12400];
	[tilespmem:s3+$0x12410] =	vst v14;
	v12 =	vadd.f32 v12, v5;
	v10 =	vmul.f32 $1.131370830e+01, v10  }
0x1d5: {  	v14 =	vld [tilespmem:s11+$0x12410];
	[tilespmem:s3+$0x12420] =	vst v13;
	v11 =	vadd.f32 v11, v4;
	v9 =	vmul.f32 $1.131370830e+01, v9  }
.Ltmp9:
0x1d6: {  	v13 =	vld [tilespmem:s11+$0x12420];
	[tilespmem:s3+$0x12430] =	vst v12;
	v10 =	vadd.f32 v10, v3;
	v16 =	vmul.f32 $1.131370830e+01, v16;
	(pc) =	sbr.rel @p0 .LBB2_21-.Ltmp9, $4  }
0x1d7: {  	v12 =	vld [tilespmem:s11+$0x12430];
	[tilespmem:s3+$0x12440] =	vst v11;
	v9 =	vadd.f32 v9, v2  }
0x1d8: {  	v11 =	vld [tilespmem:s11+$0x12440];
	[tilespmem:s3+$0x12450] =	vst v10;
	v16 =	vadd.f32 v16, v1  }
0x1d9: {  	v15 =	vmul.f32 $1.131370830e+01, v15;
	v10 =	vld [tilespmem:s11+$0x12450];
	[tilespmem:s3+$0x12460] =	vst v9  }
0x1da: {  	s4 =	sadd.s32 $0x200, s4;
	v14 =	vmul.f32 $1.131370830e+01, v14;
	v9 =	vld [tilespmem:s11+$0x12460];
	[tilespmem:s3+$0x12470] =	vst v16;
	s3 =	smov.u32 s11  }
0x1db: {  	v8 =	vadd.f32 v15, v8;
	v13 =	vmul.f32 $1.131370830e+01, v13;
	v59 =	vld [tilespmem:s3+$0x12470]  }
0x1dc: {  	v7 =	vadd.f32 v14, v7;
	v12 =	vmul.f32 $1.131370830e+01, v12  }
0x1dd: {  	[tilespmem:s3+$0x12400] =	vst v8;
	v6 =	vadd.f32 v13, v6;
	v60 =	vmul.f32 $1.131370830e+01, v11  }
0x1de: {  	[tilespmem:s3+$0x12410] =	vst v7;
	v5 =	vadd.f32 v12, v5;
	v61 =	vmul.f32 $1.131370830e+01, v10  }
0x1df: {  	s9 =	sadd.s32 $0x1, s9;
	[tilespmem:s3+$0x12420] =	vst v6;
	v4 =	vadd.f32 v60, v4;
	v62 =	vmul.f32 $1.131370830e+01, v9  }
0x1e0: {  	p0 =	sne.s32 s9, $0xA;
	[tilespmem:s3+$0x12430] =	vst v5;
	v3 =	vadd.f32 v61, v3;
	v63 =	vmul.f32 $1.131370830e+01, v59  }
.Ltmp10:
0x1e1: {  	[tilespmem:s3+$0x12440] =	vst v4;
	v2 =	vadd.f32 v62, v2;
	(pc) =	sbr.rel @p0 .LBB2_2-.Ltmp10, $4  }
0x1e2: {  	[tilespmem:s3+$0x12450] =	vst v3;
	v1 =	vadd.f32 v63, v1  }
0x1e3: {  	[tilespmem:s3+$0x12460] =	vst v2  }
0x1e4: {  	s28 =	simm.s32 $0x16480;
	[tilespmem:s3+$0x12470] =	vst v1  }
0x1e5: {  	[hbm4b:s2+s0] =	stream.indirect.scatter [tilespmem:s18], [sflag:$0xA], $0x80, s28, s0, $0xb8;
	[tilespmem:$0x16500] =	vst v63  }
0x1e6: {  	s3 =	simm.s32 $0x6  }
0x1e7: {  	_ =	swait.ge [sflag:s3], $0x4000  }
0x1e8: {  	[sflag:s3] =	ssyncset.done $0x0  }
0x1e9: {  	s12 =	simm.s32 $0x7;
	[sflag:s3] =	ssyncadd.s32 $0xFFFFC000  }
0x1ea: {  	_ =	swait.ge [sflag:s12], $0x4000  }
0x1eb: {  	[sflag:s12] =	ssyncset.done $0x0  }
0x1ec: {  	s19 =	simm.s32 $0x8;
	[sflag:s12] =	ssyncadd.s32 $0xFFFFC000  }
0x1ed: {  	_ =	swait.ge [sflag:s19], $0x4000  }
0x1ee: {  	[sflag:s19] =	ssyncset.done $0x0  }
0x1ef: {  	s21 =	simm.s32 $0x9;
	[sflag:s19] =	ssyncadd.s32 $0xFFFFC000  }
0x1f0: {  	_ =	swait.ge [sflag:s21], $0x4000  }
0x1f1: {  	[sflag:s21] =	ssyncset.done $0x0  }
0x1f2: {  	s4 =	simm.s32 $0xA;
	[sflag:s21] =	ssyncadd.s32 $0xFFFFC000  }
0x1f3: {  	_ =	swait.ge [sflag:s4], $0x4000  }
0x1f4: {  	s9 =	rddreg [dreg:$0xa]  }
0x1f5: {  	s28 =	rddreg [dreg:$0x9];
	s9 =	sadd.s32 $0x1, s9  }
0x1f6: {  	p0 =	sne.s32 s9, s28  }
.Ltmp11:
0x1f7: {  	_ = 	snop;
	(pc) =	sbr.rel @p0 .LBB2_1-.Ltmp11, $3  }
0x1f8: {  	_ =	sdelay $0x1  }
0x1f9: {  	[sflag:s4] =	ssyncset.done $0x0  }
0x1fa: {  	[sflag:s4] =	ssyncadd.s32 $0xFFFFC000  }
0x1fb: {  	_ =	sfence.sel $0x180000  }
0x1fc: {  	[bflag:$0x0] =	sbarrier.arrive $0xFFFF  }
0x1fd: {  	_ =	strace $0x90000047  }
0x1fe: {  	s0 =	stileid.u32;
	[bflag:$0x2] =	sbarrier.arrive $0xFFFF  }
0x1ff: {  	p0 =	sne.s32 s0, $0x0;
	s0 =	rddreg [dreg:$0x3]  }
0x200: {  	s0 =	sadd.s32 @!p0 $0x100000, s0  }
0x201: {  	[sflag:s0] =	ssyncadd.tile.s32 @!p0 $0x1;
	_ =	shalt  }
.Lfunc_end2:
_tile_overlayer_lowered:
.L_overlay_start_2:
0x202: {  	(tag) =	ssettag $0x2  }
0x203: {  	s0 =	rddreg [dreg:$0x0];
	s2 =	stileid.u32  }
0x204: {  	s1 =	rddreg [dreg:$0x1];
	p0 =	sne.s32 s2, $0x0  }
0x205: {  	s3 =	rddreg [dreg:$0x2];
	[bflag:$0x3] =	sbarrier.arrive $0xFFFF;
	s2 =	simm.s32 @!p0 $0x1C0D  }
0x206: {  	[timem:s3], [sflag:s2] =	dma.local @!p0 [hbm:s0], s1  }
0x207: {  	s0 =	simm.s32 @!p0 $0xD  }
0x208: {  	_ =	swait.ge @!p0 [sflag:s0], s1  }
0x209: {  	s1 =	ssub.s32 @!p0 $0x0, s1;
	[sflag:s0] =	ssyncset.done @!p0 $0x0  }
0x20a: {  	[sflag:s0] =	ssyncadd.s32 @!p0 s1  }
0x20b: {  	[bflag:$0x3] =	sbarrier.arrive $0xFFFF  }
0x20c: {  	_ =	shalt  }

</sc_bundles>
